<compile_context>
chip_gen: v7x
topology: tpu7x:2x2x1
jax: 0.10.2.dev20260603
libtpu: 0.0.44.dev20260713+nightly
codegen_flags: <defaults>
</compile_context>

<pallas_src>
import functools

import jax
import jax.numpy as jnp
from jax import lax
from jax.experimental import pallas as pl
from jax.experimental.pallas import tpu as pltpu
from jax.experimental.pallas import tpu_sc as plsc

N = 10000
E = 320000
DN = 128
DE = 16
DG = 128
H = 128

NC = 2
NS = 16
NW = NC * NS
EW = E // NW
K = 40
NCH = EW // K
NQUAD = (NCH + 3) // 4
WT = 10
RPT = N // WT

_mesh = plsc.VectorSubcoreMesh(
    core_axis_name="c", subcore_axis_name="s", num_cores=NC, num_subcores=NS)


def _tc1_body(nf_ref, wsr_ref, wg_ref, g_ref, be1_ref, ps_ref, pr_ref):
    base = jnp.dot(g_ref[...], wg_ref[...],
                   preferred_element_type=jnp.float32) + be1_ref[...]
    p = jnp.dot(nf_ref[...], wsr_ref[...], preferred_element_type=jnp.float32)
    ps_ref[...] = p[:, :H] + base
    pr_ref[...] = p[:, H:]


def _tc1(nf, wsr, wg, g, be1):
    return pl.pallas_call(
        _tc1_body,
        out_shape=(jax.ShapeDtypeStruct((N, H), jnp.float32),
                   jax.ShapeDtypeStruct((N, H), jnp.float32)),
    )(nf, wsr, wg, g, be1)


def _sc1_body(ps_hbm, pr_hbm, snd_hbm, rcv_hbm, g_hbm,
              idxall_s, idxall_r, buf_s, buf_r,
              isem, gsem, ssem):
    cid = lax.axis_index("c")
    sid = lax.axis_index("s")
    wid = sid * NC + cid
    base_e = wid * EW

    pltpu.async_copy(snd_hbm.at[pl.ds(base_e, EW)], idxall_s, isem)
    pltpu.async_copy(rcv_hbm.at[pl.ds(base_e, EW)], idxall_r, isem)
    pltpu.make_async_copy(snd_hbm.at[pl.ds(base_e, EW)], idxall_s,
                          isem).wait()
    pltpu.make_async_copy(rcv_hbm.at[pl.ds(base_e, EW)], idxall_r,
                          isem).wait()

    def start_gathers(c, slot):
        pltpu.async_copy(ps_hbm.at[idxall_s.at[pl.ds(c * K, K)]],
                         buf_s.at[slot], gsem.at[slot])
        pltpu.async_copy(pr_hbm.at[idxall_r.at[pl.ds(c * K, K)]],
                         buf_r.at[slot], gsem.at[slot])

    def wait_gathers(c, slot):
        pltpu.make_async_copy(ps_hbm.at[idxall_s.at[pl.ds(c * K, K)]],
                              buf_s.at[slot], gsem.at[slot]).wait()
        pltpu.make_async_copy(pr_hbm.at[idxall_r.at[pl.ds(c * K, K)]],
                              buf_r.at[slot], gsem.at[slot]).wait()

    def wait_stores(c, slot):
        pltpu.make_async_copy(
            buf_s.at[slot], g_hbm.at[pl.ds(base_e + c * K, K)],
            ssem.at[slot]).wait()

    start_gathers(0, 0)
    start_gathers(1, 1)

    def quad(p, carry):
        for q in range(4):
            c = 4 * p + q
            slot_pf = (q + 2) % 4

            @pl.when((c >= 2) & (c + 2 < NCH))
            def _():
                wait_stores(c - 2, slot_pf)

            @pl.when(c + 2 < NCH)
            def _():
                start_gathers(c + 2, slot_pf)

            @pl.when(c < NCH)
            def _():
                wait_gathers(c, q)

                def vadd(i, carry2):
                    for j in range(H // 16):
                        sl = pl.ds(j * 16, 16)
                        buf_s[q, i, sl] = buf_s[q, i, sl] + buf_r[q, i, sl]
                    return carry2

                lax.fori_loop(0, K, vadd, 0)
                pltpu.async_copy(buf_s.at[q],
                                 g_hbm.at[pl.ds(base_e + c * K, K)],
                                 ssem.at[q])
        return carry

    lax.fori_loop(0, NQUAD, quad, 0)
    for cc in range(NCH - 4, NCH):
        wait_stores(cc, cc % 4)


def _sc1(ps, pr, snd, rcv):
    return pl.kernel(
        _sc1_body,
        out_type=jax.ShapeDtypeStruct((E, DN), jnp.float32),
        mesh=_mesh,
        compiler_params=pltpu.CompilerParams(use_tc_tiling_on_sc=False),
        scratch_types=[
            pltpu.VMEM((EW,), jnp.int32),
            pltpu.VMEM((EW,), jnp.int32),
            pltpu.VMEM((4, K, DN), jnp.float32),
            pltpu.VMEM((4, K, DN), jnp.float32),
            pltpu.SemaphoreType.DMA,
            pltpu.SemaphoreType.DMA((4,)),
            pltpu.SemaphoreType.DMA((4,)),
        ],
    )(ps, pr, snd, rcv)


EB = 4000


def _tc2_body(g_ref, ef_ref, w1e_ref, w2_ref, be2_ref, ne_ref):
    he = jnp.maximum(
        g_ref[...] + jnp.dot(ef_ref[...], w1e_ref[...],
                             preferred_element_type=jnp.float32), 0.0)
    ne_ref[...] = jnp.dot(he, w2_ref[...],
                          preferred_element_type=jnp.float32) + be2_ref[...]


def _tc2(g, ef, w1e, w2, be2):
    return pl.pallas_call(
        _tc2_body,
        grid=(E // EB,),
        in_specs=[
            pl.BlockSpec((EB, DN), lambda i: (i, 0)),
            pl.BlockSpec((EB, DE), lambda i: (i, 0)),
            pl.BlockSpec((DE, H), lambda i: (0, 0)),
            pl.BlockSpec((H, DE), lambda i: (0, 0)),
            pl.BlockSpec((1, DE), lambda i: (0, 0)),
        ],
        out_specs=pl.BlockSpec((EB, DE), lambda i: (i, 0)),
        out_shape=jax.ShapeDtypeStruct((E, DE), jnp.float32),
    )(g, ef, w1e, w2, be2)


def _sc2_body(ne_hbm, snd_hbm, rcv_hbm, zeros_hbm, aggp_hbm,
              idx_s, idx_r, nebuf, acc_s, acc_r, lsem, xsem):
    cid = lax.axis_index("c")
    sid = lax.axis_index("s")
    wid = sid * NC + cid
    base_e = wid * EW

    @pl.when(sid < WT)
    def _zero():
        sl = pl.ds(sid * RPT, RPT)
        pltpu.sync_copy(zeros_hbm.at[sl], acc_s.at[sl])
        pltpu.sync_copy(zeros_hbm.at[sl], acc_r.at[sl])

    plsc.subcore_barrier()

    def start_loads(c, slot):
        off = base_e + c * K
        pltpu.async_copy(snd_hbm.at[pl.ds(off, K)], idx_s.at[slot],
                         lsem.at[slot])
        pltpu.async_copy(rcv_hbm.at[pl.ds(off, K)], idx_r.at[slot],
                         lsem.at[slot])
        pltpu.async_copy(ne_hbm.at[pl.ds(off, K)], nebuf.at[slot],
                         lsem.at[slot])

    def wait_loads(c, slot):
        off = base_e + c * K
        pltpu.make_async_copy(snd_hbm.at[pl.ds(off, K)], idx_s.at[slot],
                              lsem.at[slot]).wait()
        pltpu.make_async_copy(rcv_hbm.at[pl.ds(off, K)], idx_r.at[slot],
                              lsem.at[slot]).wait()
        pltpu.make_async_copy(ne_hbm.at[pl.ds(off, K)], nebuf.at[slot],
                              lsem.at[slot]).wait()

    def issue_scatters(slot):
        pltpu.async_copy(nebuf.at[slot], acc_s.at[idx_s.at[slot]],
                         xsem.at[slot], add=True)
        pltpu.async_copy(nebuf.at[slot], acc_r.at[idx_r.at[slot]],
                         xsem.at[slot], add=True)

    def wait_scatters(slot):
        pltpu.make_async_copy(nebuf.at[slot], acc_s.at[idx_s.at[slot]],
                              xsem.at[slot]).wait()
        pltpu.make_async_copy(nebuf.at[slot], acc_r.at[idx_r.at[slot]],
                              xsem.at[slot]).wait()

    start_loads(0, 0)
    start_loads(1, 1)

    def quad(p, carry):
        for q in range(4):
            c = 4 * p + q
            slot_pf = (q + 2) % 4

            @pl.when((c >= 2) & (c + 2 < NCH))
            def _():
                wait_scatters(slot_pf)

            @pl.when(c + 2 < NCH)
            def _():
                start_loads(c + 2, slot_pf)

            @pl.when(c < NCH)
            def _():
                wait_loads(c, q)
                issue_scatters(q)
        return carry

    lax.fori_loop(0, NQUAD, quad, 0)
    for cc in range(NCH - 4, NCH):
        wait_scatters(cc % 4)
    plsc.subcore_barrier()

    @pl.when(sid < WT)
    def _writeout():
        sl = pl.ds(sid * RPT, RPT)
        pltpu.sync_copy(acc_s.at[sl], aggp_hbm.at[cid, 0, sl])
        pltpu.sync_copy(acc_r.at[sl], aggp_hbm.at[cid, 1, sl])


def _sc2(ne, snd, rcv, zeros):
    return pl.kernel(
        _sc2_body,
        out_type=jax.ShapeDtypeStruct((NC, 2, N, DE), jnp.float32),
        mesh=_mesh,
        compiler_params=pltpu.CompilerParams(use_tc_tiling_on_sc=False),
        scratch_types=[
            pltpu.VMEM((4, K), jnp.int32),
            pltpu.VMEM((4, K), jnp.int32),
            pltpu.VMEM((4, K, DE), jnp.float32),
            pltpu.VMEM_SHARED((N, DE), jnp.float32),
            pltpu.VMEM_SHARED((N, DE), jnp.float32),
            pltpu.SemaphoreType.DMA((4,)),
            pltpu.SemaphoreType.DMA((4,)),
        ],
    )(ne, snd, rcv, zeros)


def _tc3_body(nf_ref, aggp_ref, g_ref,
              wn1n_ref, wn1s_ref, wn1r_ref, wn1g_ref, bn1_ref,
              wn2_ref, bn2_ref,
              wg1g_ref, wg1n_ref, wg1e_ref, bg1_ref, wg2_ref, bg2_ref,
              nn_ref, ng_ref):
    agg_s = aggp_ref[0, 0] + aggp_ref[1, 0]
    agg_r = aggp_ref[0, 1] + aggp_ref[1, 1]
    dot = functools.partial(jnp.dot, preferred_element_type=jnp.float32)
    hn = jnp.maximum(
        dot(nf_ref[...], wn1n_ref[...]) + dot(agg_s, wn1s_ref[...])
        + dot(agg_r, wn1r_ref[...])
        + (dot(g_ref[...], wn1g_ref[...]) + bn1_ref[...]), 0.0)
    nn = dot(hn, wn2_ref[...]) + bn2_ref[...]
    nn_ref[...] = nn
    n2g = jnp.sum(nn, axis=0, keepdims=True)
    e2g = jnp.sum(agg_s, axis=0, keepdims=True)
    hg = jnp.maximum(
        dot(g_ref[...], wg1g_ref[...]) + dot(n2g, wg1n_ref[...])
        + dot(e2g, wg1e_ref[...]) + bg1_ref[...], 0.0)
    ng_ref[...] = dot(hg, wg2_ref[...]) + bg2_ref[...]


def _tc3(nf, aggp, g, wn1n, wn1s, wn1r, wn1g, bn1, wn2, bn2,
         wg1g, wg1n, wg1e, bg1, wg2, bg2):
    return pl.pallas_call(
        _tc3_body,
        out_shape=(jax.ShapeDtypeStruct((N, DN), jnp.float32),
                   jax.ShapeDtypeStruct((1, DG), jnp.float32)),
    )(nf, aggp, g, wn1n, wn1s, wn1r, wn1g, bn1, wn2, bn2,
      wg1g, wg1n, wg1e, bg1, wg2, bg2)


def kernel(node_features, edge_features, global_features, senders, receivers,
           We1, be1, We2, be2, Wn1, bn1, Wn2, bn2, Wg1, bg1, Wg2, bg2):
    w1e = We1[:DE]
    wsr = jnp.concatenate(
        [We1[DE:DE + DN], We1[DE + DN:DE + 2 * DN]], axis=1)
    wg = We1[DE + 2 * DN:]
    ps, pr = _tc1(node_features, wsr, wg, global_features,
                  be1.reshape(1, H))
    g_gath = _sc1(ps, pr, senders, receivers)
    ne = _tc2(g_gath, edge_features, w1e, We2, be2.reshape(1, DE))
    aggp = _sc2(ne, senders, receivers, jnp.zeros((N, DE), jnp.float32))
    wn1n = Wn1[:DN]
    wn1s = Wn1[DN:DN + DE]
    wn1r = Wn1[DN + DE:DN + 2 * DE]
    wn1g = Wn1[DN + 2 * DE:]
    wg1g = Wg1[:DG]
    wg1n = Wg1[DG:DG + DN]
    wg1e = Wg1[DG + DN:]
    nn, ng = _tc3(node_features, aggp, global_features,
                  wn1n, wn1s, wn1r, wn1g, bn1.reshape(1, H), Wn2,
                  bn2.reshape(1, DN),
                  wg1g, wg1n, wg1e, bg1.reshape(1, H), Wg2,
                  bg2.reshape(1, DG))
    return (nn, ne, ng)

# --- scband reference (transcript-rebuilt; emitter-appended) ---
"""Pipeline reference for scband-graph-network-16088947491450 (READ-ONLY COPY).

The authoritative reference and input builder live on the scoring server;
editing this copy changes nothing except your own understanding.
"""

import jax, jax.numpy as jnp
import numpy as np

N = 10000
E = 320000
DN = 128   # node feature dim
DE = 16    # edge feature dim (input and edge_fn output)
DG = 128   # global feature dim
H = 128    # hidden width of the update MLPs

EDGE_IN = DE + 2 * DN + DG      # 400
NODE_IN = DN + 2 * DE + DG      # 288
GLOB_IN = DG + DN + DE          # 272


def _mlp_params(key, d_in, d_h, d_out):
    k1, k2 = jax.random.split(key)
    W1 = jax.random.normal(k1, (d_in, d_h), jnp.float32) / np.sqrt(d_in)
    b1 = jnp.zeros((d_h,), jnp.float32)
    W2 = jax.random.normal(k2, (d_h, d_out), jnp.float32) / np.sqrt(d_h)
    b2 = jnp.zeros((d_out,), jnp.float32)
    return W1, b1, W2, b2


def setup_inputs(seed: int = 0) -> dict:
    key = jax.random.key(seed)
    ks = jax.random.split(key, 8)
    node_features = jax.random.normal(ks[0], (N, DN), jnp.float32)
    edge_features = jax.random.normal(ks[1], (E, DE), jnp.float32)
    global_features = jax.random.normal(ks[2], (1, DG), jnp.float32)
    senders = jax.random.randint(ks[3], (E,), 0, N, jnp.int32)
    receivers = jax.random.randint(ks[4], (E,), 0, N, jnp.int32)
    We1, be1, We2, be2 = _mlp_params(ks[5], EDGE_IN, H, DE)
    Wn1, bn1, Wn2, bn2 = _mlp_params(ks[6], NODE_IN, H, DN)
    Wg1, bg1, Wg2, bg2 = _mlp_params(ks[7], GLOB_IN, H, DG)
    return {
        'node_features': node_features,
        'edge_features': edge_features,
        'global_features': global_features,
        'senders': senders,
        'receivers': receivers,
        'We1': We1, 'be1': be1, 'We2': We2, 'be2': be2,
        'Wn1': Wn1, 'bn1': bn1, 'Wn2': Wn2, 'bn2': bn2,
        'Wg1': Wg1, 'bg1': bg1, 'Wg2': Wg2, 'bg2': bg2,
    }


def reference(node_features, edge_features, global_features, senders, receivers,
              We1, be1, We2, be2, Wn1, bn1, Wn2, bn2, Wg1, bg1, Wg2, bg2):
    n_nodes = node_features.shape[0]
    n_edges = edge_features.shape[0]

    # ---- edge_fn: per-edge update conditioned on sender, receiver, global ----
    sender_feats = jnp.take(node_features, senders, axis=0)      # gather [E, DN]
    receiver_feats = jnp.take(node_features, receivers, axis=0)  # gather [E, DN]
    g_edge = jnp.broadcast_to(global_features, (n_edges, global_features.shape[1]))
    edge_in = jnp.concatenate([edge_features, sender_feats, receiver_feats, g_edge], axis=-1)
    he = jax.nn.relu(edge_in @ We1 + be1)
    new_edges = he @ We2 + be2                                    # [E, DE]

    # ---- edges_to_sender / edges_to_receiver: scatter-add aggregation ----
    agg_sender = jax.ops.segment_sum(new_edges, senders, num_segments=n_nodes)     # [N, DE]
    agg_receiver = jax.ops.segment_sum(new_edges, receivers, num_segments=n_nodes) # [N, DE]

    # ---- node_fn: per-node update ----
    g_node = jnp.broadcast_to(global_features, (n_nodes, global_features.shape[1]))
    node_in = jnp.concatenate([node_features, agg_sender, agg_receiver, g_node], axis=-1)
    hn = jax.nn.relu(node_in @ Wn1 + bn1)
    new_nodes = hn @ Wn2 + bn2                                    # [N, DN]

    # ---- edges_to_global / nodes_to_global: full reductions ----
    edge_to_global = jnp.sum(new_edges, axis=0, keepdims=True)    # [1, DE]
    node_to_global = jnp.sum(new_nodes, axis=0, keepdims=True)    # [1, DN]

    # ---- global_fn ----
    g_in = jnp.concatenate([global_features, node_to_global, edge_to_global], axis=-1)
    hg = jax.nn.relu(g_in @ Wg1 + bg1)
    new_global = hg @ Wg2 + bg2                                   # [1, DG]

    return (new_nodes, new_edges, new_global)

if __name__ == "__main__":
    import jax
    _d = setup_inputs()
    print(jax.jit(kernel)(*tuple(_d.values())))

</pallas_src>

<mosaic_0001>
#map = affine_map<(d0, d1) -> (0, 0)>
#map1 = affine_map<(d0, d1) -> (0)>
#map2 = affine_map<(d0, d1) -> (0, 0, 0, 0)>
module attributes {stable_mosaic.version = 14 : i64} {
  func.func @_sc2_body(%arg0: i32, %arg1: i32, %arg2: memref<320000x16xf32, #tpu.memory_space<hbm>>, %arg3: memref<320000xi32, #tpu.memory_space<hbm>>, %arg4: memref<320000xi32, #tpu.memory_space<hbm>>, %arg5: memref<10000x16xf32, #tpu.memory_space<hbm>>, %arg6: memref<2x2x10000x16xf32, #tpu.memory_space<hbm>>, %arg7: memref<4x40xi32, #tpu.memory_space<vmem>>, %arg8: memref<4x40xi32, #tpu.memory_space<vmem>>, %arg9: memref<4x40x16xf32, #tpu.memory_space<vmem>>, %arg10: memref<10000x16xf32, #tpu.memory_space<vmem_shared>>, %arg11: memref<10000x16xf32, #tpu.memory_space<vmem_shared>>, %arg12: memref<4x!tpu.dma_semaphore, #tpu.memory_space<semaphore_mem>>, %arg13: memref<4x!tpu.dma_semaphore, #tpu.memory_space<semaphore_mem>>) attributes {dimension_semantics = [#tpu.dimension_semantics<core_parallel>, #tpu.dimension_semantics<subcore_parallel>], iteration_bounds = array<i64: 2, 16>, scalar_prefetch = 0 : i64, scratch_operands = 7 : i64, tpu.core_type = #tpu.core_type<sc_vector_subcore>, window_params = [{transform_indices = #map}, {transform_indices = #map1}, {transform_indices = #map1}, {transform_indices = #map}, {transform_indices = #map2}]} {
    %mul3A = arith.constant 2 : i32
    %mul3A_0 = arith.muli %arg1, %mul3A : i32
    %add3A = arith.addi %mul3A_0, %arg0 : i32
    %mul3A_1 = arith.constant 10000 : i32
    %mul3A_2 = arith.muli %add3A, %mul3A_1 : i32
    %lt3A = arith.constant 10 : i32
    %lt3A_3 = arith.cmpi slt, %arg1, %lt3A : i32
    %convert_element_type3A = arith.extui %lt3A_3 : i1 to i32
    %cond3A = arith.constant 0 : i32
    %cond3A_4 = arith.cmpi ne, %convert_element_type3A, %cond3A : i32
    scf.if %cond3A_4 {
      %mul3A_218 = arith.constant 1000 : i32
      %mul3A_219 = arith.muli %arg1, %mul3A_218 : i32
      "tpu.region"() ({
        %run_scoped3A = tpu.sem_alloc : memref<!tpu.dma_semaphore, #tpu.memory_space<semaphore_mem>>
        %dma_start3A_220 = arith.constant 0 : i32
        %dma_start3A_221 = tpu.memref_slice %arg10[%mul3A_219, %dma_start3A_220] : memref<10000x16xf32, #tpu.memory_space<vmem_shared>> -> memref<1000x16xf32, #tpu.memory_space<vmem_shared>>
        %dma_start3A_222 = arith.constant 0 : i32
        %dma_start3A_223 = tpu.memref_slice %arg5[%mul3A_219, %dma_start3A_222] : memref<10000x16xf32, #tpu.memory_space<hbm>> -> memref<1000x16xf32, #tpu.memory_space<hbm>>
        tpu.enqueue_dma source(%dma_start3A_223 : memref<1000x16xf32, #tpu.memory_space<hbm>>) target(%dma_start3A_221 : memref<1000x16xf32, #tpu.memory_space<vmem_shared>>) target_semaphore(%run_scoped3A : memref<!tpu.dma_semaphore, #tpu.memory_space<semaphore_mem>>)
        %dma_wait3A_224 = arith.constant 0 : i32
        %dma_wait3A_225 = tpu.memref_slice %arg10[%mul3A_219, %dma_wait3A_224] : memref<10000x16xf32, #tpu.memory_space<vmem_shared>> -> memref<1000x16xf32, #tpu.memory_space<vmem_shared>>
        %dma_wait3A_226 = arith.constant 0 : i32
        %dma_wait3A_227 = tpu.memref_slice %arg5[%mul3A_219, %dma_wait3A_226] : memref<10000x16xf32, #tpu.memory_space<hbm>> -> memref<1000x16xf32, #tpu.memory_space<hbm>>
        tpu.wait_dma2 semaphore(%run_scoped3A : memref<!tpu.dma_semaphore, #tpu.memory_space<semaphore_mem>>) src(%dma_wait3A_227 : memref<1000x16xf32, #tpu.memory_space<hbm>>) dst(%dma_wait3A_225 : memref<1000x16xf32, #tpu.memory_space<vmem_shared>>)
        tpu.yield
      }) : () -> ()
      "tpu.region"() ({
        %run_scoped3A = tpu.sem_alloc : memref<!tpu.dma_semaphore, #tpu.memory_space<semaphore_mem>>
        %dma_start3A_220 = arith.constant 0 : i32
        %dma_start3A_221 = tpu.memref_slice %arg11[%mul3A_219, %dma_start3A_220] : memref<10000x16xf32, #tpu.memory_space<vmem_shared>> -> memref<1000x16xf32, #tpu.memory_space<vmem_shared>>
        %dma_start3A_222 = arith.constant 0 : i32
        %dma_start3A_223 = tpu.memref_slice %arg5[%mul3A_219, %dma_start3A_222] : memref<10000x16xf32, #tpu.memory_space<hbm>> -> memref<1000x16xf32, #tpu.memory_space<hbm>>
        tpu.enqueue_dma source(%dma_start3A_223 : memref<1000x16xf32, #tpu.memory_space<hbm>>) target(%dma_start3A_221 : memref<1000x16xf32, #tpu.memory_space<vmem_shared>>) target_semaphore(%run_scoped3A : memref<!tpu.dma_semaphore, #tpu.memory_space<semaphore_mem>>)
        %dma_wait3A_224 = arith.constant 0 : i32
        %dma_wait3A_225 = tpu.memref_slice %arg11[%mul3A_219, %dma_wait3A_224] : memref<10000x16xf32, #tpu.memory_space<vmem_shared>> -> memref<1000x16xf32, #tpu.memory_space<vmem_shared>>
        %dma_wait3A_226 = arith.constant 0 : i32
        %dma_wait3A_227 = tpu.memref_slice %arg5[%mul3A_219, %dma_wait3A_226] : memref<10000x16xf32, #tpu.memory_space<hbm>> -> memref<1000x16xf32, #tpu.memory_space<hbm>>
        tpu.wait_dma2 semaphore(%run_scoped3A : memref<!tpu.dma_semaphore, #tpu.memory_space<semaphore_mem>>) src(%dma_wait3A_227 : memref<1000x16xf32, #tpu.memory_space<hbm>>) dst(%dma_wait3A_225 : memref<1000x16xf32, #tpu.memory_space<vmem_shared>>)
        tpu.yield
      }) : () -> ()
    } else {
    }
    %barrier3A = arith.constant 0 : index
    tpu.barrier barrier_id(%barrier3A)
    %add3A_5 = arith.constant 0 : i32
    %add3A_6 = arith.addi %mul3A_2, %add3A_5 : i32
    %dma_start3A = arith.constant 0 : i32
    %dma_start3A_7 = arith.constant 0 : i32
    %dma_start3A_8 = arith.constant 0 : i32
    %dma_start3A_9 = tpu.memref_slice %arg7[%dma_start3A, %dma_start3A_8] : memref<4x40xi32, #tpu.memory_space<vmem>> -> memref<1x40xi32, #tpu.memory_space<vmem>>
    %dma_start3A_10 = tpu.memref_squeeze %dma_start3A_9 : memref<1x40xi32, #tpu.memory_space<vmem>> -> memref<40xi32, #tpu.memory_space<vmem>>
    %dma_start3A_11 = tpu.memref_slice %arg3[%add3A_6] : memref<320000xi32, #tpu.memory_space<hbm>> -> memref<40xi32, #tpu.memory_space<hbm>>
    %dma_start3A_12 = tpu.memref_slice %arg12[%dma_start3A_7] : memref<4x!tpu.dma_semaphore, #tpu.memory_space<semaphore_mem>> -> memref<1x!tpu.dma_semaphore, #tpu.memory_space<semaphore_mem>>
    %dma_start3A_13 = tpu.memref_squeeze %dma_start3A_12 : memref<1x!tpu.dma_semaphore, #tpu.memory_space<semaphore_mem>> -> memref<!tpu.dma_semaphore, #tpu.memory_space<semaphore_mem>>
    %dma_start3A_14 = arith.constant 0 : i32
    %dma_start3A_15 = tpu.memref_slice %arg7[%dma_start3A, %dma_start3A_14] : memref<4x40xi32, #tpu.memory_space<vmem>> -> memref<1x40xi32, #tpu.memory_space<vmem>>
    %dma_start3A_16 = tpu.memref_squeeze %dma_start3A_15 : memref<1x40xi32, #tpu.memory_space<vmem>> -> memref<40xi32, #tpu.memory_space<vmem>>
    %dma_start3A_17 = tpu.memref_slice %arg3[%add3A_6] : memref<320000xi32, #tpu.memory_space<hbm>> -> memref<40xi32, #tpu.memory_space<hbm>>
    tpu.enqueue_dma source(%dma_start3A_17 : memref<40xi32, #tpu.memory_space<hbm>>) target(%dma_start3A_16 : memref<40xi32, #tpu.memory_space<vmem>>) target_semaphore(%dma_start3A_13 : memref<!tpu.dma_semaphore, #tpu.memory_space<semaphore_mem>>)
    %dma_start3A_18 = arith.constant 0 : i32
    %dma_start3A_19 = arith.constant 0 : i32
    %dma_start3A_20 = arith.constant 0 : i32
    %dma_start3A_21 = tpu.memref_slice %arg8[%dma_start3A_18, %dma_start3A_20] : memref<4x40xi32, #tpu.memory_space<vmem>> -> memref<1x40xi32, #tpu.memory_space<vmem>>
    %dma_start3A_22 = tpu.memref_squeeze %dma_start3A_21 : memref<1x40xi32, #tpu.memory_space<vmem>> -> memref<40xi32, #tpu.memory_space<vmem>>
    %dma_start3A_23 = tpu.memref_slice %arg4[%add3A_6] : memref<320000xi32, #tpu.memory_space<hbm>> -> memref<40xi32, #tpu.memory_space<hbm>>
    %dma_start3A_24 = tpu.memref_slice %arg12[%dma_start3A_19] : memref<4x!tpu.dma_semaphore, #tpu.memory_space<semaphore_mem>> -> memref<1x!tpu.dma_semaphore, #tpu.memory_space<semaphore_mem>>
    %dma_start3A_25 = tpu.memref_squeeze %dma_start3A_24 : memref<1x!tpu.dma_semaphore, #tpu.memory_space<semaphore_mem>> -> memref<!tpu.dma_semaphore, #tpu.memory_space<semaphore_mem>>
    %dma_start3A_26 = arith.constant 0 : i32
    %dma_start3A_27 = tpu.memref_slice %arg8[%dma_start3A_18, %dma_start3A_26] : memref<4x40xi32, #tpu.memory_space<vmem>> -> memref<1x40xi32, #tpu.memory_space<vmem>>
    %dma_start3A_28 = tpu.memref_squeeze %dma_start3A_27 : memref<1x40xi32, #tpu.memory_space<vmem>> -> memref<40xi32, #tpu.memory_space<vmem>>
    %dma_start3A_29 = tpu.memref_slice %arg4[%add3A_6] : memref<320000xi32, #tpu.memory_space<hbm>> -> memref<40xi32, #tpu.memory_space<hbm>>
    tpu.enqueue_dma source(%dma_start3A_29 : memref<40xi32, #tpu.memory_space<hbm>>) target(%dma_start3A_28 : memref<40xi32, #tpu.memory_space<vmem>>) target_semaphore(%dma_start3A_25 : memref<!tpu.dma_semaphore, #tpu.memory_space<semaphore_mem>>)
    %dma_start3A_30 = arith.constant 0 : i32
    %dma_start3A_31 = arith.constant 0 : i32
    %dma_start3A_32 = arith.constant 0 : i32
    %dma_start3A_33 = arith.constant 0 : i32
    %dma_start3A_34 = tpu.memref_slice %arg9[%dma_start3A_30, %dma_start3A_32, %dma_start3A_33] : memref<4x40x16xf32, #tpu.memory_space<vmem>> -> memref<1x40x16xf32, #tpu.memory_space<vmem>>
    %dma_start3A_35 = tpu.memref_squeeze %dma_start3A_34 : memref<1x40x16xf32, #tpu.memory_space<vmem>> -> memref<40x16xf32, #tpu.memory_space<vmem>>
    %dma_start3A_36 = arith.constant 0 : i32
    %dma_start3A_37 = tpu.memref_slice %arg2[%add3A_6, %dma_start3A_36] : memref<320000x16xf32, #tpu.memory_space<hbm>> -> memref<40x16xf32, #tpu.memory_space<hbm>>
    %dma_start3A_38 = tpu.memref_slice %arg12[%dma_start3A_31] : memref<4x!tpu.dma_semaphore, #tpu.memory_space<semaphore_mem>> -> memref<1x!tpu.dma_semaphore, #tpu.memory_space<semaphore_mem>>
    %dma_start3A_39 = tpu.memref_squeeze %dma_start3A_38 : memref<1x!tpu.dma_semaphore, #tpu.memory_space<semaphore_mem>> -> memref<!tpu.dma_semaphore, #tpu.memory_space<semaphore_mem>>
    %dma_start3A_40 = arith.constant 0 : i32
    %dma_start3A_41 = arith.constant 0 : i32
    %dma_start3A_42 = tpu.memref_slice %arg9[%dma_start3A_30, %dma_start3A_40, %dma_start3A_41] : memref<4x40x16xf32, #tpu.memory_space<vmem>> -> memref<1x40x16xf32, #tpu.memory_space<vmem>>
    %dma_start3A_43 = tpu.memref_squeeze %dma_start3A_42 : memref<1x40x16xf32, #tpu.memory_space<vmem>> -> memref<40x16xf32, #tpu.memory_space<vmem>>
    %dma_start3A_44 = arith.constant 0 : i32
    %dma_start3A_45 = tpu.memref_slice %arg2[%add3A_6, %dma_start3A_44] : memref<320000x16xf32, #tpu.memory_space<hbm>> -> memref<40x16xf32, #tpu.memory_space<hbm>>
    tpu.enqueue_dma source(%dma_start3A_45 : memref<40x16xf32, #tpu.memory_space<hbm>>) target(%dma_start3A_43 : memref<40x16xf32, #tpu.memory_space<vmem>>) target_semaphore(%dma_start3A_39 : memref<!tpu.dma_semaphore, #tpu.memory_space<semaphore_mem>>)
    %add3A_46 = arith.constant 40 : i32
    %add3A_47 = arith.addi %mul3A_2, %add3A_46 : i32
    %dma_start3A_48 = arith.constant 1 : i32
    %dma_start3A_49 = arith.constant 1 : i32
    %dma_start3A_50 = arith.constant 0 : i32
    %dma_start3A_51 = tpu.memref_slice %arg7[%dma_start3A_48, %dma_start3A_50] : memref<4x40xi32, #tpu.memory_space<vmem>> -> memref<1x40xi32, #tpu.memory_space<vmem>>
    %dma_start3A_52 = tpu.memref_squeeze %dma_start3A_51 : memref<1x40xi32, #tpu.memory_space<vmem>> -> memref<40xi32, #tpu.memory_space<vmem>>
    %dma_start3A_53 = tpu.memref_slice %arg3[%add3A_47] : memref<320000xi32, #tpu.memory_space<hbm>> -> memref<40xi32, #tpu.memory_space<hbm>>
    %dma_start3A_54 = tpu.memref_slice %arg12[%dma_start3A_49] : memref<4x!tpu.dma_semaphore, #tpu.memory_space<semaphore_mem>> -> memref<1x!tpu.dma_semaphore, #tpu.memory_space<semaphore_mem>>
    %dma_start3A_55 = tpu.memref_squeeze %dma_start3A_54 : memref<1x!tpu.dma_semaphore, #tpu.memory_space<semaphore_mem>> -> memref<!tpu.dma_semaphore, #tpu.memory_space<semaphore_mem>>
    %dma_start3A_56 = arith.constant 0 : i32
    %dma_start3A_57 = tpu.memref_slice %arg7[%dma_start3A_48, %dma_start3A_56] : memref<4x40xi32, #tpu.memory_space<vmem>> -> memref<1x40xi32, #tpu.memory_space<vmem>>
    %dma_start3A_58 = tpu.memref_squeeze %dma_start3A_57 : memref<1x40xi32, #tpu.memory_space<vmem>> -> memref<40xi32, #tpu.memory_space<vmem>>
    %dma_start3A_59 = tpu.memref_slice %arg3[%add3A_47] : memref<320000xi32, #tpu.memory_space<hbm>> -> memref<40xi32, #tpu.memory_space<hbm>>
    tpu.enqueue_dma source(%dma_start3A_59 : memref<40xi32, #tpu.memory_space<hbm>>) target(%dma_start3A_58 : memref<40xi32, #tpu.memory_space<vmem>>) target_semaphore(%dma_start3A_55 : memref<!tpu.dma_semaphore, #tpu.memory_space<semaphore_mem>>)
    %dma_start3A_60 = arith.constant 1 : i32
    %dma_start3A_61 = arith.constant 1 : i32
    %dma_start3A_62 = arith.constant 0 : i32
    %dma_start3A_63 = tpu.memref_slice %arg8[%dma_start3A_60, %dma_start3A_62] : memref<4x40xi32, #tpu.memory_space<vmem>> -> memref<1x40xi32, #tpu.memory_space<vmem>>
    %dma_start3A_64 = tpu.memref_squeeze %dma_start3A_63 : memref<1x40xi32, #tpu.memory_space<vmem>> -> memref<40xi32, #tpu.memory_space<vmem>>
    %dma_start3A_65 = tpu.memref_slice %arg4[%add3A_47] : memref<320000xi32, #tpu.memory_space<hbm>> -> memref<40xi32, #tpu.memory_space<hbm>>
    %dma_start3A_66 = tpu.memref_slice %arg12[%dma_start3A_61] : memref<4x!tpu.dma_semaphore, #tpu.memory_space<semaphore_mem>> -> memref<1x!tpu.dma_semaphore, #tpu.memory_space<semaphore_mem>>
    %dma_start3A_67 = tpu.memref_squeeze %dma_start3A_66 : memref<1x!tpu.dma_semaphore, #tpu.memory_space<semaphore_mem>> -> memref<!tpu.dma_semaphore, #tpu.memory_space<semaphore_mem>>
    %dma_start3A_68 = arith.constant 0 : i32
    %dma_start3A_69 = tpu.memref_slice %arg8[%dma_start3A_60, %dma_start3A_68] : memref<4x40xi32, #tpu.memory_space<vmem>> -> memref<1x40xi32, #tpu.memory_space<vmem>>
    %dma_start3A_70 = tpu.memref_squeeze %dma_start3A_69 : memref<1x40xi32, #tpu.memory_space<vmem>> -> memref<40xi32, #tpu.memory_space<vmem>>
    %dma_start3A_71 = tpu.memref_slice %arg4[%add3A_47] : memref<320000xi32, #tpu.memory_space<hbm>> -> memref<40xi32, #tpu.memory_space<hbm>>
    tpu.enqueue_dma source(%dma_start3A_71 : memref<40xi32, #tpu.memory_space<hbm>>) target(%dma_start3A_70 : memref<40xi32, #tpu.memory_space<vmem>>) target_semaphore(%dma_start3A_67 : memref<!tpu.dma_semaphore, #tpu.memory_space<semaphore_mem>>)
    %dma_start3A_72 = arith.constant 1 : i32
    %dma_start3A_73 = arith.constant 1 : i32
    %dma_start3A_74 = arith.constant 0 : i32
    %dma_start3A_75 = arith.constant 0 : i32
    %dma_start3A_76 = tpu.memref_slice %arg9[%dma_start3A_72, %dma_start3A_74, %dma_start3A_75] : memref<4x40x16xf32, #tpu.memory_space<vmem>> -> memref<1x40x16xf32, #tpu.memory_space<vmem>>
    %dma_start3A_77 = tpu.memref_squeeze %dma_start3A_76 : memref<1x40x16xf32, #tpu.memory_space<vmem>> -> memref<40x16xf32, #tpu.memory_space<vmem>>
    %dma_start3A_78 = arith.constant 0 : i32
    %dma_start3A_79 = tpu.memref_slice %arg2[%add3A_47, %dma_start3A_78] : memref<320000x16xf32, #tpu.memory_space<hbm>> -> memref<40x16xf32, #tpu.memory_space<hbm>>
    %dma_start3A_80 = tpu.memref_slice %arg12[%dma_start3A_73] : memref<4x!tpu.dma_semaphore, #tpu.memory_space<semaphore_mem>> -> memref<1x!tpu.dma_semaphore, #tpu.memory_space<semaphore_mem>>
    %dma_start3A_81 = tpu.memref_squeeze %dma_start3A_80 : memref<1x!tpu.dma_semaphore, #tpu.memory_space<semaphore_mem>> -> memref<!tpu.dma_semaphore, #tpu.memory_space<semaphore_mem>>
    %dma_start3A_82 = arith.constant 0 : i32
    %dma_start3A_83 = arith.constant 0 : i32
    %dma_start3A_84 = tpu.memref_slice %arg9[%dma_start3A_72, %dma_start3A_82, %dma_start3A_83] : memref<4x40x16xf32, #tpu.memory_space<vmem>> -> memref<1x40x16xf32, #tpu.memory_space<vmem>>
    %dma_start3A_85 = tpu.memref_squeeze %dma_start3A_84 : memref<1x40x16xf32, #tpu.memory_space<vmem>> -> memref<40x16xf32, #tpu.memory_space<vmem>>
    %dma_start3A_86 = arith.constant 0 : i32
    %dma_start3A_87 = tpu.memref_slice %arg2[%add3A_47, %dma_start3A_86] : memref<320000x16xf32, #tpu.memory_space<hbm>> -> memref<40x16xf32, #tpu.memory_space<hbm>>
    tpu.enqueue_dma source(%dma_start3A_87 : memref<40x16xf32, #tpu.memory_space<hbm>>) target(%dma_start3A_85 : memref<40x16xf32, #tpu.memory_space<vmem>>) target_semaphore(%dma_start3A_81 : memref<!tpu.dma_semaphore, #tpu.memory_space<semaphore_mem>>)
    %scan3A = arith.constant 0 : i32
    %scan3A_88 = arith.constant 0 : i32
    %scan3A_89 = arith.constant 63 : i32
    %scan3A_90 = arith.addi %scan3A_88, %scan3A_89 : i32
    %scan3A_91 = arith.constant 1 : i32
    scf.for %scan3A_218 = %scan3A_88 to %scan3A_90 step %scan3A_91  : i32 {
      %mul3A_219 = arith.constant 4 : i32
      %mul3A_220 = arith.muli %mul3A_219, %scan3A_218 : i32
      %add3A_221 = arith.constant 0 : i32
      %add3A_222 = arith.addi %mul3A_220, %add3A_221 : i32
      %ge3A = arith.constant 2 : i32
      %ge3A_223 = arith.cmpi sge, %add3A_222, %ge3A : i32
      %add3A_224 = arith.constant 2 : i32
      %add3A_225 = arith.addi %add3A_222, %add3A_224 : i32
      %lt3A_226 = arith.constant 250 : i32
      %lt3A_227 = arith.cmpi slt, %add3A_225, %lt3A_226 : i32
      %and3A = arith.andi %ge3A_223, %lt3A_227 : i1
      %convert_element_type3A_228 = arith.extui %and3A : i1 to i32
      %cond3A_229 = arith.constant 0 : i32
      %cond3A_230 = arith.cmpi ne, %convert_element_type3A_228, %cond3A_229 : i32
      scf.if %cond3A_230 {
        %dma_wait3A_321 = arith.constant 2 : i32
        %dma_wait3A_322 = arith.constant 2 : i32
        %dma_wait3A_323 = arith.constant 2 : i32
        %dma_wait3A_324 = arith.constant 0 : i32
        %dma_wait3A_325 = arith.constant 0 : i32
        %dma_wait3A_326 = tpu.memref_slice %arg9[%dma_wait3A_321, %dma_wait3A_324, %dma_wait3A_325] : memref<4x40x16xf32, #tpu.memory_space<vmem>> -> memref<1x40x16xf32, #tpu.memory_space<vmem>>
        %dma_wait3A_327 = tpu.memref_squeeze %dma_wait3A_326 : memref<1x40x16xf32, #tpu.memory_space<vmem>> -> memref<40x16xf32, #tpu.memory_space<vmem>>
        %dma_wait3A_328 = arith.constant 0 : i32
        %dma_wait3A_329 = tpu.memref_slice %arg7[%dma_wait3A_322, %dma_wait3A_328] : memref<4x40xi32, #tpu.memory_space<vmem>> -> memref<1x40xi32, #tpu.memory_space<vmem>>
        %dma_wait3A_330 = tpu.memref_squeeze %dma_wait3A_329 : memref<1x40xi32, #tpu.memory_space<vmem>> -> memref<40xi32, #tpu.memory_space<vmem>>
        %dma_wait3A_331 = arith.constant 0 : i32
        %dma_wait3A_332 = arith.constant 0 : i32
        %dma_wait3A_333 = tpu.memref_slice %arg10[%dma_wait3A_331, %dma_wait3A_332] : memref<10000x16xf32, #tpu.memory_space<vmem_shared>> -> memref<10000x16xf32, #tpu.memory_space<vmem_shared>>
        %dma_wait3A_334 = tpu.memref_slice %arg13[%dma_wait3A_323] : memref<4x!tpu.dma_semaphore, #tpu.memory_space<semaphore_mem>> -> memref<1x!tpu.dma_semaphore, #tpu.memory_space<semaphore_mem>>
        %dma_wait3A_335 = tpu.memref_squeeze %dma_wait3A_334 : memref<1x!tpu.dma_semaphore, #tpu.memory_space<semaphore_mem>> -> memref<!tpu.dma_semaphore, #tpu.memory_space<semaphore_mem>>
        tpu.wait_indirect_dma semaphore(%dma_wait3A_335 : memref<!tpu.dma_semaphore, #tpu.memory_space<semaphore_mem>>) src(%dma_wait3A_327 : memref<40x16xf32, #tpu.memory_space<vmem>>) dst(%dma_wait3A_333 : memref<10000x16xf32, #tpu.memory_space<vmem_shared>>)
        %dma_wait3A_336 = arith.constant 2 : i32
        %dma_wait3A_337 = arith.constant 2 : i32
        %dma_wait3A_338 = arith.constant 2 : i32
        %dma_wait3A_339 = arith.constant 0 : i32
        %dma_wait3A_340 = arith.constant 0 : i32
        %dma_wait3A_341 = tpu.memref_slice %arg9[%dma_wait3A_336, %dma_wait3A_339, %dma_wait3A_340] : memref<4x40x16xf32, #tpu.memory_space<vmem>> -> memref<1x40x16xf32, #tpu.memory_space<vmem>>
        %dma_wait3A_342 = tpu.memref_squeeze %dma_wait3A_341 : memref<1x40x16xf32, #tpu.memory_space<vmem>> -> memref<40x16xf32, #tpu.memory_space<vmem>>
        %dma_wait3A_343 = arith.constant 0 : i32
        %dma_wait3A_344 = tpu.memref_slice %arg8[%dma_wait3A_337, %dma_wait3A_343] : memref<4x40xi32, #tpu.memory_space<vmem>> -> memref<1x40xi32, #tpu.memory_space<vmem>>
        %dma_wait3A_345 = tpu.memref_squeeze %dma_wait3A_344 : memref<1x40xi32, #tpu.memory_space<vmem>> -> memref<40xi32, #tpu.memory_space<vmem>>
        %dma_wait3A_346 = arith.constant 0 : i32
        %dma_wait3A_347 = arith.constant 0 : i32
        %dma_wait3A_348 = tpu.memref_slice %arg11[%dma_wait3A_346, %dma_wait3A_347] : memref<10000x16xf32, #tpu.memory_space<vmem_shared>> -> memref<10000x16xf32, #tpu.memory_space<vmem_shared>>
        %dma_wait3A_349 = tpu.memref_slice %arg13[%dma_wait3A_338] : memref<4x!tpu.dma_semaphore, #tpu.memory_space<semaphore_mem>> -> memref<1x!tpu.dma_semaphore, #tpu.memory_space<semaphore_mem>>
        %dma_wait3A_350 = tpu.memref_squeeze %dma_wait3A_349 : memref<1x!tpu.dma_semaphore, #tpu.memory_space<semaphore_mem>> -> memref<!tpu.dma_semaphore, #tpu.memory_space<semaphore_mem>>
        tpu.wait_indirect_dma semaphore(%dma_wait3A_350 : memref<!tpu.dma_semaphore, #tpu.memory_space<semaphore_mem>>) src(%dma_wait3A_342 : memref<40x16xf32, #tpu.memory_space<vmem>>) dst(%dma_wait3A_348 : memref<10000x16xf32, #tpu.memory_space<vmem_shared>>)
      } else {
      }
      %add3A_231 = arith.constant 2 : i32
      %add3A_232 = arith.addi %add3A_222, %add3A_231 : i32
      %lt3A_233 = arith.constant 250 : i32
      %lt3A_234 = arith.cmpi slt, %add3A_232, %lt3A_233 : i32
      %convert_element_type3A_235 = arith.extui %lt3A_234 : i1 to i32
      %cond3A_236 = arith.constant 0 : i32
      %cond3A_237 = arith.cmpi ne, %convert_element_type3A_235, %cond3A_236 : i32
      scf.if %cond3A_237 {
        %add3A_321 = arith.constant 2 : i32
        %add3A_322 = arith.addi %add3A_222, %add3A_321 : i32
        %mul3A_323 = arith.constant 40 : i32
        %mul3A_324 = arith.muli %add3A_322, %mul3A_323 : i32
        %add3A_325 = arith.addi %mul3A_2, %mul3A_324 : i32
        %dma_start3A_326 = arith.constant 2 : i32
        %dma_start3A_327 = arith.constant 2 : i32
        %dma_start3A_328 = arith.constant 0 : i32
        %dma_start3A_329 = tpu.memref_slice %arg7[%dma_start3A_326, %dma_start3A_328] : memref<4x40xi32, #tpu.memory_space<vmem>> -> memref<1x40xi32, #tpu.memory_space<vmem>>
        %dma_start3A_330 = tpu.memref_squeeze %dma_start3A_329 : memref<1x40xi32, #tpu.memory_space<vmem>> -> memref<40xi32, #tpu.memory_space<vmem>>
        %dma_start3A_331 = tpu.memref_slice %arg3[%add3A_325] : memref<320000xi32, #tpu.memory_space<hbm>> -> memref<40xi32, #tpu.memory_space<hbm>>
        %dma_start3A_332 = tpu.memref_slice %arg12[%dma_start3A_327] : memref<4x!tpu.dma_semaphore, #tpu.memory_space<semaphore_mem>> -> memref<1x!tpu.dma_semaphore, #tpu.memory_space<semaphore_mem>>
        %dma_start3A_333 = tpu.memref_squeeze %dma_start3A_332 : memref<1x!tpu.dma_semaphore, #tpu.memory_space<semaphore_mem>> -> memref<!tpu.dma_semaphore, #tpu.memory_space<semaphore_mem>>
        %dma_start3A_334 = arith.constant 0 : i32
        %dma_start3A_335 = tpu.memref_slice %arg7[%dma_start3A_326, %dma_start3A_334] : memref<4x40xi32, #tpu.memory_space<vmem>> -> memref<1x40xi32, #tpu.memory_space<vmem>>
        %dma_start3A_336 = tpu.memref_squeeze %dma_start3A_335 : memref<1x40xi32, #tpu.memory_space<vmem>> -> memref<40xi32, #tpu.memory_space<vmem>>
        %dma_start3A_337 = tpu.memref_slice %arg3[%add3A_325] : memref<320000xi32, #tpu.memory_space<hbm>> -> memref<40xi32, #tpu.memory_space<hbm>>
        tpu.enqueue_dma source(%dma_start3A_337 : memref<40xi32, #tpu.memory_space<hbm>>) target(%dma_start3A_336 : memref<40xi32, #tpu.memory_space<vmem>>) target_semaphore(%dma_start3A_333 : memref<!tpu.dma_semaphore, #tpu.memory_space<semaphore_mem>>)
        %dma_start3A_338 = arith.constant 2 : i32
        %dma_start3A_339 = arith.constant 2 : i32
        %dma_start3A_340 = arith.constant 0 : i32
        %dma_start3A_341 = tpu.memref_slice %arg8[%dma_start3A_338, %dma_start3A_340] : memref<4x40xi32, #tpu.memory_space<vmem>> -> memref<1x40xi32, #tpu.memory_space<vmem>>
        %dma_start3A_342 = tpu.memref_squeeze %dma_start3A_341 : memref<1x40xi32, #tpu.memory_space<vmem>> -> memref<40xi32, #tpu.memory_space<vmem>>
        %dma_start3A_343 = tpu.memref_slice %arg4[%add3A_325] : memref<320000xi32, #tpu.memory_space<hbm>> -> memref<40xi32, #tpu.memory_space<hbm>>
        %dma_start3A_344 = tpu.memref_slice %arg12[%dma_start3A_339] : memref<4x!tpu.dma_semaphore, #tpu.memory_space<semaphore_mem>> -> memref<1x!tpu.dma_semaphore, #tpu.memory_space<semaphore_mem>>
        %dma_start3A_345 = tpu.memref_squeeze %dma_start3A_344 : memref<1x!tpu.dma_semaphore, #tpu.memory_space<semaphore_mem>> -> memref<!tpu.dma_semaphore, #tpu.memory_space<semaphore_mem>>
        %dma_start3A_346 = arith.constant 0 : i32
        %dma_start3A_347 = tpu.memref_slice %arg8[%dma_start3A_338, %dma_start3A_346] : memref<4x40xi32, #tpu.memory_space<vmem>> -> memref<1x40xi32, #tpu.memory_space<vmem>>
        %dma_start3A_348 = tpu.memref_squeeze %dma_start3A_347 : memref<1x40xi32, #tpu.memory_space<vmem>> -> memref<40xi32, #tpu.memory_space<vmem>>
        %dma_start3A_349 = tpu.memref_slice %arg4[%add3A_325] : memref<320000xi32, #tpu.memory_space<hbm>> -> memref<40xi32, #tpu.memory_space<hbm>>
        tpu.enqueue_dma source(%dma_start3A_349 : memref<40xi32, #tpu.memory_space<hbm>>) target(%dma_start3A_348 : memref<40xi32, #tpu.memory_space<vmem>>) target_semaphore(%dma_start3A_345 : memref<!tpu.dma_semaphore, #tpu.memory_space<semaphore_mem>>)
        %dma_start3A_350 = arith.constant 2 : i32
        %dma_start3A_351 = arith.constant 2 : i32
        %dma_start3A_352 = arith.constant 0 : i32
        %dma_start3A_353 = arith.constant 0 : i32
        %dma_start3A_354 = tpu.memref_slice %arg9[%dma_start3A_350, %dma_start3A_352, %dma_start3A_353] : memref<4x40x16xf32, #tpu.memory_space<vmem>> -> memref<1x40x16xf32, #tpu.memory_space<vmem>>
        %dma_start3A_355 = tpu.memref_squeeze %dma_start3A_354 : memref<1x40x16xf32, #tpu.memory_space<vmem>> -> memref<40x16xf32, #tpu.memory_space<vmem>>
        %dma_start3A_356 = arith.constant 0 : i32
        %dma_start3A_357 = tpu.memref_slice %arg2[%add3A_325, %dma_start3A_356] : memref<320000x16xf32, #tpu.memory_space<hbm>> -> memref<40x16xf32, #tpu.memory_space<hbm>>
        %dma_start3A_358 = tpu.memref_slice %arg12[%dma_start3A_351] : memref<4x!tpu.dma_semaphore, #tpu.memory_space<semaphore_mem>> -> memref<1x!tpu.dma_semaphore, #tpu.memory_space<semaphore_mem>>
        %dma_start3A_359 = tpu.memref_squeeze %dma_start3A_358 : memref<1x!tpu.dma_semaphore, #tpu.memory_space<semaphore_mem>> -> memref<!tpu.dma_semaphore, #tpu.memory_space<semaphore_mem>>
        %dma_start3A_360 = arith.constant 0 : i32
        %dma_start3A_361 = arith.constant 0 : i32
        %dma_start3A_362 = tpu.memref_slice %arg9[%dma_start3A_350, %dma_start3A_360, %dma_start3A_361] : memref<4x40x16xf32, #tpu.memory_space<vmem>> -> memref<1x40x16xf32, #tpu.memory_space<vmem>>
        %dma_start3A_363 = tpu.memref_squeeze %dma_start3A_362 : memref<1x40x16xf32, #tpu.memory_space<vmem>> -> memref<40x16xf32, #tpu.memory_space<vmem>>
        %dma_start3A_364 = arith.constant 0 : i32
        %dma_start3A_365 = tpu.memref_slice %arg2[%add3A_325, %dma_start3A_364] : memref<320000x16xf32, #tpu.memory_space<hbm>> -> memref<40x16xf32, #tpu.memory_space<hbm>>
        tpu.enqueue_dma source(%dma_start3A_365 : memref<40x16xf32, #tpu.memory_space<hbm>>) target(%dma_start3A_363 : memref<40x16xf32, #tpu.memory_space<vmem>>) target_semaphore(%dma_start3A_359 : memref<!tpu.dma_semaphore, #tpu.memory_space<semaphore_mem>>)
      } else {
      }
      %lt3A_238 = arith.constant 250 : i32
      %lt3A_239 = arith.cmpi slt, %add3A_222, %lt3A_238 : i32
      %convert_element_type3A_240 = arith.extui %lt3A_239 : i1 to i32
      %cond3A_241 = arith.constant 0 : i32
      %cond3A_242 = arith.cmpi ne, %convert_element_type3A_240, %cond3A_241 : i32
      scf.if %cond3A_242 {
        %mul3A_321 = arith.constant 40 : i32
        %mul3A_322 = arith.muli %add3A_222, %mul3A_321 : i32
        %add3A_323 = arith.addi %mul3A_2, %mul3A_322 : i32
        %dma_wait3A_324 = arith.constant 0 : i32
        %dma_wait3A_325 = arith.constant 0 : i32
        %dma_wait3A_326 = arith.constant 0 : i32
        %dma_wait3A_327 = tpu.memref_slice %arg7[%dma_wait3A_324, %dma_wait3A_326] : memref<4x40xi32, #tpu.memory_space<vmem>> -> memref<1x40xi32, #tpu.memory_space<vmem>>
        %dma_wait3A_328 = tpu.memref_squeeze %dma_wait3A_327 : memref<1x40xi32, #tpu.memory_space<vmem>> -> memref<40xi32, #tpu.memory_space<vmem>>
        %dma_wait3A_329 = tpu.memref_slice %arg3[%add3A_323] : memref<320000xi32, #tpu.memory_space<hbm>> -> memref<40xi32, #tpu.memory_space<hbm>>
        %dma_wait3A_330 = tpu.memref_slice %arg12[%dma_wait3A_325] : memref<4x!tpu.dma_semaphore, #tpu.memory_space<semaphore_mem>> -> memref<1x!tpu.dma_semaphore, #tpu.memory_space<semaphore_mem>>
        %dma_wait3A_331 = tpu.memref_squeeze %dma_wait3A_330 : memref<1x!tpu.dma_semaphore, #tpu.memory_space<semaphore_mem>> -> memref<!tpu.dma_semaphore, #tpu.memory_space<semaphore_mem>>
        %dma_wait3A_332 = arith.constant 0 : i32
        %dma_wait3A_333 = tpu.memref_slice %arg7[%dma_wait3A_324, %dma_wait3A_332] : memref<4x40xi32, #tpu.memory_space<vmem>> -> memref<1x40xi32, #tpu.memory_space<vmem>>
        %dma_wait3A_334 = tpu.memref_squeeze %dma_wait3A_333 : memref<1x40xi32, #tpu.memory_space<vmem>> -> memref<40xi32, #tpu.memory_space<vmem>>
        %dma_wait3A_335 = tpu.memref_slice %arg3[%add3A_323] : memref<320000xi32, #tpu.memory_space<hbm>> -> memref<40xi32, #tpu.memory_space<hbm>>
        tpu.wait_dma2 semaphore(%dma_wait3A_331 : memref<!tpu.dma_semaphore, #tpu.memory_space<semaphore_mem>>) src(%dma_wait3A_335 : memref<40xi32, #tpu.memory_space<hbm>>) dst(%dma_wait3A_334 : memref<40xi32, #tpu.memory_space<vmem>>)
        %dma_wait3A_336 = arith.constant 0 : i32
        %dma_wait3A_337 = arith.constant 0 : i32
        %dma_wait3A_338 = arith.constant 0 : i32
        %dma_wait3A_339 = tpu.memref_slice %arg8[%dma_wait3A_336, %dma_wait3A_338] : memref<4x40xi32, #tpu.memory_space<vmem>> -> memref<1x40xi32, #tpu.memory_space<vmem>>
        %dma_wait3A_340 = tpu.memref_squeeze %dma_wait3A_339 : memref<1x40xi32, #tpu.memory_space<vmem>> -> memref<40xi32, #tpu.memory_space<vmem>>
        %dma_wait3A_341 = tpu.memref_slice %arg4[%add3A_323] : memref<320000xi32, #tpu.memory_space<hbm>> -> memref<40xi32, #tpu.memory_space<hbm>>
        %dma_wait3A_342 = tpu.memref_slice %arg12[%dma_wait3A_337] : memref<4x!tpu.dma_semaphore, #tpu.memory_space<semaphore_mem>> -> memref<1x!tpu.dma_semaphore, #tpu.memory_space<semaphore_mem>>
        %dma_wait3A_343 = tpu.memref_squeeze %dma_wait3A_342 : memref<1x!tpu.dma_semaphore, #tpu.memory_space<semaphore_mem>> -> memref<!tpu.dma_semaphore, #tpu.memory_space<semaphore_mem>>
        %dma_wait3A_344 = arith.constant 0 : i32
        %dma_wait3A_345 = tpu.memref_slice %arg8[%dma_wait3A_336, %dma_wait3A_344] : memref<4x40xi32, #tpu.memory_space<vmem>> -> memref<1x40xi32, #tpu.memory_space<vmem>>
        %dma_wait3A_346 = tpu.memref_squeeze %dma_wait3A_345 : memref<1x40xi32, #tpu.memory_space<vmem>> -> memref<40xi32, #tpu.memory_space<vmem>>
        %dma_wait3A_347 = tpu.memref_slice %arg4[%add3A_323] : memref<320000xi32, #tpu.memory_space<hbm>> -> memref<40xi32, #tpu.memory_space<hbm>>
        tpu.wait_dma2 semaphore(%dma_wait3A_343 : memref<!tpu.dma_semaphore, #tpu.memory_space<semaphore_mem>>) src(%dma_wait3A_347 : memref<40xi32, #tpu.memory_space<hbm>>) dst(%dma_wait3A_346 : memref<40xi32, #tpu.memory_space<vmem>>)
        %dma_wait3A_348 = arith.constant 0 : i32
        %dma_wait3A_349 = arith.constant 0 : i32
        %dma_wait3A_350 = arith.constant 0 : i32
        %dma_wait3A_351 = arith.constant 0 : i32
        %dma_wait3A_352 = tpu.memref_slice %arg9[%dma_wait3A_348, %dma_wait3A_350, %dma_wait3A_351] : memref<4x40x16xf32, #tpu.memory_space<vmem>> -> memref<1x40x16xf32, #tpu.memory_space<vmem>>
        %dma_wait3A_353 = tpu.memref_squeeze %dma_wait3A_352 : memref<1x40x16xf32, #tpu.memory_space<vmem>> -> memref<40x16xf32, #tpu.memory_space<vmem>>
        %dma_wait3A_354 = arith.constant 0 : i32
        %dma_wait3A_355 = tpu.memref_slice %arg2[%add3A_323, %dma_wait3A_354] : memref<320000x16xf32, #tpu.memory_space<hbm>> -> memref<40x16xf32, #tpu.memory_space<hbm>>
        %dma_wait3A_356 = tpu.memref_slice %arg12[%dma_wait3A_349] : memref<4x!tpu.dma_semaphore, #tpu.memory_space<semaphore_mem>> -> memref<1x!tpu.dma_semaphore, #tpu.memory_space<semaphore_mem>>
        %dma_wait3A_357 = tpu.memref_squeeze %dma_wait3A_356 : memref<1x!tpu.dma_semaphore, #tpu.memory_space<semaphore_mem>> -> memref<!tpu.dma_semaphore, #tpu.memory_space<semaphore_mem>>
        %dma_wait3A_358 = arith.constant 0 : i32
        %dma_wait3A_359 = arith.constant 0 : i32
        %dma_wait3A_360 = tpu.memref_slice %arg9[%dma_wait3A_348, %dma_wait3A_358, %dma_wait3A_359] : memref<4x40x16xf32, #tpu.memory_space<vmem>> -> memref<1x40x16xf32, #tpu.memory_space<vmem>>
        %dma_wait3A_361 = tpu.memref_squeeze %dma_wait3A_360 : memref<1x40x16xf32, #tpu.memory_space<vmem>> -> memref<40x16xf32, #tpu.memory_space<vmem>>
        %dma_wait3A_362 = arith.constant 0 : i32
        %dma_wait3A_363 = tpu.memref_slice %arg2[%add3A_323, %dma_wait3A_362] : memref<320000x16xf32, #tpu.memory_space<hbm>> -> memref<40x16xf32, #tpu.memory_space<hbm>>
        tpu.wait_dma2 semaphore(%dma_wait3A_357 : memref<!tpu.dma_semaphore, #tpu.memory_space<semaphore_mem>>) src(%dma_wait3A_363 : memref<40x16xf32, #tpu.memory_space<hbm>>) dst(%dma_wait3A_361 : memref<40x16xf32, #tpu.memory_space<vmem>>)
        %dma_start3A_364 = arith.constant 0 : i32
        %dma_start3A_365 = arith.constant 0 : i32
        %dma_start3A_366 = arith.constant 0 : i32
        %dma_start3A_367 = arith.constant 0 : i32
        %dma_start3A_368 = arith.constant 0 : i32
        %dma_start3A_369 = tpu.memref_slice %arg9[%dma_start3A_364, %dma_start3A_367, %dma_start3A_368] : memref<4x40x16xf32, #tpu.memory_space<vmem>> -> memref<1x40x16xf32, #tpu.memory_space<vmem>>
        %dma_start3A_370 = tpu.memref_squeeze %dma_start3A_369 : memref<1x40x16xf32, #tpu.memory_space<vmem>> -> memref<40x16xf32, #tpu.memory_space<vmem>>
        %dma_start3A_371 = arith.constant 0 : i32
        %dma_start3A_372 = tpu.memref_slice %arg7[%dma_start3A_365, %dma_start3A_371] : memref<4x40xi32, #tpu.memory_space<vmem>> -> memref<1x40xi32, #tpu.memory_space<vmem>>
        %dma_start3A_373 = tpu.memref_squeeze %dma_start3A_372 : memref<1x40xi32, #tpu.memory_space<vmem>> -> memref<40xi32, #tpu.memory_space<vmem>>
        %dma_start3A_374 = arith.constant 0 : i32
        %dma_start3A_375 = arith.constant 0 : i32
        %dma_start3A_376 = tpu.memref_slice %arg10[%dma_start3A_374, %dma_start3A_375] : memref<10000x16xf32, #tpu.memory_space<vmem_shared>> -> memref<10000x16xf32, #tpu.memory_space<vmem_shared>>
        %dma_start3A_377 = tpu.memref_slice %arg13[%dma_start3A_366] : memref<4x!tpu.dma_semaphore, #tpu.memory_space<semaphore_mem>> -> memref<1x!tpu.dma_semaphore, #tpu.memory_space<semaphore_mem>>
        %dma_start3A_378 = tpu.memref_squeeze %dma_start3A_377 : memref<1x!tpu.dma_semaphore, #tpu.memory_space<semaphore_mem>> -> memref<!tpu.dma_semaphore, #tpu.memory_space<semaphore_mem>>
        tpu.enqueue_indirect_dma source(%dma_start3A_370 : memref<40x16xf32, #tpu.memory_space<vmem>>) target(%dma_start3A_376 : memref<10000x16xf32, #tpu.memory_space<vmem_shared>>) offsets(%dma_start3A_373 : memref<40xi32, #tpu.memory_space<vmem>>) semaphore(%dma_start3A_378 : memref<!tpu.dma_semaphore, #tpu.memory_space<semaphore_mem>>) {add = true}
        %dma_start3A_379 = arith.constant 0 : i32
        %dma_start3A_380 = arith.constant 0 : i32
        %dma_start3A_381 = arith.constant 0 : i32
        %dma_start3A_382 = arith.constant 0 : i32
        %dma_start3A_383 = arith.constant 0 : i32
        %dma_start3A_384 = tpu.memref_slice %arg9[%dma_start3A_379, %dma_start3A_382, %dma_start3A_383] : memref<4x40x16xf32, #tpu.memory_space<vmem>> -> memref<1x40x16xf32, #tpu.memory_space<vmem>>
        %dma_start3A_385 = tpu.memref_squeeze %dma_start3A_384 : memref<1x40x16xf32, #tpu.memory_space<vmem>> -> memref<40x16xf32, #tpu.memory_space<vmem>>
        %dma_start3A_386 = arith.constant 0 : i32
        %dma_start3A_387 = tpu.memref_slice %arg8[%dma_start3A_380, %dma_start3A_386] : memref<4x40xi32, #tpu.memory_space<vmem>> -> memref<1x40xi32, #tpu.memory_space<vmem>>
        %dma_start3A_388 = tpu.memref_squeeze %dma_start3A_387 : memref<1x40xi32, #tpu.memory_space<vmem>> -> memref<40xi32, #tpu.memory_space<vmem>>
        %dma_start3A_389 = arith.constant 0 : i32
        %dma_start3A_390 = arith.constant 0 : i32
        %dma_start3A_391 = tpu.memref_slice %arg11[%dma_start3A_389, %dma_start3A_390] : memref<10000x16xf32, #tpu.memory_space<vmem_shared>> -> memref<10000x16xf32, #tpu.memory_space<vmem_shared>>
        %dma_start3A_392 = tpu.memref_slice %arg13[%dma_start3A_381] : memref<4x!tpu.dma_semaphore, #tpu.memory_space<semaphore_mem>> -> memref<1x!tpu.dma_semaphore, #tpu.memory_space<semaphore_mem>>
        %dma_start3A_393 = tpu.memref_squeeze %dma_start3A_392 : memref<1x!tpu.dma_semaphore, #tpu.memory_space<semaphore_mem>> -> memref<!tpu.dma_semaphore, #tpu.memory_space<semaphore_mem>>
        tpu.enqueue_indirect_dma source(%dma_start3A_385 : memref<40x16xf32, #tpu.memory_space<vmem>>) target(%dma_start3A_391 : memref<10000x16xf32, #tpu.memory_space<vmem_shared>>) offsets(%dma_start3A_388 : memref<40xi32, #tpu.memory_space<vmem>>) semaphore(%dma_start3A_393 : memref<!tpu.dma_semaphore, #tpu.memory_space<semaphore_mem>>) {add = true}
      } else {
      }
      %mul3A_243 = arith.constant 4 : i32
      %mul3A_244 = arith.muli %mul3A_243, %scan3A_218 : i32
      %add3A_245 = arith.constant 1 : i32
      %add3A_246 = arith.addi %mul3A_244, %add3A_245 : i32
      %ge3A_247 = arith.constant 2 : i32
      %ge3A_248 = arith.cmpi sge, %add3A_246, %ge3A_247 : i32
      %add3A_249 = arith.constant 2 : i32
      %add3A_250 = arith.addi %add3A_246, %add3A_249 : i32
      %lt3A_251 = arith.constant 250 : i32
      %lt3A_252 = arith.cmpi slt, %add3A_250, %lt3A_251 : i32
      %and3A_253 = arith.andi %ge3A_248, %lt3A_252 : i1
      %convert_element_type3A_254 = arith.extui %and3A_253 : i1 to i32
      %cond3A_255 = arith.constant 0 : i32
      %cond3A_256 = arith.cmpi ne, %convert_element_type3A_254, %cond3A_255 : i32
      scf.if %cond3A_256 {
        %dma_wait3A_321 = arith.constant 3 : i32
        %dma_wait3A_322 = arith.constant 3 : i32
        %dma_wait3A_323 = arith.constant 3 : i32
        %dma_wait3A_324 = arith.constant 0 : i32
        %dma_wait3A_325 = arith.constant 0 : i32
        %dma_wait3A_326 = tpu.memref_slice %arg9[%dma_wait3A_321, %dma_wait3A_324, %dma_wait3A_325] : memref<4x40x16xf32, #tpu.memory_space<vmem>> -> memref<1x40x16xf32, #tpu.memory_space<vmem>>
        %dma_wait3A_327 = tpu.memref_squeeze %dma_wait3A_326 : memref<1x40x16xf32, #tpu.memory_space<vmem>> -> memref<40x16xf32, #tpu.memory_space<vmem>>
        %dma_wait3A_328 = arith.constant 0 : i32
        %dma_wait3A_329 = tpu.memref_slice %arg7[%dma_wait3A_322, %dma_wait3A_328] : memref<4x40xi32, #tpu.memory_space<vmem>> -> memref<1x40xi32, #tpu.memory_space<vmem>>
        %dma_wait3A_330 = tpu.memref_squeeze %dma_wait3A_329 : memref<1x40xi32, #tpu.memory_space<vmem>> -> memref<40xi32, #tpu.memory_space<vmem>>
        %dma_wait3A_331 = arith.constant 0 : i32
        %dma_wait3A_332 = arith.constant 0 : i32
        %dma_wait3A_333 = tpu.memref_slice %arg10[%dma_wait3A_331, %dma_wait3A_332] : memref<10000x16xf32, #tpu.memory_space<vmem_shared>> -> memref<10000x16xf32, #tpu.memory_space<vmem_shared>>
        %dma_wait3A_334 = tpu.memref_slice %arg13[%dma_wait3A_323] : memref<4x!tpu.dma_semaphore, #tpu.memory_space<semaphore_mem>> -> memref<1x!tpu.dma_semaphore, #tpu.memory_space<semaphore_mem>>
        %dma_wait3A_335 = tpu.memref_squeeze %dma_wait3A_334 : memref<1x!tpu.dma_semaphore, #tpu.memory_space<semaphore_mem>> -> memref<!tpu.dma_semaphore, #tpu.memory_space<semaphore_mem>>
        tpu.wait_indirect_dma semaphore(%dma_wait3A_335 : memref<!tpu.dma_semaphore, #tpu.memory_space<semaphore_mem>>) src(%dma_wait3A_327 : memref<40x16xf32, #tpu.memory_space<vmem>>) dst(%dma_wait3A_333 : memref<10000x16xf32, #tpu.memory_space<vmem_shared>>)
        %dma_wait3A_336 = arith.constant 3 : i32
        %dma_wait3A_337 = arith.constant 3 : i32
        %dma_wait3A_338 = arith.constant 3 : i32
        %dma_wait3A_339 = arith.constant 0 : i32
        %dma_wait3A_340 = arith.constant 0 : i32
        %dma_wait3A_341 = tpu.memref_slice %arg9[%dma_wait3A_336, %dma_wait3A_339, %dma_wait3A_340] : memref<4x40x16xf32, #tpu.memory_space<vmem>> -> memref<1x40x16xf32, #tpu.memory_space<vmem>>
        %dma_wait3A_342 = tpu.memref_squeeze %dma_wait3A_341 : memref<1x40x16xf32, #tpu.memory_space<vmem>> -> memref<40x16xf32, #tpu.memory_space<vmem>>
        %dma_wait3A_343 = arith.constant 0 : i32
        %dma_wait3A_344 = tpu.memref_slice %arg8[%dma_wait3A_337, %dma_wait3A_343] : memref<4x40xi32, #tpu.memory_space<vmem>> -> memref<1x40xi32, #tpu.memory_space<vmem>>
        %dma_wait3A_345 = tpu.memref_squeeze %dma_wait3A_344 : memref<1x40xi32, #tpu.memory_space<vmem>> -> memref<40xi32, #tpu.memory_space<vmem>>
        %dma_wait3A_346 = arith.constant 0 : i32
        %dma_wait3A_347 = arith.constant 0 : i32
        %dma_wait3A_348 = tpu.memref_slice %arg11[%dma_wait3A_346, %dma_wait3A_347] : memref<10000x16xf32, #tpu.memory_space<vmem_shared>> -> memref<10000x16xf32, #tpu.memory_space<vmem_shared>>
        %dma_wait3A_349 = tpu.memref_slice %arg13[%dma_wait3A_338] : memref<4x!tpu.dma_semaphore, #tpu.memory_space<semaphore_mem>> -> memref<1x!tpu.dma_semaphore, #tpu.memory_space<semaphore_mem>>
        %dma_wait3A_350 = tpu.memref_squeeze %dma_wait3A_349 : memref<1x!tpu.dma_semaphore, #tpu.memory_space<semaphore_mem>> -> memref<!tpu.dma_semaphore, #tpu.memory_space<semaphore_mem>>
        tpu.wait_indirect_dma semaphore(%dma_wait3A_350 : memref<!tpu.dma_semaphore, #tpu.memory_space<semaphore_mem>>) src(%dma_wait3A_342 : memref<40x16xf32, #tpu.memory_space<vmem>>) dst(%dma_wait3A_348 : memref<10000x16xf32, #tpu.memory_space<vmem_shared>>)
      } else {
      }
      %add3A_257 = arith.constant 2 : i32
      %add3A_258 = arith.addi %add3A_246, %add3A_257 : i32
      %lt3A_259 = arith.constant 250 : i32
      %lt3A_260 = arith.cmpi slt, %add3A_258, %lt3A_259 : i32
      %convert_element_type3A_261 = arith.extui %lt3A_260 : i1 to i32
      %cond3A_262 = arith.constant 0 : i32
      %cond3A_263 = arith.cmpi ne, %convert_element_type3A_261, %cond3A_262 : i32
      scf.if %cond3A_263 {
        %add3A_321 = arith.constant 2 : i32
        %add3A_322 = arith.addi %add3A_246, %add3A_321 : i32
        %mul3A_323 = arith.constant 40 : i32
        %mul3A_324 = arith.muli %add3A_322, %mul3A_323 : i32
        %add3A_325 = arith.addi %mul3A_2, %mul3A_324 : i32
        %dma_start3A_326 = arith.constant 3 : i32
        %dma_start3A_327 = arith.constant 3 : i32
        %dma_start3A_328 = arith.constant 0 : i32
        %dma_start3A_329 = tpu.memref_slice %arg7[%dma_start3A_326, %dma_start3A_328] : memref<4x40xi32, #tpu.memory_space<vmem>> -> memref<1x40xi32, #tpu.memory_space<vmem>>
        %dma_start3A_330 = tpu.memref_squeeze %dma_start3A_329 : memref<1x40xi32, #tpu.memory_space<vmem>> -> memref<40xi32, #tpu.memory_space<vmem>>
        %dma_start3A_331 = tpu.memref_slice %arg3[%add3A_325] : memref<320000xi32, #tpu.memory_space<hbm>> -> memref<40xi32, #tpu.memory_space<hbm>>
        %dma_start3A_332 = tpu.memref_slice %arg12[%dma_start3A_327] : memref<4x!tpu.dma_semaphore, #tpu.memory_space<semaphore_mem>> -> memref<1x!tpu.dma_semaphore, #tpu.memory_space<semaphore_mem>>
        %dma_start3A_333 = tpu.memref_squeeze %dma_start3A_332 : memref<1x!tpu.dma_semaphore, #tpu.memory_space<semaphore_mem>> -> memref<!tpu.dma_semaphore, #tpu.memory_space<semaphore_mem>>
        %dma_start3A_334 = arith.constant 0 : i32
        %dma_start3A_335 = tpu.memref_slice %arg7[%dma_start3A_326, %dma_start3A_334] : memref<4x40xi32, #tpu.memory_space<vmem>> -> memref<1x40xi32, #tpu.memory_space<vmem>>
        %dma_start3A_336 = tpu.memref_squeeze %dma_start3A_335 : memref<1x40xi32, #tpu.memory_space<vmem>> -> memref<40xi32, #tpu.memory_space<vmem>>
        %dma_start3A_337 = tpu.memref_slice %arg3[%add3A_325] : memref<320000xi32, #tpu.memory_space<hbm>> -> memref<40xi32, #tpu.memory_space<hbm>>
        tpu.enqueue_dma source(%dma_start3A_337 : memref<40xi32, #tpu.memory_space<hbm>>) target(%dma_start3A_336 : memref<40xi32, #tpu.memory_space<vmem>>) target_semaphore(%dma_start3A_333 : memref<!tpu.dma_semaphore, #tpu.memory_space<semaphore_mem>>)
        %dma_start3A_338 = arith.constant 3 : i32
        %dma_start3A_339 = arith.constant 3 : i32
        %dma_start3A_340 = arith.constant 0 : i32
        %dma_start3A_341 = tpu.memref_slice %arg8[%dma_start3A_338, %dma_start3A_340] : memref<4x40xi32, #tpu.memory_space<vmem>> -> memref<1x40xi32, #tpu.memory_space<vmem>>
        %dma_start3A_342 = tpu.memref_squeeze %dma_start3A_341 : memref<1x40xi32, #tpu.memory_space<vmem>> -> memref<40xi32, #tpu.memory_space<vmem>>
        %dma_start3A_343 = tpu.memref_slice %arg4[%add3A_325] : memref<320000xi32, #tpu.memory_space<hbm>> -> memref<40xi32, #tpu.memory_space<hbm>>
        %dma_start3A_344 = tpu.memref_slice %arg12[%dma_start3A_339] : memref<4x!tpu.dma_semaphore, #tpu.memory_space<semaphore_mem>> -> memref<1x!tpu.dma_semaphore, #tpu.memory_space<semaphore_mem>>
        %dma_start3A_345 = tpu.memref_squeeze %dma_start3A_344 : memref<1x!tpu.dma_semaphore, #tpu.memory_space<semaphore_mem>> -> memref<!tpu.dma_semaphore, #tpu.memory_space<semaphore_mem>>
        %dma_start3A_346 = arith.constant 0 : i32
        %dma_start3A_347 = tpu.memref_slice %arg8[%dma_start3A_338, %dma_start3A_346] : memref<4x40xi32, #tpu.memory_space<vmem>> -> memref<1x40xi32, #tpu.memory_space<vmem>>
        %dma_start3A_348 = tpu.memref_squeeze %dma_start3A_347 : memref<1x40xi32, #tpu.memory_space<vmem>> -> memref<40xi32, #tpu.memory_space<vmem>>
        %dma_start3A_349 = tpu.memref_slice %arg4[%add3A_325] : memref<320000xi32, #tpu.memory_space<hbm>> -> memref<40xi32, #tpu.memory_space<hbm>>
        tpu.enqueue_dma source(%dma_start3A_349 : memref<40xi32, #tpu.memory_space<hbm>>) target(%dma_start3A_348 : memref<40xi32, #tpu.memory_space<vmem>>) target_semaphore(%dma_start3A_345 : memref<!tpu.dma_semaphore, #tpu.memory_space<semaphore_mem>>)
        %dma_start3A_350 = arith.constant 3 : i32
        %dma_start3A_351 = arith.constant 3 : i32
        %dma_start3A_352 = arith.constant 0 : i32
        %dma_start3A_353 = arith.constant 0 : i32
        %dma_start3A_354 = tpu.memref_slice %arg9[%dma_start3A_350, %dma_start3A_352, %dma_start3A_353] : memref<4x40x16xf32, #tpu.memory_space<vmem>> -> memref<1x40x16xf32, #tpu.memory_space<vmem>>
        %dma_start3A_355 = tpu.memref_squeeze %dma_start3A_354 : memref<1x40x16xf32, #tpu.memory_space<vmem>> -> memref<40x16xf32, #tpu.memory_space<vmem>>
        %dma_start3A_356 = arith.constant 0 : i32
        %dma_start3A_357 = tpu.memref_slice %arg2[%add3A_325, %dma_start3A_356] : memref<320000x16xf32, #tpu.memory_space<hbm>> -> memref<40x16xf32, #tpu.memory_space<hbm>>
        %dma_start3A_358 = tpu.memref_slice %arg12[%dma_start3A_351] : memref<4x!tpu.dma_semaphore, #tpu.memory_space<semaphore_mem>> -> memref<1x!tpu.dma_semaphore, #tpu.memory_space<semaphore_mem>>
        %dma_start3A_359 = tpu.memref_squeeze %dma_start3A_358 : memref<1x!tpu.dma_semaphore, #tpu.memory_space<semaphore_mem>> -> memref<!tpu.dma_semaphore, #tpu.memory_space<semaphore_mem>>
        %dma_start3A_360 = arith.constant 0 : i32
        %dma_start3A_361 = arith.constant 0 : i32
        %dma_start3A_362 = tpu.memref_slice %arg9[%dma_start3A_350, %dma_start3A_360, %dma_start3A_361] : memref<4x40x16xf32, #tpu.memory_space<vmem>> -> memref<1x40x16xf32, #tpu.memory_space<vmem>>
        %dma_start3A_363 = tpu.memref_squeeze %dma_start3A_362 : memref<1x40x16xf32, #tpu.memory_space<vmem>> -> memref<40x16xf32, #tpu.memory_space<vmem>>
        %dma_start3A_364 = arith.constant 0 : i32
        %dma_start3A_365 = tpu.memref_slice %arg2[%add3A_325, %dma_start3A_364] : memref<320000x16xf32, #tpu.memory_space<hbm>> -> memref<40x16xf32, #tpu.memory_space<hbm>>
        tpu.enqueue_dma source(%dma_start3A_365 : memref<40x16xf32, #tpu.memory_space<hbm>>) target(%dma_start3A_363 : memref<40x16xf32, #tpu.memory_space<vmem>>) target_semaphore(%dma_start3A_359 : memref<!tpu.dma_semaphore, #tpu.memory_space<semaphore_mem>>)
      } else {
      }
      %lt3A_264 = arith.constant 250 : i32
      %lt3A_265 = arith.cmpi slt, %add3A_246, %lt3A_264 : i32
      %convert_element_type3A_266 = arith.extui %lt3A_265 : i1 to i32
      %cond3A_267 = arith.constant 0 : i32
      %cond3A_268 = arith.cmpi ne, %convert_element_type3A_266, %cond3A_267 : i32
      scf.if %cond3A_268 {
        %mul3A_321 = arith.constant 40 : i32
        %mul3A_322 = arith.muli %add3A_246, %mul3A_321 : i32
        %add3A_323 = arith.addi %mul3A_2, %mul3A_322 : i32
        %dma_wait3A_324 = arith.constant 1 : i32
        %dma_wait3A_325 = arith.constant 1 : i32
        %dma_wait3A_326 = arith.constant 0 : i32
        %dma_wait3A_327 = tpu.memref_slice %arg7[%dma_wait3A_324, %dma_wait3A_326] : memref<4x40xi32, #tpu.memory_space<vmem>> -> memref<1x40xi32, #tpu.memory_space<vmem>>
        %dma_wait3A_328 = tpu.memref_squeeze %dma_wait3A_327 : memref<1x40xi32, #tpu.memory_space<vmem>> -> memref<40xi32, #tpu.memory_space<vmem>>
        %dma_wait3A_329 = tpu.memref_slice %arg3[%add3A_323] : memref<320000xi32, #tpu.memory_space<hbm>> -> memref<40xi32, #tpu.memory_space<hbm>>
        %dma_wait3A_330 = tpu.memref_slice %arg12[%dma_wait3A_325] : memref<4x!tpu.dma_semaphore, #tpu.memory_space<semaphore_mem>> -> memref<1x!tpu.dma_semaphore, #tpu.memory_space<semaphore_mem>>
        %dma_wait3A_331 = tpu.memref_squeeze %dma_wait3A_330 : memref<1x!tpu.dma_semaphore, #tpu.memory_space<semaphore_mem>> -> memref<!tpu.dma_semaphore, #tpu.memory_space<semaphore_mem>>
        %dma_wait3A_332 = arith.constant 0 : i32
        %dma_wait3A_333 = tpu.memref_slice %arg7[%dma_wait3A_324, %dma_wait3A_332] : memref<4x40xi32, #tpu.memory_space<vmem>> -> memref<1x40xi32, #tpu.memory_space<vmem>>
        %dma_wait3A_334 = tpu.memref_squeeze %dma_wait3A_333 : memref<1x40xi32, #tpu.memory_space<vmem>> -> memref<40xi32, #tpu.memory_space<vmem>>
        %dma_wait3A_335 = tpu.memref_slice %arg3[%add3A_323] : memref<320000xi32, #tpu.memory_space<hbm>> -> memref<40xi32, #tpu.memory_space<hbm>>
        tpu.wait_dma2 semaphore(%dma_wait3A_331 : memref<!tpu.dma_semaphore, #tpu.memory_space<semaphore_mem>>) src(%dma_wait3A_335 : memref<40xi32, #tpu.memory_space<hbm>>) dst(%dma_wait3A_334 : memref<40xi32, #tpu.memory_space<vmem>>)
        %dma_wait3A_336 = arith.constant 1 : i32
        %dma_wait3A_337 = arith.constant 1 : i32
        %dma_wait3A_338 = arith.constant 0 : i32
        %dma_wait3A_339 = tpu.memref_slice %arg8[%dma_wait3A_336, %dma_wait3A_338] : memref<4x40xi32, #tpu.memory_space<vmem>> -> memref<1x40xi32, #tpu.memory_space<vmem>>
        %dma_wait3A_340 = tpu.memref_squeeze %dma_wait3A_339 : memref<1x40xi32, #tpu.memory_space<vmem>> -> memref<40xi32, #tpu.memory_space<vmem>>
        %dma_wait3A_341 = tpu.memref_slice %arg4[%add3A_323] : memref<320000xi32, #tpu.memory_space<hbm>> -> memref<40xi32, #tpu.memory_space<hbm>>
        %dma_wait3A_342 = tpu.memref_slice %arg12[%dma_wait3A_337] : memref<4x!tpu.dma_semaphore, #tpu.memory_space<semaphore_mem>> -> memref<1x!tpu.dma_semaphore, #tpu.memory_space<semaphore_mem>>
        %dma_wait3A_343 = tpu.memref_squeeze %dma_wait3A_342 : memref<1x!tpu.dma_semaphore, #tpu.memory_space<semaphore_mem>> -> memref<!tpu.dma_semaphore, #tpu.memory_space<semaphore_mem>>
        %dma_wait3A_344 = arith.constant 0 : i32
        %dma_wait3A_345 = tpu.memref_slice %arg8[%dma_wait3A_336, %dma_wait3A_344] : memref<4x40xi32, #tpu.memory_space<vmem>> -> memref<1x40xi32, #tpu.memory_space<vmem>>
        %dma_wait3A_346 = tpu.memref_squeeze %dma_wait3A_345 : memref<1x40xi32, #tpu.memory_space<vmem>> -> memref<40xi32, #tpu.memory_space<vmem>>
        %dma_wait3A_347 = tpu.memref_slice %arg4[%add3A_323] : memref<320000xi32, #tpu.memory_space<hbm>> -> memref<40xi32, #tpu.memory_space<hbm>>
        tpu.wait_dma2 semaphore(%dma_wait3A_343 : memref<!tpu.dma_semaphore, #tpu.memory_space<semaphore_mem>>) src(%dma_wait3A_347 : memref<40xi32, #tpu.memory_space<hbm>>) dst(%dma_wait3A_346 : memref<40xi32, #tpu.memory_space<vmem>>)
        %dma_wait3A_348 = arith.constant 1 : i32
        %dma_wait3A_349 = arith.constant 1 : i32
        %dma_wait3A_350 = arith.constant 0 : i32
        %dma_wait3A_351 = arith.constant 0 : i32
        %dma_wait3A_352 = tpu.memref_slice %arg9[%dma_wait3A_348, %dma_wait3A_350, %dma_wait3A_351] : memref<4x40x16xf32, #tpu.memory_space<vmem>> -> memref<1x40x16xf32, #tpu.memory_space<vmem>>
        %dma_wait3A_353 = tpu.memref_squeeze %dma_wait3A_352 : memref<1x40x16xf32, #tpu.memory_space<vmem>> -> memref<40x16xf32, #tpu.memory_space<vmem>>
        %dma_wait3A_354 = arith.constant 0 : i32
        %dma_wait3A_355 = tpu.memref_slice %arg2[%add3A_323, %dma_wait3A_354] : memref<320000x16xf32, #tpu.memory_space<hbm>> -> memref<40x16xf32, #tpu.memory_space<hbm>>
        %dma_wait3A_356 = tpu.memref_slice %arg12[%dma_wait3A_349] : memref<4x!tpu.dma_semaphore, #tpu.memory_space<semaphore_mem>> -> memref<1x!tpu.dma_semaphore, #tpu.memory_space<semaphore_mem>>
        %dma_wait3A_357 = tpu.memref_squeeze %dma_wait3A_356 : memref<1x!tpu.dma_semaphore, #tpu.memory_space<semaphore_mem>> -> memref<!tpu.dma_semaphore, #tpu.memory_space<semaphore_mem>>
        %dma_wait3A_358 = arith.constant 0 : i32
        %dma_wait3A_359 = arith.constant 0 : i32
        %dma_wait3A_360 = tpu.memref_slice %arg9[%dma_wait3A_348, %dma_wait3A_358, %dma_wait3A_359] : memref<4x40x16xf32, #tpu.memory_space<vmem>> -> memref<1x40x16xf32, #tpu.memory_space<vmem>>
        %dma_wait3A_361 = tpu.memref_squeeze %dma_wait3A_360 : memref<1x40x16xf32, #tpu.memory_space<vmem>> -> memref<40x16xf32, #tpu.memory_space<vmem>>
        %dma_wait3A_362 = arith.constant 0 : i32
        %dma_wait3A_363 = tpu.memref_slice %arg2[%add3A_323, %dma_wait3A_362] : memref<320000x16xf32, #tpu.memory_space<hbm>> -> memref<40x16xf32, #tpu.memory_space<hbm>>
        tpu.wait_dma2 semaphore(%dma_wait3A_357 : memref<!tpu.dma_semaphore, #tpu.memory_space<semaphore_mem>>) src(%dma_wait3A_363 : memref<40x16xf32, #tpu.memory_space<hbm>>) dst(%dma_wait3A_361 : memref<40x16xf32, #tpu.memory_space<vmem>>)
        %dma_start3A_364 = arith.constant 1 : i32
        %dma_start3A_365 = arith.constant 1 : i32
        %dma_start3A_366 = arith.constant 1 : i32
        %dma_start3A_367 = arith.constant 0 : i32
        %dma_start3A_368 = arith.constant 0 : i32
        %dma_start3A_369 = tpu.memref_slice %arg9[%dma_start3A_364, %dma_start3A_367, %dma_start3A_368] : memref<4x40x16xf32, #tpu.memory_space<vmem>> -> memref<1x40x16xf32, #tpu.memory_space<vmem>>
        %dma_start3A_370 = tpu.memref_squeeze %dma_start3A_369 : memref<1x40x16xf32, #tpu.memory_space<vmem>> -> memref<40x16xf32, #tpu.memory_space<vmem>>
        %dma_start3A_371 = arith.constant 0 : i32
        %dma_start3A_372 = tpu.memref_slice %arg7[%dma_start3A_365, %dma_start3A_371] : memref<4x40xi32, #tpu.memory_space<vmem>> -> memref<1x40xi32, #tpu.memory_space<vmem>>
        %dma_start3A_373 = tpu.memref_squeeze %dma_start3A_372 : memref<1x40xi32, #tpu.memory_space<vmem>> -> memref<40xi32, #tpu.memory_space<vmem>>
        %dma_start3A_374 = arith.constant 0 : i32
        %dma_start3A_375 = arith.constant 0 : i32
        %dma_start3A_376 = tpu.memref_slice %arg10[%dma_start3A_374, %dma_start3A_375] : memref<10000x16xf32, #tpu.memory_space<vmem_shared>> -> memref<10000x16xf32, #tpu.memory_space<vmem_shared>>
        %dma_start3A_377 = tpu.memref_slice %arg13[%dma_start3A_366] : memref<4x!tpu.dma_semaphore, #tpu.memory_space<semaphore_mem>> -> memref<1x!tpu.dma_semaphore, #tpu.memory_space<semaphore_mem>>
        %dma_start3A_378 = tpu.memref_squeeze %dma_start3A_377 : memref<1x!tpu.dma_semaphore, #tpu.memory_space<semaphore_mem>> -> memref<!tpu.dma_semaphore, #tpu.memory_space<semaphore_mem>>
        tpu.enqueue_indirect_dma source(%dma_start3A_370 : memref<40x16xf32, #tpu.memory_space<vmem>>) target(%dma_start3A_376 : memref<10000x16xf32, #tpu.memory_space<vmem_shared>>) offsets(%dma_start3A_373 : memref<40xi32, #tpu.memory_space<vmem>>) semaphore(%dma_start3A_378 : memref<!tpu.dma_semaphore, #tpu.memory_space<semaphore_mem>>) {add = true}
        %dma_start3A_379 = arith.constant 1 : i32
        %dma_start3A_380 = arith.constant 1 : i32
        %dma_start3A_381 = arith.constant 1 : i32
        %dma_start3A_382 = arith.constant 0 : i32
        %dma_start3A_383 = arith.constant 0 : i32
        %dma_start3A_384 = tpu.memref_slice %arg9[%dma_start3A_379, %dma_start3A_382, %dma_start3A_383] : memref<4x40x16xf32, #tpu.memory_space<vmem>> -> memref<1x40x16xf32, #tpu.memory_space<vmem>>
        %dma_start3A_385 = tpu.memref_squeeze %dma_start3A_384 : memref<1x40x16xf32, #tpu.memory_space<vmem>> -> memref<40x16xf32, #tpu.memory_space<vmem>>
        %dma_start3A_386 = arith.constant 0 : i32
        %dma_start3A_387 = tpu.memref_slice %arg8[%dma_start3A_380, %dma_start3A_386] : memref<4x40xi32, #tpu.memory_space<vmem>> -> memref<1x40xi32, #tpu.memory_space<vmem>>
        %dma_start3A_388 = tpu.memref_squeeze %dma_start3A_387 : memref<1x40xi32, #tpu.memory_space<vmem>> -> memref<40xi32, #tpu.memory_space<vmem>>
        %dma_start3A_389 = arith.constant 0 : i32
        %dma_start3A_390 = arith.constant 0 : i32
        %dma_start3A_391 = tpu.memref_slice %arg11[%dma_start3A_389, %dma_start3A_390] : memref<10000x16xf32, #tpu.memory_space<vmem_shared>> -> memref<10000x16xf32, #tpu.memory_space<vmem_shared>>
        %dma_start3A_392 = tpu.memref_slice %arg13[%dma_start3A_381] : memref<4x!tpu.dma_semaphore, #tpu.memory_space<semaphore_mem>> -> memref<1x!tpu.dma_semaphore, #tpu.memory_space<semaphore_mem>>
        %dma_start3A_393 = tpu.memref_squeeze %dma_start3A_392 : memref<1x!tpu.dma_semaphore, #tpu.memory_space<semaphore_mem>> -> memref<!tpu.dma_semaphore, #tpu.memory_space<semaphore_mem>>
        tpu.enqueue_indirect_dma source(%dma_start3A_385 : memref<40x16xf32, #tpu.memory_space<vmem>>) target(%dma_start3A_391 : memref<10000x16xf32, #tpu.memory_space<vmem_shared>>) offsets(%dma_start3A_388 : memref<40xi32, #tpu.memory_space<vmem>>) semaphore(%dma_start3A_393 : memref<!tpu.dma_semaphore, #tpu.memory_space<semaphore_mem>>) {add = true}
      } else {
      }
      %mul3A_269 = arith.constant 4 : i32
      %mul3A_270 = arith.muli %mul3A_269, %scan3A_218 : i32
      %add3A_271 = arith.constant 2 : i32
      %add3A_272 = arith.addi %mul3A_270, %add3A_271 : i32
      %ge3A_273 = arith.constant 2 : i32
      %ge3A_274 = arith.cmpi sge, %add3A_272, %ge3A_273 : i32
      %add3A_275 = arith.constant 2 : i32
      %add3A_276 = arith.addi %add3A_272, %add3A_275 : i32
      %lt3A_277 = arith.constant 250 : i32
      %lt3A_278 = arith.cmpi slt, %add3A_276, %lt3A_277 : i32
      %and3A_279 = arith.andi %ge3A_274, %lt3A_278 : i1
      %convert_element_type3A_280 = arith.extui %and3A_279 : i1 to i32
      %cond3A_281 = arith.constant 0 : i32
      %cond3A_282 = arith.cmpi ne, %convert_element_type3A_280, %cond3A_281 : i32
      scf.if %cond3A_282 {
        %dma_wait3A_321 = arith.constant 0 : i32
        %dma_wait3A_322 = arith.constant 0 : i32
        %dma_wait3A_323 = arith.constant 0 : i32
        %dma_wait3A_324 = arith.constant 0 : i32
        %dma_wait3A_325 = arith.constant 0 : i32
        %dma_wait3A_326 = tpu.memref_slice %arg9[%dma_wait3A_321, %dma_wait3A_324, %dma_wait3A_325] : memref<4x40x16xf32, #tpu.memory_space<vmem>> -> memref<1x40x16xf32, #tpu.memory_space<vmem>>
        %dma_wait3A_327 = tpu.memref_squeeze %dma_wait3A_326 : memref<1x40x16xf32, #tpu.memory_space<vmem>> -> memref<40x16xf32, #tpu.memory_space<vmem>>
        %dma_wait3A_328 = arith.constant 0 : i32
        %dma_wait3A_329 = tpu.memref_slice %arg7[%dma_wait3A_322, %dma_wait3A_328] : memref<4x40xi32, #tpu.memory_space<vmem>> -> memref<1x40xi32, #tpu.memory_space<vmem>>
        %dma_wait3A_330 = tpu.memref_squeeze %dma_wait3A_329 : memref<1x40xi32, #tpu.memory_space<vmem>> -> memref<40xi32, #tpu.memory_space<vmem>>
        %dma_wait3A_331 = arith.constant 0 : i32
        %dma_wait3A_332 = arith.constant 0 : i32
        %dma_wait3A_333 = tpu.memref_slice %arg10[%dma_wait3A_331, %dma_wait3A_332] : memref<10000x16xf32, #tpu.memory_space<vmem_shared>> -> memref<10000x16xf32, #tpu.memory_space<vmem_shared>>
        %dma_wait3A_334 = tpu.memref_slice %arg13[%dma_wait3A_323] : memref<4x!tpu.dma_semaphore, #tpu.memory_space<semaphore_mem>> -> memref<1x!tpu.dma_semaphore, #tpu.memory_space<semaphore_mem>>
        %dma_wait3A_335 = tpu.memref_squeeze %dma_wait3A_334 : memref<1x!tpu.dma_semaphore, #tpu.memory_space<semaphore_mem>> -> memref<!tpu.dma_semaphore, #tpu.memory_space<semaphore_mem>>
        tpu.wait_indirect_dma semaphore(%dma_wait3A_335 : memref<!tpu.dma_semaphore, #tpu.memory_space<semaphore_mem>>) src(%dma_wait3A_327 : memref<40x16xf32, #tpu.memory_space<vmem>>) dst(%dma_wait3A_333 : memref<10000x16xf32, #tpu.memory_space<vmem_shared>>)
        %dma_wait3A_336 = arith.constant 0 : i32
        %dma_wait3A_337 = arith.constant 0 : i32
        %dma_wait3A_338 = arith.constant 0 : i32
        %dma_wait3A_339 = arith.constant 0 : i32
        %dma_wait3A_340 = arith.constant 0 : i32
        %dma_wait3A_341 = tpu.memref_slice %arg9[%dma_wait3A_336, %dma_wait3A_339, %dma_wait3A_340] : memref<4x40x16xf32, #tpu.memory_space<vmem>> -> memref<1x40x16xf32, #tpu.memory_space<vmem>>
        %dma_wait3A_342 = tpu.memref_squeeze %dma_wait3A_341 : memref<1x40x16xf32, #tpu.memory_space<vmem>> -> memref<40x16xf32, #tpu.memory_space<vmem>>
        %dma_wait3A_343 = arith.constant 0 : i32
        %dma_wait3A_344 = tpu.memref_slice %arg8[%dma_wait3A_337, %dma_wait3A_343] : memref<4x40xi32, #tpu.memory_space<vmem>> -> memref<1x40xi32, #tpu.memory_space<vmem>>
        %dma_wait3A_345 = tpu.memref_squeeze %dma_wait3A_344 : memref<1x40xi32, #tpu.memory_space<vmem>> -> memref<40xi32, #tpu.memory_space<vmem>>
        %dma_wait3A_346 = arith.constant 0 : i32
        %dma_wait3A_347 = arith.constant 0 : i32
        %dma_wait3A_348 = tpu.memref_slice %arg11[%dma_wait3A_346, %dma_wait3A_347] : memref<10000x16xf32, #tpu.memory_space<vmem_shared>> -> memref<10000x16xf32, #tpu.memory_space<vmem_shared>>
        %dma_wait3A_349 = tpu.memref_slice %arg13[%dma_wait3A_338] : memref<4x!tpu.dma_semaphore, #tpu.memory_space<semaphore_mem>> -> memref<1x!tpu.dma_semaphore, #tpu.memory_space<semaphore_mem>>
        %dma_wait3A_350 = tpu.memref_squeeze %dma_wait3A_349 : memref<1x!tpu.dma_semaphore, #tpu.memory_space<semaphore_mem>> -> memref<!tpu.dma_semaphore, #tpu.memory_space<semaphore_mem>>
        tpu.wait_indirect_dma semaphore(%dma_wait3A_350 : memref<!tpu.dma_semaphore, #tpu.memory_space<semaphore_mem>>) src(%dma_wait3A_342 : memref<40x16xf32, #tpu.memory_space<vmem>>) dst(%dma_wait3A_348 : memref<10000x16xf32, #tpu.memory_space<vmem_shared>>)
      } else {
      }
      %add3A_283 = arith.constant 2 : i32
      %add3A_284 = arith.addi %add3A_272, %add3A_283 : i32
      %lt3A_285 = arith.constant 250 : i32
      %lt3A_286 = arith.cmpi slt, %add3A_284, %lt3A_285 : i32
      %convert_element_type3A_287 = arith.extui %lt3A_286 : i1 to i32
      %cond3A_288 = arith.constant 0 : i32
      %cond3A_289 = arith.cmpi ne, %convert_element_type3A_287, %cond3A_288 : i32
      scf.if %cond3A_289 {
        %add3A_321 = arith.constant 2 : i32
        %add3A_322 = arith.addi %add3A_272, %add3A_321 : i32
        %mul3A_323 = arith.constant 40 : i32
        %mul3A_324 = arith.muli %add3A_322, %mul3A_323 : i32
        %add3A_325 = arith.addi %mul3A_2, %mul3A_324 : i32
        %dma_start3A_326 = arith.constant 0 : i32
        %dma_start3A_327 = arith.constant 0 : i32
        %dma_start3A_328 = arith.constant 0 : i32
        %dma_start3A_329 = tpu.memref_slice %arg7[%dma_start3A_326, %dma_start3A_328] : memref<4x40xi32, #tpu.memory_space<vmem>> -> memref<1x40xi32, #tpu.memory_space<vmem>>
        %dma_start3A_330 = tpu.memref_squeeze %dma_start3A_329 : memref<1x40xi32, #tpu.memory_space<vmem>> -> memref<40xi32, #tpu.memory_space<vmem>>
        %dma_start3A_331 = tpu.memref_slice %arg3[%add3A_325] : memref<320000xi32, #tpu.memory_space<hbm>> -> memref<40xi32, #tpu.memory_space<hbm>>
        %dma_start3A_332 = tpu.memref_slice %arg12[%dma_start3A_327] : memref<4x!tpu.dma_semaphore, #tpu.memory_space<semaphore_mem>> -> memref<1x!tpu.dma_semaphore, #tpu.memory_space<semaphore_mem>>
        %dma_start3A_333 = tpu.memref_squeeze %dma_start3A_332 : memref<1x!tpu.dma_semaphore, #tpu.memory_space<semaphore_mem>> -> memref<!tpu.dma_semaphore, #tpu.memory_space<semaphore_mem>>
        %dma_start3A_334 = arith.constant 0 : i32
        %dma_start3A_335 = tpu.memref_slice %arg7[%dma_start3A_326, %dma_start3A_334] : memref<4x40xi32, #tpu.memory_space<vmem>> -> memref<1x40xi32, #tpu.memory_space<vmem>>
        %dma_start3A_336 = tpu.memref_squeeze %dma_start3A_335 : memref<1x40xi32, #tpu.memory_space<vmem>> -> memref<40xi32, #tpu.memory_space<vmem>>
        %dma_start3A_337 = tpu.memref_slice %arg3[%add3A_325] : memref<320000xi32, #tpu.memory_space<hbm>> -> memref<40xi32, #tpu.memory_space<hbm>>
        tpu.enqueue_dma source(%dma_start3A_337 : memref<40xi32, #tpu.memory_space<hbm>>) target(%dma_start3A_336 : memref<40xi32, #tpu.memory_space<vmem>>) target_semaphore(%dma_start3A_333 : memref<!tpu.dma_semaphore, #tpu.memory_space<semaphore_mem>>)
        %dma_start3A_338 = arith.constant 0 : i32
        %dma_start3A_339 = arith.constant 0 : i32
        %dma_start3A_340 = arith.constant 0 : i32
        %dma_start3A_341 = tpu.memref_slice %arg8[%dma_start3A_338, %dma_start3A_340] : memref<4x40xi32, #tpu.memory_space<vmem>> -> memref<1x40xi32, #tpu.memory_space<vmem>>
        %dma_start3A_342 = tpu.memref_squeeze %dma_start3A_341 : memref<1x40xi32, #tpu.memory_space<vmem>> -> memref<40xi32, #tpu.memory_space<vmem>>
        %dma_start3A_343 = tpu.memref_slice %arg4[%add3A_325] : memref<320000xi32, #tpu.memory_space<hbm>> -> memref<40xi32, #tpu.memory_space<hbm>>
        %dma_start3A_344 = tpu.memref_slice %arg12[%dma_start3A_339] : memref<4x!tpu.dma_semaphore, #tpu.memory_space<semaphore_mem>> -> memref<1x!tpu.dma_semaphore, #tpu.memory_space<semaphore_mem>>
        %dma_start3A_345 = tpu.memref_squeeze %dma_start3A_344 : memref<1x!tpu.dma_semaphore, #tpu.memory_space<semaphore_mem>> -> memref<!tpu.dma_semaphore, #tpu.memory_space<semaphore_mem>>
        %dma_start3A_346 = arith.constant 0 : i32
        %dma_start3A_347 = tpu.memref_slice %arg8[%dma_start3A_338, %dma_start3A_346] : memref<4x40xi32, #tpu.memory_space<vmem>> -> memref<1x40xi32, #tpu.memory_space<vmem>>
        %dma_start3A_348 = tpu.memref_squeeze %dma_start3A_347 : memref<1x40xi32, #tpu.memory_space<vmem>> -> memref<40xi32, #tpu.memory_space<vmem>>
        %dma_start3A_349 = tpu.memref_slice %arg4[%add3A_325] : memref<320000xi32, #tpu.memory_space<hbm>> -> memref<40xi32, #tpu.memory_space<hbm>>
        tpu.enqueue_dma source(%dma_start3A_349 : memref<40xi32, #tpu.memory_space<hbm>>) target(%dma_start3A_348 : memref<40xi32, #tpu.memory_space<vmem>>) target_semaphore(%dma_start3A_345 : memref<!tpu.dma_semaphore, #tpu.memory_space<semaphore_mem>>)
        %dma_start3A_350 = arith.constant 0 : i32
        %dma_start3A_351 = arith.constant 0 : i32
        %dma_start3A_352 = arith.constant 0 : i32
        %dma_start3A_353 = arith.constant 0 : i32
        %dma_start3A_354 = tpu.memref_slice %arg9[%dma_start3A_350, %dma_start3A_352, %dma_start3A_353] : memref<4x40x16xf32, #tpu.memory_space<vmem>> -> memref<1x40x16xf32, #tpu.memory_space<vmem>>
        %dma_start3A_355 = tpu.memref_squeeze %dma_start3A_354 : memref<1x40x16xf32, #tpu.memory_space<vmem>> -> memref<40x16xf32, #tpu.memory_space<vmem>>
        %dma_start3A_356 = arith.constant 0 : i32
        %dma_start3A_357 = tpu.memref_slice %arg2[%add3A_325, %dma_start3A_356] : memref<320000x16xf32, #tpu.memory_space<hbm>> -> memref<40x16xf32, #tpu.memory_space<hbm>>
        %dma_start3A_358 = tpu.memref_slice %arg12[%dma_start3A_351] : memref<4x!tpu.dma_semaphore, #tpu.memory_space<semaphore_mem>> -> memref<1x!tpu.dma_semaphore, #tpu.memory_space<semaphore_mem>>
        %dma_start3A_359 = tpu.memref_squeeze %dma_start3A_358 : memref<1x!tpu.dma_semaphore, #tpu.memory_space<semaphore_mem>> -> memref<!tpu.dma_semaphore, #tpu.memory_space<semaphore_mem>>
        %dma_start3A_360 = arith.constant 0 : i32
        %dma_start3A_361 = arith.constant 0 : i32
        %dma_start3A_362 = tpu.memref_slice %arg9[%dma_start3A_350, %dma_start3A_360, %dma_start3A_361] : memref<4x40x16xf32, #tpu.memory_space<vmem>> -> memref<1x40x16xf32, #tpu.memory_space<vmem>>
        %dma_start3A_363 = tpu.memref_squeeze %dma_start3A_362 : memref<1x40x16xf32, #tpu.memory_space<vmem>> -> memref<40x16xf32, #tpu.memory_space<vmem>>
        %dma_start3A_364 = arith.constant 0 : i32
        %dma_start3A_365 = tpu.memref_slice %arg2[%add3A_325, %dma_start3A_364] : memref<320000x16xf32, #tpu.memory_space<hbm>> -> memref<40x16xf32, #tpu.memory_space<hbm>>
        tpu.enqueue_dma source(%dma_start3A_365 : memref<40x16xf32, #tpu.memory_space<hbm>>) target(%dma_start3A_363 : memref<40x16xf32, #tpu.memory_space<vmem>>) target_semaphore(%dma_start3A_359 : memref<!tpu.dma_semaphore, #tpu.memory_space<semaphore_mem>>)
      } else {
      }
      %lt3A_290 = arith.constant 250 : i32
      %lt3A_291 = arith.cmpi slt, %add3A_272, %lt3A_290 : i32
      %convert_element_type3A_292 = arith.extui %lt3A_291 : i1 to i32
      %cond3A_293 = arith.constant 0 : i32
      %cond3A_294 = arith.cmpi ne, %convert_element_type3A_292, %cond3A_293 : i32
      scf.if %cond3A_294 {
        %mul3A_321 = arith.constant 40 : i32
        %mul3A_322 = arith.muli %add3A_272, %mul3A_321 : i32
        %add3A_323 = arith.addi %mul3A_2, %mul3A_322 : i32
        %dma_wait3A_324 = arith.constant 2 : i32
        %dma_wait3A_325 = arith.constant 2 : i32
        %dma_wait3A_326 = arith.constant 0 : i32
        %dma_wait3A_327 = tpu.memref_slice %arg7[%dma_wait3A_324, %dma_wait3A_326] : memref<4x40xi32, #tpu.memory_space<vmem>> -> memref<1x40xi32, #tpu.memory_space<vmem>>
        %dma_wait3A_328 = tpu.memref_squeeze %dma_wait3A_327 : memref<1x40xi32, #tpu.memory_space<vmem>> -> memref<40xi32, #tpu.memory_space<vmem>>
        %dma_wait3A_329 = tpu.memref_slice %arg3[%add3A_323] : memref<320000xi32, #tpu.memory_space<hbm>> -> memref<40xi32, #tpu.memory_space<hbm>>
        %dma_wait3A_330 = tpu.memref_slice %arg12[%dma_wait3A_325] : memref<4x!tpu.dma_semaphore, #tpu.memory_space<semaphore_mem>> -> memref<1x!tpu.dma_semaphore, #tpu.memory_space<semaphore_mem>>
        %dma_wait3A_331 = tpu.memref_squeeze %dma_wait3A_330 : memref<1x!tpu.dma_semaphore, #tpu.memory_space<semaphore_mem>> -> memref<!tpu.dma_semaphore, #tpu.memory_space<semaphore_mem>>
        %dma_wait3A_332 = arith.constant 0 : i32
        %dma_wait3A_333 = tpu.memref_slice %arg7[%dma_wait3A_324, %dma_wait3A_332] : memref<4x40xi32, #tpu.memory_space<vmem>> -> memref<1x40xi32, #tpu.memory_space<vmem>>
        %dma_wait3A_334 = tpu.memref_squeeze %dma_wait3A_333 : memref<1x40xi32, #tpu.memory_space<vmem>> -> memref<40xi32, #tpu.memory_space<vmem>>
        %dma_wait3A_335 = tpu.memref_slice %arg3[%add3A_323] : memref<320000xi32, #tpu.memory_space<hbm>> -> memref<40xi32, #tpu.memory_space<hbm>>
        tpu.wait_dma2 semaphore(%dma_wait3A_331 : memref<!tpu.dma_semaphore, #tpu.memory_space<semaphore_mem>>) src(%dma_wait3A_335 : memref<40xi32, #tpu.memory_space<hbm>>) dst(%dma_wait3A_334 : memref<40xi32, #tpu.memory_space<vmem>>)
        %dma_wait3A_336 = arith.constant 2 : i32
        %dma_wait3A_337 = arith.constant 2 : i32
        %dma_wait3A_338 = arith.constant 0 : i32
        %dma_wait3A_339 = tpu.memref_slice %arg8[%dma_wait3A_336, %dma_wait3A_338] : memref<4x40xi32, #tpu.memory_space<vmem>> -> memref<1x40xi32, #tpu.memory_space<vmem>>
        %dma_wait3A_340 = tpu.memref_squeeze %dma_wait3A_339 : memref<1x40xi32, #tpu.memory_space<vmem>> -> memref<40xi32, #tpu.memory_space<vmem>>
        %dma_wait3A_341 = tpu.memref_slice %arg4[%add3A_323] : memref<320000xi32, #tpu.memory_space<hbm>> -> memref<40xi32, #tpu.memory_space<hbm>>
        %dma_wait3A_342 = tpu.memref_slice %arg12[%dma_wait3A_337] : memref<4x!tpu.dma_semaphore, #tpu.memory_space<semaphore_mem>> -> memref<1x!tpu.dma_semaphore, #tpu.memory_space<semaphore_mem>>
        %dma_wait3A_343 = tpu.memref_squeeze %dma_wait3A_342 : memref<1x!tpu.dma_semaphore, #tpu.memory_space<semaphore_mem>> -> memref<!tpu.dma_semaphore, #tpu.memory_space<semaphore_mem>>
        %dma_wait3A_344 = arith.constant 0 : i32
        %dma_wait3A_345 = tpu.memref_slice %arg8[%dma_wait3A_336, %dma_wait3A_344] : memref<4x40xi32, #tpu.memory_space<vmem>> -> memref<1x40xi32, #tpu.memory_space<vmem>>
        %dma_wait3A_346 = tpu.memref_squeeze %dma_wait3A_345 : memref<1x40xi32, #tpu.memory_space<vmem>> -> memref<40xi32, #tpu.memory_space<vmem>>
        %dma_wait3A_347 = tpu.memref_slice %arg4[%add3A_323] : memref<320000xi32, #tpu.memory_space<hbm>> -> memref<40xi32, #tpu.memory_space<hbm>>
        tpu.wait_dma2 semaphore(%dma_wait3A_343 : memref<!tpu.dma_semaphore, #tpu.memory_space<semaphore_mem>>) src(%dma_wait3A_347 : memref<40xi32, #tpu.memory_space<hbm>>) dst(%dma_wait3A_346 : memref<40xi32, #tpu.memory_space<vmem>>)
        %dma_wait3A_348 = arith.constant 2 : i32
        %dma_wait3A_349 = arith.constant 2 : i32
        %dma_wait3A_350 = arith.constant 0 : i32
        %dma_wait3A_351 = arith.constant 0 : i32
        %dma_wait3A_352 = tpu.memref_slice %arg9[%dma_wait3A_348, %dma_wait3A_350, %dma_wait3A_351] : memref<4x40x16xf32, #tpu.memory_space<vmem>> -> memref<1x40x16xf32, #tpu.memory_space<vmem>>
        %dma_wait3A_353 = tpu.memref_squeeze %dma_wait3A_352 : memref<1x40x16xf32, #tpu.memory_space<vmem>> -> memref<40x16xf32, #tpu.memory_space<vmem>>
        %dma_wait3A_354 = arith.constant 0 : i32
        %dma_wait3A_355 = tpu.memref_slice %arg2[%add3A_323, %dma_wait3A_354] : memref<320000x16xf32, #tpu.memory_space<hbm>> -> memref<40x16xf32, #tpu.memory_space<hbm>>
        %dma_wait3A_356 = tpu.memref_slice %arg12[%dma_wait3A_349] : memref<4x!tpu.dma_semaphore, #tpu.memory_space<semaphore_mem>> -> memref<1x!tpu.dma_semaphore, #tpu.memory_space<semaphore_mem>>
        %dma_wait3A_357 = tpu.memref_squeeze %dma_wait3A_356 : memref<1x!tpu.dma_semaphore, #tpu.memory_space<semaphore_mem>> -> memref<!tpu.dma_semaphore, #tpu.memory_space<semaphore_mem>>
        %dma_wait3A_358 = arith.constant 0 : i32
        %dma_wait3A_359 = arith.constant 0 : i32
        %dma_wait3A_360 = tpu.memref_slice %arg9[%dma_wait3A_348, %dma_wait3A_358, %dma_wait3A_359] : memref<4x40x16xf32, #tpu.memory_space<vmem>> -> memref<1x40x16xf32, #tpu.memory_space<vmem>>
        %dma_wait3A_361 = tpu.memref_squeeze %dma_wait3A_360 : memref<1x40x16xf32, #tpu.memory_space<vmem>> -> memref<40x16xf32, #tpu.memory_space<vmem>>
        %dma_wait3A_362 = arith.constant 0 : i32
        %dma_wait3A_363 = tpu.memref_slice %arg2[%add3A_323, %dma_wait3A_362] : memref<320000x16xf32, #tpu.memory_space<hbm>> -> memref<40x16xf32, #tpu.memory_space<hbm>>
        tpu.wait_dma2 semaphore(%dma_wait3A_357 : memref<!tpu.dma_semaphore, #tpu.memory_space<semaphore_mem>>) src(%dma_wait3A_363 : memref<40x16xf32, #tpu.memory_space<hbm>>) dst(%dma_wait3A_361 : memref<40x16xf32, #tpu.memory_space<vmem>>)
        %dma_start3A_364 = arith.constant 2 : i32
        %dma_start3A_365 = arith.constant 2 : i32
        %dma_start3A_366 = arith.constant 2 : i32
        %dma_start3A_367 = arith.constant 0 : i32
        %dma_start3A_368 = arith.constant 0 : i32
        %dma_start3A_369 = tpu.memref_slice %arg9[%dma_start3A_364, %dma_start3A_367, %dma_start3A_368] : memref<4x40x16xf32, #tpu.memory_space<vmem>> -> memref<1x40x16xf32, #tpu.memory_space<vmem>>
        %dma_start3A_370 = tpu.memref_squeeze %dma_start3A_369 : memref<1x40x16xf32, #tpu.memory_space<vmem>> -> memref<40x16xf32, #tpu.memory_space<vmem>>
        %dma_start3A_371 = arith.constant 0 : i32
        %dma_start3A_372 = tpu.memref_slice %arg7[%dma_start3A_365, %dma_start3A_371] : memref<4x40xi32, #tpu.memory_space<vmem>> -> memref<1x40xi32, #tpu.memory_space<vmem>>
        %dma_start3A_373 = tpu.memref_squeeze %dma_start3A_372 : memref<1x40xi32, #tpu.memory_space<vmem>> -> memref<40xi32, #tpu.memory_space<vmem>>
        %dma_start3A_374 = arith.constant 0 : i32
        %dma_start3A_375 = arith.constant 0 : i32
        %dma_start3A_376 = tpu.memref_slice %arg10[%dma_start3A_374, %dma_start3A_375] : memref<10000x16xf32, #tpu.memory_space<vmem_shared>> -> memref<10000x16xf32, #tpu.memory_space<vmem_shared>>
        %dma_start3A_377 = tpu.memref_slice %arg13[%dma_start3A_366] : memref<4x!tpu.dma_semaphore, #tpu.memory_space<semaphore_mem>> -> memref<1x!tpu.dma_semaphore, #tpu.memory_space<semaphore_mem>>
        %dma_start3A_378 = tpu.memref_squeeze %dma_start3A_377 : memref<1x!tpu.dma_semaphore, #tpu.memory_space<semaphore_mem>> -> memref<!tpu.dma_semaphore, #tpu.memory_space<semaphore_mem>>
        tpu.enqueue_indirect_dma source(%dma_start3A_370 : memref<40x16xf32, #tpu.memory_space<vmem>>) target(%dma_start3A_376 : memref<10000x16xf32, #tpu.memory_space<vmem_shared>>) offsets(%dma_start3A_373 : memref<40xi32, #tpu.memory_space<vmem>>) semaphore(%dma_start3A_378 : memref<!tpu.dma_semaphore, #tpu.memory_space<semaphore_mem>>) {add = true}
        %dma_start3A_379 = arith.constant 2 : i32
        %dma_start3A_380 = arith.constant 2 : i32
        %dma_start3A_381 = arith.constant 2 : i32
        %dma_start3A_382 = arith.constant 0 : i32
        %dma_start3A_383 = arith.constant 0 : i32
        %dma_start3A_384 = tpu.memref_slice %arg9[%dma_start3A_379, %dma_start3A_382, %dma_start3A_383] : memref<4x40x16xf32, #tpu.memory_space<vmem>> -> memref<1x40x16xf32, #tpu.memory_space<vmem>>
        %dma_start3A_385 = tpu.memref_squeeze %dma_start3A_384 : memref<1x40x16xf32, #tpu.memory_space<vmem>> -> memref<40x16xf32, #tpu.memory_space<vmem>>
        %dma_start3A_386 = arith.constant 0 : i32
        %dma_start3A_387 = tpu.memref_slice %arg8[%dma_start3A_380, %dma_start3A_386] : memref<4x40xi32, #tpu.memory_space<vmem>> -> memref<1x40xi32, #tpu.memory_space<vmem>>
        %dma_start3A_388 = tpu.memref_squeeze %dma_start3A_387 : memref<1x40xi32, #tpu.memory_space<vmem>> -> memref<40xi32, #tpu.memory_space<vmem>>
        %dma_start3A_389 = arith.constant 0 : i32
        %dma_start3A_390 = arith.constant 0 : i32
        %dma_start3A_391 = tpu.memref_slice %arg11[%dma_start3A_389, %dma_start3A_390] : memref<10000x16xf32, #tpu.memory_space<vmem_shared>> -> memref<10000x16xf32, #tpu.memory_space<vmem_shared>>
        %dma_start3A_392 = tpu.memref_slice %arg13[%dma_start3A_381] : memref<4x!tpu.dma_semaphore, #tpu.memory_space<semaphore_mem>> -> memref<1x!tpu.dma_semaphore, #tpu.memory_space<semaphore_mem>>
        %dma_start3A_393 = tpu.memref_squeeze %dma_start3A_392 : memref<1x!tpu.dma_semaphore, #tpu.memory_space<semaphore_mem>> -> memref<!tpu.dma_semaphore, #tpu.memory_space<semaphore_mem>>
        tpu.enqueue_indirect_dma source(%dma_start3A_385 : memref<40x16xf32, #tpu.memory_space<vmem>>) target(%dma_start3A_391 : memref<10000x16xf32, #tpu.memory_space<vmem_shared>>) offsets(%dma_start3A_388 : memref<40xi32, #tpu.memory_space<vmem>>) semaphore(%dma_start3A_393 : memref<!tpu.dma_semaphore, #tpu.memory_space<semaphore_mem>>) {add = true}
      } else {
      }
      %mul3A_295 = arith.constant 4 : i32
      %mul3A_296 = arith.muli %mul3A_295, %scan3A_218 : i32
      %add3A_297 = arith.constant 3 : i32
      %add3A_298 = arith.addi %mul3A_296, %add3A_297 : i32
      %ge3A_299 = arith.constant 2 : i32
      %ge3A_300 = arith.cmpi sge, %add3A_298, %ge3A_299 : i32
      %add3A_301 = arith.constant 2 : i32
      %add3A_302 = arith.addi %add3A_298, %add3A_301 : i32
      %lt3A_303 = arith.constant 250 : i32
      %lt3A_304 = arith.cmpi slt, %add3A_302, %lt3A_303 : i32
      %and3A_305 = arith.andi %ge3A_300, %lt3A_304 : i1
      %convert_element_type3A_306 = arith.extui %and3A_305 : i1 to i32
      %cond3A_307 = arith.constant 0 : i32
      %cond3A_308 = arith.cmpi ne, %convert_element_type3A_306, %cond3A_307 : i32
      scf.if %cond3A_308 {
        %dma_wait3A_321 = arith.constant 1 : i32
        %dma_wait3A_322 = arith.constant 1 : i32
        %dma_wait3A_323 = arith.constant 1 : i32
        %dma_wait3A_324 = arith.constant 0 : i32
        %dma_wait3A_325 = arith.constant 0 : i32
        %dma_wait3A_326 = tpu.memref_slice %arg9[%dma_wait3A_321, %dma_wait3A_324, %dma_wait3A_325] : memref<4x40x16xf32, #tpu.memory_space<vmem>> -> memref<1x40x16xf32, #tpu.memory_space<vmem>>
        %dma_wait3A_327 = tpu.memref_squeeze %dma_wait3A_326 : memref<1x40x16xf32, #tpu.memory_space<vmem>> -> memref<40x16xf32, #tpu.memory_space<vmem>>
        %dma_wait3A_328 = arith.constant 0 : i32
        %dma_wait3A_329 = tpu.memref_slice %arg7[%dma_wait3A_322, %dma_wait3A_328] : memref<4x40xi32, #tpu.memory_space<vmem>> -> memref<1x40xi32, #tpu.memory_space<vmem>>
        %dma_wait3A_330 = tpu.memref_squeeze %dma_wait3A_329 : memref<1x40xi32, #tpu.memory_space<vmem>> -> memref<40xi32, #tpu.memory_space<vmem>>
        %dma_wait3A_331 = arith.constant 0 : i32
        %dma_wait3A_332 = arith.constant 0 : i32
        %dma_wait3A_333 = tpu.memref_slice %arg10[%dma_wait3A_331, %dma_wait3A_332] : memref<10000x16xf32, #tpu.memory_space<vmem_shared>> -> memref<10000x16xf32, #tpu.memory_space<vmem_shared>>
        %dma_wait3A_334 = tpu.memref_slice %arg13[%dma_wait3A_323] : memref<4x!tpu.dma_semaphore, #tpu.memory_space<semaphore_mem>> -> memref<1x!tpu.dma_semaphore, #tpu.memory_space<semaphore_mem>>
        %dma_wait3A_335 = tpu.memref_squeeze %dma_wait3A_334 : memref<1x!tpu.dma_semaphore, #tpu.memory_space<semaphore_mem>> -> memref<!tpu.dma_semaphore, #tpu.memory_space<semaphore_mem>>
        tpu.wait_indirect_dma semaphore(%dma_wait3A_335 : memref<!tpu.dma_semaphore, #tpu.memory_space<semaphore_mem>>) src(%dma_wait3A_327 : memref<40x16xf32, #tpu.memory_space<vmem>>) dst(%dma_wait3A_333 : memref<10000x16xf32, #tpu.memory_space<vmem_shared>>)
        %dma_wait3A_336 = arith.constant 1 : i32
        %dma_wait3A_337 = arith.constant 1 : i32
        %dma_wait3A_338 = arith.constant 1 : i32
        %dma_wait3A_339 = arith.constant 0 : i32
        %dma_wait3A_340 = arith.constant 0 : i32
        %dma_wait3A_341 = tpu.memref_slice %arg9[%dma_wait3A_336, %dma_wait3A_339, %dma_wait3A_340] : memref<4x40x16xf32, #tpu.memory_space<vmem>> -> memref<1x40x16xf32, #tpu.memory_space<vmem>>
        %dma_wait3A_342 = tpu.memref_squeeze %dma_wait3A_341 : memref<1x40x16xf32, #tpu.memory_space<vmem>> -> memref<40x16xf32, #tpu.memory_space<vmem>>
        %dma_wait3A_343 = arith.constant 0 : i32
        %dma_wait3A_344 = tpu.memref_slice %arg8[%dma_wait3A_337, %dma_wait3A_343] : memref<4x40xi32, #tpu.memory_space<vmem>> -> memref<1x40xi32, #tpu.memory_space<vmem>>
        %dma_wait3A_345 = tpu.memref_squeeze %dma_wait3A_344 : memref<1x40xi32, #tpu.memory_space<vmem>> -> memref<40xi32, #tpu.memory_space<vmem>>
        %dma_wait3A_346 = arith.constant 0 : i32
        %dma_wait3A_347 = arith.constant 0 : i32
        %dma_wait3A_348 = tpu.memref_slice %arg11[%dma_wait3A_346, %dma_wait3A_347] : memref<10000x16xf32, #tpu.memory_space<vmem_shared>> -> memref<10000x16xf32, #tpu.memory_space<vmem_shared>>
        %dma_wait3A_349 = tpu.memref_slice %arg13[%dma_wait3A_338] : memref<4x!tpu.dma_semaphore, #tpu.memory_space<semaphore_mem>> -> memref<1x!tpu.dma_semaphore, #tpu.memory_space<semaphore_mem>>
        %dma_wait3A_350 = tpu.memref_squeeze %dma_wait3A_349 : memref<1x!tpu.dma_semaphore, #tpu.memory_space<semaphore_mem>> -> memref<!tpu.dma_semaphore, #tpu.memory_space<semaphore_mem>>
        tpu.wait_indirect_dma semaphore(%dma_wait3A_350 : memref<!tpu.dma_semaphore, #tpu.memory_space<semaphore_mem>>) src(%dma_wait3A_342 : memref<40x16xf32, #tpu.memory_space<vmem>>) dst(%dma_wait3A_348 : memref<10000x16xf32, #tpu.memory_space<vmem_shared>>)
      } else {
      }
      %add3A_309 = arith.constant 2 : i32
      %add3A_310 = arith.addi %add3A_298, %add3A_309 : i32
      %lt3A_311 = arith.constant 250 : i32
      %lt3A_312 = arith.cmpi slt, %add3A_310, %lt3A_311 : i32
      %convert_element_type3A_313 = arith.extui %lt3A_312 : i1 to i32
      %cond3A_314 = arith.constant 0 : i32
      %cond3A_315 = arith.cmpi ne, %convert_element_type3A_313, %cond3A_314 : i32
      scf.if %cond3A_315 {
        %add3A_321 = arith.constant 2 : i32
        %add3A_322 = arith.addi %add3A_298, %add3A_321 : i32
        %mul3A_323 = arith.constant 40 : i32
        %mul3A_324 = arith.muli %add3A_322, %mul3A_323 : i32
        %add3A_325 = arith.addi %mul3A_2, %mul3A_324 : i32
        %dma_start3A_326 = arith.constant 1 : i32
        %dma_start3A_327 = arith.constant 1 : i32
        %dma_start3A_328 = arith.constant 0 : i32
        %dma_start3A_329 = tpu.memref_slice %arg7[%dma_start3A_326, %dma_start3A_328] : memref<4x40xi32, #tpu.memory_space<vmem>> -> memref<1x40xi32, #tpu.memory_space<vmem>>
        %dma_start3A_330 = tpu.memref_squeeze %dma_start3A_329 : memref<1x40xi32, #tpu.memory_space<vmem>> -> memref<40xi32, #tpu.memory_space<vmem>>
        %dma_start3A_331 = tpu.memref_slice %arg3[%add3A_325] : memref<320000xi32, #tpu.memory_space<hbm>> -> memref<40xi32, #tpu.memory_space<hbm>>
        %dma_start3A_332 = tpu.memref_slice %arg12[%dma_start3A_327] : memref<4x!tpu.dma_semaphore, #tpu.memory_space<semaphore_mem>> -> memref<1x!tpu.dma_semaphore, #tpu.memory_space<semaphore_mem>>
        %dma_start3A_333 = tpu.memref_squeeze %dma_start3A_332 : memref<1x!tpu.dma_semaphore, #tpu.memory_space<semaphore_mem>> -> memref<!tpu.dma_semaphore, #tpu.memory_space<semaphore_mem>>
        %dma_start3A_334 = arith.constant 0 : i32
        %dma_start3A_335 = tpu.memref_slice %arg7[%dma_start3A_326, %dma_start3A_334] : memref<4x40xi32, #tpu.memory_space<vmem>> -> memref<1x40xi32, #tpu.memory_space<vmem>>
        %dma_start3A_336 = tpu.memref_squeeze %dma_start3A_335 : memref<1x40xi32, #tpu.memory_space<vmem>> -> memref<40xi32, #tpu.memory_space<vmem>>
        %dma_start3A_337 = tpu.memref_slice %arg3[%add3A_325] : memref<320000xi32, #tpu.memory_space<hbm>> -> memref<40xi32, #tpu.memory_space<hbm>>
        tpu.enqueue_dma source(%dma_start3A_337 : memref<40xi32, #tpu.memory_space<hbm>>) target(%dma_start3A_336 : memref<40xi32, #tpu.memory_space<vmem>>) target_semaphore(%dma_start3A_333 : memref<!tpu.dma_semaphore, #tpu.memory_space<semaphore_mem>>)
        %dma_start3A_338 = arith.constant 1 : i32
        %dma_start3A_339 = arith.constant 1 : i32
        %dma_start3A_340 = arith.constant 0 : i32
        %dma_start3A_341 = tpu.memref_slice %arg8[%dma_start3A_338, %dma_start3A_340] : memref<4x40xi32, #tpu.memory_space<vmem>> -> memref<1x40xi32, #tpu.memory_space<vmem>>
        %dma_start3A_342 = tpu.memref_squeeze %dma_start3A_341 : memref<1x40xi32, #tpu.memory_space<vmem>> -> memref<40xi32, #tpu.memory_space<vmem>>
        %dma_start3A_343 = tpu.memref_slice %arg4[%add3A_325] : memref<320000xi32, #tpu.memory_space<hbm>> -> memref<40xi32, #tpu.memory_space<hbm>>
        %dma_start3A_344 = tpu.memref_slice %arg12[%dma_start3A_339] : memref<4x!tpu.dma_semaphore, #tpu.memory_space<semaphore_mem>> -> memref<1x!tpu.dma_semaphore, #tpu.memory_space<semaphore_mem>>
        %dma_start3A_345 = tpu.memref_squeeze %dma_start3A_344 : memref<1x!tpu.dma_semaphore, #tpu.memory_space<semaphore_mem>> -> memref<!tpu.dma_semaphore, #tpu.memory_space<semaphore_mem>>
        %dma_start3A_346 = arith.constant 0 : i32
        %dma_start3A_347 = tpu.memref_slice %arg8[%dma_start3A_338, %dma_start3A_346] : memref<4x40xi32, #tpu.memory_space<vmem>> -> memref<1x40xi32, #tpu.memory_space<vmem>>
        %dma_start3A_348 = tpu.memref_squeeze %dma_start3A_347 : memref<1x40xi32, #tpu.memory_space<vmem>> -> memref<40xi32, #tpu.memory_space<vmem>>
        %dma_start3A_349 = tpu.memref_slice %arg4[%add3A_325] : memref<320000xi32, #tpu.memory_space<hbm>> -> memref<40xi32, #tpu.memory_space<hbm>>
        tpu.enqueue_dma source(%dma_start3A_349 : memref<40xi32, #tpu.memory_space<hbm>>) target(%dma_start3A_348 : memref<40xi32, #tpu.memory_space<vmem>>) target_semaphore(%dma_start3A_345 : memref<!tpu.dma_semaphore, #tpu.memory_space<semaphore_mem>>)
        %dma_start3A_350 = arith.constant 1 : i32
        %dma_start3A_351 = arith.constant 1 : i32
        %dma_start3A_352 = arith.constant 0 : i32
        %dma_start3A_353 = arith.constant 0 : i32
        %dma_start3A_354 = tpu.memref_slice %arg9[%dma_start3A_350, %dma_start3A_352, %dma_start3A_353] : memref<4x40x16xf32, #tpu.memory_space<vmem>> -> memref<1x40x16xf32, #tpu.memory_space<vmem>>
        %dma_start3A_355 = tpu.memref_squeeze %dma_start3A_354 : memref<1x40x16xf32, #tpu.memory_space<vmem>> -> memref<40x16xf32, #tpu.memory_space<vmem>>
        %dma_start3A_356 = arith.constant 0 : i32
        %dma_start3A_357 = tpu.memref_slice %arg2[%add3A_325, %dma_start3A_356] : memref<320000x16xf32, #tpu.memory_space<hbm>> -> memref<40x16xf32, #tpu.memory_space<hbm>>
        %dma_start3A_358 = tpu.memref_slice %arg12[%dma_start3A_351] : memref<4x!tpu.dma_semaphore, #tpu.memory_space<semaphore_mem>> -> memref<1x!tpu.dma_semaphore, #tpu.memory_space<semaphore_mem>>
        %dma_start3A_359 = tpu.memref_squeeze %dma_start3A_358 : memref<1x!tpu.dma_semaphore, #tpu.memory_space<semaphore_mem>> -> memref<!tpu.dma_semaphore, #tpu.memory_space<semaphore_mem>>
        %dma_start3A_360 = arith.constant 0 : i32
        %dma_start3A_361 = arith.constant 0 : i32
        %dma_start3A_362 = tpu.memref_slice %arg9[%dma_start3A_350, %dma_start3A_360, %dma_start3A_361] : memref<4x40x16xf32, #tpu.memory_space<vmem>> -> memref<1x40x16xf32, #tpu.memory_space<vmem>>
        %dma_start3A_363 = tpu.memref_squeeze %dma_start3A_362 : memref<1x40x16xf32, #tpu.memory_space<vmem>> -> memref<40x16xf32, #tpu.memory_space<vmem>>
        %dma_start3A_364 = arith.constant 0 : i32
        %dma_start3A_365 = tpu.memref_slice %arg2[%add3A_325, %dma_start3A_364] : memref<320000x16xf32, #tpu.memory_space<hbm>> -> memref<40x16xf32, #tpu.memory_space<hbm>>
        tpu.enqueue_dma source(%dma_start3A_365 : memref<40x16xf32, #tpu.memory_space<hbm>>) target(%dma_start3A_363 : memref<40x16xf32, #tpu.memory_space<vmem>>) target_semaphore(%dma_start3A_359 : memref<!tpu.dma_semaphore, #tpu.memory_space<semaphore_mem>>)
      } else {
      }
      %lt3A_316 = arith.constant 250 : i32
      %lt3A_317 = arith.cmpi slt, %add3A_298, %lt3A_316 : i32
      %convert_element_type3A_318 = arith.extui %lt3A_317 : i1 to i32
      %cond3A_319 = arith.constant 0 : i32
      %cond3A_320 = arith.cmpi ne, %convert_element_type3A_318, %cond3A_319 : i32
      scf.if %cond3A_320 {
        %mul3A_321 = arith.constant 40 : i32
        %mul3A_322 = arith.muli %add3A_298, %mul3A_321 : i32
        %add3A_323 = arith.addi %mul3A_2, %mul3A_322 : i32
        %dma_wait3A_324 = arith.constant 3 : i32
        %dma_wait3A_325 = arith.constant 3 : i32
        %dma_wait3A_326 = arith.constant 0 : i32
        %dma_wait3A_327 = tpu.memref_slice %arg7[%dma_wait3A_324, %dma_wait3A_326] : memref<4x40xi32, #tpu.memory_space<vmem>> -> memref<1x40xi32, #tpu.memory_space<vmem>>
        %dma_wait3A_328 = tpu.memref_squeeze %dma_wait3A_327 : memref<1x40xi32, #tpu.memory_space<vmem>> -> memref<40xi32, #tpu.memory_space<vmem>>
        %dma_wait3A_329 = tpu.memref_slice %arg3[%add3A_323] : memref<320000xi32, #tpu.memory_space<hbm>> -> memref<40xi32, #tpu.memory_space<hbm>>
        %dma_wait3A_330 = tpu.memref_slice %arg12[%dma_wait3A_325] : memref<4x!tpu.dma_semaphore, #tpu.memory_space<semaphore_mem>> -> memref<1x!tpu.dma_semaphore, #tpu.memory_space<semaphore_mem>>
        %dma_wait3A_331 = tpu.memref_squeeze %dma_wait3A_330 : memref<1x!tpu.dma_semaphore, #tpu.memory_space<semaphore_mem>> -> memref<!tpu.dma_semaphore, #tpu.memory_space<semaphore_mem>>
        %dma_wait3A_332 = arith.constant 0 : i32
        %dma_wait3A_333 = tpu.memref_slice %arg7[%dma_wait3A_324, %dma_wait3A_332] : memref<4x40xi32, #tpu.memory_space<vmem>> -> memref<1x40xi32, #tpu.memory_space<vmem>>
        %dma_wait3A_334 = tpu.memref_squeeze %dma_wait3A_333 : memref<1x40xi32, #tpu.memory_space<vmem>> -> memref<40xi32, #tpu.memory_space<vmem>>
        %dma_wait3A_335 = tpu.memref_slice %arg3[%add3A_323] : memref<320000xi32, #tpu.memory_space<hbm>> -> memref<40xi32, #tpu.memory_space<hbm>>
        tpu.wait_dma2 semaphore(%dma_wait3A_331 : memref<!tpu.dma_semaphore, #tpu.memory_space<semaphore_mem>>) src(%dma_wait3A_335 : memref<40xi32, #tpu.memory_space<hbm>>) dst(%dma_wait3A_334 : memref<40xi32, #tpu.memory_space<vmem>>)
        %dma_wait3A_336 = arith.constant 3 : i32
        %dma_wait3A_337 = arith.constant 3 : i32
        %dma_wait3A_338 = arith.constant 0 : i32
        %dma_wait3A_339 = tpu.memref_slice %arg8[%dma_wait3A_336, %dma_wait3A_338] : memref<4x40xi32, #tpu.memory_space<vmem>> -> memref<1x40xi32, #tpu.memory_space<vmem>>
        %dma_wait3A_340 = tpu.memref_squeeze %dma_wait3A_339 : memref<1x40xi32, #tpu.memory_space<vmem>> -> memref<40xi32, #tpu.memory_space<vmem>>
        %dma_wait3A_341 = tpu.memref_slice %arg4[%add3A_323] : memref<320000xi32, #tpu.memory_space<hbm>> -> memref<40xi32, #tpu.memory_space<hbm>>
        %dma_wait3A_342 = tpu.memref_slice %arg12[%dma_wait3A_337] : memref<4x!tpu.dma_semaphore, #tpu.memory_space<semaphore_mem>> -> memref<1x!tpu.dma_semaphore, #tpu.memory_space<semaphore_mem>>
        %dma_wait3A_343 = tpu.memref_squeeze %dma_wait3A_342 : memref<1x!tpu.dma_semaphore, #tpu.memory_space<semaphore_mem>> -> memref<!tpu.dma_semaphore, #tpu.memory_space<semaphore_mem>>
        %dma_wait3A_344 = arith.constant 0 : i32
        %dma_wait3A_345 = tpu.memref_slice %arg8[%dma_wait3A_336, %dma_wait3A_344] : memref<4x40xi32, #tpu.memory_space<vmem>> -> memref<1x40xi32, #tpu.memory_space<vmem>>
        %dma_wait3A_346 = tpu.memref_squeeze %dma_wait3A_345 : memref<1x40xi32, #tpu.memory_space<vmem>> -> memref<40xi32, #tpu.memory_space<vmem>>
        %dma_wait3A_347 = tpu.memref_slice %arg4[%add3A_323] : memref<320000xi32, #tpu.memory_space<hbm>> -> memref<40xi32, #tpu.memory_space<hbm>>
        tpu.wait_dma2 semaphore(%dma_wait3A_343 : memref<!tpu.dma_semaphore, #tpu.memory_space<semaphore_mem>>) src(%dma_wait3A_347 : memref<40xi32, #tpu.memory_space<hbm>>) dst(%dma_wait3A_346 : memref<40xi32, #tpu.memory_space<vmem>>)
        %dma_wait3A_348 = arith.constant 3 : i32
        %dma_wait3A_349 = arith.constant 3 : i32
        %dma_wait3A_350 = arith.constant 0 : i32
        %dma_wait3A_351 = arith.constant 0 : i32
        %dma_wait3A_352 = tpu.memref_slice %arg9[%dma_wait3A_348, %dma_wait3A_350, %dma_wait3A_351] : memref<4x40x16xf32, #tpu.memory_space<vmem>> -> memref<1x40x16xf32, #tpu.memory_space<vmem>>
        %dma_wait3A_353 = tpu.memref_squeeze %dma_wait3A_352 : memref<1x40x16xf32, #tpu.memory_space<vmem>> -> memref<40x16xf32, #tpu.memory_space<vmem>>
        %dma_wait3A_354 = arith.constant 0 : i32
        %dma_wait3A_355 = tpu.memref_slice %arg2[%add3A_323, %dma_wait3A_354] : memref<320000x16xf32, #tpu.memory_space<hbm>> -> memref<40x16xf32, #tpu.memory_space<hbm>>
        %dma_wait3A_356 = tpu.memref_slice %arg12[%dma_wait3A_349] : memref<4x!tpu.dma_semaphore, #tpu.memory_space<semaphore_mem>> -> memref<1x!tpu.dma_semaphore, #tpu.memory_space<semaphore_mem>>
        %dma_wait3A_357 = tpu.memref_squeeze %dma_wait3A_356 : memref<1x!tpu.dma_semaphore, #tpu.memory_space<semaphore_mem>> -> memref<!tpu.dma_semaphore, #tpu.memory_space<semaphore_mem>>
        %dma_wait3A_358 = arith.constant 0 : i32
        %dma_wait3A_359 = arith.constant 0 : i32
        %dma_wait3A_360 = tpu.memref_slice %arg9[%dma_wait3A_348, %dma_wait3A_358, %dma_wait3A_359] : memref<4x40x16xf32, #tpu.memory_space<vmem>> -> memref<1x40x16xf32, #tpu.memory_space<vmem>>
        %dma_wait3A_361 = tpu.memref_squeeze %dma_wait3A_360 : memref<1x40x16xf32, #tpu.memory_space<vmem>> -> memref<40x16xf32, #tpu.memory_space<vmem>>
        %dma_wait3A_362 = arith.constant 0 : i32
        %dma_wait3A_363 = tpu.memref_slice %arg2[%add3A_323, %dma_wait3A_362] : memref<320000x16xf32, #tpu.memory_space<hbm>> -> memref<40x16xf32, #tpu.memory_space<hbm>>
        tpu.wait_dma2 semaphore(%dma_wait3A_357 : memref<!tpu.dma_semaphore, #tpu.memory_space<semaphore_mem>>) src(%dma_wait3A_363 : memref<40x16xf32, #tpu.memory_space<hbm>>) dst(%dma_wait3A_361 : memref<40x16xf32, #tpu.memory_space<vmem>>)
        %dma_start3A_364 = arith.constant 3 : i32
        %dma_start3A_365 = arith.constant 3 : i32
        %dma_start3A_366 = arith.constant 3 : i32
        %dma_start3A_367 = arith.constant 0 : i32
        %dma_start3A_368 = arith.constant 0 : i32
        %dma_start3A_369 = tpu.memref_slice %arg9[%dma_start3A_364, %dma_start3A_367, %dma_start3A_368] : memref<4x40x16xf32, #tpu.memory_space<vmem>> -> memref<1x40x16xf32, #tpu.memory_space<vmem>>
        %dma_start3A_370 = tpu.memref_squeeze %dma_start3A_369 : memref<1x40x16xf32, #tpu.memory_space<vmem>> -> memref<40x16xf32, #tpu.memory_space<vmem>>
        %dma_start3A_371 = arith.constant 0 : i32
        %dma_start3A_372 = tpu.memref_slice %arg7[%dma_start3A_365, %dma_start3A_371] : memref<4x40xi32, #tpu.memory_space<vmem>> -> memref<1x40xi32, #tpu.memory_space<vmem>>
        %dma_start3A_373 = tpu.memref_squeeze %dma_start3A_372 : memref<1x40xi32, #tpu.memory_space<vmem>> -> memref<40xi32, #tpu.memory_space<vmem>>
        %dma_start3A_374 = arith.constant 0 : i32
        %dma_start3A_375 = arith.constant 0 : i32
        %dma_start3A_376 = tpu.memref_slice %arg10[%dma_start3A_374, %dma_start3A_375] : memref<10000x16xf32, #tpu.memory_space<vmem_shared>> -> memref<10000x16xf32, #tpu.memory_space<vmem_shared>>
        %dma_start3A_377 = tpu.memref_slice %arg13[%dma_start3A_366] : memref<4x!tpu.dma_semaphore, #tpu.memory_space<semaphore_mem>> -> memref<1x!tpu.dma_semaphore, #tpu.memory_space<semaphore_mem>>
        %dma_start3A_378 = tpu.memref_squeeze %dma_start3A_377 : memref<1x!tpu.dma_semaphore, #tpu.memory_space<semaphore_mem>> -> memref<!tpu.dma_semaphore, #tpu.memory_space<semaphore_mem>>
        tpu.enqueue_indirect_dma source(%dma_start3A_370 : memref<40x16xf32, #tpu.memory_space<vmem>>) target(%dma_start3A_376 : memref<10000x16xf32, #tpu.memory_space<vmem_shared>>) offsets(%dma_start3A_373 : memref<40xi32, #tpu.memory_space<vmem>>) semaphore(%dma_start3A_378 : memref<!tpu.dma_semaphore, #tpu.memory_space<semaphore_mem>>) {add = true}
        %dma_start3A_379 = arith.constant 3 : i32
        %dma_start3A_380 = arith.constant 3 : i32
        %dma_start3A_381 = arith.constant 3 : i32
        %dma_start3A_382 = arith.constant 0 : i32
        %dma_start3A_383 = arith.constant 0 : i32
        %dma_start3A_384 = tpu.memref_slice %arg9[%dma_start3A_379, %dma_start3A_382, %dma_start3A_383] : memref<4x40x16xf32, #tpu.memory_space<vmem>> -> memref<1x40x16xf32, #tpu.memory_space<vmem>>
        %dma_start3A_385 = tpu.memref_squeeze %dma_start3A_384 : memref<1x40x16xf32, #tpu.memory_space<vmem>> -> memref<40x16xf32, #tpu.memory_space<vmem>>
        %dma_start3A_386 = arith.constant 0 : i32
        %dma_start3A_387 = tpu.memref_slice %arg8[%dma_start3A_380, %dma_start3A_386] : memref<4x40xi32, #tpu.memory_space<vmem>> -> memref<1x40xi32, #tpu.memory_space<vmem>>
        %dma_start3A_388 = tpu.memref_squeeze %dma_start3A_387 : memref<1x40xi32, #tpu.memory_space<vmem>> -> memref<40xi32, #tpu.memory_space<vmem>>
        %dma_start3A_389 = arith.constant 0 : i32
        %dma_start3A_390 = arith.constant 0 : i32
        %dma_start3A_391 = tpu.memref_slice %arg11[%dma_start3A_389, %dma_start3A_390] : memref<10000x16xf32, #tpu.memory_space<vmem_shared>> -> memref<10000x16xf32, #tpu.memory_space<vmem_shared>>
        %dma_start3A_392 = tpu.memref_slice %arg13[%dma_start3A_381] : memref<4x!tpu.dma_semaphore, #tpu.memory_space<semaphore_mem>> -> memref<1x!tpu.dma_semaphore, #tpu.memory_space<semaphore_mem>>
        %dma_start3A_393 = tpu.memref_squeeze %dma_start3A_392 : memref<1x!tpu.dma_semaphore, #tpu.memory_space<semaphore_mem>> -> memref<!tpu.dma_semaphore, #tpu.memory_space<semaphore_mem>>
        tpu.enqueue_indirect_dma source(%dma_start3A_385 : memref<40x16xf32, #tpu.memory_space<vmem>>) target(%dma_start3A_391 : memref<10000x16xf32, #tpu.memory_space<vmem_shared>>) offsets(%dma_start3A_388 : memref<40xi32, #tpu.memory_space<vmem>>) semaphore(%dma_start3A_393 : memref<!tpu.dma_semaphore, #tpu.memory_space<semaphore_mem>>) {add = true}
      } else {
      }
    }
    %scan3A_92 = arith.constant 63 : i32
    %dma_wait3A = arith.constant 2 : i32
    %dma_wait3A_93 = arith.constant 2 : i32
    %dma_wait3A_94 = arith.constant 2 : i32
    %dma_wait3A_95 = arith.constant 0 : i32
    %dma_wait3A_96 = arith.constant 0 : i32
    %dma_wait3A_97 = tpu.memref_slice %arg9[%dma_wait3A, %dma_wait3A_95, %dma_wait3A_96] : memref<4x40x16xf32, #tpu.memory_space<vmem>> -> memref<1x40x16xf32, #tpu.memory_space<vmem>>
    %dma_wait3A_98 = tpu.memref_squeeze %dma_wait3A_97 : memref<1x40x16xf32, #tpu.memory_space<vmem>> -> memref<40x16xf32, #tpu.memory_space<vmem>>
    %dma_wait3A_99 = arith.constant 0 : i32
    %dma_wait3A_100 = tpu.memref_slice %arg7[%dma_wait3A_93, %dma_wait3A_99] : memref<4x40xi32, #tpu.memory_space<vmem>> -> memref<1x40xi32, #tpu.memory_space<vmem>>
    %dma_wait3A_101 = tpu.memref_squeeze %dma_wait3A_100 : memref<1x40xi32, #tpu.memory_space<vmem>> -> memref<40xi32, #tpu.memory_space<vmem>>
    %dma_wait3A_102 = arith.constant 0 : i32
    %dma_wait3A_103 = arith.constant 0 : i32
    %dma_wait3A_104 = tpu.memref_slice %arg10[%dma_wait3A_102, %dma_wait3A_103] : memref<10000x16xf32, #tpu.memory_space<vmem_shared>> -> memref<10000x16xf32, #tpu.memory_space<vmem_shared>>
    %dma_wait3A_105 = tpu.memref_slice %arg13[%dma_wait3A_94] : memref<4x!tpu.dma_semaphore, #tpu.memory_space<semaphore_mem>> -> memref<1x!tpu.dma_semaphore, #tpu.memory_space<semaphore_mem>>
    %dma_wait3A_106 = tpu.memref_squeeze %dma_wait3A_105 : memref<1x!tpu.dma_semaphore, #tpu.memory_space<semaphore_mem>> -> memref<!tpu.dma_semaphore, #tpu.memory_space<semaphore_mem>>
    tpu.wait_indirect_dma semaphore(%dma_wait3A_106 : memref<!tpu.dma_semaphore, #tpu.memory_space<semaphore_mem>>) src(%dma_wait3A_98 : memref<40x16xf32, #tpu.memory_space<vmem>>) dst(%dma_wait3A_104 : memref<10000x16xf32, #tpu.memory_space<vmem_shared>>)
    %dma_wait3A_107 = arith.constant 2 : i32
    %dma_wait3A_108 = arith.constant 2 : i32
    %dma_wait3A_109 = arith.constant 2 : i32
    %dma_wait3A_110 = arith.constant 0 : i32
    %dma_wait3A_111 = arith.constant 0 : i32
    %dma_wait3A_112 = tpu.memref_slice %arg9[%dma_wait3A_107, %dma_wait3A_110, %dma_wait3A_111] : memref<4x40x16xf32, #tpu.memory_space<vmem>> -> memref<1x40x16xf32, #tpu.memory_space<vmem>>
    %dma_wait3A_113 = tpu.memref_squeeze %dma_wait3A_112 : memref<1x40x16xf32, #tpu.memory_space<vmem>> -> memref<40x16xf32, #tpu.memory_space<vmem>>
    %dma_wait3A_114 = arith.constant 0 : i32
    %dma_wait3A_115 = tpu.memref_slice %arg8[%dma_wait3A_108, %dma_wait3A_114] : memref<4x40xi32, #tpu.memory_space<vmem>> -> memref<1x40xi32, #tpu.memory_space<vmem>>
    %dma_wait3A_116 = tpu.memref_squeeze %dma_wait3A_115 : memref<1x40xi32, #tpu.memory_space<vmem>> -> memref<40xi32, #tpu.memory_space<vmem>>
    %dma_wait3A_117 = arith.constant 0 : i32
    %dma_wait3A_118 = arith.constant 0 : i32
    %dma_wait3A_119 = tpu.memref_slice %arg11[%dma_wait3A_117, %dma_wait3A_118] : memref<10000x16xf32, #tpu.memory_space<vmem_shared>> -> memref<10000x16xf32, #tpu.memory_space<vmem_shared>>
    %dma_wait3A_120 = tpu.memref_slice %arg13[%dma_wait3A_109] : memref<4x!tpu.dma_semaphore, #tpu.memory_space<semaphore_mem>> -> memref<1x!tpu.dma_semaphore, #tpu.memory_space<semaphore_mem>>
    %dma_wait3A_121 = tpu.memref_squeeze %dma_wait3A_120 : memref<1x!tpu.dma_semaphore, #tpu.memory_space<semaphore_mem>> -> memref<!tpu.dma_semaphore, #tpu.memory_space<semaphore_mem>>
    tpu.wait_indirect_dma semaphore(%dma_wait3A_121 : memref<!tpu.dma_semaphore, #tpu.memory_space<semaphore_mem>>) src(%dma_wait3A_113 : memref<40x16xf32, #tpu.memory_space<vmem>>) dst(%dma_wait3A_119 : memref<10000x16xf32, #tpu.memory_space<vmem_shared>>)
    %dma_wait3A_122 = arith.constant 3 : i32
    %dma_wait3A_123 = arith.constant 3 : i32
    %dma_wait3A_124 = arith.constant 3 : i32
    %dma_wait3A_125 = arith.constant 0 : i32
    %dma_wait3A_126 = arith.constant 0 : i32
    %dma_wait3A_127 = tpu.memref_slice %arg9[%dma_wait3A_122, %dma_wait3A_125, %dma_wait3A_126] : memref<4x40x16xf32, #tpu.memory_space<vmem>> -> memref<1x40x16xf32, #tpu.memory_space<vmem>>
    %dma_wait3A_128 = tpu.memref_squeeze %dma_wait3A_127 : memref<1x40x16xf32, #tpu.memory_space<vmem>> -> memref<40x16xf32, #tpu.memory_space<vmem>>
    %dma_wait3A_129 = arith.constant 0 : i32
    %dma_wait3A_130 = tpu.memref_slice %arg7[%dma_wait3A_123, %dma_wait3A_129] : memref<4x40xi32, #tpu.memory_space<vmem>> -> memref<1x40xi32, #tpu.memory_space<vmem>>
    %dma_wait3A_131 = tpu.memref_squeeze %dma_wait3A_130 : memref<1x40xi32, #tpu.memory_space<vmem>> -> memref<40xi32, #tpu.memory_space<vmem>>
    %dma_wait3A_132 = arith.constant 0 : i32
    %dma_wait3A_133 = arith.constant 0 : i32
    %dma_wait3A_134 = tpu.memref_slice %arg10[%dma_wait3A_132, %dma_wait3A_133] : memref<10000x16xf32, #tpu.memory_space<vmem_shared>> -> memref<10000x16xf32, #tpu.memory_space<vmem_shared>>
    %dma_wait3A_135 = tpu.memref_slice %arg13[%dma_wait3A_124] : memref<4x!tpu.dma_semaphore, #tpu.memory_space<semaphore_mem>> -> memref<1x!tpu.dma_semaphore, #tpu.memory_space<semaphore_mem>>
    %dma_wait3A_136 = tpu.memref_squeeze %dma_wait3A_135 : memref<1x!tpu.dma_semaphore, #tpu.memory_space<semaphore_mem>> -> memref<!tpu.dma_semaphore, #tpu.memory_space<semaphore_mem>>
    tpu.wait_indirect_dma semaphore(%dma_wait3A_136 : memref<!tpu.dma_semaphore, #tpu.memory_space<semaphore_mem>>) src(%dma_wait3A_128 : memref<40x16xf32, #tpu.memory_space<vmem>>) dst(%dma_wait3A_134 : memref<10000x16xf32, #tpu.memory_space<vmem_shared>>)
    %dma_wait3A_137 = arith.constant 3 : i32
    %dma_wait3A_138 = arith.constant 3 : i32
    %dma_wait3A_139 = arith.constant 3 : i32
    %dma_wait3A_140 = arith.constant 0 : i32
    %dma_wait3A_141 = arith.constant 0 : i32
    %dma_wait3A_142 = tpu.memref_slice %arg9[%dma_wait3A_137, %dma_wait3A_140, %dma_wait3A_141] : memref<4x40x16xf32, #tpu.memory_space<vmem>> -> memref<1x40x16xf32, #tpu.memory_space<vmem>>
    %dma_wait3A_143 = tpu.memref_squeeze %dma_wait3A_142 : memref<1x40x16xf32, #tpu.memory_space<vmem>> -> memref<40x16xf32, #tpu.memory_space<vmem>>
    %dma_wait3A_144 = arith.constant 0 : i32
    %dma_wait3A_145 = tpu.memref_slice %arg8[%dma_wait3A_138, %dma_wait3A_144] : memref<4x40xi32, #tpu.memory_space<vmem>> -> memref<1x40xi32, #tpu.memory_space<vmem>>
    %dma_wait3A_146 = tpu.memref_squeeze %dma_wait3A_145 : memref<1x40xi32, #tpu.memory_space<vmem>> -> memref<40xi32, #tpu.memory_space<vmem>>
    %dma_wait3A_147 = arith.constant 0 : i32
    %dma_wait3A_148 = arith.constant 0 : i32
    %dma_wait3A_149 = tpu.memref_slice %arg11[%dma_wait3A_147, %dma_wait3A_148] : memref<10000x16xf32, #tpu.memory_space<vmem_shared>> -> memref<10000x16xf32, #tpu.memory_space<vmem_shared>>
    %dma_wait3A_150 = tpu.memref_slice %arg13[%dma_wait3A_139] : memref<4x!tpu.dma_semaphore, #tpu.memory_space<semaphore_mem>> -> memref<1x!tpu.dma_semaphore, #tpu.memory_space<semaphore_mem>>
    %dma_wait3A_151 = tpu.memref_squeeze %dma_wait3A_150 : memref<1x!tpu.dma_semaphore, #tpu.memory_space<semaphore_mem>> -> memref<!tpu.dma_semaphore, #tpu.memory_space<semaphore_mem>>
    tpu.wait_indirect_dma semaphore(%dma_wait3A_151 : memref<!tpu.dma_semaphore, #tpu.memory_space<semaphore_mem>>) src(%dma_wait3A_143 : memref<40x16xf32, #tpu.memory_space<vmem>>) dst(%dma_wait3A_149 : memref<10000x16xf32, #tpu.memory_space<vmem_shared>>)
    %dma_wait3A_152 = arith.constant 0 : i32
    %dma_wait3A_153 = arith.constant 0 : i32
    %dma_wait3A_154 = arith.constant 0 : i32
    %dma_wait3A_155 = arith.constant 0 : i32
    %dma_wait3A_156 = arith.constant 0 : i32
    %dma_wait3A_157 = tpu.memref_slice %arg9[%dma_wait3A_152, %dma_wait3A_155, %dma_wait3A_156] : memref<4x40x16xf32, #tpu.memory_space<vmem>> -> memref<1x40x16xf32, #tpu.memory_space<vmem>>
    %dma_wait3A_158 = tpu.memref_squeeze %dma_wait3A_157 : memref<1x40x16xf32, #tpu.memory_space<vmem>> -> memref<40x16xf32, #tpu.memory_space<vmem>>
    %dma_wait3A_159 = arith.constant 0 : i32
    %dma_wait3A_160 = tpu.memref_slice %arg7[%dma_wait3A_153, %dma_wait3A_159] : memref<4x40xi32, #tpu.memory_space<vmem>> -> memref<1x40xi32, #tpu.memory_space<vmem>>
    %dma_wait3A_161 = tpu.memref_squeeze %dma_wait3A_160 : memref<1x40xi32, #tpu.memory_space<vmem>> -> memref<40xi32, #tpu.memory_space<vmem>>
    %dma_wait3A_162 = arith.constant 0 : i32
    %dma_wait3A_163 = arith.constant 0 : i32
    %dma_wait3A_164 = tpu.memref_slice %arg10[%dma_wait3A_162, %dma_wait3A_163] : memref<10000x16xf32, #tpu.memory_space<vmem_shared>> -> memref<10000x16xf32, #tpu.memory_space<vmem_shared>>
    %dma_wait3A_165 = tpu.memref_slice %arg13[%dma_wait3A_154] : memref<4x!tpu.dma_semaphore, #tpu.memory_space<semaphore_mem>> -> memref<1x!tpu.dma_semaphore, #tpu.memory_space<semaphore_mem>>
    %dma_wait3A_166 = tpu.memref_squeeze %dma_wait3A_165 : memref<1x!tpu.dma_semaphore, #tpu.memory_space<semaphore_mem>> -> memref<!tpu.dma_semaphore, #tpu.memory_space<semaphore_mem>>
    tpu.wait_indirect_dma semaphore(%dma_wait3A_166 : memref<!tpu.dma_semaphore, #tpu.memory_space<semaphore_mem>>) src(%dma_wait3A_158 : memref<40x16xf32, #tpu.memory_space<vmem>>) dst(%dma_wait3A_164 : memref<10000x16xf32, #tpu.memory_space<vmem_shared>>)
    %dma_wait3A_167 = arith.constant 0 : i32
    %dma_wait3A_168 = arith.constant 0 : i32
    %dma_wait3A_169 = arith.constant 0 : i32
    %dma_wait3A_170 = arith.constant 0 : i32
    %dma_wait3A_171 = arith.constant 0 : i32
    %dma_wait3A_172 = tpu.memref_slice %arg9[%dma_wait3A_167, %dma_wait3A_170, %dma_wait3A_171] : memref<4x40x16xf32, #tpu.memory_space<vmem>> -> memref<1x40x16xf32, #tpu.memory_space<vmem>>
    %dma_wait3A_173 = tpu.memref_squeeze %dma_wait3A_172 : memref<1x40x16xf32, #tpu.memory_space<vmem>> -> memref<40x16xf32, #tpu.memory_space<vmem>>
    %dma_wait3A_174 = arith.constant 0 : i32
    %dma_wait3A_175 = tpu.memref_slice %arg8[%dma_wait3A_168, %dma_wait3A_174] : memref<4x40xi32, #tpu.memory_space<vmem>> -> memref<1x40xi32, #tpu.memory_space<vmem>>
    %dma_wait3A_176 = tpu.memref_squeeze %dma_wait3A_175 : memref<1x40xi32, #tpu.memory_space<vmem>> -> memref<40xi32, #tpu.memory_space<vmem>>
    %dma_wait3A_177 = arith.constant 0 : i32
    %dma_wait3A_178 = arith.constant 0 : i32
    %dma_wait3A_179 = tpu.memref_slice %arg11[%dma_wait3A_177, %dma_wait3A_178] : memref<10000x16xf32, #tpu.memory_space<vmem_shared>> -> memref<10000x16xf32, #tpu.memory_space<vmem_shared>>
    %dma_wait3A_180 = tpu.memref_slice %arg13[%dma_wait3A_169] : memref<4x!tpu.dma_semaphore, #tpu.memory_space<semaphore_mem>> -> memref<1x!tpu.dma_semaphore, #tpu.memory_space<semaphore_mem>>
    %dma_wait3A_181 = tpu.memref_squeeze %dma_wait3A_180 : memref<1x!tpu.dma_semaphore, #tpu.memory_space<semaphore_mem>> -> memref<!tpu.dma_semaphore, #tpu.memory_space<semaphore_mem>>
    tpu.wait_indirect_dma semaphore(%dma_wait3A_181 : memref<!tpu.dma_semaphore, #tpu.memory_space<semaphore_mem>>) src(%dma_wait3A_173 : memref<40x16xf32, #tpu.memory_space<vmem>>) dst(%dma_wait3A_179 : memref<10000x16xf32, #tpu.memory_space<vmem_shared>>)
    %dma_wait3A_182 = arith.constant 1 : i32
    %dma_wait3A_183 = arith.constant 1 : i32
    %dma_wait3A_184 = arith.constant 1 : i32
    %dma_wait3A_185 = arith.constant 0 : i32
    %dma_wait3A_186 = arith.constant 0 : i32
    %dma_wait3A_187 = tpu.memref_slice %arg9[%dma_wait3A_182, %dma_wait3A_185, %dma_wait3A_186] : memref<4x40x16xf32, #tpu.memory_space<vmem>> -> memref<1x40x16xf32, #tpu.memory_space<vmem>>
    %dma_wait3A_188 = tpu.memref_squeeze %dma_wait3A_187 : memref<1x40x16xf32, #tpu.memory_space<vmem>> -> memref<40x16xf32, #tpu.memory_space<vmem>>
    %dma_wait3A_189 = arith.constant 0 : i32
    %dma_wait3A_190 = tpu.memref_slice %arg7[%dma_wait3A_183, %dma_wait3A_189] : memref<4x40xi32, #tpu.memory_space<vmem>> -> memref<1x40xi32, #tpu.memory_space<vmem>>
    %dma_wait3A_191 = tpu.memref_squeeze %dma_wait3A_190 : memref<1x40xi32, #tpu.memory_space<vmem>> -> memref<40xi32, #tpu.memory_space<vmem>>
    %dma_wait3A_192 = arith.constant 0 : i32
    %dma_wait3A_193 = arith.constant 0 : i32
    %dma_wait3A_194 = tpu.memref_slice %arg10[%dma_wait3A_192, %dma_wait3A_193] : memref<10000x16xf32, #tpu.memory_space<vmem_shared>> -> memref<10000x16xf32, #tpu.memory_space<vmem_shared>>
    %dma_wait3A_195 = tpu.memref_slice %arg13[%dma_wait3A_184] : memref<4x!tpu.dma_semaphore, #tpu.memory_space<semaphore_mem>> -> memref<1x!tpu.dma_semaphore, #tpu.memory_space<semaphore_mem>>
    %dma_wait3A_196 = tpu.memref_squeeze %dma_wait3A_195 : memref<1x!tpu.dma_semaphore, #tpu.memory_space<semaphore_mem>> -> memref<!tpu.dma_semaphore, #tpu.memory_space<semaphore_mem>>
    tpu.wait_indirect_dma semaphore(%dma_wait3A_196 : memref<!tpu.dma_semaphore, #tpu.memory_space<semaphore_mem>>) src(%dma_wait3A_188 : memref<40x16xf32, #tpu.memory_space<vmem>>) dst(%dma_wait3A_194 : memref<10000x16xf32, #tpu.memory_space<vmem_shared>>)
    %dma_wait3A_197 = arith.constant 1 : i32
    %dma_wait3A_198 = arith.constant 1 : i32
    %dma_wait3A_199 = arith.constant 1 : i32
    %dma_wait3A_200 = arith.constant 0 : i32
    %dma_wait3A_201 = arith.constant 0 : i32
    %dma_wait3A_202 = tpu.memref_slice %arg9[%dma_wait3A_197, %dma_wait3A_200, %dma_wait3A_201] : memref<4x40x16xf32, #tpu.memory_space<vmem>> -> memref<1x40x16xf32, #tpu.memory_space<vmem>>
    %dma_wait3A_203 = tpu.memref_squeeze %dma_wait3A_202 : memref<1x40x16xf32, #tpu.memory_space<vmem>> -> memref<40x16xf32, #tpu.memory_space<vmem>>
    %dma_wait3A_204 = arith.constant 0 : i32
    %dma_wait3A_205 = tpu.memref_slice %arg8[%dma_wait3A_198, %dma_wait3A_204] : memref<4x40xi32, #tpu.memory_space<vmem>> -> memref<1x40xi32, #tpu.memory_space<vmem>>
    %dma_wait3A_206 = tpu.memref_squeeze %dma_wait3A_205 : memref<1x40xi32, #tpu.memory_space<vmem>> -> memref<40xi32, #tpu.memory_space<vmem>>
    %dma_wait3A_207 = arith.constant 0 : i32
    %dma_wait3A_208 = arith.constant 0 : i32
    %dma_wait3A_209 = tpu.memref_slice %arg11[%dma_wait3A_207, %dma_wait3A_208] : memref<10000x16xf32, #tpu.memory_space<vmem_shared>> -> memref<10000x16xf32, #tpu.memory_space<vmem_shared>>
    %dma_wait3A_210 = tpu.memref_slice %arg13[%dma_wait3A_199] : memref<4x!tpu.dma_semaphore, #tpu.memory_space<semaphore_mem>> -> memref<1x!tpu.dma_semaphore, #tpu.memory_space<semaphore_mem>>
    %dma_wait3A_211 = tpu.memref_squeeze %dma_wait3A_210 : memref<1x!tpu.dma_semaphore, #tpu.memory_space<semaphore_mem>> -> memref<!tpu.dma_semaphore, #tpu.memory_space<semaphore_mem>>
    tpu.wait_indirect_dma semaphore(%dma_wait3A_211 : memref<!tpu.dma_semaphore, #tpu.memory_space<semaphore_mem>>) src(%dma_wait3A_203 : memref<40x16xf32, #tpu.memory_space<vmem>>) dst(%dma_wait3A_209 : memref<10000x16xf32, #tpu.memory_space<vmem_shared>>)
    %barrier3A_212 = arith.constant 0 : index
    tpu.barrier barrier_id(%barrier3A_212)
    %lt3A_213 = arith.constant 10 : i32
    %lt3A_214 = arith.cmpi slt, %arg1, %lt3A_213 : i32
    %convert_element_type3A_215 = arith.extui %lt3A_214 : i1 to i32
    %cond3A_216 = arith.constant 0 : i32
    %cond3A_217 = arith.cmpi ne, %convert_element_type3A_215, %cond3A_216 : i32
    scf.if %cond3A_217 {
      %mul3A_218 = arith.constant 1000 : i32
      %mul3A_219 = arith.muli %arg1, %mul3A_218 : i32
      %run_scoped3A = arith.constant 0 : i32
      "tpu.region"() ({
        %run_scoped3A_221 = tpu.sem_alloc : memref<!tpu.dma_semaphore, #tpu.memory_space<semaphore_mem>>
        %dma_start3A_222 = arith.constant 0 : i32
        %dma_start3A_223 = tpu.memref_slice %arg6[%arg0, %run_scoped3A, %mul3A_219, %dma_start3A_222] : memref<2x2x10000x16xf32, #tpu.memory_space<hbm>> -> memref<1x1x1000x16xf32, #tpu.memory_space<hbm>>
        %dma_start3A_224 = tpu.memref_squeeze %dma_start3A_223 : memref<1x1x1000x16xf32, #tpu.memory_space<hbm>> -> memref<1000x16xf32, #tpu.memory_space<hbm>>
        %dma_start3A_225 = arith.constant 0 : i32
        %dma_start3A_226 = tpu.memref_slice %arg10[%mul3A_219, %dma_start3A_225] : memref<10000x16xf32, #tpu.memory_space<vmem_shared>> -> memref<1000x16xf32, #tpu.memory_space<vmem_shared>>
        tpu.enqueue_dma source(%dma_start3A_226 : memref<1000x16xf32, #tpu.memory_space<vmem_shared>>) target(%dma_start3A_224 : memref<1000x16xf32, #tpu.memory_space<hbm>>) target_semaphore(%run_scoped3A_221 : memref<!tpu.dma_semaphore, #tpu.memory_space<semaphore_mem>>)
        %dma_wait3A_227 = arith.constant 0 : i32
        %dma_wait3A_228 = tpu.memref_slice %arg6[%arg0, %run_scoped3A, %mul3A_219, %dma_wait3A_227] : memref<2x2x10000x16xf32, #tpu.memory_space<hbm>> -> memref<1x1x1000x16xf32, #tpu.memory_space<hbm>>
        %dma_wait3A_229 = tpu.memref_squeeze %dma_wait3A_228 : memref<1x1x1000x16xf32, #tpu.memory_space<hbm>> -> memref<1000x16xf32, #tpu.memory_space<hbm>>
        %dma_wait3A_230 = arith.constant 0 : i32
        %dma_wait3A_231 = tpu.memref_slice %arg10[%mul3A_219, %dma_wait3A_230] : memref<10000x16xf32, #tpu.memory_space<vmem_shared>> -> memref<1000x16xf32, #tpu.memory_space<vmem_shared>>
        tpu.wait_dma2 semaphore(%run_scoped3A_221 : memref<!tpu.dma_semaphore, #tpu.memory_space<semaphore_mem>>) src(%dma_wait3A_231 : memref<1000x16xf32, #tpu.memory_space<vmem_shared>>) dst(%dma_wait3A_229 : memref<1000x16xf32, #tpu.memory_space<hbm>>)
        tpu.yield
      }) : () -> ()
      %run_scoped3A_220 = arith.constant 1 : i32
      "tpu.region"() ({
        %run_scoped3A_221 = tpu.sem_alloc : memref<!tpu.dma_semaphore, #tpu.memory_space<semaphore_mem>>
        %dma_start3A_222 = arith.constant 0 : i32
        %dma_start3A_223 = tpu.memref_slice %arg6[%arg0, %run_scoped3A_220, %mul3A_219, %dma_start3A_222] : memref<2x2x10000x16xf32, #tpu.memory_space<hbm>> -> memref<1x1x1000x16xf32, #tpu.memory_space<hbm>>
        %dma_start3A_224 = tpu.memref_squeeze %dma_start3A_223 : memref<1x1x1000x16xf32, #tpu.memory_space<hbm>> -> memref<1000x16xf32, #tpu.memory_space<hbm>>
        %dma_start3A_225 = arith.constant 0 : i32
        %dma_start3A_226 = tpu.memref_slice %arg11[%mul3A_219, %dma_start3A_225] : memref<10000x16xf32, #tpu.memory_space<vmem_shared>> -> memref<1000x16xf32, #tpu.memory_space<vmem_shared>>
        tpu.enqueue_dma source(%dma_start3A_226 : memref<1000x16xf32, #tpu.memory_space<vmem_shared>>) target(%dma_start3A_224 : memref<1000x16xf32, #tpu.memory_space<hbm>>) target_semaphore(%run_scoped3A_221 : memref<!tpu.dma_semaphore, #tpu.memory_space<semaphore_mem>>)
        %dma_wait3A_227 = arith.constant 0 : i32
        %dma_wait3A_228 = tpu.memref_slice %arg6[%arg0, %run_scoped3A_220, %mul3A_219, %dma_wait3A_227] : memref<2x2x10000x16xf32, #tpu.memory_space<hbm>> -> memref<1x1x1000x16xf32, #tpu.memory_space<hbm>>
        %dma_wait3A_229 = tpu.memref_squeeze %dma_wait3A_228 : memref<1x1x1000x16xf32, #tpu.memory_space<hbm>> -> memref<1000x16xf32, #tpu.memory_space<hbm>>
        %dma_wait3A_230 = arith.constant 0 : i32
        %dma_wait3A_231 = tpu.memref_slice %arg11[%mul3A_219, %dma_wait3A_230] : memref<10000x16xf32, #tpu.memory_space<vmem_shared>> -> memref<1000x16xf32, #tpu.memory_space<vmem_shared>>
        tpu.wait_dma2 semaphore(%run_scoped3A_221 : memref<!tpu.dma_semaphore, #tpu.memory_space<semaphore_mem>>) src(%dma_wait3A_231 : memref<1000x16xf32, #tpu.memory_space<vmem_shared>>) dst(%dma_wait3A_229 : memref<1000x16xf32, #tpu.memory_space<hbm>>)
        tpu.yield
      }) : () -> ()
    } else {
    }
    return
  }
}

#map = affine_map<(d0, d1) -> (0, 0)>
#map1 = affine_map<(d0, d1) -> (0)>
module attributes {stable_mosaic.version = 14 : i64} {
  func.func @_sc1_body(%arg0: i32, %arg1: i32, %arg2: memref<10000x128xf32, #tpu.memory_space<hbm>>, %arg3: memref<10000x128xf32, #tpu.memory_space<hbm>>, %arg4: memref<320000xi32, #tpu.memory_space<hbm>>, %arg5: memref<320000xi32, #tpu.memory_space<hbm>>, %arg6: memref<320000x128xf32, #tpu.memory_space<hbm>>, %arg7: memref<10000xi32, #tpu.memory_space<vmem>>, %arg8: memref<10000xi32, #tpu.memory_space<vmem>>, %arg9: memref<4x40x128xf32, #tpu.memory_space<vmem>>, %arg10: memref<4x40x128xf32, #tpu.memory_space<vmem>>, %arg11: memref<!tpu.dma_semaphore, #tpu.memory_space<semaphore_mem>>, %arg12: memref<4x!tpu.dma_semaphore, #tpu.memory_space<semaphore_mem>>, %arg13: memref<4x!tpu.dma_semaphore, #tpu.memory_space<semaphore_mem>>) attributes {dimension_semantics = [#tpu.dimension_semantics<core_parallel>, #tpu.dimension_semantics<subcore_parallel>], iteration_bounds = array<i64: 2, 16>, scalar_prefetch = 0 : i64, scratch_operands = 7 : i64, tpu.core_type = #tpu.core_type<sc_vector_subcore>, window_params = [{transform_indices = #map}, {transform_indices = #map}, {transform_indices = #map1}, {transform_indices = #map1}, {transform_indices = #map}]} {
    %mul3A = arith.constant 2 : i32
    %mul3A_0 = arith.muli %arg1, %mul3A : i32
    %add3A = arith.addi %mul3A_0, %arg0 : i32
    %mul3A_1 = arith.constant 10000 : i32
    %mul3A_2 = arith.muli %add3A, %mul3A_1 : i32
    %dma_start3A = tpu.memref_slice %arg4[%mul3A_2] : memref<320000xi32, #tpu.memory_space<hbm>> -> memref<10000xi32, #tpu.memory_space<hbm>>
    %dma_start3A_3 = tpu.memref_slice %arg4[%mul3A_2] : memref<320000xi32, #tpu.memory_space<hbm>> -> memref<10000xi32, #tpu.memory_space<hbm>>
    tpu.enqueue_dma source(%dma_start3A_3 : memref<10000xi32, #tpu.memory_space<hbm>>) target(%arg7 : memref<10000xi32, #tpu.memory_space<vmem>>) target_semaphore(%arg11 : memref<!tpu.dma_semaphore, #tpu.memory_space<semaphore_mem>>)
    %dma_start3A_4 = tpu.memref_slice %arg5[%mul3A_2] : memref<320000xi32, #tpu.memory_space<hbm>> -> memref<10000xi32, #tpu.memory_space<hbm>>
    %dma_start3A_5 = tpu.memref_slice %arg5[%mul3A_2] : memref<320000xi32, #tpu.memory_space<hbm>> -> memref<10000xi32, #tpu.memory_space<hbm>>
    tpu.enqueue_dma source(%dma_start3A_5 : memref<10000xi32, #tpu.memory_space<hbm>>) target(%arg8 : memref<10000xi32, #tpu.memory_space<vmem>>) target_semaphore(%arg11 : memref<!tpu.dma_semaphore, #tpu.memory_space<semaphore_mem>>)
    %dma_wait3A = tpu.memref_slice %arg4[%mul3A_2] : memref<320000xi32, #tpu.memory_space<hbm>> -> memref<10000xi32, #tpu.memory_space<hbm>>
    %dma_wait3A_6 = tpu.memref_slice %arg4[%mul3A_2] : memref<320000xi32, #tpu.memory_space<hbm>> -> memref<10000xi32, #tpu.memory_space<hbm>>
    tpu.wait_dma2 semaphore(%arg11 : memref<!tpu.dma_semaphore, #tpu.memory_space<semaphore_mem>>) src(%dma_wait3A_6 : memref<10000xi32, #tpu.memory_space<hbm>>) dst(%arg7 : memref<10000xi32, #tpu.memory_space<vmem>>)
    %dma_wait3A_7 = tpu.memref_slice %arg5[%mul3A_2] : memref<320000xi32, #tpu.memory_space<hbm>> -> memref<10000xi32, #tpu.memory_space<hbm>>
    %dma_wait3A_8 = tpu.memref_slice %arg5[%mul3A_2] : memref<320000xi32, #tpu.memory_space<hbm>> -> memref<10000xi32, #tpu.memory_space<hbm>>
    tpu.wait_dma2 semaphore(%arg11 : memref<!tpu.dma_semaphore, #tpu.memory_space<semaphore_mem>>) src(%dma_wait3A_8 : memref<10000xi32, #tpu.memory_space<hbm>>) dst(%arg8 : memref<10000xi32, #tpu.memory_space<vmem>>)
    %dma_start3A_9 = arith.constant 0 : i32
    %dma_start3A_10 = arith.constant 0 : i32
    %dma_start3A_11 = arith.constant 0 : i32
    %dma_start3A_12 = arith.constant 0 : i32
    %dma_start3A_13 = tpu.memref_slice %arg9[%dma_start3A_9, %dma_start3A_11, %dma_start3A_12] : memref<4x40x128xf32, #tpu.memory_space<vmem>> -> memref<1x40x128xf32, #tpu.memory_space<vmem>>
    %dma_start3A_14 = tpu.memref_squeeze %dma_start3A_13 : memref<1x40x128xf32, #tpu.memory_space<vmem>> -> memref<40x128xf32, #tpu.memory_space<vmem>>
    %dma_start3A_15 = arith.constant 0 : i32
    %dma_start3A_16 = tpu.memref_slice %arg7[%dma_start3A_15] : memref<10000xi32, #tpu.memory_space<vmem>> -> memref<40xi32, #tpu.memory_space<vmem>>
    %dma_start3A_17 = arith.constant 0 : i32
    %dma_start3A_18 = arith.constant 0 : i32
    %dma_start3A_19 = tpu.memref_slice %arg2[%dma_start3A_17, %dma_start3A_18] : memref<10000x128xf32, #tpu.memory_space<hbm>> -> memref<10000x128xf32, #tpu.memory_space<hbm>>
    %dma_start3A_20 = tpu.memref_slice %arg12[%dma_start3A_10] : memref<4x!tpu.dma_semaphore, #tpu.memory_space<semaphore_mem>> -> memref<1x!tpu.dma_semaphore, #tpu.memory_space<semaphore_mem>>
    %dma_start3A_21 = tpu.memref_squeeze %dma_start3A_20 : memref<1x!tpu.dma_semaphore, #tpu.memory_space<semaphore_mem>> -> memref<!tpu.dma_semaphore, #tpu.memory_space<semaphore_mem>>
    tpu.enqueue_indirect_dma source(%dma_start3A_19 : memref<10000x128xf32, #tpu.memory_space<hbm>>) target(%dma_start3A_14 : memref<40x128xf32, #tpu.memory_space<vmem>>) offsets(%dma_start3A_16 : memref<40xi32, #tpu.memory_space<vmem>>) semaphore(%dma_start3A_21 : memref<!tpu.dma_semaphore, #tpu.memory_space<semaphore_mem>>)
    %dma_start3A_22 = arith.constant 0 : i32
    %dma_start3A_23 = arith.constant 0 : i32
    %dma_start3A_24 = arith.constant 0 : i32
    %dma_start3A_25 = arith.constant 0 : i32
    %dma_start3A_26 = tpu.memref_slice %arg10[%dma_start3A_22, %dma_start3A_24, %dma_start3A_25] : memref<4x40x128xf32, #tpu.memory_space<vmem>> -> memref<1x40x128xf32, #tpu.memory_space<vmem>>
    %dma_start3A_27 = tpu.memref_squeeze %dma_start3A_26 : memref<1x40x128xf32, #tpu.memory_space<vmem>> -> memref<40x128xf32, #tpu.memory_space<vmem>>
    %dma_start3A_28 = arith.constant 0 : i32
    %dma_start3A_29 = tpu.memref_slice %arg8[%dma_start3A_28] : memref<10000xi32, #tpu.memory_space<vmem>> -> memref<40xi32, #tpu.memory_space<vmem>>
    %dma_start3A_30 = arith.constant 0 : i32
    %dma_start3A_31 = arith.constant 0 : i32
    %dma_start3A_32 = tpu.memref_slice %arg3[%dma_start3A_30, %dma_start3A_31] : memref<10000x128xf32, #tpu.memory_space<hbm>> -> memref<10000x128xf32, #tpu.memory_space<hbm>>
    %dma_start3A_33 = tpu.memref_slice %arg12[%dma_start3A_23] : memref<4x!tpu.dma_semaphore, #tpu.memory_space<semaphore_mem>> -> memref<1x!tpu.dma_semaphore, #tpu.memory_space<semaphore_mem>>
    %dma_start3A_34 = tpu.memref_squeeze %dma_start3A_33 : memref<1x!tpu.dma_semaphore, #tpu.memory_space<semaphore_mem>> -> memref<!tpu.dma_semaphore, #tpu.memory_space<semaphore_mem>>
    tpu.enqueue_indirect_dma source(%dma_start3A_32 : memref<10000x128xf32, #tpu.memory_space<hbm>>) target(%dma_start3A_27 : memref<40x128xf32, #tpu.memory_space<vmem>>) offsets(%dma_start3A_29 : memref<40xi32, #tpu.memory_space<vmem>>) semaphore(%dma_start3A_34 : memref<!tpu.dma_semaphore, #tpu.memory_space<semaphore_mem>>)
    %dma_start3A_35 = arith.constant 1 : i32
    %dma_start3A_36 = arith.constant 1 : i32
    %dma_start3A_37 = arith.constant 0 : i32
    %dma_start3A_38 = arith.constant 0 : i32
    %dma_start3A_39 = tpu.memref_slice %arg9[%dma_start3A_35, %dma_start3A_37, %dma_start3A_38] : memref<4x40x128xf32, #tpu.memory_space<vmem>> -> memref<1x40x128xf32, #tpu.memory_space<vmem>>
    %dma_start3A_40 = tpu.memref_squeeze %dma_start3A_39 : memref<1x40x128xf32, #tpu.memory_space<vmem>> -> memref<40x128xf32, #tpu.memory_space<vmem>>
    %dma_start3A_41 = arith.constant 40 : i32
    %dma_start3A_42 = tpu.memref_slice %arg7[%dma_start3A_41] : memref<10000xi32, #tpu.memory_space<vmem>> -> memref<40xi32, #tpu.memory_space<vmem>>
    %dma_start3A_43 = arith.constant 0 : i32
    %dma_start3A_44 = arith.constant 0 : i32
    %dma_start3A_45 = tpu.memref_slice %arg2[%dma_start3A_43, %dma_start3A_44] : memref<10000x128xf32, #tpu.memory_space<hbm>> -> memref<10000x128xf32, #tpu.memory_space<hbm>>
    %dma_start3A_46 = tpu.memref_slice %arg12[%dma_start3A_36] : memref<4x!tpu.dma_semaphore, #tpu.memory_space<semaphore_mem>> -> memref<1x!tpu.dma_semaphore, #tpu.memory_space<semaphore_mem>>
    %dma_start3A_47 = tpu.memref_squeeze %dma_start3A_46 : memref<1x!tpu.dma_semaphore, #tpu.memory_space<semaphore_mem>> -> memref<!tpu.dma_semaphore, #tpu.memory_space<semaphore_mem>>
    tpu.enqueue_indirect_dma source(%dma_start3A_45 : memref<10000x128xf32, #tpu.memory_space<hbm>>) target(%dma_start3A_40 : memref<40x128xf32, #tpu.memory_space<vmem>>) offsets(%dma_start3A_42 : memref<40xi32, #tpu.memory_space<vmem>>) semaphore(%dma_start3A_47 : memref<!tpu.dma_semaphore, #tpu.memory_space<semaphore_mem>>)
    %dma_start3A_48 = arith.constant 1 : i32
    %dma_start3A_49 = arith.constant 1 : i32
    %dma_start3A_50 = arith.constant 0 : i32
    %dma_start3A_51 = arith.constant 0 : i32
    %dma_start3A_52 = tpu.memref_slice %arg10[%dma_start3A_48, %dma_start3A_50, %dma_start3A_51] : memref<4x40x128xf32, #tpu.memory_space<vmem>> -> memref<1x40x128xf32, #tpu.memory_space<vmem>>
    %dma_start3A_53 = tpu.memref_squeeze %dma_start3A_52 : memref<1x40x128xf32, #tpu.memory_space<vmem>> -> memref<40x128xf32, #tpu.memory_space<vmem>>
    %dma_start3A_54 = arith.constant 40 : i32
    %dma_start3A_55 = tpu.memref_slice %arg8[%dma_start3A_54] : memref<10000xi32, #tpu.memory_space<vmem>> -> memref<40xi32, #tpu.memory_space<vmem>>
    %dma_start3A_56 = arith.constant 0 : i32
    %dma_start3A_57 = arith.constant 0 : i32
    %dma_start3A_58 = tpu.memref_slice %arg3[%dma_start3A_56, %dma_start3A_57] : memref<10000x128xf32, #tpu.memory_space<hbm>> -> memref<10000x128xf32, #tpu.memory_space<hbm>>
    %dma_start3A_59 = tpu.memref_slice %arg12[%dma_start3A_49] : memref<4x!tpu.dma_semaphore, #tpu.memory_space<semaphore_mem>> -> memref<1x!tpu.dma_semaphore, #tpu.memory_space<semaphore_mem>>
    %dma_start3A_60 = tpu.memref_squeeze %dma_start3A_59 : memref<1x!tpu.dma_semaphore, #tpu.memory_space<semaphore_mem>> -> memref<!tpu.dma_semaphore, #tpu.memory_space<semaphore_mem>>
    tpu.enqueue_indirect_dma source(%dma_start3A_58 : memref<10000x128xf32, #tpu.memory_space<hbm>>) target(%dma_start3A_53 : memref<40x128xf32, #tpu.memory_space<vmem>>) offsets(%dma_start3A_55 : memref<40xi32, #tpu.memory_space<vmem>>) semaphore(%dma_start3A_60 : memref<!tpu.dma_semaphore, #tpu.memory_space<semaphore_mem>>)
    %scan3A = arith.constant 0 : i32
    %scan3A_61 = arith.constant 0 : i32
    %scan3A_62 = arith.constant 63 : i32
    %scan3A_63 = arith.addi %scan3A_61, %scan3A_62 : i32
    %scan3A_64 = arith.constant 1 : i32
    scf.for %scan3A_138 = %scan3A_61 to %scan3A_63 step %scan3A_64  : i32 {
      %mul3A_139 = arith.constant 4 : i32
      %mul3A_140 = arith.muli %mul3A_139, %scan3A_138 : i32
      %add3A_141 = arith.constant 0 : i32
      %add3A_142 = arith.addi %mul3A_140, %add3A_141 : i32
      %ge3A = arith.constant 2 : i32
      %ge3A_143 = arith.cmpi sge, %add3A_142, %ge3A : i32
      %add3A_144 = arith.constant 2 : i32
      %add3A_145 = arith.addi %add3A_142, %add3A_144 : i32
      %lt3A = arith.constant 250 : i32
      %lt3A_146 = arith.cmpi slt, %add3A_145, %lt3A : i32
      %and3A = arith.andi %ge3A_143, %lt3A_146 : i1
      %convert_element_type3A = arith.extui %and3A : i1 to i32
      %cond3A = arith.constant 0 : i32
      %cond3A_147 = arith.cmpi ne, %convert_element_type3A, %cond3A : i32
      scf.if %cond3A_147 {
        %sub3A = arith.constant 2 : i32
        %sub3A_238 = arith.subi %add3A_142, %sub3A : i32
        %mul3A_239 = arith.constant 40 : i32
        %mul3A_240 = arith.muli %sub3A_238, %mul3A_239 : i32
        %add3A_241 = arith.addi %mul3A_2, %mul3A_240 : i32
        %dma_wait3A_242 = arith.constant 2 : i32
        %dma_wait3A_243 = arith.constant 2 : i32
        %dma_wait3A_244 = arith.constant 0 : i32
        %dma_wait3A_245 = arith.constant 0 : i32
        %dma_wait3A_246 = tpu.memref_slice %arg9[%dma_wait3A_242, %dma_wait3A_244, %dma_wait3A_245] : memref<4x40x128xf32, #tpu.memory_space<vmem>> -> memref<1x40x128xf32, #tpu.memory_space<vmem>>
        %dma_wait3A_247 = tpu.memref_squeeze %dma_wait3A_246 : memref<1x40x128xf32, #tpu.memory_space<vmem>> -> memref<40x128xf32, #tpu.memory_space<vmem>>
        %dma_wait3A_248 = arith.constant 0 : i32
        %dma_wait3A_249 = tpu.memref_slice %arg6[%add3A_241, %dma_wait3A_248] : memref<320000x128xf32, #tpu.memory_space<hbm>> -> memref<40x128xf32, #tpu.memory_space<hbm>>
        %dma_wait3A_250 = tpu.memref_slice %arg13[%dma_wait3A_243] : memref<4x!tpu.dma_semaphore, #tpu.memory_space<semaphore_mem>> -> memref<1x!tpu.dma_semaphore, #tpu.memory_space<semaphore_mem>>
        %dma_wait3A_251 = tpu.memref_squeeze %dma_wait3A_250 : memref<1x!tpu.dma_semaphore, #tpu.memory_space<semaphore_mem>> -> memref<!tpu.dma_semaphore, #tpu.memory_space<semaphore_mem>>
        %dma_wait3A_252 = arith.constant 0 : i32
        %dma_wait3A_253 = tpu.memref_slice %arg6[%add3A_241, %dma_wait3A_252] : memref<320000x128xf32, #tpu.memory_space<hbm>> -> memref<40x128xf32, #tpu.memory_space<hbm>>
        %dma_wait3A_254 = arith.constant 0 : i32
        %dma_wait3A_255 = arith.constant 0 : i32
        %dma_wait3A_256 = tpu.memref_slice %arg9[%dma_wait3A_242, %dma_wait3A_254, %dma_wait3A_255] : memref<4x40x128xf32, #tpu.memory_space<vmem>> -> memref<1x40x128xf32, #tpu.memory_space<vmem>>
        %dma_wait3A_257 = tpu.memref_squeeze %dma_wait3A_256 : memref<1x40x128xf32, #tpu.memory_space<vmem>> -> memref<40x128xf32, #tpu.memory_space<vmem>>
        tpu.wait_dma2 semaphore(%dma_wait3A_251 : memref<!tpu.dma_semaphore, #tpu.memory_space<semaphore_mem>>) src(%dma_wait3A_257 : memref<40x128xf32, #tpu.memory_space<vmem>>) dst(%dma_wait3A_253 : memref<40x128xf32, #tpu.memory_space<hbm>>)
      } else {
      }
      %add3A_148 = arith.constant 2 : i32
      %add3A_149 = arith.addi %add3A_142, %add3A_148 : i32
      %lt3A_150 = arith.constant 250 : i32
      %lt3A_151 = arith.cmpi slt, %add3A_149, %lt3A_150 : i32
      %convert_element_type3A_152 = arith.extui %lt3A_151 : i1 to i32
      %cond3A_153 = arith.constant 0 : i32
      %cond3A_154 = arith.cmpi ne, %convert_element_type3A_152, %cond3A_153 : i32
      scf.if %cond3A_154 {
        %add3A_238 = arith.constant 2 : i32
        %add3A_239 = arith.addi %add3A_142, %add3A_238 : i32
        %mul3A_240 = arith.constant 40 : i32
        %mul3A_241 = arith.muli %add3A_239, %mul3A_240 : i32
        %dma_start3A_242 = arith.constant 2 : i32
        %dma_start3A_243 = arith.constant 2 : i32
        %dma_start3A_244 = arith.constant 0 : i32
        %dma_start3A_245 = arith.constant 0 : i32
        %dma_start3A_246 = tpu.memref_slice %arg9[%dma_start3A_242, %dma_start3A_244, %dma_start3A_245] : memref<4x40x128xf32, #tpu.memory_space<vmem>> -> memref<1x40x128xf32, #tpu.memory_space<vmem>>
        %dma_start3A_247 = tpu.memref_squeeze %dma_start3A_246 : memref<1x40x128xf32, #tpu.memory_space<vmem>> -> memref<40x128xf32, #tpu.memory_space<vmem>>
        %dma_start3A_248 = tpu.memref_slice %arg7[%mul3A_241] : memref<10000xi32, #tpu.memory_space<vmem>> -> memref<40xi32, #tpu.memory_space<vmem>>
        %dma_start3A_249 = arith.constant 0 : i32
        %dma_start3A_250 = arith.constant 0 : i32
        %dma_start3A_251 = tpu.memref_slice %arg2[%dma_start3A_249, %dma_start3A_250] : memref<10000x128xf32, #tpu.memory_space<hbm>> -> memref<10000x128xf32, #tpu.memory_space<hbm>>
        %dma_start3A_252 = tpu.memref_slice %arg12[%dma_start3A_243] : memref<4x!tpu.dma_semaphore, #tpu.memory_space<semaphore_mem>> -> memref<1x!tpu.dma_semaphore, #tpu.memory_space<semaphore_mem>>
        %dma_start3A_253 = tpu.memref_squeeze %dma_start3A_252 : memref<1x!tpu.dma_semaphore, #tpu.memory_space<semaphore_mem>> -> memref<!tpu.dma_semaphore, #tpu.memory_space<semaphore_mem>>
        tpu.enqueue_indirect_dma source(%dma_start3A_251 : memref<10000x128xf32, #tpu.memory_space<hbm>>) target(%dma_start3A_247 : memref<40x128xf32, #tpu.memory_space<vmem>>) offsets(%dma_start3A_248 : memref<40xi32, #tpu.memory_space<vmem>>) semaphore(%dma_start3A_253 : memref<!tpu.dma_semaphore, #tpu.memory_space<semaphore_mem>>)
        %mul3A_254 = arith.constant 40 : i32
        %mul3A_255 = arith.muli %add3A_239, %mul3A_254 : i32
        %dma_start3A_256 = arith.constant 2 : i32
        %dma_start3A_257 = arith.constant 2 : i32
        %dma_start3A_258 = arith.constant 0 : i32
        %dma_start3A_259 = arith.constant 0 : i32
        %dma_start3A_260 = tpu.memref_slice %arg10[%dma_start3A_256, %dma_start3A_258, %dma_start3A_259] : memref<4x40x128xf32, #tpu.memory_space<vmem>> -> memref<1x40x128xf32, #tpu.memory_space<vmem>>
        %dma_start3A_261 = tpu.memref_squeeze %dma_start3A_260 : memref<1x40x128xf32, #tpu.memory_space<vmem>> -> memref<40x128xf32, #tpu.memory_space<vmem>>
        %dma_start3A_262 = tpu.memref_slice %arg8[%mul3A_255] : memref<10000xi32, #tpu.memory_space<vmem>> -> memref<40xi32, #tpu.memory_space<vmem>>
        %dma_start3A_263 = arith.constant 0 : i32
        %dma_start3A_264 = arith.constant 0 : i32
        %dma_start3A_265 = tpu.memref_slice %arg3[%dma_start3A_263, %dma_start3A_264] : memref<10000x128xf32, #tpu.memory_space<hbm>> -> memref<10000x128xf32, #tpu.memory_space<hbm>>
        %dma_start3A_266 = tpu.memref_slice %arg12[%dma_start3A_257] : memref<4x!tpu.dma_semaphore, #tpu.memory_space<semaphore_mem>> -> memref<1x!tpu.dma_semaphore, #tpu.memory_space<semaphore_mem>>
        %dma_start3A_267 = tpu.memref_squeeze %dma_start3A_266 : memref<1x!tpu.dma_semaphore, #tpu.memory_space<semaphore_mem>> -> memref<!tpu.dma_semaphore, #tpu.memory_space<semaphore_mem>>
        tpu.enqueue_indirect_dma source(%dma_start3A_265 : memref<10000x128xf32, #tpu.memory_space<hbm>>) target(%dma_start3A_261 : memref<40x128xf32, #tpu.memory_space<vmem>>) offsets(%dma_start3A_262 : memref<40xi32, #tpu.memory_space<vmem>>) semaphore(%dma_start3A_267 : memref<!tpu.dma_semaphore, #tpu.memory_space<semaphore_mem>>)
      } else {
      }
      %lt3A_155 = arith.constant 250 : i32
      %lt3A_156 = arith.cmpi slt, %add3A_142, %lt3A_155 : i32
      %convert_element_type3A_157 = arith.extui %lt3A_156 : i1 to i32
      %cond3A_158 = arith.constant 0 : i32
      %cond3A_159 = arith.cmpi ne, %convert_element_type3A_157, %cond3A_158 : i32
      scf.if %cond3A_159 {
        %mul3A_238 = arith.constant 40 : i32
        %mul3A_239 = arith.muli %add3A_142, %mul3A_238 : i32
        %dma_wait3A_240 = arith.constant 0 : i32
        %dma_wait3A_241 = arith.constant 0 : i32
        %dma_wait3A_242 = arith.constant 0 : i32
        %dma_wait3A_243 = arith.constant 0 : i32
        %dma_wait3A_244 = tpu.memref_slice %arg9[%dma_wait3A_240, %dma_wait3A_242, %dma_wait3A_243] : memref<4x40x128xf32, #tpu.memory_space<vmem>> -> memref<1x40x128xf32, #tpu.memory_space<vmem>>
        %dma_wait3A_245 = tpu.memref_squeeze %dma_wait3A_244 : memref<1x40x128xf32, #tpu.memory_space<vmem>> -> memref<40x128xf32, #tpu.memory_space<vmem>>
        %dma_wait3A_246 = tpu.memref_slice %arg7[%mul3A_239] : memref<10000xi32, #tpu.memory_space<vmem>> -> memref<40xi32, #tpu.memory_space<vmem>>
        %dma_wait3A_247 = arith.constant 0 : i32
        %dma_wait3A_248 = arith.constant 0 : i32
        %dma_wait3A_249 = tpu.memref_slice %arg2[%dma_wait3A_247, %dma_wait3A_248] : memref<10000x128xf32, #tpu.memory_space<hbm>> -> memref<10000x128xf32, #tpu.memory_space<hbm>>
        %dma_wait3A_250 = tpu.memref_slice %arg12[%dma_wait3A_241] : memref<4x!tpu.dma_semaphore, #tpu.memory_space<semaphore_mem>> -> memref<1x!tpu.dma_semaphore, #tpu.memory_space<semaphore_mem>>
        %dma_wait3A_251 = tpu.memref_squeeze %dma_wait3A_250 : memref<1x!tpu.dma_semaphore, #tpu.memory_space<semaphore_mem>> -> memref<!tpu.dma_semaphore, #tpu.memory_space<semaphore_mem>>
        tpu.wait_indirect_dma semaphore(%dma_wait3A_251 : memref<!tpu.dma_semaphore, #tpu.memory_space<semaphore_mem>>) src(%dma_wait3A_249 : memref<10000x128xf32, #tpu.memory_space<hbm>>) dst(%dma_wait3A_245 : memref<40x128xf32, #tpu.memory_space<vmem>>)
        %mul3A_252 = arith.constant 40 : i32
        %mul3A_253 = arith.muli %add3A_142, %mul3A_252 : i32
        %dma_wait3A_254 = arith.constant 0 : i32
        %dma_wait3A_255 = arith.constant 0 : i32
        %dma_wait3A_256 = arith.constant 0 : i32
        %dma_wait3A_257 = arith.constant 0 : i32
        %dma_wait3A_258 = tpu.memref_slice %arg10[%dma_wait3A_254, %dma_wait3A_256, %dma_wait3A_257] : memref<4x40x128xf32, #tpu.memory_space<vmem>> -> memref<1x40x128xf32, #tpu.memory_space<vmem>>
        %dma_wait3A_259 = tpu.memref_squeeze %dma_wait3A_258 : memref<1x40x128xf32, #tpu.memory_space<vmem>> -> memref<40x128xf32, #tpu.memory_space<vmem>>
        %dma_wait3A_260 = tpu.memref_slice %arg8[%mul3A_253] : memref<10000xi32, #tpu.memory_space<vmem>> -> memref<40xi32, #tpu.memory_space<vmem>>
        %dma_wait3A_261 = arith.constant 0 : i32
        %dma_wait3A_262 = arith.constant 0 : i32
        %dma_wait3A_263 = tpu.memref_slice %arg3[%dma_wait3A_261, %dma_wait3A_262] : memref<10000x128xf32, #tpu.memory_space<hbm>> -> memref<10000x128xf32, #tpu.memory_space<hbm>>
        %dma_wait3A_264 = tpu.memref_slice %arg12[%dma_wait3A_255] : memref<4x!tpu.dma_semaphore, #tpu.memory_space<semaphore_mem>> -> memref<1x!tpu.dma_semaphore, #tpu.memory_space<semaphore_mem>>
        %dma_wait3A_265 = tpu.memref_squeeze %dma_wait3A_264 : memref<1x!tpu.dma_semaphore, #tpu.memory_space<semaphore_mem>> -> memref<!tpu.dma_semaphore, #tpu.memory_space<semaphore_mem>>
        tpu.wait_indirect_dma semaphore(%dma_wait3A_265 : memref<!tpu.dma_semaphore, #tpu.memory_space<semaphore_mem>>) src(%dma_wait3A_263 : memref<10000x128xf32, #tpu.memory_space<hbm>>) dst(%dma_wait3A_259 : memref<40x128xf32, #tpu.memory_space<vmem>>)
        %scan3A_266 = arith.constant 0 : i32
        %scan3A_267 = arith.constant 0 : i32
        %scan3A_268 = arith.constant 40 : i32
        %scan3A_269 = arith.addi %scan3A_267, %scan3A_268 : i32
        %scan3A_270 = arith.constant 1 : i32
        scf.for %scan3A_291 = %scan3A_267 to %scan3A_269 step %scan3A_270  : i32 {
          %get3A = arith.constant 0 : i32
          %get3A_292 = arith.index_cast %get3A : i32 to index
          %get3A_293 = arith.index_cast %scan3A_291 : i32 to index
          %get3A_294 = arith.constant 0 : index
          %get3A_295 = tpu.vector_load %arg9[%get3A_292, %get3A_293, %get3A_294] {strides = array<i32>} : memref<4x40x128xf32, #tpu.memory_space<vmem>>, vector<1x1x16xf32>,
          %get3A_296 = vector.shape_cast %get3A_295 : vector<1x1x16xf32> to vector<16xf32>
          %get3A_297 = arith.constant 0 : i32
          %get3A_298 = arith.index_cast %get3A_297 : i32 to index
          %get3A_299 = arith.index_cast %scan3A_291 : i32 to index
          %get3A_300 = arith.constant 0 : index
          %get3A_301 = tpu.vector_load %arg10[%get3A_298, %get3A_299, %get3A_300] {strides = array<i32>} : memref<4x40x128xf32, #tpu.memory_space<vmem>>, vector<1x1x16xf32>,
          %get3A_302 = vector.shape_cast %get3A_301 : vector<1x1x16xf32> to vector<16xf32>
          %add3A_303 = arith.addf %get3A_296, %get3A_302 : vector<16xf32>
          %swap3A = arith.constant 0 : i32
          %swap3A_304 = arith.index_cast %swap3A : i32 to index
          %swap3A_305 = arith.index_cast %scan3A_291 : i32 to index
          %swap3A_306 = arith.constant 0 : index
          %swap3A_307 = tpu.vector_load %arg9[%swap3A_304, %swap3A_305, %swap3A_306] {strides = array<i32>} : memref<4x40x128xf32, #tpu.memory_space<vmem>>, vector<1x1x16xf32>,
          %swap3A_308 = vector.shape_cast %swap3A_307 : vector<1x1x16xf32> to vector<16xf32>
          %swap3A_309 = vector.shape_cast %add3A_303 : vector<16xf32> to vector<1x1x16xf32>
          tpu.vector_store %arg9[%swap3A_304, %swap3A_305, %swap3A_306], %swap3A_309 {strides = array<i32>} : memref<4x40x128xf32, #tpu.memory_space<vmem>>, vector<1x1x16xf32>,
          %get3A_310 = arith.constant 0 : i32
          %get3A_311 = arith.index_cast %get3A_310 : i32 to index
          %get3A_312 = arith.index_cast %scan3A_291 : i32 to index
          %get3A_313 = arith.constant 16 : index
          %get3A_314 = tpu.vector_load %arg9[%get3A_311, %get3A_312, %get3A_313] {strides = array<i32>} : memref<4x40x128xf32, #tpu.memory_space<vmem>>, vector<1x1x16xf32>,
          %get3A_315 = vector.shape_cast %get3A_314 : vector<1x1x16xf32> to vector<16xf32>
          %get3A_316 = arith.constant 0 : i32
          %get3A_317 = arith.index_cast %get3A_316 : i32 to index
          %get3A_318 = arith.index_cast %scan3A_291 : i32 to index
          %get3A_319 = arith.constant 16 : index
          %get3A_320 = tpu.vector_load %arg10[%get3A_317, %get3A_318, %get3A_319] {strides = array<i32>} : memref<4x40x128xf32, #tpu.memory_space<vmem>>, vector<1x1x16xf32>,
          %get3A_321 = vector.shape_cast %get3A_320 : vector<1x1x16xf32> to vector<16xf32>
          %add3A_322 = arith.addf %get3A_315, %get3A_321 : vector<16xf32>
          %swap3A_323 = arith.constant 0 : i32
          %swap3A_324 = arith.index_cast %swap3A_323 : i32 to index
          %swap3A_325 = arith.index_cast %scan3A_291 : i32 to index
          %swap3A_326 = arith.constant 16 : index
          %swap3A_327 = tpu.vector_load %arg9[%swap3A_324, %swap3A_325, %swap3A_326] {strides = array<i32>} : memref<4x40x128xf32, #tpu.memory_space<vmem>>, vector<1x1x16xf32>,
          %swap3A_328 = vector.shape_cast %swap3A_327 : vector<1x1x16xf32> to vector<16xf32>
          %swap3A_329 = vector.shape_cast %add3A_322 : vector<16xf32> to vector<1x1x16xf32>
          tpu.vector_store %arg9[%swap3A_324, %swap3A_325, %swap3A_326], %swap3A_329 {strides = array<i32>} : memref<4x40x128xf32, #tpu.memory_space<vmem>>, vector<1x1x16xf32>,
          %get3A_330 = arith.constant 0 : i32
          %get3A_331 = arith.index_cast %get3A_330 : i32 to index
          %get3A_332 = arith.index_cast %scan3A_291 : i32 to index
          %get3A_333 = arith.constant 32 : index
          %get3A_334 = tpu.vector_load %arg9[%get3A_331, %get3A_332, %get3A_333] {strides = array<i32>} : memref<4x40x128xf32, #tpu.memory_space<vmem>>, vector<1x1x16xf32>,
          %get3A_335 = vector.shape_cast %get3A_334 : vector<1x1x16xf32> to vector<16xf32>
          %get3A_336 = arith.constant 0 : i32
          %get3A_337 = arith.index_cast %get3A_336 : i32 to index
          %get3A_338 = arith.index_cast %scan3A_291 : i32 to index
          %get3A_339 = arith.constant 32 : index
          %get3A_340 = tpu.vector_load %arg10[%get3A_337, %get3A_338, %get3A_339] {strides = array<i32>} : memref<4x40x128xf32, #tpu.memory_space<vmem>>, vector<1x1x16xf32>,
          %get3A_341 = vector.shape_cast %get3A_340 : vector<1x1x16xf32> to vector<16xf32>
          %add3A_342 = arith.addf %get3A_335, %get3A_341 : vector<16xf32>
          %swap3A_343 = arith.constant 0 : i32
          %swap3A_344 = arith.index_cast %swap3A_343 : i32 to index
          %swap3A_345 = arith.index_cast %scan3A_291 : i32 to index
          %swap3A_346 = arith.constant 32 : index
          %swap3A_347 = tpu.vector_load %arg9[%swap3A_344, %swap3A_345, %swap3A_346] {strides = array<i32>} : memref<4x40x128xf32, #tpu.memory_space<vmem>>, vector<1x1x16xf32>,
          %swap3A_348 = vector.shape_cast %swap3A_347 : vector<1x1x16xf32> to vector<16xf32>
          %swap3A_349 = vector.shape_cast %add3A_342 : vector<16xf32> to vector<1x1x16xf32>
          tpu.vector_store %arg9[%swap3A_344, %swap3A_345, %swap3A_346], %swap3A_349 {strides = array<i32>} : memref<4x40x128xf32, #tpu.memory_space<vmem>>, vector<1x1x16xf32>,
          %get3A_350 = arith.constant 0 : i32
          %get3A_351 = arith.index_cast %get3A_350 : i32 to index
          %get3A_352 = arith.index_cast %scan3A_291 : i32 to index
          %get3A_353 = arith.constant 48 : index
          %get3A_354 = tpu.vector_load %arg9[%get3A_351, %get3A_352, %get3A_353] {strides = array<i32>} : memref<4x40x128xf32, #tpu.memory_space<vmem>>, vector<1x1x16xf32>,
          %get3A_355 = vector.shape_cast %get3A_354 : vector<1x1x16xf32> to vector<16xf32>
          %get3A_356 = arith.constant 0 : i32
          %get3A_357 = arith.index_cast %get3A_356 : i32 to index
          %get3A_358 = arith.index_cast %scan3A_291 : i32 to index
          %get3A_359 = arith.constant 48 : index
          %get3A_360 = tpu.vector_load %arg10[%get3A_357, %get3A_358, %get3A_359] {strides = array<i32>} : memref<4x40x128xf32, #tpu.memory_space<vmem>>, vector<1x1x16xf32>,
          %get3A_361 = vector.shape_cast %get3A_360 : vector<1x1x16xf32> to vector<16xf32>
          %add3A_362 = arith.addf %get3A_355, %get3A_361 : vector<16xf32>
          %swap3A_363 = arith.constant 0 : i32
          %swap3A_364 = arith.index_cast %swap3A_363 : i32 to index
          %swap3A_365 = arith.index_cast %scan3A_291 : i32 to index
          %swap3A_366 = arith.constant 48 : index
          %swap3A_367 = tpu.vector_load %arg9[%swap3A_364, %swap3A_365, %swap3A_366] {strides = array<i32>} : memref<4x40x128xf32, #tpu.memory_space<vmem>>, vector<1x1x16xf32>,
          %swap3A_368 = vector.shape_cast %swap3A_367 : vector<1x1x16xf32> to vector<16xf32>
          %swap3A_369 = vector.shape_cast %add3A_362 : vector<16xf32> to vector<1x1x16xf32>
          tpu.vector_store %arg9[%swap3A_364, %swap3A_365, %swap3A_366], %swap3A_369 {strides = array<i32>} : memref<4x40x128xf32, #tpu.memory_space<vmem>>, vector<1x1x16xf32>,
          %get3A_370 = arith.constant 0 : i32
          %get3A_371 = arith.index_cast %get3A_370 : i32 to index
          %get3A_372 = arith.index_cast %scan3A_291 : i32 to index
          %get3A_373 = arith.constant 64 : index
          %get3A_374 = tpu.vector_load %arg9[%get3A_371, %get3A_372, %get3A_373] {strides = array<i32>} : memref<4x40x128xf32, #tpu.memory_space<vmem>>, vector<1x1x16xf32>,
          %get3A_375 = vector.shape_cast %get3A_374 : vector<1x1x16xf32> to vector<16xf32>
          %get3A_376 = arith.constant 0 : i32
          %get3A_377 = arith.index_cast %get3A_376 : i32 to index
          %get3A_378 = arith.index_cast %scan3A_291 : i32 to index
          %get3A_379 = arith.constant 64 : index
          %get3A_380 = tpu.vector_load %arg10[%get3A_377, %get3A_378, %get3A_379] {strides = array<i32>} : memref<4x40x128xf32, #tpu.memory_space<vmem>>, vector<1x1x16xf32>,
          %get3A_381 = vector.shape_cast %get3A_380 : vector<1x1x16xf32> to vector<16xf32>
          %add3A_382 = arith.addf %get3A_375, %get3A_381 : vector<16xf32>
          %swap3A_383 = arith.constant 0 : i32
          %swap3A_384 = arith.index_cast %swap3A_383 : i32 to index
          %swap3A_385 = arith.index_cast %scan3A_291 : i32 to index
          %swap3A_386 = arith.constant 64 : index
          %swap3A_387 = tpu.vector_load %arg9[%swap3A_384, %swap3A_385, %swap3A_386] {strides = array<i32>} : memref<4x40x128xf32, #tpu.memory_space<vmem>>, vector<1x1x16xf32>,
          %swap3A_388 = vector.shape_cast %swap3A_387 : vector<1x1x16xf32> to vector<16xf32>
          %swap3A_389 = vector.shape_cast %add3A_382 : vector<16xf32> to vector<1x1x16xf32>
          tpu.vector_store %arg9[%swap3A_384, %swap3A_385, %swap3A_386], %swap3A_389 {strides = array<i32>} : memref<4x40x128xf32, #tpu.memory_space<vmem>>, vector<1x1x16xf32>,
          %get3A_390 = arith.constant 0 : i32
          %get3A_391 = arith.index_cast %get3A_390 : i32 to index
          %get3A_392 = arith.index_cast %scan3A_291 : i32 to index
          %get3A_393 = arith.constant 80 : index
          %get3A_394 = tpu.vector_load %arg9[%get3A_391, %get3A_392, %get3A_393] {strides = array<i32>} : memref<4x40x128xf32, #tpu.memory_space<vmem>>, vector<1x1x16xf32>,
          %get3A_395 = vector.shape_cast %get3A_394 : vector<1x1x16xf32> to vector<16xf32>
          %get3A_396 = arith.constant 0 : i32
          %get3A_397 = arith.index_cast %get3A_396 : i32 to index
          %get3A_398 = arith.index_cast %scan3A_291 : i32 to index
          %get3A_399 = arith.constant 80 : index
          %get3A_400 = tpu.vector_load %arg10[%get3A_397, %get3A_398, %get3A_399] {strides = array<i32>} : memref<4x40x128xf32, #tpu.memory_space<vmem>>, vector<1x1x16xf32>,
          %get3A_401 = vector.shape_cast %get3A_400 : vector<1x1x16xf32> to vector<16xf32>
          %add3A_402 = arith.addf %get3A_395, %get3A_401 : vector<16xf32>
          %swap3A_403 = arith.constant 0 : i32
          %swap3A_404 = arith.index_cast %swap3A_403 : i32 to index
          %swap3A_405 = arith.index_cast %scan3A_291 : i32 to index
          %swap3A_406 = arith.constant 80 : index
          %swap3A_407 = tpu.vector_load %arg9[%swap3A_404, %swap3A_405, %swap3A_406] {strides = array<i32>} : memref<4x40x128xf32, #tpu.memory_space<vmem>>, vector<1x1x16xf32>,
          %swap3A_408 = vector.shape_cast %swap3A_407 : vector<1x1x16xf32> to vector<16xf32>
          %swap3A_409 = vector.shape_cast %add3A_402 : vector<16xf32> to vector<1x1x16xf32>
          tpu.vector_store %arg9[%swap3A_404, %swap3A_405, %swap3A_406], %swap3A_409 {strides = array<i32>} : memref<4x40x128xf32, #tpu.memory_space<vmem>>, vector<1x1x16xf32>,
          %get3A_410 = arith.constant 0 : i32
          %get3A_411 = arith.index_cast %get3A_410 : i32 to index
          %get3A_412 = arith.index_cast %scan3A_291 : i32 to index
          %get3A_413 = arith.constant 96 : index
          %get3A_414 = tpu.vector_load %arg9[%get3A_411, %get3A_412, %get3A_413] {strides = array<i32>} : memref<4x40x128xf32, #tpu.memory_space<vmem>>, vector<1x1x16xf32>,
          %get3A_415 = vector.shape_cast %get3A_414 : vector<1x1x16xf32> to vector<16xf32>
          %get3A_416 = arith.constant 0 : i32
          %get3A_417 = arith.index_cast %get3A_416 : i32 to index
          %get3A_418 = arith.index_cast %scan3A_291 : i32 to index
          %get3A_419 = arith.constant 96 : index
          %get3A_420 = tpu.vector_load %arg10[%get3A_417, %get3A_418, %get3A_419] {strides = array<i32>} : memref<4x40x128xf32, #tpu.memory_space<vmem>>, vector<1x1x16xf32>,
          %get3A_421 = vector.shape_cast %get3A_420 : vector<1x1x16xf32> to vector<16xf32>
          %add3A_422 = arith.addf %get3A_415, %get3A_421 : vector<16xf32>
          %swap3A_423 = arith.constant 0 : i32
          %swap3A_424 = arith.index_cast %swap3A_423 : i32 to index
          %swap3A_425 = arith.index_cast %scan3A_291 : i32 to index
          %swap3A_426 = arith.constant 96 : index
          %swap3A_427 = tpu.vector_load %arg9[%swap3A_424, %swap3A_425, %swap3A_426] {strides = array<i32>} : memref<4x40x128xf32, #tpu.memory_space<vmem>>, vector<1x1x16xf32>,
          %swap3A_428 = vector.shape_cast %swap3A_427 : vector<1x1x16xf32> to vector<16xf32>
          %swap3A_429 = vector.shape_cast %add3A_422 : vector<16xf32> to vector<1x1x16xf32>
          tpu.vector_store %arg9[%swap3A_424, %swap3A_425, %swap3A_426], %swap3A_429 {strides = array<i32>} : memref<4x40x128xf32, #tpu.memory_space<vmem>>, vector<1x1x16xf32>,
          %get3A_430 = arith.constant 0 : i32
          %get3A_431 = arith.index_cast %get3A_430 : i32 to index
          %get3A_432 = arith.index_cast %scan3A_291 : i32 to index
          %get3A_433 = arith.constant 112 : index
          %get3A_434 = tpu.vector_load %arg9[%get3A_431, %get3A_432, %get3A_433] {strides = array<i32>} : memref<4x40x128xf32, #tpu.memory_space<vmem>>, vector<1x1x16xf32>,
          %get3A_435 = vector.shape_cast %get3A_434 : vector<1x1x16xf32> to vector<16xf32>
          %get3A_436 = arith.constant 0 : i32
          %get3A_437 = arith.index_cast %get3A_436 : i32 to index
          %get3A_438 = arith.index_cast %scan3A_291 : i32 to index
          %get3A_439 = arith.constant 112 : index
          %get3A_440 = tpu.vector_load %arg10[%get3A_437, %get3A_438, %get3A_439] {strides = array<i32>} : memref<4x40x128xf32, #tpu.memory_space<vmem>>, vector<1x1x16xf32>,
          %get3A_441 = vector.shape_cast %get3A_440 : vector<1x1x16xf32> to vector<16xf32>
          %add3A_442 = arith.addf %get3A_435, %get3A_441 : vector<16xf32>
          %swap3A_443 = arith.constant 0 : i32
          %swap3A_444 = arith.index_cast %swap3A_443 : i32 to index
          %swap3A_445 = arith.index_cast %scan3A_291 : i32 to index
          %swap3A_446 = arith.constant 112 : index
          %swap3A_447 = tpu.vector_load %arg9[%swap3A_444, %swap3A_445, %swap3A_446] {strides = array<i32>} : memref<4x40x128xf32, #tpu.memory_space<vmem>>, vector<1x1x16xf32>,
          %swap3A_448 = vector.shape_cast %swap3A_447 : vector<1x1x16xf32> to vector<16xf32>
          %swap3A_449 = vector.shape_cast %add3A_442 : vector<16xf32> to vector<1x1x16xf32>
          tpu.vector_store %arg9[%swap3A_444, %swap3A_445, %swap3A_446], %swap3A_449 {strides = array<i32>} : memref<4x40x128xf32, #tpu.memory_space<vmem>>, vector<1x1x16xf32>,
        }
        %scan3A_271 = arith.constant 40 : i32
        %mul3A_272 = arith.constant 40 : i32
        %mul3A_273 = arith.muli %add3A_142, %mul3A_272 : i32
        %add3A_274 = arith.addi %mul3A_2, %mul3A_273 : i32
        %dma_start3A_275 = arith.constant 0 : i32
        %dma_start3A_276 = arith.constant 0 : i32
        %dma_start3A_277 = arith.constant 0 : i32
        %dma_start3A_278 = arith.constant 0 : i32
        %dma_start3A_279 = tpu.memref_slice %arg9[%dma_start3A_275, %dma_start3A_277, %dma_start3A_278] : memref<4x40x128xf32, #tpu.memory_space<vmem>> -> memref<1x40x128xf32, #tpu.memory_space<vmem>>
        %dma_start3A_280 = tpu.memref_squeeze %dma_start3A_279 : memref<1x40x128xf32, #tpu.memory_space<vmem>> -> memref<40x128xf32, #tpu.memory_space<vmem>>
        %dma_start3A_281 = arith.constant 0 : i32
        %dma_start3A_282 = tpu.memref_slice %arg6[%add3A_274, %dma_start3A_281] : memref<320000x128xf32, #tpu.memory_space<hbm>> -> memref<40x128xf32, #tpu.memory_space<hbm>>
        %dma_start3A_283 = tpu.memref_slice %arg13[%dma_start3A_276] : memref<4x!tpu.dma_semaphore, #tpu.memory_space<semaphore_mem>> -> memref<1x!tpu.dma_semaphore, #tpu.memory_space<semaphore_mem>>
        %dma_start3A_284 = tpu.memref_squeeze %dma_start3A_283 : memref<1x!tpu.dma_semaphore, #tpu.memory_space<semaphore_mem>> -> memref<!tpu.dma_semaphore, #tpu.memory_space<semaphore_mem>>
        %dma_start3A_285 = arith.constant 0 : i32
        %dma_start3A_286 = tpu.memref_slice %arg6[%add3A_274, %dma_start3A_285] : memref<320000x128xf32, #tpu.memory_space<hbm>> -> memref<40x128xf32, #tpu.memory_space<hbm>>
        %dma_start3A_287 = arith.constant 0 : i32
        %dma_start3A_288 = arith.constant 0 : i32
        %dma_start3A_289 = tpu.memref_slice %arg9[%dma_start3A_275, %dma_start3A_287, %dma_start3A_288] : memref<4x40x128xf32, #tpu.memory_space<vmem>> -> memref<1x40x128xf32, #tpu.memory_space<vmem>>
        %dma_start3A_290 = tpu.memref_squeeze %dma_start3A_289 : memref<1x40x128xf32, #tpu.memory_space<vmem>> -> memref<40x128xf32, #tpu.memory_space<vmem>>
        tpu.enqueue_dma source(%dma_start3A_290 : memref<40x128xf32, #tpu.memory_space<vmem>>) target(%dma_start3A_286 : memref<40x128xf32, #tpu.memory_space<hbm>>) target_semaphore(%dma_start3A_284 : memref<!tpu.dma_semaphore, #tpu.memory_space<semaphore_mem>>)
      } else {
      }
      %mul3A_160 = arith.constant 4 : i32
      %mul3A_161 = arith.muli %mul3A_160, %scan3A_138 : i32
      %add3A_162 = arith.constant 1 : i32
      %add3A_163 = arith.addi %mul3A_161, %add3A_162 : i32
      %ge3A_164 = arith.constant 2 : i32
      %ge3A_165 = arith.cmpi sge, %add3A_163, %ge3A_164 : i32
      %add3A_166 = arith.constant 2 : i32
      %add3A_167 = arith.addi %add3A_163, %add3A_166 : i32
      %lt3A_168 = arith.constant 250 : i32
      %lt3A_169 = arith.cmpi slt, %add3A_167, %lt3A_168 : i32
      %and3A_170 = arith.andi %ge3A_165, %lt3A_169 : i1
      %convert_element_type3A_171 = arith.extui %and3A_170 : i1 to i32
      %cond3A_172 = arith.constant 0 : i32
      %cond3A_173 = arith.cmpi ne, %convert_element_type3A_171, %cond3A_172 : i32
      scf.if %cond3A_173 {
        %sub3A = arith.constant 2 : i32
        %sub3A_238 = arith.subi %add3A_163, %sub3A : i32
        %mul3A_239 = arith.constant 40 : i32
        %mul3A_240 = arith.muli %sub3A_238, %mul3A_239 : i32
        %add3A_241 = arith.addi %mul3A_2, %mul3A_240 : i32
        %dma_wait3A_242 = arith.constant 3 : i32
        %dma_wait3A_243 = arith.constant 3 : i32
        %dma_wait3A_244 = arith.constant 0 : i32
        %dma_wait3A_245 = arith.constant 0 : i32
        %dma_wait3A_246 = tpu.memref_slice %arg9[%dma_wait3A_242, %dma_wait3A_244, %dma_wait3A_245] : memref<4x40x128xf32, #tpu.memory_space<vmem>> -> memref<1x40x128xf32, #tpu.memory_space<vmem>>
        %dma_wait3A_247 = tpu.memref_squeeze %dma_wait3A_246 : memref<1x40x128xf32, #tpu.memory_space<vmem>> -> memref<40x128xf32, #tpu.memory_space<vmem>>
        %dma_wait3A_248 = arith.constant 0 : i32
        %dma_wait3A_249 = tpu.memref_slice %arg6[%add3A_241, %dma_wait3A_248] : memref<320000x128xf32, #tpu.memory_space<hbm>> -> memref<40x128xf32, #tpu.memory_space<hbm>>
        %dma_wait3A_250 = tpu.memref_slice %arg13[%dma_wait3A_243] : memref<4x!tpu.dma_semaphore, #tpu.memory_space<semaphore_mem>> -> memref<1x!tpu.dma_semaphore, #tpu.memory_space<semaphore_mem>>
        %dma_wait3A_251 = tpu.memref_squeeze %dma_wait3A_250 : memref<1x!tpu.dma_semaphore, #tpu.memory_space<semaphore_mem>> -> memref<!tpu.dma_semaphore, #tpu.memory_space<semaphore_mem>>
        %dma_wait3A_252 = arith.constant 0 : i32
        %dma_wait3A_253 = tpu.memref_slice %arg6[%add3A_241, %dma_wait3A_252] : memref<320000x128xf32, #tpu.memory_space<hbm>> -> memref<40x128xf32, #tpu.memory_space<hbm>>
        %dma_wait3A_254 = arith.constant 0 : i32
        %dma_wait3A_255 = arith.constant 0 : i32
        %dma_wait3A_256 = tpu.memref_slice %arg9[%dma_wait3A_242, %dma_wait3A_254, %dma_wait3A_255] : memref<4x40x128xf32, #tpu.memory_space<vmem>> -> memref<1x40x128xf32, #tpu.memory_space<vmem>>
        %dma_wait3A_257 = tpu.memref_squeeze %dma_wait3A_256 : memref<1x40x128xf32, #tpu.memory_space<vmem>> -> memref<40x128xf32, #tpu.memory_space<vmem>>
        tpu.wait_dma2 semaphore(%dma_wait3A_251 : memref<!tpu.dma_semaphore, #tpu.memory_space<semaphore_mem>>) src(%dma_wait3A_257 : memref<40x128xf32, #tpu.memory_space<vmem>>) dst(%dma_wait3A_253 : memref<40x128xf32, #tpu.memory_space<hbm>>)
      } else {
      }
      %add3A_174 = arith.constant 2 : i32
      %add3A_175 = arith.addi %add3A_163, %add3A_174 : i32
      %lt3A_176 = arith.constant 250 : i32
      %lt3A_177 = arith.cmpi slt, %add3A_175, %lt3A_176 : i32
      %convert_element_type3A_178 = arith.extui %lt3A_177 : i1 to i32
      %cond3A_179 = arith.constant 0 : i32
      %cond3A_180 = arith.cmpi ne, %convert_element_type3A_178, %cond3A_179 : i32
      scf.if %cond3A_180 {
        %add3A_238 = arith.constant 2 : i32
        %add3A_239 = arith.addi %add3A_163, %add3A_238 : i32
        %mul3A_240 = arith.constant 40 : i32
        %mul3A_241 = arith.muli %add3A_239, %mul3A_240 : i32
        %dma_start3A_242 = arith.constant 3 : i32
        %dma_start3A_243 = arith.constant 3 : i32
        %dma_start3A_244 = arith.constant 0 : i32
        %dma_start3A_245 = arith.constant 0 : i32
        %dma_start3A_246 = tpu.memref_slice %arg9[%dma_start3A_242, %dma_start3A_244, %dma_start3A_245] : memref<4x40x128xf32, #tpu.memory_space<vmem>> -> memref<1x40x128xf32, #tpu.memory_space<vmem>>
        %dma_start3A_247 = tpu.memref_squeeze %dma_start3A_246 : memref<1x40x128xf32, #tpu.memory_space<vmem>> -> memref<40x128xf32, #tpu.memory_space<vmem>>
        %dma_start3A_248 = tpu.memref_slice %arg7[%mul3A_241] : memref<10000xi32, #tpu.memory_space<vmem>> -> memref<40xi32, #tpu.memory_space<vmem>>
        %dma_start3A_249 = arith.constant 0 : i32
        %dma_start3A_250 = arith.constant 0 : i32
        %dma_start3A_251 = tpu.memref_slice %arg2[%dma_start3A_249, %dma_start3A_250] : memref<10000x128xf32, #tpu.memory_space<hbm>> -> memref<10000x128xf32, #tpu.memory_space<hbm>>
        %dma_start3A_252 = tpu.memref_slice %arg12[%dma_start3A_243] : memref<4x!tpu.dma_semaphore, #tpu.memory_space<semaphore_mem>> -> memref<1x!tpu.dma_semaphore, #tpu.memory_space<semaphore_mem>>
        %dma_start3A_253 = tpu.memref_squeeze %dma_start3A_252 : memref<1x!tpu.dma_semaphore, #tpu.memory_space<semaphore_mem>> -> memref<!tpu.dma_semaphore, #tpu.memory_space<semaphore_mem>>
        tpu.enqueue_indirect_dma source(%dma_start3A_251 : memref<10000x128xf32, #tpu.memory_space<hbm>>) target(%dma_start3A_247 : memref<40x128xf32, #tpu.memory_space<vmem>>) offsets(%dma_start3A_248 : memref<40xi32, #tpu.memory_space<vmem>>) semaphore(%dma_start3A_253 : memref<!tpu.dma_semaphore, #tpu.memory_space<semaphore_mem>>)
        %mul3A_254 = arith.constant 40 : i32
        %mul3A_255 = arith.muli %add3A_239, %mul3A_254 : i32
        %dma_start3A_256 = arith.constant 3 : i32
        %dma_start3A_257 = arith.constant 3 : i32
        %dma_start3A_258 = arith.constant 0 : i32
        %dma_start3A_259 = arith.constant 0 : i32
        %dma_start3A_260 = tpu.memref_slice %arg10[%dma_start3A_256, %dma_start3A_258, %dma_start3A_259] : memref<4x40x128xf32, #tpu.memory_space<vmem>> -> memref<1x40x128xf32, #tpu.memory_space<vmem>>
        %dma_start3A_261 = tpu.memref_squeeze %dma_start3A_260 : memref<1x40x128xf32, #tpu.memory_space<vmem>> -> memref<40x128xf32, #tpu.memory_space<vmem>>
        %dma_start3A_262 = tpu.memref_slice %arg8[%mul3A_255] : memref<10000xi32, #tpu.memory_space<vmem>> -> memref<40xi32, #tpu.memory_space<vmem>>
        %dma_start3A_263 = arith.constant 0 : i32
        %dma_start3A_264 = arith.constant 0 : i32
        %dma_start3A_265 = tpu.memref_slice %arg3[%dma_start3A_263, %dma_start3A_264] : memref<10000x128xf32, #tpu.memory_space<hbm>> -> memref<10000x128xf32, #tpu.memory_space<hbm>>
        %dma_start3A_266 = tpu.memref_slice %arg12[%dma_start3A_257] : memref<4x!tpu.dma_semaphore, #tpu.memory_space<semaphore_mem>> -> memref<1x!tpu.dma_semaphore, #tpu.memory_space<semaphore_mem>>
        %dma_start3A_267 = tpu.memref_squeeze %dma_start3A_266 : memref<1x!tpu.dma_semaphore, #tpu.memory_space<semaphore_mem>> -> memref<!tpu.dma_semaphore, #tpu.memory_space<semaphore_mem>>
        tpu.enqueue_indirect_dma source(%dma_start3A_265 : memref<10000x128xf32, #tpu.memory_space<hbm>>) target(%dma_start3A_261 : memref<40x128xf32, #tpu.memory_space<vmem>>) offsets(%dma_start3A_262 : memref<40xi32, #tpu.memory_space<vmem>>) semaphore(%dma_start3A_267 : memref<!tpu.dma_semaphore, #tpu.memory_space<semaphore_mem>>)
      } else {
      }
      %lt3A_181 = arith.constant 250 : i32
      %lt3A_182 = arith.cmpi slt, %add3A_163, %lt3A_181 : i32
      %convert_element_type3A_183 = arith.extui %lt3A_182 : i1 to i32
      %cond3A_184 = arith.constant 0 : i32
      %cond3A_185 = arith.cmpi ne, %convert_element_type3A_183, %cond3A_184 : i32
      scf.if %cond3A_185 {
        %mul3A_238 = arith.constant 40 : i32
        %mul3A_239 = arith.muli %add3A_163, %mul3A_238 : i32
        %dma_wait3A_240 = arith.constant 1 : i32
        %dma_wait3A_241 = arith.constant 1 : i32
        %dma_wait3A_242 = arith.constant 0 : i32
        %dma_wait3A_243 = arith.constant 0 : i32
        %dma_wait3A_244 = tpu.memref_slice %arg9[%dma_wait3A_240, %dma_wait3A_242, %dma_wait3A_243] : memref<4x40x128xf32, #tpu.memory_space<vmem>> -> memref<1x40x128xf32, #tpu.memory_space<vmem>>
        %dma_wait3A_245 = tpu.memref_squeeze %dma_wait3A_244 : memref<1x40x128xf32, #tpu.memory_space<vmem>> -> memref<40x128xf32, #tpu.memory_space<vmem>>
        %dma_wait3A_246 = tpu.memref_slice %arg7[%mul3A_239] : memref<10000xi32, #tpu.memory_space<vmem>> -> memref<40xi32, #tpu.memory_space<vmem>>
        %dma_wait3A_247 = arith.constant 0 : i32
        %dma_wait3A_248 = arith.constant 0 : i32
        %dma_wait3A_249 = tpu.memref_slice %arg2[%dma_wait3A_247, %dma_wait3A_248] : memref<10000x128xf32, #tpu.memory_space<hbm>> -> memref<10000x128xf32, #tpu.memory_space<hbm>>
        %dma_wait3A_250 = tpu.memref_slice %arg12[%dma_wait3A_241] : memref<4x!tpu.dma_semaphore, #tpu.memory_space<semaphore_mem>> -> memref<1x!tpu.dma_semaphore, #tpu.memory_space<semaphore_mem>>
        %dma_wait3A_251 = tpu.memref_squeeze %dma_wait3A_250 : memref<1x!tpu.dma_semaphore, #tpu.memory_space<semaphore_mem>> -> memref<!tpu.dma_semaphore, #tpu.memory_space<semaphore_mem>>
        tpu.wait_indirect_dma semaphore(%dma_wait3A_251 : memref<!tpu.dma_semaphore, #tpu.memory_space<semaphore_mem>>) src(%dma_wait3A_249 : memref<10000x128xf32, #tpu.memory_space<hbm>>) dst(%dma_wait3A_245 : memref<40x128xf32, #tpu.memory_space<vmem>>)
        %mul3A_252 = arith.constant 40 : i32
        %mul3A_253 = arith.muli %add3A_163, %mul3A_252 : i32
        %dma_wait3A_254 = arith.constant 1 : i32
        %dma_wait3A_255 = arith.constant 1 : i32
        %dma_wait3A_256 = arith.constant 0 : i32
        %dma_wait3A_257 = arith.constant 0 : i32
        %dma_wait3A_258 = tpu.memref_slice %arg10[%dma_wait3A_254, %dma_wait3A_256, %dma_wait3A_257] : memref<4x40x128xf32, #tpu.memory_space<vmem>> -> memref<1x40x128xf32, #tpu.memory_space<vmem>>
        %dma_wait3A_259 = tpu.memref_squeeze %dma_wait3A_258 : memref<1x40x128xf32, #tpu.memory_space<vmem>> -> memref<40x128xf32, #tpu.memory_space<vmem>>
        %dma_wait3A_260 = tpu.memref_slice %arg8[%mul3A_253] : memref<10000xi32, #tpu.memory_space<vmem>> -> memref<40xi32, #tpu.memory_space<vmem>>
        %dma_wait3A_261 = arith.constant 0 : i32
        %dma_wait3A_262 = arith.constant 0 : i32
        %dma_wait3A_263 = tpu.memref_slice %arg3[%dma_wait3A_261, %dma_wait3A_262] : memref<10000x128xf32, #tpu.memory_space<hbm>> -> memref<10000x128xf32, #tpu.memory_space<hbm>>
        %dma_wait3A_264 = tpu.memref_slice %arg12[%dma_wait3A_255] : memref<4x!tpu.dma_semaphore, #tpu.memory_space<semaphore_mem>> -> memref<1x!tpu.dma_semaphore, #tpu.memory_space<semaphore_mem>>
        %dma_wait3A_265 = tpu.memref_squeeze %dma_wait3A_264 : memref<1x!tpu.dma_semaphore, #tpu.memory_space<semaphore_mem>> -> memref<!tpu.dma_semaphore, #tpu.memory_space<semaphore_mem>>
        tpu.wait_indirect_dma semaphore(%dma_wait3A_265 : memref<!tpu.dma_semaphore, #tpu.memory_space<semaphore_mem>>) src(%dma_wait3A_263 : memref<10000x128xf32, #tpu.memory_space<hbm>>) dst(%dma_wait3A_259 : memref<40x128xf32, #tpu.memory_space<vmem>>)
        %scan3A_266 = arith.constant 0 : i32
        %scan3A_267 = arith.constant 0 : i32
        %scan3A_268 = arith.constant 40 : i32
        %scan3A_269 = arith.addi %scan3A_267, %scan3A_268 : i32
        %scan3A_270 = arith.constant 1 : i32
        scf.for %scan3A_291 = %scan3A_267 to %scan3A_269 step %scan3A_270  : i32 {
          %get3A = arith.constant 1 : i32
          %get3A_292 = arith.index_cast %get3A : i32 to index
          %get3A_293 = arith.index_cast %scan3A_291 : i32 to index
          %get3A_294 = arith.constant 0 : index
          %get3A_295 = tpu.vector_load %arg9[%get3A_292, %get3A_293, %get3A_294] {strides = array<i32>} : memref<4x40x128xf32, #tpu.memory_space<vmem>>, vector<1x1x16xf32>,
          %get3A_296 = vector.shape_cast %get3A_295 : vector<1x1x16xf32> to vector<16xf32>
          %get3A_297 = arith.constant 1 : i32
          %get3A_298 = arith.index_cast %get3A_297 : i32 to index
          %get3A_299 = arith.index_cast %scan3A_291 : i32 to index
          %get3A_300 = arith.constant 0 : index
          %get3A_301 = tpu.vector_load %arg10[%get3A_298, %get3A_299, %get3A_300] {strides = array<i32>} : memref<4x40x128xf32, #tpu.memory_space<vmem>>, vector<1x1x16xf32>,
          %get3A_302 = vector.shape_cast %get3A_301 : vector<1x1x16xf32> to vector<16xf32>
          %add3A_303 = arith.addf %get3A_296, %get3A_302 : vector<16xf32>
          %swap3A = arith.constant 1 : i32
          %swap3A_304 = arith.index_cast %swap3A : i32 to index
          %swap3A_305 = arith.index_cast %scan3A_291 : i32 to index
          %swap3A_306 = arith.constant 0 : index
          %swap3A_307 = tpu.vector_load %arg9[%swap3A_304, %swap3A_305, %swap3A_306] {strides = array<i32>} : memref<4x40x128xf32, #tpu.memory_space<vmem>>, vector<1x1x16xf32>,
          %swap3A_308 = vector.shape_cast %swap3A_307 : vector<1x1x16xf32> to vector<16xf32>
          %swap3A_309 = vector.shape_cast %add3A_303 : vector<16xf32> to vector<1x1x16xf32>
          tpu.vector_store %arg9[%swap3A_304, %swap3A_305, %swap3A_306], %swap3A_309 {strides = array<i32>} : memref<4x40x128xf32, #tpu.memory_space<vmem>>, vector<1x1x16xf32>,
          %get3A_310 = arith.constant 1 : i32
          %get3A_311 = arith.index_cast %get3A_310 : i32 to index
          %get3A_312 = arith.index_cast %scan3A_291 : i32 to index
          %get3A_313 = arith.constant 16 : index
          %get3A_314 = tpu.vector_load %arg9[%get3A_311, %get3A_312, %get3A_313] {strides = array<i32>} : memref<4x40x128xf32, #tpu.memory_space<vmem>>, vector<1x1x16xf32>,
          %get3A_315 = vector.shape_cast %get3A_314 : vector<1x1x16xf32> to vector<16xf32>
          %get3A_316 = arith.constant 1 : i32
          %get3A_317 = arith.index_cast %get3A_316 : i32 to index
          %get3A_318 = arith.index_cast %scan3A_291 : i32 to index
          %get3A_319 = arith.constant 16 : index
          %get3A_320 = tpu.vector_load %arg10[%get3A_317, %get3A_318, %get3A_319] {strides = array<i32>} : memref<4x40x128xf32, #tpu.memory_space<vmem>>, vector<1x1x16xf32>,
          %get3A_321 = vector.shape_cast %get3A_320 : vector<1x1x16xf32> to vector<16xf32>
          %add3A_322 = arith.addf %get3A_315, %get3A_321 : vector<16xf32>
          %swap3A_323 = arith.constant 1 : i32
          %swap3A_324 = arith.index_cast %swap3A_323 : i32 to index
          %swap3A_325 = arith.index_cast %scan3A_291 : i32 to index
          %swap3A_326 = arith.constant 16 : index
          %swap3A_327 = tpu.vector_load %arg9[%swap3A_324, %swap3A_325, %swap3A_326] {strides = array<i32>} : memref<4x40x128xf32, #tpu.memory_space<vmem>>, vector<1x1x16xf32>,
          %swap3A_328 = vector.shape_cast %swap3A_327 : vector<1x1x16xf32> to vector<16xf32>
          %swap3A_329 = vector.shape_cast %add3A_322 : vector<16xf32> to vector<1x1x16xf32>
          tpu.vector_store %arg9[%swap3A_324, %swap3A_325, %swap3A_326], %swap3A_329 {strides = array<i32>} : memref<4x40x128xf32, #tpu.memory_space<vmem>>, vector<1x1x16xf32>,
          %get3A_330 = arith.constant 1 : i32
          %get3A_331 = arith.index_cast %get3A_330 : i32 to index
          %get3A_332 = arith.index_cast %scan3A_291 : i32 to index
          %get3A_333 = arith.constant 32 : index
          %get3A_334 = tpu.vector_load %arg9[%get3A_331, %get3A_332, %get3A_333] {strides = array<i32>} : memref<4x40x128xf32, #tpu.memory_space<vmem>>, vector<1x1x16xf32>,
          %get3A_335 = vector.shape_cast %get3A_334 : vector<1x1x16xf32> to vector<16xf32>
          %get3A_336 = arith.constant 1 : i32
          %get3A_337 = arith.index_cast %get3A_336 : i32 to index
          %get3A_338 = arith.index_cast %scan3A_291 : i32 to index
          %get3A_339 = arith.constant 32 : index
          %get3A_340 = tpu.vector_load %arg10[%get3A_337, %get3A_338, %get3A_339] {strides = array<i32>} : memref<4x40x128xf32, #tpu.memory_space<vmem>>, vector<1x1x16xf32>,
          %get3A_341 = vector.shape_cast %get3A_340 : vector<1x1x16xf32> to vector<16xf32>
          %add3A_342 = arith.addf %get3A_335, %get3A_341 : vector<16xf32>
          %swap3A_343 = arith.constant 1 : i32
          %swap3A_344 = arith.index_cast %swap3A_343 : i32 to index
          %swap3A_345 = arith.index_cast %scan3A_291 : i32 to index
          %swap3A_346 = arith.constant 32 : index
          %swap3A_347 = tpu.vector_load %arg9[%swap3A_344, %swap3A_345, %swap3A_346] {strides = array<i32>} : memref<4x40x128xf32, #tpu.memory_space<vmem>>, vector<1x1x16xf32>,
          %swap3A_348 = vector.shape_cast %swap3A_347 : vector<1x1x16xf32> to vector<16xf32>
          %swap3A_349 = vector.shape_cast %add3A_342 : vector<16xf32> to vector<1x1x16xf32>
          tpu.vector_store %arg9[%swap3A_344, %swap3A_345, %swap3A_346], %swap3A_349 {strides = array<i32>} : memref<4x40x128xf32, #tpu.memory_space<vmem>>, vector<1x1x16xf32>,
          %get3A_350 = arith.constant 1 : i32
          %get3A_351 = arith.index_cast %get3A_350 : i32 to index
          %get3A_352 = arith.index_cast %scan3A_291 : i32 to index
          %get3A_353 = arith.constant 48 : index
          %get3A_354 = tpu.vector_load %arg9[%get3A_351, %get3A_352, %get3A_353] {strides = array<i32>} : memref<4x40x128xf32, #tpu.memory_space<vmem>>, vector<1x1x16xf32>,
          %get3A_355 = vector.shape_cast %get3A_354 : vector<1x1x16xf32> to vector<16xf32>
          %get3A_356 = arith.constant 1 : i32
          %get3A_357 = arith.index_cast %get3A_356 : i32 to index
          %get3A_358 = arith.index_cast %scan3A_291 : i32 to index
          %get3A_359 = arith.constant 48 : index
          %get3A_360 = tpu.vector_load %arg10[%get3A_357, %get3A_358, %get3A_359] {strides = array<i32>} : memref<4x40x128xf32, #tpu.memory_space<vmem>>, vector<1x1x16xf32>,
          %get3A_361 = vector.shape_cast %get3A_360 : vector<1x1x16xf32> to vector<16xf32>
          %add3A_362 = arith.addf %get3A_355, %get3A_361 : vector<16xf32>
          %swap3A_363 = arith.constant 1 : i32
          %swap3A_364 = arith.index_cast %swap3A_363 : i32 to index
          %swap3A_365 = arith.index_cast %scan3A_291 : i32 to index
          %swap3A_366 = arith.constant 48 : index
          %swap3A_367 = tpu.vector_load %arg9[%swap3A_364, %swap3A_365, %swap3A_366] {strides = array<i32>} : memref<4x40x128xf32, #tpu.memory_space<vmem>>, vector<1x1x16xf32>,
          %swap3A_368 = vector.shape_cast %swap3A_367 : vector<1x1x16xf32> to vector<16xf32>
          %swap3A_369 = vector.shape_cast %add3A_362 : vector<16xf32> to vector<1x1x16xf32>
          tpu.vector_store %arg9[%swap3A_364, %swap3A_365, %swap3A_366], %swap3A_369 {strides = array<i32>} : memref<4x40x128xf32, #tpu.memory_space<vmem>>, vector<1x1x16xf32>,
          %get3A_370 = arith.constant 1 : i32
          %get3A_371 = arith.index_cast %get3A_370 : i32 to index
          %get3A_372 = arith.index_cast %scan3A_291 : i32 to index
          %get3A_373 = arith.constant 64 : index
          %get3A_374 = tpu.vector_load %arg9[%get3A_371, %get3A_372, %get3A_373] {strides = array<i32>} : memref<4x40x128xf32, #tpu.memory_space<vmem>>, vector<1x1x16xf32>,
          %get3A_375 = vector.shape_cast %get3A_374 : vector<1x1x16xf32> to vector<16xf32>
          %get3A_376 = arith.constant 1 : i32
          %get3A_377 = arith.index_cast %get3A_376 : i32 to index
          %get3A_378 = arith.index_cast %scan3A_291 : i32 to index
          %get3A_379 = arith.constant 64 : index
          %get3A_380 = tpu.vector_load %arg10[%get3A_377, %get3A_378, %get3A_379] {strides = array<i32>} : memref<4x40x128xf32, #tpu.memory_space<vmem>>, vector<1x1x16xf32>,
          %get3A_381 = vector.shape_cast %get3A_380 : vector<1x1x16xf32> to vector<16xf32>
          %add3A_382 = arith.addf %get3A_375, %get3A_381 : vector<16xf32>
          %swap3A_383 = arith.constant 1 : i32
          %swap3A_384 = arith.index_cast %swap3A_383 : i32 to index
          %swap3A_385 = arith.index_cast %scan3A_291 : i32 to index
          %swap3A_386 = arith.constant 64 : index
          %swap3A_387 = tpu.vector_load %arg9[%swap3A_384, %swap3A_385, %swap3A_386] {strides = array<i32>} : memref<4x40x128xf32, #tpu.memory_space<vmem>>, vector<1x1x16xf32>,
          %swap3A_388 = vector.shape_cast %swap3A_387 : vector<1x1x16xf32> to vector<16xf32>
          %swap3A_389 = vector.shape_cast %add3A_382 : vector<16xf32> to vector<1x1x16xf32>
          tpu.vector_store %arg9[%swap3A_384, %swap3A_385, %swap3A_386], %swap3A_389 {strides = array<i32>} : memref<4x40x128xf32, #tpu.memory_space<vmem>>, vector<1x1x16xf32>,
          %get3A_390 = arith.constant 1 : i32
          %get3A_391 = arith.index_cast %get3A_390 : i32 to index
          %get3A_392 = arith.index_cast %scan3A_291 : i32 to index
          %get3A_393 = arith.constant 80 : index
          %get3A_394 = tpu.vector_load %arg9[%get3A_391, %get3A_392, %get3A_393] {strides = array<i32>} : memref<4x40x128xf32, #tpu.memory_space<vmem>>, vector<1x1x16xf32>,
          %get3A_395 = vector.shape_cast %get3A_394 : vector<1x1x16xf32> to vector<16xf32>
          %get3A_396 = arith.constant 1 : i32
          %get3A_397 = arith.index_cast %get3A_396 : i32 to index
          %get3A_398 = arith.index_cast %scan3A_291 : i32 to index
          %get3A_399 = arith.constant 80 : index
          %get3A_400 = tpu.vector_load %arg10[%get3A_397, %get3A_398, %get3A_399] {strides = array<i32>} : memref<4x40x128xf32, #tpu.memory_space<vmem>>, vector<1x1x16xf32>,
          %get3A_401 = vector.shape_cast %get3A_400 : vector<1x1x16xf32> to vector<16xf32>
          %add3A_402 = arith.addf %get3A_395, %get3A_401 : vector<16xf32>
          %swap3A_403 = arith.constant 1 : i32
          %swap3A_404 = arith.index_cast %swap3A_403 : i32 to index
          %swap3A_405 = arith.index_cast %scan3A_291 : i32 to index
          %swap3A_406 = arith.constant 80 : index
          %swap3A_407 = tpu.vector_load %arg9[%swap3A_404, %swap3A_405, %swap3A_406] {strides = array<i32>} : memref<4x40x128xf32, #tpu.memory_space<vmem>>, vector<1x1x16xf32>,
          %swap3A_408 = vector.shape_cast %swap3A_407 : vector<1x1x16xf32> to vector<16xf32>
          %swap3A_409 = vector.shape_cast %add3A_402 : vector<16xf32> to vector<1x1x16xf32>
          tpu.vector_store %arg9[%swap3A_404, %swap3A_405, %swap3A_406], %swap3A_409 {strides = array<i32>} : memref<4x40x128xf32, #tpu.memory_space<vmem>>, vector<1x1x16xf32>,
          %get3A_410 = arith.constant 1 : i32
          %get3A_411 = arith.index_cast %get3A_410 : i32 to index
          %get3A_412 = arith.index_cast %scan3A_291 : i32 to index
          %get3A_413 = arith.constant 96 : index
          %get3A_414 = tpu.vector_load %arg9[%get3A_411, %get3A_412, %get3A_413] {strides = array<i32>} : memref<4x40x128xf32, #tpu.memory_space<vmem>>, vector<1x1x16xf32>,
          %get3A_415 = vector.shape_cast %get3A_414 : vector<1x1x16xf32> to vector<16xf32>
          %get3A_416 = arith.constant 1 : i32
          %get3A_417 = arith.index_cast %get3A_416 : i32 to index
          %get3A_418 = arith.index_cast %scan3A_291 : i32 to index
          %get3A_419 = arith.constant 96 : index
          %get3A_420 = tpu.vector_load %arg10[%get3A_417, %get3A_418, %get3A_419] {strides = array<i32>} : memref<4x40x128xf32, #tpu.memory_space<vmem>>, vector<1x1x16xf32>,
          %get3A_421 = vector.shape_cast %get3A_420 : vector<1x1x16xf32> to vector<16xf32>
          %add3A_422 = arith.addf %get3A_415, %get3A_421 : vector<16xf32>
          %swap3A_423 = arith.constant 1 : i32
          %swap3A_424 = arith.index_cast %swap3A_423 : i32 to index
          %swap3A_425 = arith.index_cast %scan3A_291 : i32 to index
          %swap3A_426 = arith.constant 96 : index
          %swap3A_427 = tpu.vector_load %arg9[%swap3A_424, %swap3A_425, %swap3A_426] {strides = array<i32>} : memref<4x40x128xf32, #tpu.memory_space<vmem>>, vector<1x1x16xf32>,
          %swap3A_428 = vector.shape_cast %swap3A_427 : vector<1x1x16xf32> to vector<16xf32>
          %swap3A_429 = vector.shape_cast %add3A_422 : vector<16xf32> to vector<1x1x16xf32>
          tpu.vector_store %arg9[%swap3A_424, %swap3A_425, %swap3A_426], %swap3A_429 {strides = array<i32>} : memref<4x40x128xf32, #tpu.memory_space<vmem>>, vector<1x1x16xf32>,
          %get3A_430 = arith.constant 1 : i32
          %get3A_431 = arith.index_cast %get3A_430 : i32 to index
          %get3A_432 = arith.index_cast %scan3A_291 : i32 to index
          %get3A_433 = arith.constant 112 : index
          %get3A_434 = tpu.vector_load %arg9[%get3A_431, %get3A_432, %get3A_433] {strides = array<i32>} : memref<4x40x128xf32, #tpu.memory_space<vmem>>, vector<1x1x16xf32>,
          %get3A_435 = vector.shape_cast %get3A_434 : vector<1x1x16xf32> to vector<16xf32>
          %get3A_436 = arith.constant 1 : i32
          %get3A_437 = arith.index_cast %get3A_436 : i32 to index
          %get3A_438 = arith.index_cast %scan3A_291 : i32 to index
          %get3A_439 = arith.constant 112 : index
          %get3A_440 = tpu.vector_load %arg10[%get3A_437, %get3A_438, %get3A_439] {strides = array<i32>} : memref<4x40x128xf32, #tpu.memory_space<vmem>>, vector<1x1x16xf32>,
          %get3A_441 = vector.shape_cast %get3A_440 : vector<1x1x16xf32> to vector<16xf32>
          %add3A_442 = arith.addf %get3A_435, %get3A_441 : vector<16xf32>
          %swap3A_443 = arith.constant 1 : i32
          %swap3A_444 = arith.index_cast %swap3A_443 : i32 to index
          %swap3A_445 = arith.index_cast %scan3A_291 : i32 to index
          %swap3A_446 = arith.constant 112 : index
          %swap3A_447 = tpu.vector_load %arg9[%swap3A_444, %swap3A_445, %swap3A_446] {strides = array<i32>} : memref<4x40x128xf32, #tpu.memory_space<vmem>>, vector<1x1x16xf32>,
          %swap3A_448 = vector.shape_cast %swap3A_447 : vector<1x1x16xf32> to vector<16xf32>
          %swap3A_449 = vector.shape_cast %add3A_442 : vector<16xf32> to vector<1x1x16xf32>
          tpu.vector_store %arg9[%swap3A_444, %swap3A_445, %swap3A_446], %swap3A_449 {strides = array<i32>} : memref<4x40x128xf32, #tpu.memory_space<vmem>>, vector<1x1x16xf32>,
        }
        %scan3A_271 = arith.constant 40 : i32
        %mul3A_272 = arith.constant 40 : i32
        %mul3A_273 = arith.muli %add3A_163, %mul3A_272 : i32
        %add3A_274 = arith.addi %mul3A_2, %mul3A_273 : i32
        %dma_start3A_275 = arith.constant 1 : i32
        %dma_start3A_276 = arith.constant 1 : i32
        %dma_start3A_277 = arith.constant 0 : i32
        %dma_start3A_278 = arith.constant 0 : i32
        %dma_start3A_279 = tpu.memref_slice %arg9[%dma_start3A_275, %dma_start3A_277, %dma_start3A_278] : memref<4x40x128xf32, #tpu.memory_space<vmem>> -> memref<1x40x128xf32, #tpu.memory_space<vmem>>
        %dma_start3A_280 = tpu.memref_squeeze %dma_start3A_279 : memref<1x40x128xf32, #tpu.memory_space<vmem>> -> memref<40x128xf32, #tpu.memory_space<vmem>>
        %dma_start3A_281 = arith.constant 0 : i32
        %dma_start3A_282 = tpu.memref_slice %arg6[%add3A_274, %dma_start3A_281] : memref<320000x128xf32, #tpu.memory_space<hbm>> -> memref<40x128xf32, #tpu.memory_space<hbm>>
        %dma_start3A_283 = tpu.memref_slice %arg13[%dma_start3A_276] : memref<4x!tpu.dma_semaphore, #tpu.memory_space<semaphore_mem>> -> memref<1x!tpu.dma_semaphore, #tpu.memory_space<semaphore_mem>>
        %dma_start3A_284 = tpu.memref_squeeze %dma_start3A_283 : memref<1x!tpu.dma_semaphore, #tpu.memory_space<semaphore_mem>> -> memref<!tpu.dma_semaphore, #tpu.memory_space<semaphore_mem>>
        %dma_start3A_285 = arith.constant 0 : i32
        %dma_start3A_286 = tpu.memref_slice %arg6[%add3A_274, %dma_start3A_285] : memref<320000x128xf32, #tpu.memory_space<hbm>> -> memref<40x128xf32, #tpu.memory_space<hbm>>
        %dma_start3A_287 = arith.constant 0 : i32
        %dma_start3A_288 = arith.constant 0 : i32
        %dma_start3A_289 = tpu.memref_slice %arg9[%dma_start3A_275, %dma_start3A_287, %dma_start3A_288] : memref<4x40x128xf32, #tpu.memory_space<vmem>> -> memref<1x40x128xf32, #tpu.memory_space<vmem>>
        %dma_start3A_290 = tpu.memref_squeeze %dma_start3A_289 : memref<1x40x128xf32, #tpu.memory_space<vmem>> -> memref<40x128xf32, #tpu.memory_space<vmem>>
        tpu.enqueue_dma source(%dma_start3A_290 : memref<40x128xf32, #tpu.memory_space<vmem>>) target(%dma_start3A_286 : memref<40x128xf32, #tpu.memory_space<hbm>>) target_semaphore(%dma_start3A_284 : memref<!tpu.dma_semaphore, #tpu.memory_space<semaphore_mem>>)
      } else {
      }
      %mul3A_186 = arith.constant 4 : i32
      %mul3A_187 = arith.muli %mul3A_186, %scan3A_138 : i32
      %add3A_188 = arith.constant 2 : i32
      %add3A_189 = arith.addi %mul3A_187, %add3A_188 : i32
      %ge3A_190 = arith.constant 2 : i32
      %ge3A_191 = arith.cmpi sge, %add3A_189, %ge3A_190 : i32
      %add3A_192 = arith.constant 2 : i32
      %add3A_193 = arith.addi %add3A_189, %add3A_192 : i32
      %lt3A_194 = arith.constant 250 : i32
      %lt3A_195 = arith.cmpi slt, %add3A_193, %lt3A_194 : i32
      %and3A_196 = arith.andi %ge3A_191, %lt3A_195 : i1
      %convert_element_type3A_197 = arith.extui %and3A_196 : i1 to i32
      %cond3A_198 = arith.constant 0 : i32
      %cond3A_199 = arith.cmpi ne, %convert_element_type3A_197, %cond3A_198 : i32
      scf.if %cond3A_199 {
        %sub3A = arith.constant 2 : i32
        %sub3A_238 = arith.subi %add3A_189, %sub3A : i32
        %mul3A_239 = arith.constant 40 : i32
        %mul3A_240 = arith.muli %sub3A_238, %mul3A_239 : i32
        %add3A_241 = arith.addi %mul3A_2, %mul3A_240 : i32
        %dma_wait3A_242 = arith.constant 0 : i32
        %dma_wait3A_243 = arith.constant 0 : i32
        %dma_wait3A_244 = arith.constant 0 : i32
        %dma_wait3A_245 = arith.constant 0 : i32
        %dma_wait3A_246 = tpu.memref_slice %arg9[%dma_wait3A_242, %dma_wait3A_244, %dma_wait3A_245] : memref<4x40x128xf32, #tpu.memory_space<vmem>> -> memref<1x40x128xf32, #tpu.memory_space<vmem>>
        %dma_wait3A_247 = tpu.memref_squeeze %dma_wait3A_246 : memref<1x40x128xf32, #tpu.memory_space<vmem>> -> memref<40x128xf32, #tpu.memory_space<vmem>>
        %dma_wait3A_248 = arith.constant 0 : i32
        %dma_wait3A_249 = tpu.memref_slice %arg6[%add3A_241, %dma_wait3A_248] : memref<320000x128xf32, #tpu.memory_space<hbm>> -> memref<40x128xf32, #tpu.memory_space<hbm>>
        %dma_wait3A_250 = tpu.memref_slice %arg13[%dma_wait3A_243] : memref<4x!tpu.dma_semaphore, #tpu.memory_space<semaphore_mem>> -> memref<1x!tpu.dma_semaphore, #tpu.memory_space<semaphore_mem>>
        %dma_wait3A_251 = tpu.memref_squeeze %dma_wait3A_250 : memref<1x!tpu.dma_semaphore, #tpu.memory_space<semaphore_mem>> -> memref<!tpu.dma_semaphore, #tpu.memory_space<semaphore_mem>>
        %dma_wait3A_252 = arith.constant 0 : i32
        %dma_wait3A_253 = tpu.memref_slice %arg6[%add3A_241, %dma_wait3A_252] : memref<320000x128xf32, #tpu.memory_space<hbm>> -> memref<40x128xf32, #tpu.memory_space<hbm>>
        %dma_wait3A_254 = arith.constant 0 : i32
        %dma_wait3A_255 = arith.constant 0 : i32
        %dma_wait3A_256 = tpu.memref_slice %arg9[%dma_wait3A_242, %dma_wait3A_254, %dma_wait3A_255] : memref<4x40x128xf32, #tpu.memory_space<vmem>> -> memref<1x40x128xf32, #tpu.memory_space<vmem>>
        %dma_wait3A_257 = tpu.memref_squeeze %dma_wait3A_256 : memref<1x40x128xf32, #tpu.memory_space<vmem>> -> memref<40x128xf32, #tpu.memory_space<vmem>>
        tpu.wait_dma2 semaphore(%dma_wait3A_251 : memref<!tpu.dma_semaphore, #tpu.memory_space<semaphore_mem>>) src(%dma_wait3A_257 : memref<40x128xf32, #tpu.memory_space<vmem>>) dst(%dma_wait3A_253 : memref<40x128xf32, #tpu.memory_space<hbm>>)
      } else {
      }
      %add3A_200 = arith.constant 2 : i32
      %add3A_201 = arith.addi %add3A_189, %add3A_200 : i32
      %lt3A_202 = arith.constant 250 : i32
      %lt3A_203 = arith.cmpi slt, %add3A_201, %lt3A_202 : i32
      %convert_element_type3A_204 = arith.extui %lt3A_203 : i1 to i32
      %cond3A_205 = arith.constant 0 : i32
      %cond3A_206 = arith.cmpi ne, %convert_element_type3A_204, %cond3A_205 : i32
      scf.if %cond3A_206 {
        %add3A_238 = arith.constant 2 : i32
        %add3A_239 = arith.addi %add3A_189, %add3A_238 : i32
        %mul3A_240 = arith.constant 40 : i32
        %mul3A_241 = arith.muli %add3A_239, %mul3A_240 : i32
        %dma_start3A_242 = arith.constant 0 : i32
        %dma_start3A_243 = arith.constant 0 : i32
        %dma_start3A_244 = arith.constant 0 : i32
        %dma_start3A_245 = arith.constant 0 : i32
        %dma_start3A_246 = tpu.memref_slice %arg9[%dma_start3A_242, %dma_start3A_244, %dma_start3A_245] : memref<4x40x128xf32, #tpu.memory_space<vmem>> -> memref<1x40x128xf32, #tpu.memory_space<vmem>>
        %dma_start3A_247 = tpu.memref_squeeze %dma_start3A_246 : memref<1x40x128xf32, #tpu.memory_space<vmem>> -> memref<40x128xf32, #tpu.memory_space<vmem>>
        %dma_start3A_248 = tpu.memref_slice %arg7[%mul3A_241] : memref<10000xi32, #tpu.memory_space<vmem>> -> memref<40xi32, #tpu.memory_space<vmem>>
        %dma_start3A_249 = arith.constant 0 : i32
        %dma_start3A_250 = arith.constant 0 : i32
        %dma_start3A_251 = tpu.memref_slice %arg2[%dma_start3A_249, %dma_start3A_250] : memref<10000x128xf32, #tpu.memory_space<hbm>> -> memref<10000x128xf32, #tpu.memory_space<hbm>>
        %dma_start3A_252 = tpu.memref_slice %arg12[%dma_start3A_243] : memref<4x!tpu.dma_semaphore, #tpu.memory_space<semaphore_mem>> -> memref<1x!tpu.dma_semaphore, #tpu.memory_space<semaphore_mem>>
        %dma_start3A_253 = tpu.memref_squeeze %dma_start3A_252 : memref<1x!tpu.dma_semaphore, #tpu.memory_space<semaphore_mem>> -> memref<!tpu.dma_semaphore, #tpu.memory_space<semaphore_mem>>
        tpu.enqueue_indirect_dma source(%dma_start3A_251 : memref<10000x128xf32, #tpu.memory_space<hbm>>) target(%dma_start3A_247 : memref<40x128xf32, #tpu.memory_space<vmem>>) offsets(%dma_start3A_248 : memref<40xi32, #tpu.memory_space<vmem>>) semaphore(%dma_start3A_253 : memref<!tpu.dma_semaphore, #tpu.memory_space<semaphore_mem>>)
        %mul3A_254 = arith.constant 40 : i32
        %mul3A_255 = arith.muli %add3A_239, %mul3A_254 : i32
        %dma_start3A_256 = arith.constant 0 : i32
        %dma_start3A_257 = arith.constant 0 : i32
        %dma_start3A_258 = arith.constant 0 : i32
        %dma_start3A_259 = arith.constant 0 : i32
        %dma_start3A_260 = tpu.memref_slice %arg10[%dma_start3A_256, %dma_start3A_258, %dma_start3A_259] : memref<4x40x128xf32, #tpu.memory_space<vmem>> -> memref<1x40x128xf32, #tpu.memory_space<vmem>>
        %dma_start3A_261 = tpu.memref_squeeze %dma_start3A_260 : memref<1x40x128xf32, #tpu.memory_space<vmem>> -> memref<40x128xf32, #tpu.memory_space<vmem>>
        %dma_start3A_262 = tpu.memref_slice %arg8[%mul3A_255] : memref<10000xi32, #tpu.memory_space<vmem>> -> memref<40xi32, #tpu.memory_space<vmem>>
        %dma_start3A_263 = arith.constant 0 : i32
        %dma_start3A_264 = arith.constant 0 : i32
        %dma_start3A_265 = tpu.memref_slice %arg3[%dma_start3A_263, %dma_start3A_264] : memref<10000x128xf32, #tpu.memory_space<hbm>> -> memref<10000x128xf32, #tpu.memory_space<hbm>>
        %dma_start3A_266 = tpu.memref_slice %arg12[%dma_start3A_257] : memref<4x!tpu.dma_semaphore, #tpu.memory_space<semaphore_mem>> -> memref<1x!tpu.dma_semaphore, #tpu.memory_space<semaphore_mem>>
        %dma_start3A_267 = tpu.memref_squeeze %dma_start3A_266 : memref<1x!tpu.dma_semaphore, #tpu.memory_space<semaphore_mem>> -> memref<!tpu.dma_semaphore, #tpu.memory_space<semaphore_mem>>
        tpu.enqueue_indirect_dma source(%dma_start3A_265 : memref<10000x128xf32, #tpu.memory_space<hbm>>) target(%dma_start3A_261 : memref<40x128xf32, #tpu.memory_space<vmem>>) offsets(%dma_start3A_262 : memref<40xi32, #tpu.memory_space<vmem>>) semaphore(%dma_start3A_267 : memref<!tpu.dma_semaphore, #tpu.memory_space<semaphore_mem>>)
      } else {
      }
      %lt3A_207 = arith.constant 250 : i32
      %lt3A_208 = arith.cmpi slt, %add3A_189, %lt3A_207 : i32
      %convert_element_type3A_209 = arith.extui %lt3A_208 : i1 to i32
      %cond3A_210 = arith.constant 0 : i32
      %cond3A_211 = arith.cmpi ne, %convert_element_type3A_209, %cond3A_210 : i32
      scf.if %cond3A_211 {
        %mul3A_238 = arith.constant 40 : i32
        %mul3A_239 = arith.muli %add3A_189, %mul3A_238 : i32
        %dma_wait3A_240 = arith.constant 2 : i32
        %dma_wait3A_241 = arith.constant 2 : i32
        %dma_wait3A_242 = arith.constant 0 : i32
        %dma_wait3A_243 = arith.constant 0 : i32
        %dma_wait3A_244 = tpu.memref_slice %arg9[%dma_wait3A_240, %dma_wait3A_242, %dma_wait3A_243] : memref<4x40x128xf32, #tpu.memory_space<vmem>> -> memref<1x40x128xf32, #tpu.memory_space<vmem>>
        %dma_wait3A_245 = tpu.memref_squeeze %dma_wait3A_244 : memref<1x40x128xf32, #tpu.memory_space<vmem>> -> memref<40x128xf32, #tpu.memory_space<vmem>>
        %dma_wait3A_246 = tpu.memref_slice %arg7[%mul3A_239] : memref<10000xi32, #tpu.memory_space<vmem>> -> memref<40xi32, #tpu.memory_space<vmem>>
        %dma_wait3A_247 = arith.constant 0 : i32
        %dma_wait3A_248 = arith.constant 0 : i32
        %dma_wait3A_249 = tpu.memref_slice %arg2[%dma_wait3A_247, %dma_wait3A_248] : memref<10000x128xf32, #tpu.memory_space<hbm>> -> memref<10000x128xf32, #tpu.memory_space<hbm>>
        %dma_wait3A_250 = tpu.memref_slice %arg12[%dma_wait3A_241] : memref<4x!tpu.dma_semaphore, #tpu.memory_space<semaphore_mem>> -> memref<1x!tpu.dma_semaphore, #tpu.memory_space<semaphore_mem>>
        %dma_wait3A_251 = tpu.memref_squeeze %dma_wait3A_250 : memref<1x!tpu.dma_semaphore, #tpu.memory_space<semaphore_mem>> -> memref<!tpu.dma_semaphore, #tpu.memory_space<semaphore_mem>>
        tpu.wait_indirect_dma semaphore(%dma_wait3A_251 : memref<!tpu.dma_semaphore, #tpu.memory_space<semaphore_mem>>) src(%dma_wait3A_249 : memref<10000x128xf32, #tpu.memory_space<hbm>>) dst(%dma_wait3A_245 : memref<40x128xf32, #tpu.memory_space<vmem>>)
        %mul3A_252 = arith.constant 40 : i32
        %mul3A_253 = arith.muli %add3A_189, %mul3A_252 : i32
        %dma_wait3A_254 = arith.constant 2 : i32
        %dma_wait3A_255 = arith.constant 2 : i32
        %dma_wait3A_256 = arith.constant 0 : i32
        %dma_wait3A_257 = arith.constant 0 : i32
        %dma_wait3A_258 = tpu.memref_slice %arg10[%dma_wait3A_254, %dma_wait3A_256, %dma_wait3A_257] : memref<4x40x128xf32, #tpu.memory_space<vmem>> -> memref<1x40x128xf32, #tpu.memory_space<vmem>>
        %dma_wait3A_259 = tpu.memref_squeeze %dma_wait3A_258 : memref<1x40x128xf32, #tpu.memory_space<vmem>> -> memref<40x128xf32, #tpu.memory_space<vmem>>
        %dma_wait3A_260 = tpu.memref_slice %arg8[%mul3A_253] : memref<10000xi32, #tpu.memory_space<vmem>> -> memref<40xi32, #tpu.memory_space<vmem>>
        %dma_wait3A_261 = arith.constant 0 : i32
        %dma_wait3A_262 = arith.constant 0 : i32
        %dma_wait3A_263 = tpu.memref_slice %arg3[%dma_wait3A_261, %dma_wait3A_262] : memref<10000x128xf32, #tpu.memory_space<hbm>> -> memref<10000x128xf32, #tpu.memory_space<hbm>>
        %dma_wait3A_264 = tpu.memref_slice %arg12[%dma_wait3A_255] : memref<4x!tpu.dma_semaphore, #tpu.memory_space<semaphore_mem>> -> memref<1x!tpu.dma_semaphore, #tpu.memory_space<semaphore_mem>>
        %dma_wait3A_265 = tpu.memref_squeeze %dma_wait3A_264 : memref<1x!tpu.dma_semaphore, #tpu.memory_space<semaphore_mem>> -> memref<!tpu.dma_semaphore, #tpu.memory_space<semaphore_mem>>
        tpu.wait_indirect_dma semaphore(%dma_wait3A_265 : memref<!tpu.dma_semaphore, #tpu.memory_space<semaphore_mem>>) src(%dma_wait3A_263 : memref<10000x128xf32, #tpu.memory_space<hbm>>) dst(%dma_wait3A_259 : memref<40x128xf32, #tpu.memory_space<vmem>>)
        %scan3A_266 = arith.constant 0 : i32
        %scan3A_267 = arith.constant 0 : i32
        %scan3A_268 = arith.constant 40 : i32
        %scan3A_269 = arith.addi %scan3A_267, %scan3A_268 : i32
        %scan3A_270 = arith.constant 1 : i32
        scf.for %scan3A_291 = %scan3A_267 to %scan3A_269 step %scan3A_270  : i32 {
          %get3A = arith.constant 2 : i32
          %get3A_292 = arith.index_cast %get3A : i32 to index
          %get3A_293 = arith.index_cast %scan3A_291 : i32 to index
          %get3A_294 = arith.constant 0 : index
          %get3A_295 = tpu.vector_load %arg9[%get3A_292, %get3A_293, %get3A_294] {strides = array<i32>} : memref<4x40x128xf32, #tpu.memory_space<vmem>>, vector<1x1x16xf32>,
          %get3A_296 = vector.shape_cast %get3A_295 : vector<1x1x16xf32> to vector<16xf32>
          %get3A_297 = arith.constant 2 : i32
          %get3A_298 = arith.index_cast %get3A_297 : i32 to index
          %get3A_299 = arith.index_cast %scan3A_291 : i32 to index
          %get3A_300 = arith.constant 0 : index
          %get3A_301 = tpu.vector_load %arg10[%get3A_298, %get3A_299, %get3A_300] {strides = array<i32>} : memref<4x40x128xf32, #tpu.memory_space<vmem>>, vector<1x1x16xf32>,
          %get3A_302 = vector.shape_cast %get3A_301 : vector<1x1x16xf32> to vector<16xf32>
          %add3A_303 = arith.addf %get3A_296, %get3A_302 : vector<16xf32>
          %swap3A = arith.constant 2 : i32
          %swap3A_304 = arith.index_cast %swap3A : i32 to index
          %swap3A_305 = arith.index_cast %scan3A_291 : i32 to index
          %swap3A_306 = arith.constant 0 : index
          %swap3A_307 = tpu.vector_load %arg9[%swap3A_304, %swap3A_305, %swap3A_306] {strides = array<i32>} : memref<4x40x128xf32, #tpu.memory_space<vmem>>, vector<1x1x16xf32>,
          %swap3A_308 = vector.shape_cast %swap3A_307 : vector<1x1x16xf32> to vector<16xf32>
          %swap3A_309 = vector.shape_cast %add3A_303 : vector<16xf32> to vector<1x1x16xf32>
          tpu.vector_store %arg9[%swap3A_304, %swap3A_305, %swap3A_306], %swap3A_309 {strides = array<i32>} : memref<4x40x128xf32, #tpu.memory_space<vmem>>, vector<1x1x16xf32>,
          %get3A_310 = arith.constant 2 : i32
          %get3A_311 = arith.index_cast %get3A_310 : i32 to index
          %get3A_312 = arith.index_cast %scan3A_291 : i32 to index
          %get3A_313 = arith.constant 16 : index
          %get3A_314 = tpu.vector_load %arg9[%get3A_311, %get3A_312, %get3A_313] {strides = array<i32>} : memref<4x40x128xf32, #tpu.memory_space<vmem>>, vector<1x1x16xf32>,
          %get3A_315 = vector.shape_cast %get3A_314 : vector<1x1x16xf32> to vector<16xf32>
          %get3A_316 = arith.constant 2 : i32
          %get3A_317 = arith.index_cast %get3A_316 : i32 to index
          %get3A_318 = arith.index_cast %scan3A_291 : i32 to index
          %get3A_319 = arith.constant 16 : index
          %get3A_320 = tpu.vector_load %arg10[%get3A_317, %get3A_318, %get3A_319] {strides = array<i32>} : memref<4x40x128xf32, #tpu.memory_space<vmem>>, vector<1x1x16xf32>,
          %get3A_321 = vector.shape_cast %get3A_320 : vector<1x1x16xf32> to vector<16xf32>
          %add3A_322 = arith.addf %get3A_315, %get3A_321 : vector<16xf32>
          %swap3A_323 = arith.constant 2 : i32
          %swap3A_324 = arith.index_cast %swap3A_323 : i32 to index
          %swap3A_325 = arith.index_cast %scan3A_291 : i32 to index
          %swap3A_326 = arith.constant 16 : index
          %swap3A_327 = tpu.vector_load %arg9[%swap3A_324, %swap3A_325, %swap3A_326] {strides = array<i32>} : memref<4x40x128xf32, #tpu.memory_space<vmem>>, vector<1x1x16xf32>,
          %swap3A_328 = vector.shape_cast %swap3A_327 : vector<1x1x16xf32> to vector<16xf32>
          %swap3A_329 = vector.shape_cast %add3A_322 : vector<16xf32> to vector<1x1x16xf32>
          tpu.vector_store %arg9[%swap3A_324, %swap3A_325, %swap3A_326], %swap3A_329 {strides = array<i32>} : memref<4x40x128xf32, #tpu.memory_space<vmem>>, vector<1x1x16xf32>,
          %get3A_330 = arith.constant 2 : i32
          %get3A_331 = arith.index_cast %get3A_330 : i32 to index
          %get3A_332 = arith.index_cast %scan3A_291 : i32 to index
          %get3A_333 = arith.constant 32 : index
          %get3A_334 = tpu.vector_load %arg9[%get3A_331, %get3A_332, %get3A_333] {strides = array<i32>} : memref<4x40x128xf32, #tpu.memory_space<vmem>>, vector<1x1x16xf32>,
          %get3A_335 = vector.shape_cast %get3A_334 : vector<1x1x16xf32> to vector<16xf32>
          %get3A_336 = arith.constant 2 : i32
          %get3A_337 = arith.index_cast %get3A_336 : i32 to index
          %get3A_338 = arith.index_cast %scan3A_291 : i32 to index
          %get3A_339 = arith.constant 32 : index
          %get3A_340 = tpu.vector_load %arg10[%get3A_337, %get3A_338, %get3A_339] {strides = array<i32>} : memref<4x40x128xf32, #tpu.memory_space<vmem>>, vector<1x1x16xf32>,
          %get3A_341 = vector.shape_cast %get3A_340 : vector<1x1x16xf32> to vector<16xf32>
          %add3A_342 = arith.addf %get3A_335, %get3A_341 : vector<16xf32>
          %swap3A_343 = arith.constant 2 : i32
          %swap3A_344 = arith.index_cast %swap3A_343 : i32 to index
          %swap3A_345 = arith.index_cast %scan3A_291 : i32 to index
          %swap3A_346 = arith.constant 32 : index
          %swap3A_347 = tpu.vector_load %arg9[%swap3A_344, %swap3A_345, %swap3A_346] {strides = array<i32>} : memref<4x40x128xf32, #tpu.memory_space<vmem>>, vector<1x1x16xf32>,
          %swap3A_348 = vector.shape_cast %swap3A_347 : vector<1x1x16xf32> to vector<16xf32>
          %swap3A_349 = vector.shape_cast %add3A_342 : vector<16xf32> to vector<1x1x16xf32>
          tpu.vector_store %arg9[%swap3A_344, %swap3A_345, %swap3A_346], %swap3A_349 {strides = array<i32>} : memref<4x40x128xf32, #tpu.memory_space<vmem>>, vector<1x1x16xf32>,
          %get3A_350 = arith.constant 2 : i32
          %get3A_351 = arith.index_cast %get3A_350 : i32 to index
          %get3A_352 = arith.index_cast %scan3A_291 : i32 to index
          %get3A_353 = arith.constant 48 : index
          %get3A_354 = tpu.vector_load %arg9[%get3A_351, %get3A_352, %get3A_353] {strides = array<i32>} : memref<4x40x128xf32, #tpu.memory_space<vmem>>, vector<1x1x16xf32>,
          %get3A_355 = vector.shape_cast %get3A_354 : vector<1x1x16xf32> to vector<16xf32>
          %get3A_356 = arith.constant 2 : i32
          %get3A_357 = arith.index_cast %get3A_356 : i32 to index
          %get3A_358 = arith.index_cast %scan3A_291 : i32 to index
          %get3A_359 = arith.constant 48 : index
          %get3A_360 = tpu.vector_load %arg10[%get3A_357, %get3A_358, %get3A_359] {strides = array<i32>} : memref<4x40x128xf32, #tpu.memory_space<vmem>>, vector<1x1x16xf32>,
          %get3A_361 = vector.shape_cast %get3A_360 : vector<1x1x16xf32> to vector<16xf32>
          %add3A_362 = arith.addf %get3A_355, %get3A_361 : vector<16xf32>
          %swap3A_363 = arith.constant 2 : i32
          %swap3A_364 = arith.index_cast %swap3A_363 : i32 to index
          %swap3A_365 = arith.index_cast %scan3A_291 : i32 to index
          %swap3A_366 = arith.constant 48 : index
          %swap3A_367 = tpu.vector_load %arg9[%swap3A_364, %swap3A_365, %swap3A_366] {strides = array<i32>} : memref<4x40x128xf32, #tpu.memory_space<vmem>>, vector<1x1x16xf32>,
          %swap3A_368 = vector.shape_cast %swap3A_367 : vector<1x1x16xf32> to vector<16xf32>
          %swap3A_369 = vector.shape_cast %add3A_362 : vector<16xf32> to vector<1x1x16xf32>
          tpu.vector_store %arg9[%swap3A_364, %swap3A_365, %swap3A_366], %swap3A_369 {strides = array<i32>} : memref<4x40x128xf32, #tpu.memory_space<vmem>>, vector<1x1x16xf32>,
          %get3A_370 = arith.constant 2 : i32
          %get3A_371 = arith.index_cast %get3A_370 : i32 to index
          %get3A_372 = arith.index_cast %scan3A_291 : i32 to index
          %get3A_373 = arith.constant 64 : index
          %get3A_374 = tpu.vector_load %arg9[%get3A_371, %get3A_372, %get3A_373] {strides = array<i32>} : memref<4x40x128xf32, #tpu.memory_space<vmem>>, vector<1x1x16xf32>,
          %get3A_375 = vector.shape_cast %get3A_374 : vector<1x1x16xf32> to vector<16xf32>
          %get3A_376 = arith.constant 2 : i32
          %get3A_377 = arith.index_cast %get3A_376 : i32 to index
          %get3A_378 = arith.index_cast %scan3A_291 : i32 to index
          %get3A_379 = arith.constant 64 : index
          %get3A_380 = tpu.vector_load %arg10[%get3A_377, %get3A_378, %get3A_379] {strides = array<i32>} : memref<4x40x128xf32, #tpu.memory_space<vmem>>, vector<1x1x16xf32>,
          %get3A_381 = vector.shape_cast %get3A_380 : vector<1x1x16xf32> to vector<16xf32>
          %add3A_382 = arith.addf %get3A_375, %get3A_381 : vector<16xf32>
          %swap3A_383 = arith.constant 2 : i32
          %swap3A_384 = arith.index_cast %swap3A_383 : i32 to index
          %swap3A_385 = arith.index_cast %scan3A_291 : i32 to index
          %swap3A_386 = arith.constant 64 : index
          %swap3A_387 = tpu.vector_load %arg9[%swap3A_384, %swap3A_385, %swap3A_386] {strides = array<i32>} : memref<4x40x128xf32, #tpu.memory_space<vmem>>, vector<1x1x16xf32>,
          %swap3A_388 = vector.shape_cast %swap3A_387 : vector<1x1x16xf32> to vector<16xf32>
          %swap3A_389 = vector.shape_cast %add3A_382 : vector<16xf32> to vector<1x1x16xf32>
          tpu.vector_store %arg9[%swap3A_384, %swap3A_385, %swap3A_386], %swap3A_389 {strides = array<i32>} : memref<4x40x128xf32, #tpu.memory_space<vmem>>, vector<1x1x16xf32>,
          %get3A_390 = arith.constant 2 : i32
          %get3A_391 = arith.index_cast %get3A_390 : i32 to index
          %get3A_392 = arith.index_cast %scan3A_291 : i32 to index
          %get3A_393 = arith.constant 80 : index
          %get3A_394 = tpu.vector_load %arg9[%get3A_391, %get3A_392, %get3A_393] {strides = array<i32>} : memref<4x40x128xf32, #tpu.memory_space<vmem>>, vector<1x1x16xf32>,
          %get3A_395 = vector.shape_cast %get3A_394 : vector<1x1x16xf32> to vector<16xf32>
          %get3A_396 = arith.constant 2 : i32
          %get3A_397 = arith.index_cast %get3A_396 : i32 to index
          %get3A_398 = arith.index_cast %scan3A_291 : i32 to index
          %get3A_399 = arith.constant 80 : index
          %get3A_400 = tpu.vector_load %arg10[%get3A_397, %get3A_398, %get3A_399] {strides = array<i32>} : memref<4x40x128xf32, #tpu.memory_space<vmem>>, vector<1x1x16xf32>,
          %get3A_401 = vector.shape_cast %get3A_400 : vector<1x1x16xf32> to vector<16xf32>
          %add3A_402 = arith.addf %get3A_395, %get3A_401 : vector<16xf32>
          %swap3A_403 = arith.constant 2 : i32
          %swap3A_404 = arith.index_cast %swap3A_403 : i32 to index
          %swap3A_405 = arith.index_cast %scan3A_291 : i32 to index
          %swap3A_406 = arith.constant 80 : index
          %swap3A_407 = tpu.vector_load %arg9[%swap3A_404, %swap3A_405, %swap3A_406] {strides = array<i32>} : memref<4x40x128xf32, #tpu.memory_space<vmem>>, vector<1x1x16xf32>,
          %swap3A_408 = vector.shape_cast %swap3A_407 : vector<1x1x16xf32> to vector<16xf32>
          %swap3A_409 = vector.shape_cast %add3A_402 : vector<16xf32> to vector<1x1x16xf32>
          tpu.vector_store %arg9[%swap3A_404, %swap3A_405, %swap3A_406], %swap3A_409 {strides = array<i32>} : memref<4x40x128xf32, #tpu.memory_space<vmem>>, vector<1x1x16xf32>,
          %get3A_410 = arith.constant 2 : i32
          %get3A_411 = arith.index_cast %get3A_410 : i32 to index
          %get3A_412 = arith.index_cast %scan3A_291 : i32 to index
          %get3A_413 = arith.constant 96 : index
          %get3A_414 = tpu.vector_load %arg9[%get3A_411, %get3A_412, %get3A_413] {strides = array<i32>} : memref<4x40x128xf32, #tpu.memory_space<vmem>>, vector<1x1x16xf32>,
          %get3A_415 = vector.shape_cast %get3A_414 : vector<1x1x16xf32> to vector<16xf32>
          %get3A_416 = arith.constant 2 : i32
          %get3A_417 = arith.index_cast %get3A_416 : i32 to index
          %get3A_418 = arith.index_cast %scan3A_291 : i32 to index
          %get3A_419 = arith.constant 96 : index
          %get3A_420 = tpu.vector_load %arg10[%get3A_417, %get3A_418, %get3A_419] {strides = array<i32>} : memref<4x40x128xf32, #tpu.memory_space<vmem>>, vector<1x1x16xf32>,
          %get3A_421 = vector.shape_cast %get3A_420 : vector<1x1x16xf32> to vector<16xf32>
          %add3A_422 = arith.addf %get3A_415, %get3A_421 : vector<16xf32>
          %swap3A_423 = arith.constant 2 : i32
          %swap3A_424 = arith.index_cast %swap3A_423 : i32 to index
          %swap3A_425 = arith.index_cast %scan3A_291 : i32 to index
          %swap3A_426 = arith.constant 96 : index
          %swap3A_427 = tpu.vector_load %arg9[%swap3A_424, %swap3A_425, %swap3A_426] {strides = array<i32>} : memref<4x40x128xf32, #tpu.memory_space<vmem>>, vector<1x1x16xf32>,
          %swap3A_428 = vector.shape_cast %swap3A_427 : vector<1x1x16xf32> to vector<16xf32>
          %swap3A_429 = vector.shape_cast %add3A_422 : vector<16xf32> to vector<1x1x16xf32>
          tpu.vector_store %arg9[%swap3A_424, %swap3A_425, %swap3A_426], %swap3A_429 {strides = array<i32>} : memref<4x40x128xf32, #tpu.memory_space<vmem>>, vector<1x1x16xf32>,
          %get3A_430 = arith.constant 2 : i32
          %get3A_431 = arith.index_cast %get3A_430 : i32 to index
          %get3A_432 = arith.index_cast %scan3A_291 : i32 to index
          %get3A_433 = arith.constant 112 : index
          %get3A_434 = tpu.vector_load %arg9[%get3A_431, %get3A_432, %get3A_433] {strides = array<i32>} : memref<4x40x128xf32, #tpu.memory_space<vmem>>, vector<1x1x16xf32>,
          %get3A_435 = vector.shape_cast %get3A_434 : vector<1x1x16xf32> to vector<16xf32>
          %get3A_436 = arith.constant 2 : i32
          %get3A_437 = arith.index_cast %get3A_436 : i32 to index
          %get3A_438 = arith.index_cast %scan3A_291 : i32 to index
          %get3A_439 = arith.constant 112 : index
          %get3A_440 = tpu.vector_load %arg10[%get3A_437, %get3A_438, %get3A_439] {strides = array<i32>} : memref<4x40x128xf32, #tpu.memory_space<vmem>>, vector<1x1x16xf32>,
          %get3A_441 = vector.shape_cast %get3A_440 : vector<1x1x16xf32> to vector<16xf32>
          %add3A_442 = arith.addf %get3A_435, %get3A_441 : vector<16xf32>
          %swap3A_443 = arith.constant 2 : i32
          %swap3A_444 = arith.index_cast %swap3A_443 : i32 to index
          %swap3A_445 = arith.index_cast %scan3A_291 : i32 to index
          %swap3A_446 = arith.constant 112 : index
          %swap3A_447 = tpu.vector_load %arg9[%swap3A_444, %swap3A_445, %swap3A_446] {strides = array<i32>} : memref<4x40x128xf32, #tpu.memory_space<vmem>>, vector<1x1x16xf32>,
          %swap3A_448 = vector.shape_cast %swap3A_447 : vector<1x1x16xf32> to vector<16xf32>
          %swap3A_449 = vector.shape_cast %add3A_442 : vector<16xf32> to vector<1x1x16xf32>
          tpu.vector_store %arg9[%swap3A_444, %swap3A_445, %swap3A_446], %swap3A_449 {strides = array<i32>} : memref<4x40x128xf32, #tpu.memory_space<vmem>>, vector<1x1x16xf32>,
        }
        %scan3A_271 = arith.constant 40 : i32
        %mul3A_272 = arith.constant 40 : i32
        %mul3A_273 = arith.muli %add3A_189, %mul3A_272 : i32
        %add3A_274 = arith.addi %mul3A_2, %mul3A_273 : i32
        %dma_start3A_275 = arith.constant 2 : i32
        %dma_start3A_276 = arith.constant 2 : i32
        %dma_start3A_277 = arith.constant 0 : i32
        %dma_start3A_278 = arith.constant 0 : i32
        %dma_start3A_279 = tpu.memref_slice %arg9[%dma_start3A_275, %dma_start3A_277, %dma_start3A_278] : memref<4x40x128xf32, #tpu.memory_space<vmem>> -> memref<1x40x128xf32, #tpu.memory_space<vmem>>
        %dma_start3A_280 = tpu.memref_squeeze %dma_start3A_279 : memref<1x40x128xf32, #tpu.memory_space<vmem>> -> memref<40x128xf32, #tpu.memory_space<vmem>>
        %dma_start3A_281 = arith.constant 0 : i32
        %dma_start3A_282 = tpu.memref_slice %arg6[%add3A_274, %dma_start3A_281] : memref<320000x128xf32, #tpu.memory_space<hbm>> -> memref<40x128xf32, #tpu.memory_space<hbm>>
        %dma_start3A_283 = tpu.memref_slice %arg13[%dma_start3A_276] : memref<4x!tpu.dma_semaphore, #tpu.memory_space<semaphore_mem>> -> memref<1x!tpu.dma_semaphore, #tpu.memory_space<semaphore_mem>>
        %dma_start3A_284 = tpu.memref_squeeze %dma_start3A_283 : memref<1x!tpu.dma_semaphore, #tpu.memory_space<semaphore_mem>> -> memref<!tpu.dma_semaphore, #tpu.memory_space<semaphore_mem>>
        %dma_start3A_285 = arith.constant 0 : i32
        %dma_start3A_286 = tpu.memref_slice %arg6[%add3A_274, %dma_start3A_285] : memref<320000x128xf32, #tpu.memory_space<hbm>> -> memref<40x128xf32, #tpu.memory_space<hbm>>
        %dma_start3A_287 = arith.constant 0 : i32
        %dma_start3A_288 = arith.constant 0 : i32
        %dma_start3A_289 = tpu.memref_slice %arg9[%dma_start3A_275, %dma_start3A_287, %dma_start3A_288] : memref<4x40x128xf32, #tpu.memory_space<vmem>> -> memref<1x40x128xf32, #tpu.memory_space<vmem>>
        %dma_start3A_290 = tpu.memref_squeeze %dma_start3A_289 : memref<1x40x128xf32, #tpu.memory_space<vmem>> -> memref<40x128xf32, #tpu.memory_space<vmem>>
        tpu.enqueue_dma source(%dma_start3A_290 : memref<40x128xf32, #tpu.memory_space<vmem>>) target(%dma_start3A_286 : memref<40x128xf32, #tpu.memory_space<hbm>>) target_semaphore(%dma_start3A_284 : memref<!tpu.dma_semaphore, #tpu.memory_space<semaphore_mem>>)
      } else {
      }
      %mul3A_212 = arith.constant 4 : i32
      %mul3A_213 = arith.muli %mul3A_212, %scan3A_138 : i32
      %add3A_214 = arith.constant 3 : i32
      %add3A_215 = arith.addi %mul3A_213, %add3A_214 : i32
      %ge3A_216 = arith.constant 2 : i32
      %ge3A_217 = arith.cmpi sge, %add3A_215, %ge3A_216 : i32
      %add3A_218 = arith.constant 2 : i32
      %add3A_219 = arith.addi %add3A_215, %add3A_218 : i32
      %lt3A_220 = arith.constant 250 : i32
      %lt3A_221 = arith.cmpi slt, %add3A_219, %lt3A_220 : i32
      %and3A_222 = arith.andi %ge3A_217, %lt3A_221 : i1
      %convert_element_type3A_223 = arith.extui %and3A_222 : i1 to i32
      %cond3A_224 = arith.constant 0 : i32
      %cond3A_225 = arith.cmpi ne, %convert_element_type3A_223, %cond3A_224 : i32
      scf.if %cond3A_225 {
        %sub3A = arith.constant 2 : i32
        %sub3A_238 = arith.subi %add3A_215, %sub3A : i32
        %mul3A_239 = arith.constant 40 : i32
        %mul3A_240 = arith.muli %sub3A_238, %mul3A_239 : i32
        %add3A_241 = arith.addi %mul3A_2, %mul3A_240 : i32
        %dma_wait3A_242 = arith.constant 1 : i32
        %dma_wait3A_243 = arith.constant 1 : i32
        %dma_wait3A_244 = arith.constant 0 : i32
        %dma_wait3A_245 = arith.constant 0 : i32
        %dma_wait3A_246 = tpu.memref_slice %arg9[%dma_wait3A_242, %dma_wait3A_244, %dma_wait3A_245] : memref<4x40x128xf32, #tpu.memory_space<vmem>> -> memref<1x40x128xf32, #tpu.memory_space<vmem>>
        %dma_wait3A_247 = tpu.memref_squeeze %dma_wait3A_246 : memref<1x40x128xf32, #tpu.memory_space<vmem>> -> memref<40x128xf32, #tpu.memory_space<vmem>>
        %dma_wait3A_248 = arith.constant 0 : i32
        %dma_wait3A_249 = tpu.memref_slice %arg6[%add3A_241, %dma_wait3A_248] : memref<320000x128xf32, #tpu.memory_space<hbm>> -> memref<40x128xf32, #tpu.memory_space<hbm>>
        %dma_wait3A_250 = tpu.memref_slice %arg13[%dma_wait3A_243] : memref<4x!tpu.dma_semaphore, #tpu.memory_space<semaphore_mem>> -> memref<1x!tpu.dma_semaphore, #tpu.memory_space<semaphore_mem>>
        %dma_wait3A_251 = tpu.memref_squeeze %dma_wait3A_250 : memref<1x!tpu.dma_semaphore, #tpu.memory_space<semaphore_mem>> -> memref<!tpu.dma_semaphore, #tpu.memory_space<semaphore_mem>>
        %dma_wait3A_252 = arith.constant 0 : i32
        %dma_wait3A_253 = tpu.memref_slice %arg6[%add3A_241, %dma_wait3A_252] : memref<320000x128xf32, #tpu.memory_space<hbm>> -> memref<40x128xf32, #tpu.memory_space<hbm>>
        %dma_wait3A_254 = arith.constant 0 : i32
        %dma_wait3A_255 = arith.constant 0 : i32
        %dma_wait3A_256 = tpu.memref_slice %arg9[%dma_wait3A_242, %dma_wait3A_254, %dma_wait3A_255] : memref<4x40x128xf32, #tpu.memory_space<vmem>> -> memref<1x40x128xf32, #tpu.memory_space<vmem>>
        %dma_wait3A_257 = tpu.memref_squeeze %dma_wait3A_256 : memref<1x40x128xf32, #tpu.memory_space<vmem>> -> memref<40x128xf32, #tpu.memory_space<vmem>>
        tpu.wait_dma2 semaphore(%dma_wait3A_251 : memref<!tpu.dma_semaphore, #tpu.memory_space<semaphore_mem>>) src(%dma_wait3A_257 : memref<40x128xf32, #tpu.memory_space<vmem>>) dst(%dma_wait3A_253 : memref<40x128xf32, #tpu.memory_space<hbm>>)
      } else {
      }
      %add3A_226 = arith.constant 2 : i32
      %add3A_227 = arith.addi %add3A_215, %add3A_226 : i32
      %lt3A_228 = arith.constant 250 : i32
      %lt3A_229 = arith.cmpi slt, %add3A_227, %lt3A_228 : i32
      %convert_element_type3A_230 = arith.extui %lt3A_229 : i1 to i32
      %cond3A_231 = arith.constant 0 : i32
      %cond3A_232 = arith.cmpi ne, %convert_element_type3A_230, %cond3A_231 : i32
      scf.if %cond3A_232 {
        %add3A_238 = arith.constant 2 : i32
        %add3A_239 = arith.addi %add3A_215, %add3A_238 : i32
        %mul3A_240 = arith.constant 40 : i32
        %mul3A_241 = arith.muli %add3A_239, %mul3A_240 : i32
        %dma_start3A_242 = arith.constant 1 : i32
        %dma_start3A_243 = arith.constant 1 : i32
        %dma_start3A_244 = arith.constant 0 : i32
        %dma_start3A_245 = arith.constant 0 : i32
        %dma_start3A_246 = tpu.memref_slice %arg9[%dma_start3A_242, %dma_start3A_244, %dma_start3A_245] : memref<4x40x128xf32, #tpu.memory_space<vmem>> -> memref<1x40x128xf32, #tpu.memory_space<vmem>>
        %dma_start3A_247 = tpu.memref_squeeze %dma_start3A_246 : memref<1x40x128xf32, #tpu.memory_space<vmem>> -> memref<40x128xf32, #tpu.memory_space<vmem>>
        %dma_start3A_248 = tpu.memref_slice %arg7[%mul3A_241] : memref<10000xi32, #tpu.memory_space<vmem>> -> memref<40xi32, #tpu.memory_space<vmem>>
        %dma_start3A_249 = arith.constant 0 : i32
        %dma_start3A_250 = arith.constant 0 : i32
        %dma_start3A_251 = tpu.memref_slice %arg2[%dma_start3A_249, %dma_start3A_250] : memref<10000x128xf32, #tpu.memory_space<hbm>> -> memref<10000x128xf32, #tpu.memory_space<hbm>>
        %dma_start3A_252 = tpu.memref_slice %arg12[%dma_start3A_243] : memref<4x!tpu.dma_semaphore, #tpu.memory_space<semaphore_mem>> -> memref<1x!tpu.dma_semaphore, #tpu.memory_space<semaphore_mem>>
        %dma_start3A_253 = tpu.memref_squeeze %dma_start3A_252 : memref<1x!tpu.dma_semaphore, #tpu.memory_space<semaphore_mem>> -> memref<!tpu.dma_semaphore, #tpu.memory_space<semaphore_mem>>
        tpu.enqueue_indirect_dma source(%dma_start3A_251 : memref<10000x128xf32, #tpu.memory_space<hbm>>) target(%dma_start3A_247 : memref<40x128xf32, #tpu.memory_space<vmem>>) offsets(%dma_start3A_248 : memref<40xi32, #tpu.memory_space<vmem>>) semaphore(%dma_start3A_253 : memref<!tpu.dma_semaphore, #tpu.memory_space<semaphore_mem>>)
        %mul3A_254 = arith.constant 40 : i32
        %mul3A_255 = arith.muli %add3A_239, %mul3A_254 : i32
        %dma_start3A_256 = arith.constant 1 : i32
        %dma_start3A_257 = arith.constant 1 : i32
        %dma_start3A_258 = arith.constant 0 : i32
        %dma_start3A_259 = arith.constant 0 : i32
        %dma_start3A_260 = tpu.memref_slice %arg10[%dma_start3A_256, %dma_start3A_258, %dma_start3A_259] : memref<4x40x128xf32, #tpu.memory_space<vmem>> -> memref<1x40x128xf32, #tpu.memory_space<vmem>>
        %dma_start3A_261 = tpu.memref_squeeze %dma_start3A_260 : memref<1x40x128xf32, #tpu.memory_space<vmem>> -> memref<40x128xf32, #tpu.memory_space<vmem>>
        %dma_start3A_262 = tpu.memref_slice %arg8[%mul3A_255] : memref<10000xi32, #tpu.memory_space<vmem>> -> memref<40xi32, #tpu.memory_space<vmem>>
        %dma_start3A_263 = arith.constant 0 : i32
        %dma_start3A_264 = arith.constant 0 : i32
        %dma_start3A_265 = tpu.memref_slice %arg3[%dma_start3A_263, %dma_start3A_264] : memref<10000x128xf32, #tpu.memory_space<hbm>> -> memref<10000x128xf32, #tpu.memory_space<hbm>>
        %dma_start3A_266 = tpu.memref_slice %arg12[%dma_start3A_257] : memref<4x!tpu.dma_semaphore, #tpu.memory_space<semaphore_mem>> -> memref<1x!tpu.dma_semaphore, #tpu.memory_space<semaphore_mem>>
        %dma_start3A_267 = tpu.memref_squeeze %dma_start3A_266 : memref<1x!tpu.dma_semaphore, #tpu.memory_space<semaphore_mem>> -> memref<!tpu.dma_semaphore, #tpu.memory_space<semaphore_mem>>
        tpu.enqueue_indirect_dma source(%dma_start3A_265 : memref<10000x128xf32, #tpu.memory_space<hbm>>) target(%dma_start3A_261 : memref<40x128xf32, #tpu.memory_space<vmem>>) offsets(%dma_start3A_262 : memref<40xi32, #tpu.memory_space<vmem>>) semaphore(%dma_start3A_267 : memref<!tpu.dma_semaphore, #tpu.memory_space<semaphore_mem>>)
      } else {
      }
      %lt3A_233 = arith.constant 250 : i32
      %lt3A_234 = arith.cmpi slt, %add3A_215, %lt3A_233 : i32
      %convert_element_type3A_235 = arith.extui %lt3A_234 : i1 to i32
      %cond3A_236 = arith.constant 0 : i32
      %cond3A_237 = arith.cmpi ne, %convert_element_type3A_235, %cond3A_236 : i32
      scf.if %cond3A_237 {
        %mul3A_238 = arith.constant 40 : i32
        %mul3A_239 = arith.muli %add3A_215, %mul3A_238 : i32
        %dma_wait3A_240 = arith.constant 3 : i32
        %dma_wait3A_241 = arith.constant 3 : i32
        %dma_wait3A_242 = arith.constant 0 : i32
        %dma_wait3A_243 = arith.constant 0 : i32
        %dma_wait3A_244 = tpu.memref_slice %arg9[%dma_wait3A_240, %dma_wait3A_242, %dma_wait3A_243] : memref<4x40x128xf32, #tpu.memory_space<vmem>> -> memref<1x40x128xf32, #tpu.memory_space<vmem>>
        %dma_wait3A_245 = tpu.memref_squeeze %dma_wait3A_244 : memref<1x40x128xf32, #tpu.memory_space<vmem>> -> memref<40x128xf32, #tpu.memory_space<vmem>>
        %dma_wait3A_246 = tpu.memref_slice %arg7[%mul3A_239] : memref<10000xi32, #tpu.memory_space<vmem>> -> memref<40xi32, #tpu.memory_space<vmem>>
        %dma_wait3A_247 = arith.constant 0 : i32
        %dma_wait3A_248 = arith.constant 0 : i32
        %dma_wait3A_249 = tpu.memref_slice %arg2[%dma_wait3A_247, %dma_wait3A_248] : memref<10000x128xf32, #tpu.memory_space<hbm>> -> memref<10000x128xf32, #tpu.memory_space<hbm>>
        %dma_wait3A_250 = tpu.memref_slice %arg12[%dma_wait3A_241] : memref<4x!tpu.dma_semaphore, #tpu.memory_space<semaphore_mem>> -> memref<1x!tpu.dma_semaphore, #tpu.memory_space<semaphore_mem>>
        %dma_wait3A_251 = tpu.memref_squeeze %dma_wait3A_250 : memref<1x!tpu.dma_semaphore, #tpu.memory_space<semaphore_mem>> -> memref<!tpu.dma_semaphore, #tpu.memory_space<semaphore_mem>>
        tpu.wait_indirect_dma semaphore(%dma_wait3A_251 : memref<!tpu.dma_semaphore, #tpu.memory_space<semaphore_mem>>) src(%dma_wait3A_249 : memref<10000x128xf32, #tpu.memory_space<hbm>>) dst(%dma_wait3A_245 : memref<40x128xf32, #tpu.memory_space<vmem>>)
        %mul3A_252 = arith.constant 40 : i32
        %mul3A_253 = arith.muli %add3A_215, %mul3A_252 : i32
        %dma_wait3A_254 = arith.constant 3 : i32
        %dma_wait3A_255 = arith.constant 3 : i32
        %dma_wait3A_256 = arith.constant 0 : i32
        %dma_wait3A_257 = arith.constant 0 : i32
        %dma_wait3A_258 = tpu.memref_slice %arg10[%dma_wait3A_254, %dma_wait3A_256, %dma_wait3A_257] : memref<4x40x128xf32, #tpu.memory_space<vmem>> -> memref<1x40x128xf32, #tpu.memory_space<vmem>>
        %dma_wait3A_259 = tpu.memref_squeeze %dma_wait3A_258 : memref<1x40x128xf32, #tpu.memory_space<vmem>> -> memref<40x128xf32, #tpu.memory_space<vmem>>
        %dma_wait3A_260 = tpu.memref_slice %arg8[%mul3A_253] : memref<10000xi32, #tpu.memory_space<vmem>> -> memref<40xi32, #tpu.memory_space<vmem>>
        %dma_wait3A_261 = arith.constant 0 : i32
        %dma_wait3A_262 = arith.constant 0 : i32
        %dma_wait3A_263 = tpu.memref_slice %arg3[%dma_wait3A_261, %dma_wait3A_262] : memref<10000x128xf32, #tpu.memory_space<hbm>> -> memref<10000x128xf32, #tpu.memory_space<hbm>>
        %dma_wait3A_264 = tpu.memref_slice %arg12[%dma_wait3A_255] : memref<4x!tpu.dma_semaphore, #tpu.memory_space<semaphore_mem>> -> memref<1x!tpu.dma_semaphore, #tpu.memory_space<semaphore_mem>>
        %dma_wait3A_265 = tpu.memref_squeeze %dma_wait3A_264 : memref<1x!tpu.dma_semaphore, #tpu.memory_space<semaphore_mem>> -> memref<!tpu.dma_semaphore, #tpu.memory_space<semaphore_mem>>
        tpu.wait_indirect_dma semaphore(%dma_wait3A_265 : memref<!tpu.dma_semaphore, #tpu.memory_space<semaphore_mem>>) src(%dma_wait3A_263 : memref<10000x128xf32, #tpu.memory_space<hbm>>) dst(%dma_wait3A_259 : memref<40x128xf32, #tpu.memory_space<vmem>>)
        %scan3A_266 = arith.constant 0 : i32
        %scan3A_267 = arith.constant 0 : i32
        %scan3A_268 = arith.constant 40 : i32
        %scan3A_269 = arith.addi %scan3A_267, %scan3A_268 : i32
        %scan3A_270 = arith.constant 1 : i32
        scf.for %scan3A_291 = %scan3A_267 to %scan3A_269 step %scan3A_270  : i32 {
          %get3A = arith.constant 3 : i32
          %get3A_292 = arith.index_cast %get3A : i32 to index
          %get3A_293 = arith.index_cast %scan3A_291 : i32 to index
          %get3A_294 = arith.constant 0 : index
          %get3A_295 = tpu.vector_load %arg9[%get3A_292, %get3A_293, %get3A_294] {strides = array<i32>} : memref<4x40x128xf32, #tpu.memory_space<vmem>>, vector<1x1x16xf32>,
          %get3A_296 = vector.shape_cast %get3A_295 : vector<1x1x16xf32> to vector<16xf32>
          %get3A_297 = arith.constant 3 : i32
          %get3A_298 = arith.index_cast %get3A_297 : i32 to index
          %get3A_299 = arith.index_cast %scan3A_291 : i32 to index
          %get3A_300 = arith.constant 0 : index
          %get3A_301 = tpu.vector_load %arg10[%get3A_298, %get3A_299, %get3A_300] {strides = array<i32>} : memref<4x40x128xf32, #tpu.memory_space<vmem>>, vector<1x1x16xf32>,
          %get3A_302 = vector.shape_cast %get3A_301 : vector<1x1x16xf32> to vector<16xf32>
          %add3A_303 = arith.addf %get3A_296, %get3A_302 : vector<16xf32>
          %swap3A = arith.constant 3 : i32
          %swap3A_304 = arith.index_cast %swap3A : i32 to index
          %swap3A_305 = arith.index_cast %scan3A_291 : i32 to index
          %swap3A_306 = arith.constant 0 : index
          %swap3A_307 = tpu.vector_load %arg9[%swap3A_304, %swap3A_305, %swap3A_306] {strides = array<i32>} : memref<4x40x128xf32, #tpu.memory_space<vmem>>, vector<1x1x16xf32>,
          %swap3A_308 = vector.shape_cast %swap3A_307 : vector<1x1x16xf32> to vector<16xf32>
          %swap3A_309 = vector.shape_cast %add3A_303 : vector<16xf32> to vector<1x1x16xf32>
          tpu.vector_store %arg9[%swap3A_304, %swap3A_305, %swap3A_306], %swap3A_309 {strides = array<i32>} : memref<4x40x128xf32, #tpu.memory_space<vmem>>, vector<1x1x16xf32>,
          %get3A_310 = arith.constant 3 : i32
          %get3A_311 = arith.index_cast %get3A_310 : i32 to index
          %get3A_312 = arith.index_cast %scan3A_291 : i32 to index
          %get3A_313 = arith.constant 16 : index
          %get3A_314 = tpu.vector_load %arg9[%get3A_311, %get3A_312, %get3A_313] {strides = array<i32>} : memref<4x40x128xf32, #tpu.memory_space<vmem>>, vector<1x1x16xf32>,
          %get3A_315 = vector.shape_cast %get3A_314 : vector<1x1x16xf32> to vector<16xf32>
          %get3A_316 = arith.constant 3 : i32
          %get3A_317 = arith.index_cast %get3A_316 : i32 to index
          %get3A_318 = arith.index_cast %scan3A_291 : i32 to index
          %get3A_319 = arith.constant 16 : index
          %get3A_320 = tpu.vector_load %arg10[%get3A_317, %get3A_318, %get3A_319] {strides = array<i32>} : memref<4x40x128xf32, #tpu.memory_space<vmem>>, vector<1x1x16xf32>,
          %get3A_321 = vector.shape_cast %get3A_320 : vector<1x1x16xf32> to vector<16xf32>
          %add3A_322 = arith.addf %get3A_315, %get3A_321 : vector<16xf32>
          %swap3A_323 = arith.constant 3 : i32
          %swap3A_324 = arith.index_cast %swap3A_323 : i32 to index
          %swap3A_325 = arith.index_cast %scan3A_291 : i32 to index
          %swap3A_326 = arith.constant 16 : index
          %swap3A_327 = tpu.vector_load %arg9[%swap3A_324, %swap3A_325, %swap3A_326] {strides = array<i32>} : memref<4x40x128xf32, #tpu.memory_space<vmem>>, vector<1x1x16xf32>,
          %swap3A_328 = vector.shape_cast %swap3A_327 : vector<1x1x16xf32> to vector<16xf32>
          %swap3A_329 = vector.shape_cast %add3A_322 : vector<16xf32> to vector<1x1x16xf32>
          tpu.vector_store %arg9[%swap3A_324, %swap3A_325, %swap3A_326], %swap3A_329 {strides = array<i32>} : memref<4x40x128xf32, #tpu.memory_space<vmem>>, vector<1x1x16xf32>,
          %get3A_330 = arith.constant 3 : i32
          %get3A_331 = arith.index_cast %get3A_330 : i32 to index
          %get3A_332 = arith.index_cast %scan3A_291 : i32 to index
          %get3A_333 = arith.constant 32 : index
          %get3A_334 = tpu.vector_load %arg9[%get3A_331, %get3A_332, %get3A_333] {strides = array<i32>} : memref<4x40x128xf32, #tpu.memory_space<vmem>>, vector<1x1x16xf32>,
          %get3A_335 = vector.shape_cast %get3A_334 : vector<1x1x16xf32> to vector<16xf32>
          %get3A_336 = arith.constant 3 : i32
          %get3A_337 = arith.index_cast %get3A_336 : i32 to index
          %get3A_338 = arith.index_cast %scan3A_291 : i32 to index
          %get3A_339 = arith.constant 32 : index
          %get3A_340 = tpu.vector_load %arg10[%get3A_337, %get3A_338, %get3A_339] {strides = array<i32>} : memref<4x40x128xf32, #tpu.memory_space<vmem>>, vector<1x1x16xf32>,
          %get3A_341 = vector.shape_cast %get3A_340 : vector<1x1x16xf32> to vector<16xf32>
          %add3A_342 = arith.addf %get3A_335, %get3A_341 : vector<16xf32>
          %swap3A_343 = arith.constant 3 : i32
          %swap3A_344 = arith.index_cast %swap3A_343 : i32 to index
          %swap3A_345 = arith.index_cast %scan3A_291 : i32 to index
          %swap3A_346 = arith.constant 32 : index
          %swap3A_347 = tpu.vector_load %arg9[%swap3A_344, %swap3A_345, %swap3A_346] {strides = array<i32>} : memref<4x40x128xf32, #tpu.memory_space<vmem>>, vector<1x1x16xf32>,
          %swap3A_348 = vector.shape_cast %swap3A_347 : vector<1x1x16xf32> to vector<16xf32>
          %swap3A_349 = vector.shape_cast %add3A_342 : vector<16xf32> to vector<1x1x16xf32>
          tpu.vector_store %arg9[%swap3A_344, %swap3A_345, %swap3A_346], %swap3A_349 {strides = array<i32>} : memref<4x40x128xf32, #tpu.memory_space<vmem>>, vector<1x1x16xf32>,
          %get3A_350 = arith.constant 3 : i32
          %get3A_351 = arith.index_cast %get3A_350 : i32 to index
          %get3A_352 = arith.index_cast %scan3A_291 : i32 to index
          %get3A_353 = arith.constant 48 : index
          %get3A_354 = tpu.vector_load %arg9[%get3A_351, %get3A_352, %get3A_353] {strides = array<i32>} : memref<4x40x128xf32, #tpu.memory_space<vmem>>, vector<1x1x16xf32>,
          %get3A_355 = vector.shape_cast %get3A_354 : vector<1x1x16xf32> to vector<16xf32>
          %get3A_356 = arith.constant 3 : i32
          %get3A_357 = arith.index_cast %get3A_356 : i32 to index
          %get3A_358 = arith.index_cast %scan3A_291 : i32 to index
          %get3A_359 = arith.constant 48 : index
          %get3A_360 = tpu.vector_load %arg10[%get3A_357, %get3A_358, %get3A_359] {strides = array<i32>} : memref<4x40x128xf32, #tpu.memory_space<vmem>>, vector<1x1x16xf32>,
          %get3A_361 = vector.shape_cast %get3A_360 : vector<1x1x16xf32> to vector<16xf32>
          %add3A_362 = arith.addf %get3A_355, %get3A_361 : vector<16xf32>
          %swap3A_363 = arith.constant 3 : i32
          %swap3A_364 = arith.index_cast %swap3A_363 : i32 to index
          %swap3A_365 = arith.index_cast %scan3A_291 : i32 to index
          %swap3A_366 = arith.constant 48 : index
          %swap3A_367 = tpu.vector_load %arg9[%swap3A_364, %swap3A_365, %swap3A_366] {strides = array<i32>} : memref<4x40x128xf32, #tpu.memory_space<vmem>>, vector<1x1x16xf32>,
          %swap3A_368 = vector.shape_cast %swap3A_367 : vector<1x1x16xf32> to vector<16xf32>
          %swap3A_369 = vector.shape_cast %add3A_362 : vector<16xf32> to vector<1x1x16xf32>
          tpu.vector_store %arg9[%swap3A_364, %swap3A_365, %swap3A_366], %swap3A_369 {strides = array<i32>} : memref<4x40x128xf32, #tpu.memory_space<vmem>>, vector<1x1x16xf32>,
          %get3A_370 = arith.constant 3 : i32
          %get3A_371 = arith.index_cast %get3A_370 : i32 to index
          %get3A_372 = arith.index_cast %scan3A_291 : i32 to index
          %get3A_373 = arith.constant 64 : index
          %get3A_374 = tpu.vector_load %arg9[%get3A_371, %get3A_372, %get3A_373] {strides = array<i32>} : memref<4x40x128xf32, #tpu.memory_space<vmem>>, vector<1x1x16xf32>,
          %get3A_375 = vector.shape_cast %get3A_374 : vector<1x1x16xf32> to vector<16xf32>
          %get3A_376 = arith.constant 3 : i32
          %get3A_377 = arith.index_cast %get3A_376 : i32 to index
          %get3A_378 = arith.index_cast %scan3A_291 : i32 to index
          %get3A_379 = arith.constant 64 : index
          %get3A_380 = tpu.vector_load %arg10[%get3A_377, %get3A_378, %get3A_379] {strides = array<i32>} : memref<4x40x128xf32, #tpu.memory_space<vmem>>, vector<1x1x16xf32>,
          %get3A_381 = vector.shape_cast %get3A_380 : vector<1x1x16xf32> to vector<16xf32>
          %add3A_382 = arith.addf %get3A_375, %get3A_381 : vector<16xf32>
          %swap3A_383 = arith.constant 3 : i32
          %swap3A_384 = arith.index_cast %swap3A_383 : i32 to index
          %swap3A_385 = arith.index_cast %scan3A_291 : i32 to index
          %swap3A_386 = arith.constant 64 : index
          %swap3A_387 = tpu.vector_load %arg9[%swap3A_384, %swap3A_385, %swap3A_386] {strides = array<i32>} : memref<4x40x128xf32, #tpu.memory_space<vmem>>, vector<1x1x16xf32>,
          %swap3A_388 = vector.shape_cast %swap3A_387 : vector<1x1x16xf32> to vector<16xf32>
          %swap3A_389 = vector.shape_cast %add3A_382 : vector<16xf32> to vector<1x1x16xf32>
          tpu.vector_store %arg9[%swap3A_384, %swap3A_385, %swap3A_386], %swap3A_389 {strides = array<i32>} : memref<4x40x128xf32, #tpu.memory_space<vmem>>, vector<1x1x16xf32>,
          %get3A_390 = arith.constant 3 : i32
          %get3A_391 = arith.index_cast %get3A_390 : i32 to index
          %get3A_392 = arith.index_cast %scan3A_291 : i32 to index
          %get3A_393 = arith.constant 80 : index
          %get3A_394 = tpu.vector_load %arg9[%get3A_391, %get3A_392, %get3A_393] {strides = array<i32>} : memref<4x40x128xf32, #tpu.memory_space<vmem>>, vector<1x1x16xf32>,
          %get3A_395 = vector.shape_cast %get3A_394 : vector<1x1x16xf32> to vector<16xf32>
          %get3A_396 = arith.constant 3 : i32
          %get3A_397 = arith.index_cast %get3A_396 : i32 to index
          %get3A_398 = arith.index_cast %scan3A_291 : i32 to index
          %get3A_399 = arith.constant 80 : index
          %get3A_400 = tpu.vector_load %arg10[%get3A_397, %get3A_398, %get3A_399] {strides = array<i32>} : memref<4x40x128xf32, #tpu.memory_space<vmem>>, vector<1x1x16xf32>,
          %get3A_401 = vector.shape_cast %get3A_400 : vector<1x1x16xf32> to vector<16xf32>
          %add3A_402 = arith.addf %get3A_395, %get3A_401 : vector<16xf32>
          %swap3A_403 = arith.constant 3 : i32
          %swap3A_404 = arith.index_cast %swap3A_403 : i32 to index
          %swap3A_405 = arith.index_cast %scan3A_291 : i32 to index
          %swap3A_406 = arith.constant 80 : index
          %swap3A_407 = tpu.vector_load %arg9[%swap3A_404, %swap3A_405, %swap3A_406] {strides = array<i32>} : memref<4x40x128xf32, #tpu.memory_space<vmem>>, vector<1x1x16xf32>,
          %swap3A_408 = vector.shape_cast %swap3A_407 : vector<1x1x16xf32> to vector<16xf32>
          %swap3A_409 = vector.shape_cast %add3A_402 : vector<16xf32> to vector<1x1x16xf32>
          tpu.vector_store %arg9[%swap3A_404, %swap3A_405, %swap3A_406], %swap3A_409 {strides = array<i32>} : memref<4x40x128xf32, #tpu.memory_space<vmem>>, vector<1x1x16xf32>,
          %get3A_410 = arith.constant 3 : i32
          %get3A_411 = arith.index_cast %get3A_410 : i32 to index
          %get3A_412 = arith.index_cast %scan3A_291 : i32 to index
          %get3A_413 = arith.constant 96 : index
          %get3A_414 = tpu.vector_load %arg9[%get3A_411, %get3A_412, %get3A_413] {strides = array<i32>} : memref<4x40x128xf32, #tpu.memory_space<vmem>>, vector<1x1x16xf32>,
          %get3A_415 = vector.shape_cast %get3A_414 : vector<1x1x16xf32> to vector<16xf32>
          %get3A_416 = arith.constant 3 : i32
          %get3A_417 = arith.index_cast %get3A_416 : i32 to index
          %get3A_418 = arith.index_cast %scan3A_291 : i32 to index
          %get3A_419 = arith.constant 96 : index
          %get3A_420 = tpu.vector_load %arg10[%get3A_417, %get3A_418, %get3A_419] {strides = array<i32>} : memref<4x40x128xf32, #tpu.memory_space<vmem>>, vector<1x1x16xf32>,
          %get3A_421 = vector.shape_cast %get3A_420 : vector<1x1x16xf32> to vector<16xf32>
          %add3A_422 = arith.addf %get3A_415, %get3A_421 : vector<16xf32>
          %swap3A_423 = arith.constant 3 : i32
          %swap3A_424 = arith.index_cast %swap3A_423 : i32 to index
          %swap3A_425 = arith.index_cast %scan3A_291 : i32 to index
          %swap3A_426 = arith.constant 96 : index
          %swap3A_427 = tpu.vector_load %arg9[%swap3A_424, %swap3A_425, %swap3A_426] {strides = array<i32>} : memref<4x40x128xf32, #tpu.memory_space<vmem>>, vector<1x1x16xf32>,
          %swap3A_428 = vector.shape_cast %swap3A_427 : vector<1x1x16xf32> to vector<16xf32>
          %swap3A_429 = vector.shape_cast %add3A_422 : vector<16xf32> to vector<1x1x16xf32>
          tpu.vector_store %arg9[%swap3A_424, %swap3A_425, %swap3A_426], %swap3A_429 {strides = array<i32>} : memref<4x40x128xf32, #tpu.memory_space<vmem>>, vector<1x1x16xf32>,
          %get3A_430 = arith.constant 3 : i32
          %get3A_431 = arith.index_cast %get3A_430 : i32 to index
          %get3A_432 = arith.index_cast %scan3A_291 : i32 to index
          %get3A_433 = arith.constant 112 : index
          %get3A_434 = tpu.vector_load %arg9[%get3A_431, %get3A_432, %get3A_433] {strides = array<i32>} : memref<4x40x128xf32, #tpu.memory_space<vmem>>, vector<1x1x16xf32>,
          %get3A_435 = vector.shape_cast %get3A_434 : vector<1x1x16xf32> to vector<16xf32>
          %get3A_436 = arith.constant 3 : i32
          %get3A_437 = arith.index_cast %get3A_436 : i32 to index
          %get3A_438 = arith.index_cast %scan3A_291 : i32 to index
          %get3A_439 = arith.constant 112 : index
          %get3A_440 = tpu.vector_load %arg10[%get3A_437, %get3A_438, %get3A_439] {strides = array<i32>} : memref<4x40x128xf32, #tpu.memory_space<vmem>>, vector<1x1x16xf32>,
          %get3A_441 = vector.shape_cast %get3A_440 : vector<1x1x16xf32> to vector<16xf32>
          %add3A_442 = arith.addf %get3A_435, %get3A_441 : vector<16xf32>
          %swap3A_443 = arith.constant 3 : i32
          %swap3A_444 = arith.index_cast %swap3A_443 : i32 to index
          %swap3A_445 = arith.index_cast %scan3A_291 : i32 to index
          %swap3A_446 = arith.constant 112 : index
          %swap3A_447 = tpu.vector_load %arg9[%swap3A_444, %swap3A_445, %swap3A_446] {strides = array<i32>} : memref<4x40x128xf32, #tpu.memory_space<vmem>>, vector<1x1x16xf32>,
          %swap3A_448 = vector.shape_cast %swap3A_447 : vector<1x1x16xf32> to vector<16xf32>
          %swap3A_449 = vector.shape_cast %add3A_442 : vector<16xf32> to vector<1x1x16xf32>
          tpu.vector_store %arg9[%swap3A_444, %swap3A_445, %swap3A_446], %swap3A_449 {strides = array<i32>} : memref<4x40x128xf32, #tpu.memory_space<vmem>>, vector<1x1x16xf32>,
        }
        %scan3A_271 = arith.constant 40 : i32
        %mul3A_272 = arith.constant 40 : i32
        %mul3A_273 = arith.muli %add3A_215, %mul3A_272 : i32
        %add3A_274 = arith.addi %mul3A_2, %mul3A_273 : i32
        %dma_start3A_275 = arith.constant 3 : i32
        %dma_start3A_276 = arith.constant 3 : i32
        %dma_start3A_277 = arith.constant 0 : i32
        %dma_start3A_278 = arith.constant 0 : i32
        %dma_start3A_279 = tpu.memref_slice %arg9[%dma_start3A_275, %dma_start3A_277, %dma_start3A_278] : memref<4x40x128xf32, #tpu.memory_space<vmem>> -> memref<1x40x128xf32, #tpu.memory_space<vmem>>
        %dma_start3A_280 = tpu.memref_squeeze %dma_start3A_279 : memref<1x40x128xf32, #tpu.memory_space<vmem>> -> memref<40x128xf32, #tpu.memory_space<vmem>>
        %dma_start3A_281 = arith.constant 0 : i32
        %dma_start3A_282 = tpu.memref_slice %arg6[%add3A_274, %dma_start3A_281] : memref<320000x128xf32, #tpu.memory_space<hbm>> -> memref<40x128xf32, #tpu.memory_space<hbm>>
        %dma_start3A_283 = tpu.memref_slice %arg13[%dma_start3A_276] : memref<4x!tpu.dma_semaphore, #tpu.memory_space<semaphore_mem>> -> memref<1x!tpu.dma_semaphore, #tpu.memory_space<semaphore_mem>>
        %dma_start3A_284 = tpu.memref_squeeze %dma_start3A_283 : memref<1x!tpu.dma_semaphore, #tpu.memory_space<semaphore_mem>> -> memref<!tpu.dma_semaphore, #tpu.memory_space<semaphore_mem>>
        %dma_start3A_285 = arith.constant 0 : i32
        %dma_start3A_286 = tpu.memref_slice %arg6[%add3A_274, %dma_start3A_285] : memref<320000x128xf32, #tpu.memory_space<hbm>> -> memref<40x128xf32, #tpu.memory_space<hbm>>
        %dma_start3A_287 = arith.constant 0 : i32
        %dma_start3A_288 = arith.constant 0 : i32
        %dma_start3A_289 = tpu.memref_slice %arg9[%dma_start3A_275, %dma_start3A_287, %dma_start3A_288] : memref<4x40x128xf32, #tpu.memory_space<vmem>> -> memref<1x40x128xf32, #tpu.memory_space<vmem>>
        %dma_start3A_290 = tpu.memref_squeeze %dma_start3A_289 : memref<1x40x128xf32, #tpu.memory_space<vmem>> -> memref<40x128xf32, #tpu.memory_space<vmem>>
        tpu.enqueue_dma source(%dma_start3A_290 : memref<40x128xf32, #tpu.memory_space<vmem>>) target(%dma_start3A_286 : memref<40x128xf32, #tpu.memory_space<hbm>>) target_semaphore(%dma_start3A_284 : memref<!tpu.dma_semaphore, #tpu.memory_space<semaphore_mem>>)
      } else {
      }
    }
    %scan3A_65 = arith.constant 63 : i32
    %add3A_66 = arith.constant 9840 : i32
    %add3A_67 = arith.addi %mul3A_2, %add3A_66 : i32
    %dma_wait3A_68 = arith.constant 2 : i32
    %dma_wait3A_69 = arith.constant 2 : i32
    %dma_wait3A_70 = arith.constant 0 : i32
    %dma_wait3A_71 = arith.constant 0 : i32
    %dma_wait3A_72 = tpu.memref_slice %arg9[%dma_wait3A_68, %dma_wait3A_70, %dma_wait3A_71] : memref<4x40x128xf32, #tpu.memory_space<vmem>> -> memref<1x40x128xf32, #tpu.memory_space<vmem>>
    %dma_wait3A_73 = tpu.memref_squeeze %dma_wait3A_72 : memref<1x40x128xf32, #tpu.memory_space<vmem>> -> memref<40x128xf32, #tpu.memory_space<vmem>>
    %dma_wait3A_74 = arith.constant 0 : i32
    %dma_wait3A_75 = tpu.memref_slice %arg6[%add3A_67, %dma_wait3A_74] : memref<320000x128xf32, #tpu.memory_space<hbm>> -> memref<40x128xf32, #tpu.memory_space<hbm>>
    %dma_wait3A_76 = tpu.memref_slice %arg13[%dma_wait3A_69] : memref<4x!tpu.dma_semaphore, #tpu.memory_space<semaphore_mem>> -> memref<1x!tpu.dma_semaphore, #tpu.memory_space<semaphore_mem>>
    %dma_wait3A_77 = tpu.memref_squeeze %dma_wait3A_76 : memref<1x!tpu.dma_semaphore, #tpu.memory_space<semaphore_mem>> -> memref<!tpu.dma_semaphore, #tpu.memory_space<semaphore_mem>>
    %dma_wait3A_78 = arith.constant 0 : i32
    %dma_wait3A_79 = tpu.memref_slice %arg6[%add3A_67, %dma_wait3A_78] : memref<320000x128xf32, #tpu.memory_space<hbm>> -> memref<40x128xf32, #tpu.memory_space<hbm>>
    %dma_wait3A_80 = arith.constant 0 : i32
    %dma_wait3A_81 = arith.constant 0 : i32
    %dma_wait3A_82 = tpu.memref_slice %arg9[%dma_wait3A_68, %dma_wait3A_80, %dma_wait3A_81] : memref<4x40x128xf32, #tpu.memory_space<vmem>> -> memref<1x40x128xf32, #tpu.memory_space<vmem>>
    %dma_wait3A_83 = tpu.memref_squeeze %dma_wait3A_82 : memref<1x40x128xf32, #tpu.memory_space<vmem>> -> memref<40x128xf32, #tpu.memory_space<vmem>>
    tpu.wait_dma2 semaphore(%dma_wait3A_77 : memref<!tpu.dma_semaphore, #tpu.memory_space<semaphore_mem>>) src(%dma_wait3A_83 : memref<40x128xf32, #tpu.memory_space<vmem>>) dst(%dma_wait3A_79 : memref<40x128xf32, #tpu.memory_space<hbm>>)
    %add3A_84 = arith.constant 9880 : i32
    %add3A_85 = arith.addi %mul3A_2, %add3A_84 : i32
    %dma_wait3A_86 = arith.constant 3 : i32
    %dma_wait3A_87 = arith.constant 3 : i32
    %dma_wait3A_88 = arith.constant 0 : i32
    %dma_wait3A_89 = arith.constant 0 : i32
    %dma_wait3A_90 = tpu.memref_slice %arg9[%dma_wait3A_86, %dma_wait3A_88, %dma_wait3A_89] : memref<4x40x128xf32, #tpu.memory_space<vmem>> -> memref<1x40x128xf32, #tpu.memory_space<vmem>>
    %dma_wait3A_91 = tpu.memref_squeeze %dma_wait3A_90 : memref<1x40x128xf32, #tpu.memory_space<vmem>> -> memref<40x128xf32, #tpu.memory_space<vmem>>
    %dma_wait3A_92 = arith.constant 0 : i32
    %dma_wait3A_93 = tpu.memref_slice %arg6[%add3A_85, %dma_wait3A_92] : memref<320000x128xf32, #tpu.memory_space<hbm>> -> memref<40x128xf32, #tpu.memory_space<hbm>>
    %dma_wait3A_94 = tpu.memref_slice %arg13[%dma_wait3A_87] : memref<4x!tpu.dma_semaphore, #tpu.memory_space<semaphore_mem>> -> memref<1x!tpu.dma_semaphore, #tpu.memory_space<semaphore_mem>>
    %dma_wait3A_95 = tpu.memref_squeeze %dma_wait3A_94 : memref<1x!tpu.dma_semaphore, #tpu.memory_space<semaphore_mem>> -> memref<!tpu.dma_semaphore, #tpu.memory_space<semaphore_mem>>
    %dma_wait3A_96 = arith.constant 0 : i32
    %dma_wait3A_97 = tpu.memref_slice %arg6[%add3A_85, %dma_wait3A_96] : memref<320000x128xf32, #tpu.memory_space<hbm>> -> memref<40x128xf32, #tpu.memory_space<hbm>>
    %dma_wait3A_98 = arith.constant 0 : i32
    %dma_wait3A_99 = arith.constant 0 : i32
    %dma_wait3A_100 = tpu.memref_slice %arg9[%dma_wait3A_86, %dma_wait3A_98, %dma_wait3A_99] : memref<4x40x128xf32, #tpu.memory_space<vmem>> -> memref<1x40x128xf32, #tpu.memory_space<vmem>>
    %dma_wait3A_101 = tpu.memref_squeeze %dma_wait3A_100 : memref<1x40x128xf32, #tpu.memory_space<vmem>> -> memref<40x128xf32, #tpu.memory_space<vmem>>
    tpu.wait_dma2 semaphore(%dma_wait3A_95 : memref<!tpu.dma_semaphore, #tpu.memory_space<semaphore_mem>>) src(%dma_wait3A_101 : memref<40x128xf32, #tpu.memory_space<vmem>>) dst(%dma_wait3A_97 : memref<40x128xf32, #tpu.memory_space<hbm>>)
    %add3A_102 = arith.constant 9920 : i32
    %add3A_103 = arith.addi %mul3A_2, %add3A_102 : i32
    %dma_wait3A_104 = arith.constant 0 : i32
    %dma_wait3A_105 = arith.constant 0 : i32
    %dma_wait3A_106 = arith.constant 0 : i32
    %dma_wait3A_107 = arith.constant 0 : i32
    %dma_wait3A_108 = tpu.memref_slice %arg9[%dma_wait3A_104, %dma_wait3A_106, %dma_wait3A_107] : memref<4x40x128xf32, #tpu.memory_space<vmem>> -> memref<1x40x128xf32, #tpu.memory_space<vmem>>
    %dma_wait3A_109 = tpu.memref_squeeze %dma_wait3A_108 : memref<1x40x128xf32, #tpu.memory_space<vmem>> -> memref<40x128xf32, #tpu.memory_space<vmem>>
    %dma_wait3A_110 = arith.constant 0 : i32
    %dma_wait3A_111 = tpu.memref_slice %arg6[%add3A_103, %dma_wait3A_110] : memref<320000x128xf32, #tpu.memory_space<hbm>> -> memref<40x128xf32, #tpu.memory_space<hbm>>
    %dma_wait3A_112 = tpu.memref_slice %arg13[%dma_wait3A_105] : memref<4x!tpu.dma_semaphore, #tpu.memory_space<semaphore_mem>> -> memref<1x!tpu.dma_semaphore, #tpu.memory_space<semaphore_mem>>
    %dma_wait3A_113 = tpu.memref_squeeze %dma_wait3A_112 : memref<1x!tpu.dma_semaphore, #tpu.memory_space<semaphore_mem>> -> memref<!tpu.dma_semaphore, #tpu.memory_space<semaphore_mem>>
    %dma_wait3A_114 = arith.constant 0 : i32
    %dma_wait3A_115 = tpu.memref_slice %arg6[%add3A_103, %dma_wait3A_114] : memref<320000x128xf32, #tpu.memory_space<hbm>> -> memref<40x128xf32, #tpu.memory_space<hbm>>
    %dma_wait3A_116 = arith.constant 0 : i32
    %dma_wait3A_117 = arith.constant 0 : i32
    %dma_wait3A_118 = tpu.memref_slice %arg9[%dma_wait3A_104, %dma_wait3A_116, %dma_wait3A_117] : memref<4x40x128xf32, #tpu.memory_space<vmem>> -> memref<1x40x128xf32, #tpu.memory_space<vmem>>
    %dma_wait3A_119 = tpu.memref_squeeze %dma_wait3A_118 : memref<1x40x128xf32, #tpu.memory_space<vmem>> -> memref<40x128xf32, #tpu.memory_space<vmem>>
    tpu.wait_dma2 semaphore(%dma_wait3A_113 : memref<!tpu.dma_semaphore, #tpu.memory_space<semaphore_mem>>) src(%dma_wait3A_119 : memref<40x128xf32, #tpu.memory_space<vmem>>) dst(%dma_wait3A_115 : memref<40x128xf32, #tpu.memory_space<hbm>>)
    %add3A_120 = arith.constant 9960 : i32
    %add3A_121 = arith.addi %mul3A_2, %add3A_120 : i32
    %dma_wait3A_122 = arith.constant 1 : i32
    %dma_wait3A_123 = arith.constant 1 : i32
    %dma_wait3A_124 = arith.constant 0 : i32
    %dma_wait3A_125 = arith.constant 0 : i32
    %dma_wait3A_126 = tpu.memref_slice %arg9[%dma_wait3A_122, %dma_wait3A_124, %dma_wait3A_125] : memref<4x40x128xf32, #tpu.memory_space<vmem>> -> memref<1x40x128xf32, #tpu.memory_space<vmem>>
    %dma_wait3A_127 = tpu.memref_squeeze %dma_wait3A_126 : memref<1x40x128xf32, #tpu.memory_space<vmem>> -> memref<40x128xf32, #tpu.memory_space<vmem>>
    %dma_wait3A_128 = arith.constant 0 : i32
    %dma_wait3A_129 = tpu.memref_slice %arg6[%add3A_121, %dma_wait3A_128] : memref<320000x128xf32, #tpu.memory_space<hbm>> -> memref<40x128xf32, #tpu.memory_space<hbm>>
    %dma_wait3A_130 = tpu.memref_slice %arg13[%dma_wait3A_123] : memref<4x!tpu.dma_semaphore, #tpu.memory_space<semaphore_mem>> -> memref<1x!tpu.dma_semaphore, #tpu.memory_space<semaphore_mem>>
    %dma_wait3A_131 = tpu.memref_squeeze %dma_wait3A_130 : memref<1x!tpu.dma_semaphore, #tpu.memory_space<semaphore_mem>> -> memref<!tpu.dma_semaphore, #tpu.memory_space<semaphore_mem>>
    %dma_wait3A_132 = arith.constant 0 : i32
    %dma_wait3A_133 = tpu.memref_slice %arg6[%add3A_121, %dma_wait3A_132] : memref<320000x128xf32, #tpu.memory_space<hbm>> -> memref<40x128xf32, #tpu.memory_space<hbm>>
    %dma_wait3A_134 = arith.constant 0 : i32
    %dma_wait3A_135 = arith.constant 0 : i32
    %dma_wait3A_136 = tpu.memref_slice %arg9[%dma_wait3A_122, %dma_wait3A_134, %dma_wait3A_135] : memref<4x40x128xf32, #tpu.memory_space<vmem>> -> memref<1x40x128xf32, #tpu.memory_space<vmem>>
    %dma_wait3A_137 = tpu.memref_squeeze %dma_wait3A_136 : memref<1x40x128xf32, #tpu.memory_space<vmem>> -> memref<40x128xf32, #tpu.memory_space<vmem>>
    tpu.wait_dma2 semaphore(%dma_wait3A_131 : memref<!tpu.dma_semaphore, #tpu.memory_space<semaphore_mem>>) src(%dma_wait3A_137 : memref<40x128xf32, #tpu.memory_space<vmem>>) dst(%dma_wait3A_133 : memref<40x128xf32, #tpu.memory_space<hbm>>)
    return
  }
}

module attributes {stable_mosaic.version = 14 : i64} {
  func.func @_tc1_body(%arg0: memref<10000x128xf32, #tpu.memory_space<vmem>>, %arg1: memref<128x256xf32, #tpu.memory_space<vmem>>, %arg2: memref<128x128xf32, #tpu.memory_space<vmem>>, %arg3: memref<1x128xf32, #tpu.memory_space<vmem>>, %arg4: memref<1x128xf32, #tpu.memory_space<vmem>>, %arg5: memref<10000x128xf32, #tpu.memory_space<vmem>>, %arg6: memref<10000x128xf32, #tpu.memory_space<vmem>>) attributes {dimension_semantics = [], scalar_prefetch = 0 : i64, scratch_operands = 0 : i64, tpu.core_type = #tpu.core_type<tc>} {
    %get3A = arith.constant 0 : index
    %get3A_0 = arith.constant 0 : index
    %get3A_1 = vector.load %arg3[%get3A, %get3A_0] : memref<1x128xf32, #tpu.memory_space<vmem>>, vector<1x128xf32>
    %get3A_2 = arith.constant 0 : index
    %get3A_3 = arith.constant 0 : index
    %get3A_4 = vector.load %arg2[%get3A_2, %get3A_3] : memref<128x128xf32, #tpu.memory_space<vmem>>, vector<128x128xf32>
    %dot_general3A = arith.constant dense<0.000000e+00> : vector<1x128xf32>
    %dot_general3A_5 = tpu.matmul %get3A_1, %get3A_4, %dot_general3A {dimension_numbers = #tpu.dot_dimension_numbers<[1], [0], [0], [1], [0, 0, 1, 1], [], []>, transpose_lhs_hint = false} : vector<1x128xf32>, vector<128x128xf32>, vector<1x128xf32> -> vector<1x128xf32>
    %get3A_6 = arith.constant 0 : index
    %get3A_7 = arith.constant 0 : index
    %get3A_8 = vector.load %arg4[%get3A_6, %get3A_7] : memref<1x128xf32, #tpu.memory_space<vmem>>, vector<1x128xf32>
    %add3A = arith.addf %dot_general3A_5, %get3A_8 : vector<1x128xf32>
    %get3A_9 = arith.constant 0 : index
    %get3A_10 = arith.constant 0 : index
    %get3A_11 = vector.load %arg0[%get3A_9, %get3A_10] : memref<10000x128xf32, #tpu.memory_space<vmem>>, vector<10000x128xf32>
    %get3A_12 = arith.constant 0 : index
    %get3A_13 = arith.constant 0 : index
    %get3A_14 = vector.load %arg1[%get3A_12, %get3A_13] : memref<128x256xf32, #tpu.memory_space<vmem>>, vector<128x256xf32>
    %dot_general3A_15 = arith.constant dense<0.000000e+00> : vector<10000x256xf32>
    %dot_general3A_16 = tpu.matmul %get3A_11, %get3A_14, %dot_general3A_15 {dimension_numbers = #tpu.dot_dimension_numbers<[1], [0], [0], [1], [0, 0, 1, 1], [], []>, transpose_lhs_hint = false} : vector<10000x128xf32>, vector<128x256xf32>, vector<10000x256xf32> -> vector<10000x256xf32>
    %slice3A = vector.extract_strided_slice %dot_general3A_16 {offsets = [0, 0], sizes = [10000, 128], strides = [1, 1]} : vector<10000x256xf32> to vector<10000x128xf32>
    %add3A_17 = vector.broadcast %add3A : vector<1x128xf32> to vector<10000x128xf32>
    %add3A_18 = arith.addf %slice3A, %add3A_17 : vector<10000x128xf32>
    %swap3A = arith.constant 0 : index
    %swap3A_19 = arith.constant 0 : index
    %swap3A_20 = vector.load %arg5[%swap3A, %swap3A_19] : memref<10000x128xf32, #tpu.memory_space<vmem>>, vector<10000x128xf32>
    tpu.vector_store %arg5[%swap3A, %swap3A_19], %add3A_18 {strides = array<i32>} : memref<10000x128xf32, #tpu.memory_space<vmem>>, vector<10000x128xf32>,
    %slice3A_21 = vector.extract_strided_slice %dot_general3A_16 {offsets = [0, 128], sizes = [10000, 128], strides = [1, 1]} : vector<10000x256xf32> to vector<10000x128xf32>
    %swap3A_22 = arith.constant 0 : index
    %swap3A_23 = arith.constant 0 : index
    %swap3A_24 = vector.load %arg6[%swap3A_22, %swap3A_23] : memref<10000x128xf32, #tpu.memory_space<vmem>>, vector<10000x128xf32>
    tpu.vector_store %arg6[%swap3A_22, %swap3A_23], %slice3A_21 {strides = array<i32>} : memref<10000x128xf32, #tpu.memory_space<vmem>>, vector<10000x128xf32>,
    return
  }
}

module attributes {stable_mosaic.version = 14 : i64} {
  func.func @_tc2_body(%arg0: i32, %arg1: memref<4000x128xf32, #tpu.memory_space<vmem>>, %arg2: memref<4000x16xf32, #tpu.memory_space<vmem>>, %arg3: memref<16x128xf32, #tpu.memory_space<vmem>>, %arg4: memref<128x16xf32, #tpu.memory_space<vmem>>, %arg5: memref<1x16xf32, #tpu.memory_space<vmem>>, %arg6: memref<4000x16xf32, #tpu.memory_space<vmem>>) attributes {dimension_semantics = [#tpu.dimension_semantics<arbitrary>], iteration_bounds = array<i64: 80>, scalar_prefetch = 0 : i64, scratch_operands = 0 : i64, tpu.core_type = #tpu.core_type<tc>, window_params = [{transform_indices = @transform_0, window_bounds = array<i64: 4000, 128>}, {transform_indices = @transform_1, window_bounds = array<i64: 4000, 16>}, {pipeline_mode = #tpu.pipeline_mode<synchronous>, transform_indices = @transform_2, window_bounds = array<i64: 16, 128>}, {pipeline_mode = #tpu.pipeline_mode<synchronous>, transform_indices = @transform_3, window_bounds = array<i64: 128, 16>}, {pipeline_mode = #tpu.pipeline_mode<synchronous>, transform_indices = @transform_4, window_bounds = array<i64: 1, 16>}, {transform_indices = @transform_5, window_bounds = array<i64: 4000, 16>}]} {
    %get3A = arith.constant 0 : index
    %get3A_0 = arith.constant 0 : index
    %get3A_1 = vector.load %arg1[%get3A, %get3A_0] : memref<4000x128xf32, #tpu.memory_space<vmem>>, vector<4000x128xf32>
    %get3A_2 = arith.constant 0 : index
    %get3A_3 = arith.constant 0 : index
    %get3A_4 = vector.load %arg2[%get3A_2, %get3A_3] : memref<4000x16xf32, #tpu.memory_space<vmem>>, vector<4000x16xf32>
    %get3A_5 = arith.constant 0 : index
    %get3A_6 = arith.constant 0 : index
    %get3A_7 = vector.load %arg3[%get3A_5, %get3A_6] : memref<16x128xf32, #tpu.memory_space<vmem>>, vector<16x128xf32>
    %dot_general3A = arith.constant dense<0.000000e+00> : vector<4000x128xf32>
    %dot_general3A_8 = tpu.matmul %get3A_4, %get3A_7, %dot_general3A {dimension_numbers = #tpu.dot_dimension_numbers<[1], [0], [0], [1], [0, 0, 1, 1], [], []>, transpose_lhs_hint = false} : vector<4000x16xf32>, vector<16x128xf32>, vector<4000x128xf32> -> vector<4000x128xf32>
    %add3A = arith.addf %get3A_1, %dot_general3A_8 : vector<4000x128xf32>
    %max3A = arith.constant 0.000000e+00 : f32
    %max3A_9 = vector.broadcast %max3A : f32 to vector<4000x128xf32>
    %max3A_10 = arith.maximumf %add3A, %max3A_9 : vector<4000x128xf32>
    %get3A_11 = arith.constant 0 : index
    %get3A_12 = arith.constant 0 : index
    %get3A_13 = vector.load %arg4[%get3A_11, %get3A_12] : memref<128x16xf32, #tpu.memory_space<vmem>>, vector<128x16xf32>
    %dot_general3A_14 = arith.constant dense<0.000000e+00> : vector<4000x16xf32>
    %dot_general3A_15 = tpu.matmul %max3A_10, %get3A_13, %dot_general3A_14 {dimension_numbers = #tpu.dot_dimension_numbers<[1], [0], [0], [1], [0, 0, 1, 1], [], []>, transpose_lhs_hint = false} : vector<4000x128xf32>, vector<128x16xf32>, vector<4000x16xf32> -> vector<4000x16xf32>
    %get3A_16 = arith.constant 0 : index
    %get3A_17 = arith.constant 0 : index
    %get3A_18 = vector.load %arg5[%get3A_16, %get3A_17] : memref<1x16xf32, #tpu.memory_space<vmem>>, vector<1x16xf32>
    %add3A_19 = vector.broadcast %get3A_18 : vector<1x16xf32> to vector<4000x16xf32>
    %add3A_20 = arith.addf %dot_general3A_15, %add3A_19 : vector<4000x16xf32>
    %swap3A = arith.constant 0 : index
    %swap3A_21 = arith.constant 0 : index
    %swap3A_22 = vector.load %arg6[%swap3A, %swap3A_21] : memref<4000x16xf32, #tpu.memory_space<vmem>>, vector<4000x16xf32>
    tpu.vector_store %arg6[%swap3A, %swap3A_21], %add3A_20 {strides = array<i32>} : memref<4000x16xf32, #tpu.memory_space<vmem>>, vector<4000x16xf32>,
    return
  }
  func.func @transform_0(%arg0: i32) -> (i32, i32) {
    %c0_i32 = arith.constant 0 : i32
    %c0_i32_0 = arith.constant 0 : i32
    return %arg0, %c0_i32 : i32, i32
  }
  func.func @transform_1(%arg0: i32) -> (i32, i32) {
    %c0_i32 = arith.constant 0 : i32
    %c0_i32_0 = arith.constant 0 : i32
    return %arg0, %c0_i32 : i32, i32
  }
  func.func @transform_2(%arg0: i32) -> (i32, i32) {
    %c0_i32 = arith.constant 0 : i32
    %c0_i32_0 = arith.constant 0 : i32
    %c0_i32_1 = arith.constant 0 : i32
    return %c0_i32, %c0_i32_0 : i32, i32
  }
  func.func @transform_3(%arg0: i32) -> (i32, i32) {
    %c0_i32 = arith.constant 0 : i32
    %c0_i32_0 = arith.constant 0 : i32
    %c0_i32_1 = arith.constant 0 : i32
    return %c0_i32, %c0_i32_0 : i32, i32
  }
  func.func @transform_4(%arg0: i32) -> (i32, i32) {
    %c0_i32 = arith.constant 0 : i32
    %c0_i32_0 = arith.constant 0 : i32
    %c0_i32_1 = arith.constant 0 : i32
    return %c0_i32, %c0_i32_0 : i32, i32
  }
  func.func @transform_5(%arg0: i32) -> (i32, i32) {
    %c0_i32 = arith.constant 0 : i32
    %c0_i32_0 = arith.constant 0 : i32
    return %arg0, %c0_i32 : i32, i32
  }
}

module attributes {stable_mosaic.version = 14 : i64} {
  func.func @_tc3_body(%arg0: memref<10000x128xf32, #tpu.memory_space<vmem>>, %arg1: memref<2x2x10000x16xf32, #tpu.memory_space<vmem>>, %arg2: memref<1x128xf32, #tpu.memory_space<vmem>>, %arg3: memref<128x128xf32, #tpu.memory_space<vmem>>, %arg4: memref<16x128xf32, #tpu.memory_space<vmem>>, %arg5: memref<16x128xf32, #tpu.memory_space<vmem>>, %arg6: memref<128x128xf32, #tpu.memory_space<vmem>>, %arg7: memref<1x128xf32, #tpu.memory_space<vmem>>, %arg8: memref<128x128xf32, #tpu.memory_space<vmem>>, %arg9: memref<1x128xf32, #tpu.memory_space<vmem>>, %arg10: memref<128x128xf32, #tpu.memory_space<vmem>>, %arg11: memref<128x128xf32, #tpu.memory_space<vmem>>, %arg12: memref<16x128xf32, #tpu.memory_space<vmem>>, %arg13: memref<1x128xf32, #tpu.memory_space<vmem>>, %arg14: memref<128x128xf32, #tpu.memory_space<vmem>>, %arg15: memref<1x128xf32, #tpu.memory_space<vmem>>, %arg16: memref<10000x128xf32, #tpu.memory_space<vmem>>, %arg17: memref<1x128xf32, #tpu.memory_space<vmem>>) attributes {dimension_semantics = [], scalar_prefetch = 0 : i64, scratch_operands = 0 : i64, tpu.core_type = #tpu.core_type<tc>} {
    %get3A = arith.constant 0 : index
    %get3A_0 = arith.constant 0 : index
    %get3A_1 = arith.constant 0 : index
    %get3A_2 = arith.constant 0 : index
    %get3A_3 = vector.load %arg1[%get3A, %get3A_0, %get3A_1, %get3A_2] : memref<2x2x10000x16xf32, #tpu.memory_space<vmem>>, vector<1x1x10000x16xf32>
    %get3A_4 = vector.shape_cast %get3A_3 : vector<1x1x10000x16xf32> to vector<10000x16xf32>
    %get3A_5 = arith.constant 1 : index
    %get3A_6 = arith.constant 0 : index
    %get3A_7 = arith.constant 0 : index
    %get3A_8 = arith.constant 0 : index
    %get3A_9 = vector.load %arg1[%get3A_5, %get3A_6, %get3A_7, %get3A_8] : memref<2x2x10000x16xf32, #tpu.memory_space<vmem>>, vector<1x1x10000x16xf32>
    %get3A_10 = vector.shape_cast %get3A_9 : vector<1x1x10000x16xf32> to vector<10000x16xf32>
    %add3A = arith.addf %get3A_4, %get3A_10 : vector<10000x16xf32>
    %get3A_11 = arith.constant 0 : index
    %get3A_12 = arith.constant 1 : index
    %get3A_13 = arith.constant 0 : index
    %get3A_14 = arith.constant 0 : index
    %get3A_15 = vector.load %arg1[%get3A_11, %get3A_12, %get3A_13, %get3A_14] : memref<2x2x10000x16xf32, #tpu.memory_space<vmem>>, vector<1x1x10000x16xf32>
    %get3A_16 = vector.shape_cast %get3A_15 : vector<1x1x10000x16xf32> to vector<10000x16xf32>
    %get3A_17 = arith.constant 1 : index
    %get3A_18 = arith.constant 1 : index
    %get3A_19 = arith.constant 0 : index
    %get3A_20 = arith.constant 0 : index
    %get3A_21 = vector.load %arg1[%get3A_17, %get3A_18, %get3A_19, %get3A_20] : memref<2x2x10000x16xf32, #tpu.memory_space<vmem>>, vector<1x1x10000x16xf32>
    %get3A_22 = vector.shape_cast %get3A_21 : vector<1x1x10000x16xf32> to vector<10000x16xf32>
    %add3A_23 = arith.addf %get3A_16, %get3A_22 : vector<10000x16xf32>
    %get3A_24 = arith.constant 0 : index
    %get3A_25 = arith.constant 0 : index
    %get3A_26 = vector.load %arg0[%get3A_24, %get3A_25] : memref<10000x128xf32, #tpu.memory_space<vmem>>, vector<10000x128xf32>
    %get3A_27 = arith.constant 0 : index
    %get3A_28 = arith.constant 0 : index
    %get3A_29 = vector.load %arg3[%get3A_27, %get3A_28] : memref<128x128xf32, #tpu.memory_space<vmem>>, vector<128x128xf32>
    %dot_general3A = arith.constant dense<0.000000e+00> : vector<10000x128xf32>
    %dot_general3A_30 = tpu.matmul %get3A_26, %get3A_29, %dot_general3A {dimension_numbers = #tpu.dot_dimension_numbers<[1], [0], [0], [1], [0, 0, 1, 1], [], []>, transpose_lhs_hint = false} : vector<10000x128xf32>, vector<128x128xf32>, vector<10000x128xf32> -> vector<10000x128xf32>
    %get3A_31 = arith.constant 0 : index
    %get3A_32 = arith.constant 0 : index
    %get3A_33 = vector.load %arg4[%get3A_31, %get3A_32] : memref<16x128xf32, #tpu.memory_space<vmem>>, vector<16x128xf32>
    %dot_general3A_34 = arith.constant dense<0.000000e+00> : vector<10000x128xf32>
    %dot_general3A_35 = tpu.matmul %add3A, %get3A_33, %dot_general3A_34 {dimension_numbers = #tpu.dot_dimension_numbers<[1], [0], [0], [1], [0, 0, 1, 1], [], []>, transpose_lhs_hint = false} : vector<10000x16xf32>, vector<16x128xf32>, vector<10000x128xf32> -> vector<10000x128xf32>
    %add3A_36 = arith.addf %dot_general3A_30, %dot_general3A_35 : vector<10000x128xf32>
    %get3A_37 = arith.constant 0 : index
    %get3A_38 = arith.constant 0 : index
    %get3A_39 = vector.load %arg5[%get3A_37, %get3A_38] : memref<16x128xf32, #tpu.memory_space<vmem>>, vector<16x128xf32>
    %dot_general3A_40 = arith.constant dense<0.000000e+00> : vector<10000x128xf32>
    %dot_general3A_41 = tpu.matmul %add3A_23, %get3A_39, %dot_general3A_40 {dimension_numbers = #tpu.dot_dimension_numbers<[1], [0], [0], [1], [0, 0, 1, 1], [], []>, transpose_lhs_hint = false} : vector<10000x16xf32>, vector<16x128xf32>, vector<10000x128xf32> -> vector<10000x128xf32>
    %add3A_42 = arith.addf %add3A_36, %dot_general3A_41 : vector<10000x128xf32>
    %get3A_43 = arith.constant 0 : index
    %get3A_44 = arith.constant 0 : index
    %get3A_45 = vector.load %arg2[%get3A_43, %get3A_44] : memref<1x128xf32, #tpu.memory_space<vmem>>, vector<1x128xf32>
    %get3A_46 = arith.constant 0 : index
    %get3A_47 = arith.constant 0 : index
    %get3A_48 = vector.load %arg6[%get3A_46, %get3A_47] : memref<128x128xf32, #tpu.memory_space<vmem>>, vector<128x128xf32>
    %dot_general3A_49 = arith.constant dense<0.000000e+00> : vector<1x128xf32>
    %dot_general3A_50 = tpu.matmul %get3A_45, %get3A_48, %dot_general3A_49 {dimension_numbers = #tpu.dot_dimension_numbers<[1], [0], [0], [1], [0, 0, 1, 1], [], []>, transpose_lhs_hint = false} : vector<1x128xf32>, vector<128x128xf32>, vector<1x128xf32> -> vector<1x128xf32>
    %get3A_51 = arith.constant 0 : index
    %get3A_52 = arith.constant 0 : index
    %get3A_53 = vector.load %arg7[%get3A_51, %get3A_52] : memref<1x128xf32, #tpu.memory_space<vmem>>, vector<1x128xf32>
    %add3A_54 = arith.addf %dot_general3A_50, %get3A_53 : vector<1x128xf32>
    %add3A_55 = vector.broadcast %add3A_54 : vector<1x128xf32> to vector<10000x128xf32>
    %add3A_56 = arith.addf %add3A_42, %add3A_55 : vector<10000x128xf32>
    %max3A = arith.constant 0.000000e+00 : f32
    %max3A_57 = vector.broadcast %max3A : f32 to vector<10000x128xf32>
    %max3A_58 = arith.maximumf %add3A_56, %max3A_57 : vector<10000x128xf32>
    %get3A_59 = arith.constant 0 : index
    %get3A_60 = arith.constant 0 : index
    %get3A_61 = vector.load %arg8[%get3A_59, %get3A_60] : memref<128x128xf32, #tpu.memory_space<vmem>>, vector<128x128xf32>
    %dot_general3A_62 = arith.constant dense<0.000000e+00> : vector<10000x128xf32>
    %dot_general3A_63 = tpu.matmul %max3A_58, %get3A_61, %dot_general3A_62 {dimension_numbers = #tpu.dot_dimension_numbers<[1], [0], [0], [1], [0, 0, 1, 1], [], []>, transpose_lhs_hint = false} : vector<10000x128xf32>, vector<128x128xf32>, vector<10000x128xf32> -> vector<10000x128xf32>
    %get3A_64 = arith.constant 0 : index
    %get3A_65 = arith.constant 0 : index
    %get3A_66 = vector.load %arg9[%get3A_64, %get3A_65] : memref<1x128xf32, #tpu.memory_space<vmem>>, vector<1x128xf32>
    %add3A_67 = vector.broadcast %get3A_66 : vector<1x128xf32> to vector<10000x128xf32>
    %add3A_68 = arith.addf %dot_general3A_63, %add3A_67 : vector<10000x128xf32>
    %swap3A = arith.constant 0 : index
    %swap3A_69 = arith.constant 0 : index
    %swap3A_70 = vector.load %arg16[%swap3A, %swap3A_69] : memref<10000x128xf32, #tpu.memory_space<vmem>>, vector<10000x128xf32>
    tpu.vector_store %arg16[%swap3A, %swap3A_69], %add3A_68 {strides = array<i32>} : memref<10000x128xf32, #tpu.memory_space<vmem>>, vector<10000x128xf32>,
    %reduce_sum3A = arith.constant dense<0.000000e+00> : vector<128xf32>
    %reduce_sum3A_71 = vector.multi_reduction <add>, %add3A_68, %reduce_sum3A [0] : vector<10000x128xf32> to vector<128xf32>
    %broadcast_in_dim3A = vector.shape_cast %reduce_sum3A_71 : vector<128xf32> to vector<1x128xf32>
    %reduce_sum3A_72 = arith.constant dense<0.000000e+00> : vector<16xf32>
    %reduce_sum3A_73 = vector.multi_reduction <add>, %add3A, %reduce_sum3A_72 [0] : vector<10000x16xf32> to vector<16xf32>
    %broadcast_in_dim3A_74 = vector.shape_cast %reduce_sum3A_73 : vector<16xf32> to vector<1x16xf32>
    %get3A_75 = arith.constant 0 : index
    %get3A_76 = arith.constant 0 : index
    %get3A_77 = vector.load %arg2[%get3A_75, %get3A_76] : memref<1x128xf32, #tpu.memory_space<vmem>>, vector<1x128xf32>
    %get3A_78 = arith.constant 0 : index
    %get3A_79 = arith.constant 0 : index
    %get3A_80 = vector.load %arg10[%get3A_78, %get3A_79] : memref<128x128xf32, #tpu.memory_space<vmem>>, vector<128x128xf32>
    %dot_general3A_81 = arith.constant dense<0.000000e+00> : vector<1x128xf32>
    %dot_general3A_82 = tpu.matmul %get3A_77, %get3A_80, %dot_general3A_81 {dimension_numbers = #tpu.dot_dimension_numbers<[1], [0], [0], [1], [0, 0, 1, 1], [], []>, transpose_lhs_hint = false} : vector<1x128xf32>, vector<128x128xf32>, vector<1x128xf32> -> vector<1x128xf32>
    %get3A_83 = arith.constant 0 : index
    %get3A_84 = arith.constant 0 : index
    %get3A_85 = vector.load %arg11[%get3A_83, %get3A_84] : memref<128x128xf32, #tpu.memory_space<vmem>>, vector<128x128xf32>
    %dot_general3A_86 = arith.constant dense<0.000000e+00> : vector<1x128xf32>
    %dot_general3A_87 = tpu.matmul %broadcast_in_dim3A, %get3A_85, %dot_general3A_86 {dimension_numbers = #tpu.dot_dimension_numbers<[1], [0], [0], [1], [0, 0, 1, 1], [], []>, transpose_lhs_hint = false} : vector<1x128xf32>, vector<128x128xf32>, vector<1x128xf32> -> vector<1x128xf32>
    %add3A_88 = arith.addf %dot_general3A_82, %dot_general3A_87 : vector<1x128xf32>
    %get3A_89 = arith.constant 0 : index
    %get3A_90 = arith.constant 0 : index
    %get3A_91 = vector.load %arg12[%get3A_89, %get3A_90] : memref<16x128xf32, #tpu.memory_space<vmem>>, vector<16x128xf32>
    %dot_general3A_92 = arith.constant dense<0.000000e+00> : vector<1x128xf32>
    %dot_general3A_93 = tpu.matmul %broadcast_in_dim3A_74, %get3A_91, %dot_general3A_92 {dimension_numbers = #tpu.dot_dimension_numbers<[1], [0], [0], [1], [0, 0, 1, 1], [], []>, transpose_lhs_hint = false} : vector<1x16xf32>, vector<16x128xf32>, vector<1x128xf32> -> vector<1x128xf32>
    %add3A_94 = arith.addf %add3A_88, %dot_general3A_93 : vector<1x128xf32>
    %get3A_95 = arith.constant 0 : index
    %get3A_96 = arith.constant 0 : index
    %get3A_97 = vector.load %arg13[%get3A_95, %get3A_96] : memref<1x128xf32, #tpu.memory_space<vmem>>, vector<1x128xf32>
    %add3A_98 = arith.addf %add3A_94, %get3A_97 : vector<1x128xf32>
    %max3A_99 = arith.constant 0.000000e+00 : f32
    %max3A_100 = vector.broadcast %max3A_99 : f32 to vector<1x128xf32>
    %max3A_101 = arith.maximumf %add3A_98, %max3A_100 : vector<1x128xf32>
    %get3A_102 = arith.constant 0 : index
    %get3A_103 = arith.constant 0 : index
    %get3A_104 = vector.load %arg14[%get3A_102, %get3A_103] : memref<128x128xf32, #tpu.memory_space<vmem>>, vector<128x128xf32>
    %dot_general3A_105 = arith.constant dense<0.000000e+00> : vector<1x128xf32>
    %dot_general3A_106 = tpu.matmul %max3A_101, %get3A_104, %dot_general3A_105 {dimension_numbers = #tpu.dot_dimension_numbers<[1], [0], [0], [1], [0, 0, 1, 1], [], []>, transpose_lhs_hint = false} : vector<1x128xf32>, vector<128x128xf32>, vector<1x128xf32> -> vector<1x128xf32>
    %get3A_107 = arith.constant 0 : index
    %get3A_108 = arith.constant 0 : index
    %get3A_109 = vector.load %arg15[%get3A_107, %get3A_108] : memref<1x128xf32, #tpu.memory_space<vmem>>, vector<1x128xf32>
    %add3A_110 = arith.addf %dot_general3A_106, %get3A_109 : vector<1x128xf32>
    %swap3A_111 = arith.constant 0 : index
    %swap3A_112 = arith.constant 0 : index
    %swap3A_113 = vector.load %arg17[%swap3A_111, %swap3A_112] : memref<1x128xf32, #tpu.memory_space<vmem>>, vector<1x128xf32>
    tpu.vector_store %arg17[%swap3A_111, %swap3A_112], %add3A_110 {strides = array<i32>} : memref<1x128xf32, #tpu.memory_space<vmem>>, vector<1x128xf32>,
    return
  }
}

</mosaic_0001>

<sc_bundles>
// kernel: kernel.10.cloned.1.call-start
scs
__scs_entry_jumppad:
0x0: {  	(pc) =	sbr.rel $0x88, $3  }
0x1: {  	(tag) =	ssettag $0x0;
	lr =	simm.s32 $0x1  }
0x2: {  	[smem:$0x3F90] =	sst lr;
	_ =	strace $0xD0000000  }
0x3: {  	_ = 	snop  }
0x4: {  	_ = 	snop  }
0x5: {  	_ = 	snop  }
0x6: {  	_ = 	snop  }
0x7: {  	_ = 	snop  }
__scs_overlays_trampoline_lowered:
0x8: {  	[smem:$0x3F9F] =	sst s0  }
0x9: {  	[smem:$0x3FA0] =	sst s1  }
0xa: {  	[smem:$0x3FA1] =	sst s2  }
0xb: {  	[smem:$0x3FA2] =	sst s3  }
0xc: {  	[smem:$0x3FA3] =	sst s4  }
0xd: {  	[smem:$0x3FA4] =	sst s5  }
0xe: {  	[smem:$0x3FA5] =	sst s6  }
0xf: {  	[smem:$0x3FA6] =	sst s7  }
0x10: {  	[smem:$0x3FA7] =	sst s8  }
0x11: {  	[smem:$0x3FA8] =	sst s9;
	s0 =	simm.s32 @!p0 $0x0  }
0x12: {  	s1 =	sld [smem:$0x3F8E];
	s0 =	simm.s32 @p0 $0x1  }
0x13: {  	[smem:$0x3FA9] =	sst s0;
	s0 =	simm.s32 @!p1 $0x0  }
0x14: {  	s2 =	sld [smem:$0x3F8D];
	s0 =	simm.s32 @p1 $0x1  }
0x15: {  	[smem:$0x3FAA] =	sst s0;
	s0 =	simm.s32 @!p2 $0x0  }
0x16: {  	s3 =	sld [smem:$0x3FDB];
	s0 =	simm.s32 @p2 $0x1  }
0x17: {  	s4 =	simm.s32 $0x1BF5;
	[smem:$0x3FAC] =	sst s0  }
0x18: {  	s0 =	sld [smem:$0x3F8F];
	_ =	swait.ge [sflag:s4], $0x0  }
0x19: {  	s7 =	sld [smem:$0x3F90]  }
0x1a: {  	s8 =	sadd.s32 $0xFFFFE003, lr  }
0x1b: {  	s9 =	sadd.s32 $0xFFFFFEF7, lr;
	s5 =	simm.s32 $0xFFFFFFFF;
	p2 =	slt.u32 s8, $0xFFFFF086  }
0x1c: {  	p1 =	slt.u32 s9, $0xF7A;
	s5 =	simm.s32 @!p2 $0x0  }
0x1d: {  	s5 =	simm.s32 @p1 $0x1;
	p0 =	seq.s32 s7, s2  }
0x1e: {  	s7 =	smul.u32 @!p0 $0xF7A, s2;
	p2 =	seq.s32 @!p0 s5, $0x0  }
0x1f: {  	s9 =	smul.u32 $0xF7A, s1;
	s8 =	simm.s32 @!p0 $0x1BF5;
	p2 =	por !p2, p0  }
0x20: {  	[sflag:s8] =	ssyncset.s32 @!p0 $0xFFFFF086;
	s6 =	sadd.s32 @!p0 s3, s7;
	s7 =	simm.s32 @!p0 $0x108  }
0x21: {  	s3 =	sadd.s32 s3, s9;
	s6 =	sadd.s32 @!p0 $0x88, s6;
	s7 =	simm.s32 @p2 $0x1082  }
0x22: {  	[simem:s7], [sflag:s8] =	dma.local @!p0 [hbm:s6], $0xF7A  }
0x23: {  	s9 =	sor.u32 $0xD0000000, s2;
	s6 =	simm.s32 $0x108;
	_ =	swait.ge @!p0 [sflag:s8], $0x0  }
0x24: {  	s3 =	sadd.s32 $0x88, s3;
	s6 =	simm.s32 @!p1 $0x1082;
	[sflag:s4] =	ssyncset.s32 $0xFFFFF086  }
0x25: {  	[simem:s6], [sflag:s4] =	dma.local [hbm:s3], $0xF7A  }
0x26: {  	[smem:$0x3F90] =	sst s1;
	(tag) =	ssettag s2;
	_ =	strace s9  }
0x27: {  	s1 =	sld [smem:$0x3FA0]  }
0x28: {  	s2 =	sld [smem:$0x3FA1]  }
0x29: {  	s4 =	sld [smem:$0x3FA3]  }
0x2a: {  	p0 =	seq.s32 s5, $0x0;
	s5 =	sld [smem:$0x3FA4]  }
0x2b: {  	s6 =	sld [smem:$0x3FA5]  }
0x2c: {  	s7 =	sld [smem:$0x3FA6]  }
0x2d: {  	s3 =	simm.s32 $0x108;
	s8 =	sld [smem:$0x3FA7]  }
0x2e: {  	s3 =	simm.s32 @!p0 $0x1082;
	s9 =	sld [smem:$0x3FA8]  }
0x2f: {  	lr =	sadd.s32 s0, s3;
	s0 =	sld [smem:$0x3F9F]  }
0x30: {  	s3 =	sld [smem:$0x3FA2]  }
0x31: {  	[smem:$0x3FAB] =	sst s10  }
0x32: {  	s10 =	sld [smem:$0x3FA9];
	_ =	sdelay $0x3  }
0x33: {  	p0 =	seq.s32 s10, $0x1;
	s10 =	sld [smem:$0x3FAB];
	_ =	sdelay $0x3  }
0x34: {  	[smem:$0x3FAB] =	sst s10  }
0x35: {  	s10 =	sld [smem:$0x3FAA];
	_ =	sdelay $0x3  }
0x36: {  	p1 =	seq.s32 s10, $0x1;
	s10 =	sld [smem:$0x3FAB];
	_ =	sdelay $0x3  }
0x37: {  	[smem:$0x3FAB] =	sst s10  }
0x38: {  	s10 =	sld [smem:$0x3FAC]  }
0x39: {  	_ = 	snop;
	(pc) =	sbr.ind lr, $3  }
0x3a: {  	_ = 	snop  }
0x3b: {  	_ = 	snop  }
0x3c: {  	p2 =	seq.s32 s10, $0x1;
	s10 =	sld [smem:$0x3FAB]  }
0x3d: {  	_ =	shalt  }
0x3e: {  	_ =	shalt  }
0x3f: {  	_ =	shalt  }
0x40: {  	_ =	shalt  }
0x41: {  	_ =	shalt  }
0x42: {  	_ =	shalt  }
0x43: {  	_ =	shalt  }
0x44: {  	_ =	shalt  }
0x45: {  	_ =	shalt  }
0x46: {  	_ =	shalt  }
0x47: {  	_ =	shalt  }
0x48: {  	_ =	shalt  }
0x49: {  	_ =	shalt  }
0x4a: {  	_ =	shalt  }
0x4b: {  	_ =	shalt  }
0x4c: {  	_ =	shalt  }
0x4d: {  	_ =	shalt  }
0x4e: {  	_ =	shalt  }
0x4f: {  	_ =	shalt  }
0x50: {  	_ =	shalt  }
0x51: {  	_ =	shalt  }
0x52: {  	_ =	shalt  }
0x53: {  	_ =	shalt  }
0x54: {  	_ =	shalt  }
0x55: {  	_ =	shalt  }
0x56: {  	_ =	shalt  }
0x57: {  	_ =	shalt  }
0x58: {  	_ =	shalt  }
0x59: {  	_ =	shalt  }
0x5a: {  	_ =	shalt  }
0x5b: {  	_ =	shalt  }
0x5c: {  	_ =	shalt  }
0x5d: {  	_ =	shalt  }
0x5e: {  	_ =	shalt  }
0x5f: {  	_ =	shalt  }
0x60: {  	_ =	shalt  }
0x61: {  	_ =	shalt  }
0x62: {  	_ =	shalt  }
0x63: {  	_ =	shalt  }
0x64: {  	_ =	shalt  }
0x65: {  	_ =	shalt  }
0x66: {  	_ =	shalt  }
0x67: {  	_ =	shalt  }
0x68: {  	_ =	shalt  }
0x69: {  	_ =	shalt  }
0x6a: {  	_ =	shalt  }
0x6b: {  	_ =	shalt  }
0x6c: {  	_ =	shalt  }
0x6d: {  	_ =	shalt  }
0x6e: {  	_ =	shalt  }
0x6f: {  	_ =	shalt  }
0x70: {  	_ =	shalt  }
0x71: {  	_ =	shalt  }
0x72: {  	_ =	shalt  }
0x73: {  	_ =	shalt  }
0x74: {  	_ =	shalt  }
0x75: {  	_ =	shalt  }
0x76: {  	_ =	shalt  }
0x77: {  	_ =	shalt  }
0x78: {  	_ =	shalt  }
0x79: {  	_ =	shalt  }
0x7a: {  	_ =	shalt  }
0x7b: {  	_ =	shalt  }
0x7c: {  	_ =	shalt  }
0x7d: {  	_ =	shalt  }
0x7e: {  	_ =	shalt  }
0x7f: {  	_ =	shalt  }
0x80: {  	_ =	shalt  }
0x81: {  	_ =	shalt  }
0x82: {  	_ =	shalt  }
0x83: {  	_ =	shalt  }
0x84: {  	_ =	shalt  }
0x85: {  	_ =	shalt  }
0x86: {  	_ =	shalt  }
0x87: {  	_ =	shalt  }
.Lfunc_end0:
.L_simem_size_0:
called_computation.1_lowered:
.L_overlay_start_0:
0x88: {  	s2 =	sld [smem:$0x3FD9]  }
0x89: {  	s3 =	sld [smem:$0x3FFE];
	_ =	sdelay $0x1  }
0x8a: {  	s1 =	srdreg.scid  }
0x8b: {  	s0 =	sand.u32 $0x1, s1  }
0x8c: {  	s14 =	sshll.u32 s0, $0xA;
	s2 =	sadd.s32 s3, s2  }
0x8d: {  	s2 =	sadd.s32 s2, s14  }
0x8e: {  	[smem:$0x3FB7] =	sst s2  }
0x8f: {  	_ = 	snop  }
0x90: {  	s2 =	sld [smem:$0x3FD0];
	_ =	sdelay $0x1  }
0x91: {  	s15 =	sld [smem:$0x3FC6]  }
0x92: {  	s5 =	simm.s32 $0xA;
	s6 =	simm.s32 $0x10;
	s4 =	sld [smem:$0x3FC5]  }
0x93: {  	[smem:s6], [sflag:s5] =	dma.local [hbm:s2], $0x1  }
0x94: {  	_ =	swait.eq [sflag:s5], $0x1  }
0x95: {  	[sflag:s5] =	ssyncset.done $0x0  }
0x96: {  	[sflag:s5] =	ssyncadd.s32 $0xFFFFFFFF  }
0x97: {  	s16 =	sld [smem:$0x10];
	(tm) =	ssettm $0x1  }
0x98: {  	s17 =	sld [smem:$0x3FFB];
	_ =	sdelay $0x3  }
0x99: {  	_ =	strace s17  }
0x9a: {  	s5 =	sld [smem:$0x3FFC];
	_ =	sdelay $0x3  }
0x9b: {  	_ =	strace s5  }
0x9c: {  	s5 =	sld [smem:$0x3FFD];
	_ =	sdelay $0x3  }
0x9d: {  	_ =	strace s5  }
0x9e: {  	_ =	strace $0x8FFFFFFF  }
0x9f: {  	s18 =	sld [smem:$0x3FDB];
	_ =	sdelay $0x1  }
0xa0: {  	s19 =	simm.s32 $_scs_section_size  }
0xa1: {  	s7 =	simm.s32 $_size__tile_overlayer_lowered;
	s8 =	simm.s32 $_tile_overlayer_lowered  }
0xa2: {  	s22 =	simm.s32 $0x1BFF;
	s21 =	sshll.u32 s8, $0x1;
	s5 =	sadd.s32 s19, s18  }
0xa3: {  	s9 =	simm.s32 $0x0;
	s20 =	sshll.u32 s7, $0x1;
	s7 =	sadd.s32 s21, s5  }
0xa4: {  	[timem:s9], [sflag:s22] =	dma.local [hbm:s7], s20  }
0xa5: {  	_ =	swait.ge [sflag:s22], s20  }
0xa6: {  	s6 =	ssub.s32 $0x0, s20;
	[sflag:s22] =	ssyncset.done $0x0  }
0xa7: {  	[sflag:s22] =	ssyncadd.s32 s6;
	_ =	sdelay $0x1  }
0xa8: {  	s23 =	simm.s32 $0x1B8B  }
0xa9: {  	_ =	swait.ge [sflag:s23], $0x1  }
0xaa: {  	[sflag:s23] =	ssyncset.done $0x0  }
0xab: {  	s25 =	simm.s32 $0x1B8E;
	s24 =	sld [smem:$0x3FFE];
	[sflag:s23] =	ssyncadd.s32 $0xFFFFFFFF  }
0xac: {  	s26 =	simm.s32 $execute0_lowered;
	[smem:$0x3FD2] =	sst s25  }
0xad: {  	s7 =	sshll.u32 s26, $0x1;
	_ =	strace $0x80000049;
	[dreg:$0x1] =	wrdreg $0xFFFFFFFF  }
0xae: {  	s28 =	simm.s32 $_size_execute0_lowered;
	s5 =	sadd.s32 s5, s7;
	[dreg:$0x0] =	wrdreg $0x0  }
0xaf: {  	s7 =	sshll.u32 s28, $0x1;
	[dreg:$0x2] =	wrdreg s5  }
0xb0: {  	[dreg:$0x3] =	wrdreg s7  }
0xb1: {  	[dreg:$0x4] =	wrdreg $0xC0  }
0xb2: {  	_ =	task [dreg:s9], $0x5FFFF  }
0xb3: {  	[dreg:$0x1] =	wrdreg $0xFFFFFFFF  }
0xb4: {  	[dreg:$0x0] =	wrdreg $0x60  }
0xb5: {  	[dreg:$0x2] =	wrdreg s24  }
0xb6: {  	[dreg:$0x3] =	wrdreg s15  }
0xb7: {  	[dreg:$0x4] =	wrdreg s4  }
0xb8: {  	[dreg:$0x5] =	wrdreg s16  }
0xb9: {  	[dreg:$0x6] =	wrdreg $0xB400  }
0xba: {  	[dreg:$0x7] =	wrdreg $0x32500  }
0xbb: {  	[dreg:$0x8] =	wrdreg $0x9  }
0xbc: {  	_ =	task.clear_ibuf [dreg:s9], $0x9FFFF;
	_ =	strace $0x90000049  }
0xbd: {  	s29 =	simm.s32 $0x9;
	_ =	strace $0x8000004B  }
0xbe: {  	_ =	swait.ge [sflag:s29], $0x1  }
0xbf: {  	[sflag:s29] =	ssyncadd.s32 $0xFFFFFFFF  }
0xc0: {  	_ =	strace $0x9000004B  }
0xc1: {  	_ =	sfence  }
0xc2: {  	s30 =	sld [smem:$0x0];
	_ =	sdelay $0x2  }
0xc3: {  	s31 =	sshll.u32 s1, $0xD;
	s1 =	sshrl.u32 s1, $0x2  }
0xc4: {  	s3 =	sand.u32 $0x4000, s31;
	s1 =	sadd.s32 s1, s30  }
0xc5: {  	s0 =	sor.u32 s3, s0;
	s1 =	sshll.u32 s1, $0x11  }
0xc6: {  	s0 =	sor.u32 s1, s0  }
0xc7: {  	s0 =	sadd.s32 $0x8F2B, s0  }
0xc8: {  	[sflag:s0] =	ssyncadd.remote.s32 $0x1  }
0xc9: {  	_ =	sfence.sel $0xFFFF  }
0xca: {  	[dreg:$0x0] =	wrdreg $0xFFFFFFFF;
	(pc) =	sbr.abs _section_cstart, $3  }
0xcb: {  	[dreg:$0x1] =	wrdreg $0xFFFFFFFF  }
0xcc: {  	_ =	task.clear_ibuf [dreg:s9], $0x2FFFF;
	_ =	strace $0x9FFFFFFF  }
0xcd: {  	(tm) =	ssettm $0x7FFFFFFF  }
tec
execute0_lowered:
.L_overlay_start_1:
0x0: {  	(tag) =	ssettag $0x1  }
0x1: {  	s0 =	rddreg [dreg:$0x0]  }
0x2: {  	s13 =	rddreg [dreg:$0x1]  }
0x3: {  	s14 =	rddreg [dreg:$0x2]  }
0x4: {  	s1 =	rddreg [dreg:$0x3]  }
0x5: {  	s3 =	rddreg [dreg:$0x4]  }
0x6: {  	s5 =	rddreg [dreg:$0x5];
	s6 =	simm.s32 $0x0  }
0x7: {  	s15 =	stileid.u32;
	s2 =	srdreg.scid;
	s31 =	simm.s32 $0xA0  }
0x8: {  	[smem:$0x7FF] =	sst s6;
	s4 =	smul.u32 $0x3E80, s15;
	s2 =	sand.u32 $0x1, s2  }
0x9: {  	s7 =	sadd.s32 $0x3C00, s0;
	s9 =	sshll.u32 s15, $0x1;
	s22 =	smul.u32 $0x4E20, s15  }
0xa: {  	p0 =	sgt.u32 s15, $0x9;
	s15 =	simm.s32 $0x1;
	_ =	strace $0x8000004A  }
0xb: {  	s8 =	ssub.s32 $0x2, s2;
	s9 =	sor.u32 s2, s9;
	s12 =	smul.u32 $0x2710, s2  }
0xc: {  	s2 =	smul.u32 $0x4E200, s2;
	s10 =	sshrl.u32 s4, $0x3;
	s11 =	sshrl.u32 s8, $0x1  }
0xd: {  	s20 =	smul.u32 $0x2710, s9;
	s21 =	sadd.s32 s4, s3;
	s23 =	sadd.s32 s4, s5  }
0xe: {  	s9 =	smul.u32 $0x4E20, s9;
	s0 =	sadd.s32 s10, s0;
	[dreg:$0x7] =	wrdreg s21  }
0xf: {  	s8 =	ssub.s32 s8, s11;
	[dreg:$0x9] =	wrdreg s23;
	s2 =	sadd.s32 s4, s2  }
0x10: {  	s4 =	simm.s32 $0x28;
	s0 =	sadd.s32 $0xA0000, s0;
	s24 =	sshrl.u32 s20, $0x3  }
0x11: {  	s10 =	sadd.s32 $0x28, s20;
	s9 =	sadd.s32 s7, s9;
	s2 =	sshrl.u32 s2, $0x3  }
0x12: {  	[dreg:$0x8] =	wrdreg s0;
	s16 =	sadd.s32 s13, s24;
	s11 =	sadd.s32 s14, s24  }
0x13: {  	s0 =	sadd.s32 s12, s22;
	[dreg:$0xc] =	wrdreg s9;
	s25 =	sshrl.u32 s10, $0x3  }
0x14: {  	s10 =	sshll.u32 s10, $0x1;
	s9 =	simm.s32 $0x3C0;
	[dreg:$0xa] =	wrdreg s16  }
0x15: {  	[dreg:$0xb] =	wrdreg s11;
	s26 =	sadd.s32 $0xC8, s0;
	s10 =	sadd.s32 s7, s10  }
0x16: {  	s16 =	sadd.s32 s1, s2;
	s18 =	sadd.s32 $0x78, s0;
	s19 =	sadd.s32 $0xA0, s0  }
0x17: {  	s0 =	sadd.s32 $0x50, s0;
	s24 =	sadd.s32 s13, s25;
	[dreg:$0xd] =	wrdreg s10  }
0x18: {  	s25 =	sadd.s32 s14, s25;
	s30 =	sshrl.u32 s26, $0x3;
	[dreg:$0x10] =	wrdreg s19  }
0x19: {  	s1 =	sshrl.u32 s18, $0x3;
	s2 =	sshll.u32 s19, $0x1;
	[dreg:$0x14] =	wrdreg s24  }
0x1a: {  	s21 =	sshll.u32 s0, $0x1;
	[dreg:$0x15] =	wrdreg s25;
	s26 =	smax.u32 s8, $0x1  }
0x1b: {  	s0 =	sshrl.u32 s0, $0x3;
	s18 =	smov.u32 s14;
	[dreg:$0xe] =	wrdreg s16  }
0x1c: {  	s10 =	simm.s32 $0x7;
	s8 =	simm.s32 $0x0;
	s12 =	sshll.u32 s30, $0x4  }
0x1d: {  	s20 =	sshll.u32 s1, $0x4;
	s2 =	sadd.s32 s2, s7;
	s23 =	sadd.s32 s21, s7  }
0x1e: {  	[dreg:$0x16] =	wrdreg s26;
	s24 =	sadd.s32 s30, s13;
	s25 =	sadd.s32 s1, s14  }
0x1f: {  	s26 =	sadd.s32 s1, s13;
	s28 =	sadd.s32 s0, s14;
	s29 =	sadd.s32 s0, s13  }
.Ltmp0:
0x20: {  	s0 =	simm.s32 $0x140;
	[dreg:$0x11] =	wrdreg s2;
	(pc) =	sbr.rel .LBB2_1-.Ltmp0, $4  }
0x21: {  	s21 =	simm.s32 $0x2;
	s17 =	sadd.s32 s12, s7;
	[dreg:$0x13] =	wrdreg s23  }
0x22: {  	s22 =	sadd.s32 s20, s7;
	s23 =	sadd.s32 s30, s14;
	[dreg:$0xf] =	wrdreg s17  }
0x23: {  	s20 =	smov.u32 s13;
	s30 =	sadd.s32 $0x4E20, s16;
	[dreg:$0x12] =	wrdreg s22  }
0x24: {  	s7 =	simm.s32 $0xC8;
	s14 =	simm.s32 $0x8;
	[dreg:$0x17] =	wrdreg s30  }
.LBB2_11:
0x25: {  	_ =	swait.ge [sflag:s10], $0x280  }
0x26: {  	[sflag:s10] =	ssyncset.done $0x0  }
0x27: {  	[sflag:s10] =	ssyncadd.s32 $0xFFFFFD80  }
0x28: {  	_ =	swait.ge [sflag:s10], $0x280  }
0x29: {  	[sflag:s10] =	ssyncset.done $0x0  }
0x2a: {  	[sflag:s10] =	ssyncadd.s32 $0xFFFFFD80  }
0x2b: {  	_ =	swait.ge [sflag:s14], $0x280  }
0x2c: {  	[sflag:s14] =	ssyncset.done $0x0  }
0x2d: {  	[sflag:s14] =	ssyncadd.s32 $0xFFFFFD80  }
0x2e: {  	_ =	swait.ge [sflag:s14], $0x280  }
0x2f: {  	[sflag:s14] =	ssyncset.done $0x0  }
0x30: {  	s1 =	simm.s32 $0x5;
	[sflag:s14] =	ssyncadd.s32 $0xFFFFFD80  }
0x31: {  	_ =	swait.ge [sflag:s1], $0x280  }
0x32: {  	[sflag:s1] =	ssyncset.done $0x0  }
0x33: {  	[sflag:s1] =	ssyncadd.s32 $0xFFFFFD80  }
0x34: {  	_ =	swait.ge [sflag:s1], $0x280  }
0x35: {  	[sflag:s1] =	ssyncset.done $0x0  }
0x36: {  	s19 =	simm.s32 $0x6;
	[sflag:s1] =	ssyncadd.s32 $0xFFFFFD80  }
0x37: {  	_ =	swait.ge [sflag:s19], $0x280  }
0x38: {  	[sflag:s19] =	ssyncset.done $0x0  }
0x39: {  	[sflag:s19] =	ssyncadd.s32 $0xFFFFFD80  }
0x3a: {  	_ =	swait.ge [sflag:s19], $0x280  }
0x3b: {  	[sflag:s19] =	ssyncset.done $0x0  }
0x3c: {  	[sflag:s19] =	ssyncadd.s32 $0xFFFFFD80  }
0x3d: {  	[bflag:$0x0] =	sbarrier.arrive $0xFFFF  }
0x3e: {  	s1 =	rddreg [dreg:$0xe]  }
0x3f: {  	s8 =	rddreg [dreg:$0x19]  }
0x40: {  	s2 =	rddreg [dreg:$0x1a]  }
0x41: {  	[hbm:s1], [sflag:s8] =	dma.local @!p0 [spmem:s2], $0x7D0  }
0x42: {  	s1 =	simm.s32 @!p0 $0x9  }
0x43: {  	_ =	swait.ge @!p0 [sflag:s1], $0x7D0  }
0x44: {  	[sflag:s1] =	ssyncset.done @!p0 $0x0;
	s2 =	rddreg [dreg:$0x17]  }
0x45: {  	s11 =	rddreg [dreg:$0x1b];
	[sflag:s1] =	ssyncadd.s32 @!p0 $0xFFFFF830  }
0x46: {  	[hbm:s2], [sflag:s8] =	dma.local @!p0 [spmem:s11], $0x7D0  }
0x47: {  	_ =	swait.ge @!p0 [sflag:s1], $0x7D0  }
0x48: {  	s22 =	rddreg [dreg:$0x18]  }
0x49: {  	s30 =	rddreg [dreg:$0x16];
	s8 =	sadd.s32 $0x1, s22  }
0x4a: {  	p1 =	sne.s32 s8, s30  }
.Ltmp1:
0x4b: {  	_ = 	snop;
	(pc) =	sbr.rel @!p1 .LBB2_12-.Ltmp1, $3  }
0x4c: {  	_ =	sdelay $0x1  }
0x4d: {  	[sflag:s1] =	ssyncset.done @!p0 $0x0  }
0x4e: {  	[sflag:s1] =	ssyncadd.s32 @!p0 $0xFFFFF830  }
.LBB2_1:
0x4f: {  	s1 =	stileid.u32  }
0x50: {  	[dreg:$0x18] =	wrdreg s8;
	s1 =	sshll.u32 @!p0 s1, $0x6  }
0x51: {  	s11 =	sor.u32 @!p0 $0x1C09, s1;
	s1 =	rddreg [dreg:$0x7]  }
0x52: {  	s2 =	rddreg [dreg:$0x8];
	s1 =	sshrl.u32 @!p0 s1, $0x3  }
0x53: {  	[dreg:$0x1a] =	wrdreg s1  }
0x54: {  	[spmem:s1], [sflag:s11] =	dma.local @!p0 [hbm:s2], $0x7D0  }
0x55: {  	s1 =	simm.s32 @!p0 $0x9  }
0x56: {  	_ =	swait.ge @!p0 [sflag:s1], $0x7D0  }
0x57: {  	s8 =	rddreg [dreg:$0x9]  }
0x58: {  	[dreg:$0x19] =	wrdreg s11;
	[sflag:s1] =	ssyncset.done @!p0 $0x0;
	s8 =	sshrl.u32 @!p0 s8, $0x3  }
0x59: {  	[sflag:s1] =	ssyncadd.s32 @!p0 $0xFFFFF830;
	[dreg:$0x1b] =	wrdreg s8  }
0x5a: {  	[spmem:s8], [sflag:s11] =	dma.local @!p0 [hbm:s2], $0x7D0  }
0x5b: {  	_ =	swait.ge @!p0 [sflag:s1], $0x7D0  }
0x5c: {  	[sflag:s1] =	ssyncset.done @!p0 $0x0  }
0x5d: {  	[sflag:s1] =	ssyncadd.s32 @!p0 $0xFFFFF830  }
0x5e: {  	[bflag:$0x0] =	sbarrier.arrive $0xFFFF  }
0x5f: {  	s12 =	rddreg [dreg:$0xa]  }
0x60: {  	s13 =	rddreg [dreg:$0xb]  }
0x61: {  	s16 =	rddreg [dreg:$0xc]  }
0x62: {  	s17 =	rddreg [dreg:$0x14]  }
0x63: {  	s19 =	rddreg [dreg:$0x15]  }
0x64: {  	[tilespmem:s6], [sflag:$0x1] =	stream.linear.gather [hbm4b:s12+s6], $0x28, $0x38;
	[tilespmem:$0x5960] =	vst v63  }
0x65: {  	s22 =	rddreg [dreg:$0xd]  }
0x66: {  	[tilespmem:s31], [sflag:$0x1] =	stream.linear.gather [hbm4b:s13+s6], $0x28, $0x38;
	[tilespmem:$0x5960] =	vst v63  }
0x67: {  	s8 =	rddreg [dreg:$0x13]  }
0x68: {  	[tilespmem:s0], [sflag:$0x1] =	stream.linear.gather [hbm4b:s16+s6], $0x280, $0x38;
	[tilespmem:$0x5960] =	vst v63  }
0x69: {  	s30 =	rddreg [dreg:$0x10]  }
0x6a: {  	[tilespmem:s4], [sflag:$0x2] =	stream.linear.gather [hbm4b:s17+s6], $0x28, $0x38;
	[tilespmem:$0x5960] =	vst v63  }
.Ltmp2:
0x6b: {  	s2 =	rddreg [dreg:$0xf];
	(pc) =	sbr.rel .LBB2_2-.Ltmp2, $4  }
0x6c: {  	[tilespmem:s7], [sflag:$0x2] =	stream.linear.gather [hbm4b:s19+s6], $0x28, $0x38;
	[tilespmem:$0x5960] =	vst v63  }
0x6d: {  	s19 =	rddreg [dreg:$0x12]  }
0x6e: {  	[tilespmem:s9], [sflag:$0x2] =	stream.linear.gather [hbm4b:s22+s6], $0x280, $0x38;
	[tilespmem:$0x5960] =	vst v63  }
0x6f: {  	s1 =	simm.s32 $0x0;
	s16 =	simm.s32 $0x3;
	s22 =	rddreg [dreg:$0x11]  }
.LBB2_7:
0x70: {  	_ =	swait.ge [sflag:s14], $0x280  }
0x71: {  	[sflag:s14] =	ssyncset.done $0x0  }
0x72: {  	[sflag:s14] =	ssyncadd.s32 $0xFFFFFD80  }
0x73: {  	_ =	swait.ge [sflag:s14], $0x280  }
0x74: {  	[sflag:s14] =	ssyncset.done $0x0  }
0x75: {  	[sflag:s14] =	ssyncadd.s32 $0xFFFFFD80  }
.LBB2_9:
0x76: {  	s12 =	sadd.s32 s1, s26;
	s13 =	simm.s32 $0x78  }
0x77: {  	[tilespmem:s13], [sflag:$0x4] =	stream.linear.gather [hbm4b:s12+s6], $0x28, $0x38;
	[tilespmem:$0x5960] =	vst v63  }
0x78: {  	s17 =	simm.s32 $0x118;
	s13 =	sadd.s32 s1, s25  }
0x79: {  	[tilespmem:s17], [sflag:$0x4] =	stream.linear.gather [hbm4b:s13+s6], $0x28, $0x38;
	[tilespmem:$0x5960] =	vst v63  }
0x7a: {  	s17 =	simm.s32 $0x8C0  }
0x7b: {  	[tilespmem:s17], [sflag:$0x4] =	stream.linear.gather [hbm4b:s19+s6], $0x280, $0x38;
	[tilespmem:$0x5960] =	vst v63  }
.LBB2_10:
0x7c: {  	_ =	swait.ge [sflag:s21], $0x28  }
0x7d: {  	[sflag:s21] =	ssyncset.done $0x0  }
0x7e: {  	[sflag:s21] =	ssyncadd.s32 $0xFFFFFFD8  }
0x7f: {  	_ =	swait.ge [sflag:s21], $0x28  }
0x80: {  	[sflag:s21] =	ssyncset.done $0x0  }
0x81: {  	[sflag:s21] =	ssyncadd.s32 $0xFFFFFFD8  }
0x82: {  	_ =	swait.ge [sflag:s21], $0x280  }
0x83: {  	[sflag:s21] =	ssyncset.done $0x0  }
0x84: {  	p1 =	seq.s32 s1, $0x4D8;
	[sflag:s21] =	ssyncadd.s32 $0xFFFFFD80  }
0x85: {  	[spmem:s3] =	stream.indirect.scatter.add.f32 [tilespmem:s9], [sflag:$0x6], $0x10, s4, s4, $0xb8;
	[tilespmem:$0x5960] =	vst v63  }
0x86: {  	s12 =	simm.s32 @!p1 $0x5  }
0x87: {  	[spmem:s5] =	stream.indirect.scatter.add.f32 [tilespmem:s9], [sflag:$0x6], $0x10, s7, s4, $0xb8;
	[tilespmem:$0x5960] =	vst v63  }
0x88: {  	_ =	swait.ge @!p1 [sflag:s12], $0x280  }
0x89: {  	[sflag:s12] =	ssyncset.done @!p1 $0x0  }
0x8a: {  	[sflag:s12] =	ssyncadd.s32 @!p1 $0xFFFFFD80  }
0x8b: {  	_ =	swait.ge @!p1 [sflag:s12], $0x280  }
0x8c: {  	s13 =	sshrl.u32 @!p1 s30, $0x3;
	[sflag:s12] =	ssyncset.done @!p1 $0x0  }
0x8d: {  	s17 =	simm.s32 @!p1 $0x0;
	[sflag:s12] =	ssyncadd.s32 @!p1 $0xFFFFFD80;
	s12 =	sadd.s32 @!p1 s20, s13  }
0x8e: {  	[tilespmem:s17], [sflag:$0x1] =	stream.linear.gather @!p1 [hbm4b:s12+s17], $0x28, $0x38;
	[tilespmem:$0x5960] =	vst v63  }
0x8f: {  	p2 =	sgt.u32 s11, $0xF9;
	s12 =	sadd.s32 @!p1 s18, s13;
	s13 =	simm.s32 @!p1 $0xA0  }
0x90: {  	[tilespmem:s13], [sflag:$0x1] =	stream.linear.gather @!p1 [hbm4b:s12+s17], $0x28, $0x38;
	[tilespmem:$0x5960] =	vst v63  }
0x91: {  	s11 =	simm.s32 @!p2 $0x3;
	s12 =	simm.s32 @!p1 $0x140  }
0x92: {  	[tilespmem:s12], [sflag:$0x1] =	stream.linear.gather @!p1 [hbm4b:s22+s17], $0x280, $0x38;
	[tilespmem:$0x5960] =	vst v63  }
0x93: {  	_ =	swait.ge @!p2 [sflag:s11], $0x28  }
0x94: {  	[sflag:s11] =	ssyncset.done @!p2 $0x0  }
0x95: {  	[sflag:s11] =	ssyncadd.s32 @!p2 $0xFFFFFFD8  }
0x96: {  	_ =	swait.ge @!p2 [sflag:s11], $0x28  }
0x97: {  	[sflag:s11] =	ssyncset.done @!p2 $0x0  }
0x98: {  	[sflag:s11] =	ssyncadd.s32 @!p2 $0xFFFFFFD8  }
0x99: {  	_ =	swait.ge @!p2 [sflag:s11], $0x280  }
0x9a: {  	s13 =	simm.s32 @!p2 $0x640;
	[sflag:s11] =	ssyncset.done @!p2 $0x0  }
0x9b: {  	s12 =	simm.s32 @!p2 $0x50;
	[sflag:s11] =	ssyncadd.s32 @!p2 $0xFFFFFD80;
	s11 =	simm.s32 @!p2 $0x28  }
0x9c: {  	[spmem:s3] =	stream.indirect.scatter.add.f32 @!p2 [tilespmem:s13], [sflag:$0x7], $0x10, s12, s11, $0xb8;
	[tilespmem:$0x5960] =	vst v63  }
0x9d: {  	s12 =	simm.s32 @!p2 $0xF0  }
0x9e: {  	[spmem:s5] =	stream.indirect.scatter.add.f32 @!p2 [tilespmem:s13], [sflag:$0x7], $0x10, s12, s11, $0xb8;
	[tilespmem:$0x5960] =	vst v63  }
0x9f: {  	s11 =	simm.s32 @!p1 $0x6  }
0xa0: {  	_ =	swait.ge @!p1 [sflag:s11], $0x280  }
0xa1: {  	[sflag:s11] =	ssyncset.done @!p1 $0x0  }
0xa2: {  	[sflag:s11] =	ssyncadd.s32 @!p1 $0xFFFFFD80  }
0xa3: {  	_ =	swait.ge @!p1 [sflag:s11], $0x280  }
0xa4: {  	[sflag:s11] =	ssyncset.done @!p1 $0x0  }
0xa5: {  	s12 =	simm.s32 @!p1 $0x28;
	[sflag:s11] =	ssyncadd.s32 @!p1 $0xFFFFFD80;
	s11 =	sadd.s32 @!p1 s1, s24  }
0xa6: {  	[tilespmem:s12], [sflag:$0x2] =	stream.linear.gather @!p1 [hbm4b:s11+s17], $0x28, $0x38;
	[tilespmem:$0x5960] =	vst v63  }
0xa7: {  	s11 =	sadd.s32 @!p1 s1, s23;
	s12 =	simm.s32 @!p1 $0xC8  }
0xa8: {  	[tilespmem:s12], [sflag:$0x2] =	stream.linear.gather @!p1 [hbm4b:s11+s17], $0x28, $0x38;
	[tilespmem:$0x5960] =	vst v63  }
0xa9: {  	s11 =	simm.s32 @!p1 $0x3C0  }
0xaa: {  	[tilespmem:s11], [sflag:$0x2] =	stream.linear.gather @!p1 [hbm4b:s2+s17], $0x280, $0x38;
	[tilespmem:$0x5960] =	vst v63  }
0xab: {  	p1 =	sgt.u32 s16, $0xF9  }
0xac: {  	s11 =	simm.s32 @!p1 $0x4  }
0xad: {  	_ =	swait.ge @!p1 [sflag:s11], $0x28  }
0xae: {  	[sflag:s11] =	ssyncset.done @!p1 $0x0  }
0xaf: {  	[sflag:s11] =	ssyncadd.s32 @!p1 $0xFFFFFFD8  }
0xb0: {  	_ =	swait.ge @!p1 [sflag:s11], $0x28  }
0xb1: {  	[sflag:s11] =	ssyncset.done @!p1 $0x0  }
0xb2: {  	[sflag:s11] =	ssyncadd.s32 @!p1 $0xFFFFFFD8  }
0xb3: {  	_ =	swait.ge @!p1 [sflag:s11], $0x280  }
0xb4: {  	s12 =	simm.s32 @!p1 $0x78;
	[sflag:s11] =	ssyncset.done @!p1 $0x0  }
0xb5: {  	s13 =	simm.s32 @!p1 $0x8C0;
	[sflag:s11] =	ssyncadd.s32 @!p1 $0xFFFFFD80;
	s11 =	simm.s32 @!p1 $0x28  }
0xb6: {  	[spmem:s3] =	stream.indirect.scatter.add.f32 @!p1 [tilespmem:s13], [sflag:$0x8], $0x10, s12, s11, $0xb8;
	[tilespmem:$0x5960] =	vst v63  }
0xb7: {  	s1 =	sadd.s32 $0x14, s1;
	s12 =	simm.s32 @!p1 $0x118  }
0xb8: {  	[spmem:s5] =	stream.indirect.scatter.add.f32 @!p1 [tilespmem:s13], [sflag:$0x8], $0x10, s12, s11, $0xb8;
	[tilespmem:$0x5960] =	vst v63  }
0xb9: {  	p1 =	sne.s32 s1, $0x4EC  }
.Ltmp3:
0xba: {  	_ = 	snop;
	(pc) =	sbr.rel @!p1 .LBB2_11-.Ltmp3, $3  }
0xbb: {  	_ =	sdelay $0x1  }
0xbc: {  	s19 =	sadd.s32 $0x140, s19;
	s8 =	sadd.s32 $0x140, s8;
	s30 =	sadd.s32 $0xA0, s30  }
0xbd: {  	s22 =	sadd.s32 $0x140, s22;
	s2 =	sadd.s32 $0x140, s2;
	s16 =	sadd.s32 $0x4, s16  }
.LBB2_2:
0xbe: {  	p1 =	seq.s32 s1, $0x0;
	s11 =	sadd.s32 $0xFFFFFFFF, s16  }
0xbf: {  	p2 =	sgt.u32 @!p1 s11, $0xF9  }
0xc0: {  	p2 =	por p1, p2  }
.Ltmp4:
0xc1: {  	_ = 	snop;
	(pc) =	sbr.rel @p2 .LBB2_4-.Ltmp4, $1  }
0xc2: {  	_ =	sdelay $0x3  }
0xc3: {  	_ =	swait.ge [sflag:s10], $0x280  }
0xc4: {  	[sflag:s10] =	ssyncset.done $0x0  }
0xc5: {  	[sflag:s10] =	ssyncadd.s32 $0xFFFFFD80  }
0xc6: {  	_ =	swait.ge [sflag:s10], $0x280  }
0xc7: {  	[sflag:s10] =	ssyncset.done $0x0  }
0xc8: {  	[sflag:s10] =	ssyncadd.s32 $0xFFFFFD80  }
.LBB2_5:
0xc9: {  	s12 =	sadd.s32 s1, s29;
	s13 =	simm.s32 $0x50  }
0xca: {  	[tilespmem:s13], [sflag:$0x3] =	stream.linear.gather [hbm4b:s12+s6], $0x28, $0x38;
	[tilespmem:$0x5960] =	vst v63  }
0xcb: {  	s17 =	simm.s32 $0xF0;
	s13 =	sadd.s32 s1, s28  }
0xcc: {  	[tilespmem:s17], [sflag:$0x3] =	stream.linear.gather [hbm4b:s13+s6], $0x28, $0x38;
	[tilespmem:$0x5960] =	vst v63  }
0xcd: {  	s17 =	simm.s32 $0x640  }
0xce: {  	[tilespmem:s17], [sflag:$0x3] =	stream.linear.gather [hbm4b:s8+s6], $0x280, $0x38;
	[tilespmem:$0x5960] =	vst v63  }
.LBB2_6:
0xcf: {  	_ =	swait.ge [sflag:s15], $0x28  }
0xd0: {  	[sflag:s15] =	ssyncset.done $0x0  }
0xd1: {  	[sflag:s15] =	ssyncadd.s32 $0xFFFFFFD8  }
0xd2: {  	_ =	swait.ge [sflag:s15], $0x28  }
0xd3: {  	[sflag:s15] =	ssyncset.done $0x0  }
0xd4: {  	p2 =	sgt.u32 @!p1 s16, $0xF9;
	[sflag:s15] =	ssyncadd.s32 $0xFFFFFFD8  }
0xd5: {  	p1 =	por p1, p2;
	_ =	swait.ge [sflag:s15], $0x280  }
.Ltmp5:
0xd6: {  	[sflag:s15] =	ssyncset.done $0x0;
	(pc) =	sbr.rel @!p1 .LBB2_7-.Ltmp5, $4  }
0xd7: {  	[sflag:s15] =	ssyncadd.s32 $0xFFFFFD80  }
0xd8: {  	[spmem:s3] =	stream.indirect.scatter.add.f32 [tilespmem:s0], [sflag:$0x5], $0x10, s6, s4, $0xb8;
	[tilespmem:$0x5960] =	vst v63  }
0xd9: {  	_ = 	snop  }
0xda: {  	[spmem:s5] =	stream.indirect.scatter.add.f32 [tilespmem:s0], [sflag:$0x5], $0x10, s31, s4, $0xb8;
	[tilespmem:$0x5960] =	vst v63  }
0xdb: {  	p1 =	sgt.u32 s16, $0xF9  }
.Ltmp6:
0xdc: {  	_ = 	snop;
	(pc) =	sbr.rel @p1 .LBB2_10-.Ltmp6, $4  }
.Ltmp7:
0xdd: {  	_ = 	snop;
	(pc) =	sbr.rel @!p1 .LBB2_9-.Ltmp7, $4  }
0xde: {  	_ = 	snop  }
0xdf: {  	_ = 	snop  }
0xe0: {  	_ = 	snop  }
0xe1: {  	_ = 	snop  }
.LBB2_4:
0xe2: {  	p2 =	sgt.u32 s11, $0xF9  }
.Ltmp8:
0xe3: {  	_ = 	snop;
	(pc) =	sbr.rel @p2 .LBB2_6-.Ltmp8, $4  }
.Ltmp9:
0xe4: {  	_ = 	snop;
	(pc) =	sbr.rel @!p2 .LBB2_5-.Ltmp9, $4  }
0xe5: {  	_ = 	snop  }
0xe6: {  	_ = 	snop  }
0xe7: {  	_ = 	snop  }
0xe8: {  	_ = 	snop  }
.LBB2_12:
0xe9: {  	_ =	sfence.sel $0x180000  }
0xea: {  	[bflag:$0x0] =	sbarrier.arrive $0xFFFF  }
0xeb: {  	_ =	strace $0x9000004A  }
0xec: {  	s0 =	stileid.u32;
	[bflag:$0x2] =	sbarrier.arrive $0xFFFF  }
0xed: {  	p0 =	sne.s32 s0, $0x0;
	s0 =	rddreg [dreg:$0x6]  }
0xee: {  	s0 =	sadd.s32 @!p0 $0x100000, s0  }
0xef: {  	[sflag:s0] =	ssyncadd.tile.s32 @!p0 $0x1;
	_ =	shalt  }
.Lfunc_end2:
_tile_overlayer_lowered:
.L_overlay_start_2:
0xf0: {  	(tag) =	ssettag $0x2  }
0xf1: {  	s0 =	rddreg [dreg:$0x0];
	s2 =	stileid.u32  }
0xf2: {  	s1 =	rddreg [dreg:$0x1];
	p0 =	sne.s32 s2, $0x0  }
0xf3: {  	s3 =	rddreg [dreg:$0x2];
	[bflag:$0x3] =	sbarrier.arrive $0xFFFF;
	s2 =	simm.s32 @!p0 $0x1C09  }
0xf4: {  	[timem:s3], [sflag:s2] =	dma.local @!p0 [hbm:s0], s1  }
0xf5: {  	s0 =	simm.s32 @!p0 $0x9  }
0xf6: {  	_ =	swait.ge @!p0 [sflag:s0], s1  }
0xf7: {  	s1 =	ssub.s32 @!p0 $0x0, s1;
	[sflag:s0] =	ssyncset.done @!p0 $0x0  }
0xf8: {  	[sflag:s0] =	ssyncadd.s32 @!p0 s1  }
0xf9: {  	[bflag:$0x3] =	sbarrier.arrive $0xFFFF  }
0xfa: {  	_ =	shalt  }

// kernel: kernel.7.cloned.1.call-start
scs
__scs_entry_jumppad:
0x0: {  	(pc) =	sbr.rel $0x88, $3  }
0x1: {  	(tag) =	ssettag $0x0;
	lr =	simm.s32 $0x1  }
0x2: {  	[smem:$0x3F90] =	sst lr;
	_ =	strace $0xD0000000  }
0x3: {  	_ = 	snop  }
0x4: {  	_ = 	snop  }
0x5: {  	_ = 	snop  }
0x6: {  	_ = 	snop  }
0x7: {  	_ = 	snop  }
__scs_overlays_trampoline_lowered:
0x8: {  	[smem:$0x3F9F] =	sst s0  }
0x9: {  	[smem:$0x3FA0] =	sst s1  }
0xa: {  	[smem:$0x3FA1] =	sst s2  }
0xb: {  	[smem:$0x3FA2] =	sst s3  }
0xc: {  	[smem:$0x3FA3] =	sst s4  }
0xd: {  	[smem:$0x3FA4] =	sst s5  }
0xe: {  	[smem:$0x3FA5] =	sst s6  }
0xf: {  	[smem:$0x3FA6] =	sst s7  }
0x10: {  	[smem:$0x3FA7] =	sst s8  }
0x11: {  	[smem:$0x3FA8] =	sst s9;
	s0 =	simm.s32 @!p0 $0x0  }
0x12: {  	s1 =	sld [smem:$0x3F8E];
	s0 =	simm.s32 @p0 $0x1  }
0x13: {  	[smem:$0x3FA9] =	sst s0;
	s0 =	simm.s32 @!p1 $0x0  }
0x14: {  	s2 =	sld [smem:$0x3F8D];
	s0 =	simm.s32 @p1 $0x1  }
0x15: {  	[smem:$0x3FAA] =	sst s0;
	s0 =	simm.s32 @!p2 $0x0  }
0x16: {  	s3 =	sld [smem:$0x3FDB];
	s0 =	simm.s32 @p2 $0x1  }
0x17: {  	s4 =	simm.s32 $0x1BF5;
	[smem:$0x3FAC] =	sst s0  }
0x18: {  	s0 =	sld [smem:$0x3F8F];
	_ =	swait.ge [sflag:s4], $0x0  }
0x19: {  	s7 =	sld [smem:$0x3F90]  }
0x1a: {  	s8 =	sadd.s32 $0xFFFFE003, lr  }
0x1b: {  	s9 =	sadd.s32 $0xFFFFFEF7, lr;
	s5 =	simm.s32 $0xFFFFFFFF;
	p2 =	slt.u32 s8, $0xFFFFF086  }
0x1c: {  	p1 =	slt.u32 s9, $0xF7A;
	s5 =	simm.s32 @!p2 $0x0  }
0x1d: {  	s5 =	simm.s32 @p1 $0x1;
	p0 =	seq.s32 s7, s2  }
0x1e: {  	s7 =	smul.u32 @!p0 $0xF7A, s2;
	p2 =	seq.s32 @!p0 s5, $0x0  }
0x1f: {  	s9 =	smul.u32 $0xF7A, s1;
	s8 =	simm.s32 @!p0 $0x1BF5;
	p2 =	por !p2, p0  }
0x20: {  	[sflag:s8] =	ssyncset.s32 @!p0 $0xFFFFF086;
	s6 =	sadd.s32 @!p0 s3, s7;
	s7 =	simm.s32 @!p0 $0x108  }
0x21: {  	s3 =	sadd.s32 s3, s9;
	s6 =	sadd.s32 @!p0 $0x88, s6;
	s7 =	simm.s32 @p2 $0x1082  }
0x22: {  	[simem:s7], [sflag:s8] =	dma.local @!p0 [hbm:s6], $0xF7A  }
0x23: {  	s9 =	sor.u32 $0xD0000000, s2;
	s6 =	simm.s32 $0x108;
	_ =	swait.ge @!p0 [sflag:s8], $0x0  }
0x24: {  	s3 =	sadd.s32 $0x88, s3;
	s6 =	simm.s32 @!p1 $0x1082;
	[sflag:s4] =	ssyncset.s32 $0xFFFFF086  }
0x25: {  	[simem:s6], [sflag:s4] =	dma.local [hbm:s3], $0xF7A  }
0x26: {  	[smem:$0x3F90] =	sst s1;
	(tag) =	ssettag s2;
	_ =	strace s9  }
0x27: {  	s1 =	sld [smem:$0x3FA0]  }
0x28: {  	s2 =	sld [smem:$0x3FA1]  }
0x29: {  	s4 =	sld [smem:$0x3FA3]  }
0x2a: {  	p0 =	seq.s32 s5, $0x0;
	s5 =	sld [smem:$0x3FA4]  }
0x2b: {  	s6 =	sld [smem:$0x3FA5]  }
0x2c: {  	s7 =	sld [smem:$0x3FA6]  }
0x2d: {  	s3 =	simm.s32 $0x108;
	s8 =	sld [smem:$0x3FA7]  }
0x2e: {  	s3 =	simm.s32 @!p0 $0x1082;
	s9 =	sld [smem:$0x3FA8]  }
0x2f: {  	lr =	sadd.s32 s0, s3;
	s0 =	sld [smem:$0x3F9F]  }
0x30: {  	s3 =	sld [smem:$0x3FA2]  }
0x31: {  	[smem:$0x3FAB] =	sst s10  }
0x32: {  	s10 =	sld [smem:$0x3FA9];
	_ =	sdelay $0x3  }
0x33: {  	p0 =	seq.s32 s10, $0x1;
	s10 =	sld [smem:$0x3FAB];
	_ =	sdelay $0x3  }
0x34: {  	[smem:$0x3FAB] =	sst s10  }
0x35: {  	s10 =	sld [smem:$0x3FAA];
	_ =	sdelay $0x3  }
0x36: {  	p1 =	seq.s32 s10, $0x1;
	s10 =	sld [smem:$0x3FAB];
	_ =	sdelay $0x3  }
0x37: {  	[smem:$0x3FAB] =	sst s10  }
0x38: {  	s10 =	sld [smem:$0x3FAC]  }
0x39: {  	_ = 	snop;
	(pc) =	sbr.ind lr, $3  }
0x3a: {  	_ = 	snop  }
0x3b: {  	_ = 	snop  }
0x3c: {  	p2 =	seq.s32 s10, $0x1;
	s10 =	sld [smem:$0x3FAB]  }
0x3d: {  	_ =	shalt  }
0x3e: {  	_ =	shalt  }
0x3f: {  	_ =	shalt  }
0x40: {  	_ =	shalt  }
0x41: {  	_ =	shalt  }
0x42: {  	_ =	shalt  }
0x43: {  	_ =	shalt  }
0x44: {  	_ =	shalt  }
0x45: {  	_ =	shalt  }
0x46: {  	_ =	shalt  }
0x47: {  	_ =	shalt  }
0x48: {  	_ =	shalt  }
0x49: {  	_ =	shalt  }
0x4a: {  	_ =	shalt  }
0x4b: {  	_ =	shalt  }
0x4c: {  	_ =	shalt  }
0x4d: {  	_ =	shalt  }
0x4e: {  	_ =	shalt  }
0x4f: {  	_ =	shalt  }
0x50: {  	_ =	shalt  }
0x51: {  	_ =	shalt  }
0x52: {  	_ =	shalt  }
0x53: {  	_ =	shalt  }
0x54: {  	_ =	shalt  }
0x55: {  	_ =	shalt  }
0x56: {  	_ =	shalt  }
0x57: {  	_ =	shalt  }
0x58: {  	_ =	shalt  }
0x59: {  	_ =	shalt  }
0x5a: {  	_ =	shalt  }
0x5b: {  	_ =	shalt  }
0x5c: {  	_ =	shalt  }
0x5d: {  	_ =	shalt  }
0x5e: {  	_ =	shalt  }
0x5f: {  	_ =	shalt  }
0x60: {  	_ =	shalt  }
0x61: {  	_ =	shalt  }
0x62: {  	_ =	shalt  }
0x63: {  	_ =	shalt  }
0x64: {  	_ =	shalt  }
0x65: {  	_ =	shalt  }
0x66: {  	_ =	shalt  }
0x67: {  	_ =	shalt  }
0x68: {  	_ =	shalt  }
0x69: {  	_ =	shalt  }
0x6a: {  	_ =	shalt  }
0x6b: {  	_ =	shalt  }
0x6c: {  	_ =	shalt  }
0x6d: {  	_ =	shalt  }
0x6e: {  	_ =	shalt  }
0x6f: {  	_ =	shalt  }
0x70: {  	_ =	shalt  }
0x71: {  	_ =	shalt  }
0x72: {  	_ =	shalt  }
0x73: {  	_ =	shalt  }
0x74: {  	_ =	shalt  }
0x75: {  	_ =	shalt  }
0x76: {  	_ =	shalt  }
0x77: {  	_ =	shalt  }
0x78: {  	_ =	shalt  }
0x79: {  	_ =	shalt  }
0x7a: {  	_ =	shalt  }
0x7b: {  	_ =	shalt  }
0x7c: {  	_ =	shalt  }
0x7d: {  	_ =	shalt  }
0x7e: {  	_ =	shalt  }
0x7f: {  	_ =	shalt  }
0x80: {  	_ =	shalt  }
0x81: {  	_ =	shalt  }
0x82: {  	_ =	shalt  }
0x83: {  	_ =	shalt  }
0x84: {  	_ =	shalt  }
0x85: {  	_ =	shalt  }
0x86: {  	_ =	shalt  }
0x87: {  	_ =	shalt  }
.Lfunc_end0:
.L_simem_size_0:
called_computation_lowered:
.L_overlay_start_0:
0x88: {  	s2 =	sld [smem:$0x3FD9]  }
0x89: {  	s3 =	sld [smem:$0x3FFE];
	_ =	sdelay $0x1  }
0x8a: {  	s1 =	srdreg.scid  }
0x8b: {  	s0 =	sand.u32 $0x1, s1  }
0x8c: {  	s14 =	sshll.u32 s0, $0xA;
	s2 =	sadd.s32 s3, s2  }
0x8d: {  	s2 =	sadd.s32 s2, s14  }
0x8e: {  	[smem:$0x3FB7] =	sst s2  }
0x8f: {  	_ = 	snop  }
0x90: {  	s2 =	sld [smem:$0x3FD0];
	_ =	sdelay $0x1  }
0x91: {  	s15 =	sld [smem:$0x3FC6]  }
0x92: {  	s5 =	simm.s32 $0xA;
	s6 =	simm.s32 $0x10;
	s4 =	sld [smem:$0x3FC5]  }
0x93: {  	[smem:s6], [sflag:s5] =	dma.local [hbm:s2], $0x1  }
0x94: {  	_ =	swait.eq [sflag:s5], $0x1  }
0x95: {  	[sflag:s5] =	ssyncset.done $0x0  }
0x96: {  	s16 =	sld [smem:$0x10];
	[sflag:s5] =	ssyncadd.s32 $0xFFFFFFFF  }
0x97: {  	s17 =	sld [smem:$0x11];
	(tm) =	ssettm $0x1  }
0x98: {  	s18 =	sld [smem:$0x3FFB];
	_ =	sdelay $0x3  }
0x99: {  	_ =	strace s18  }
0x9a: {  	s6 =	sld [smem:$0x3FFC];
	_ =	sdelay $0x3  }
0x9b: {  	_ =	strace s6  }
0x9c: {  	s6 =	sld [smem:$0x3FFD];
	_ =	sdelay $0x3  }
0x9d: {  	_ =	strace s6  }
0x9e: {  	_ =	strace $0x8FFFFFFF  }
0x9f: {  	s19 =	sld [smem:$0x3FDB];
	_ =	sdelay $0x1  }
0xa0: {  	s7 =	simm.s32 $_scs_section_size  }
0xa1: {  	s8 =	simm.s32 $_size__tile_overlayer_lowered;
	s9 =	simm.s32 $_tile_overlayer_lowered  }
0xa2: {  	s22 =	simm.s32 $0x1BFF;
	s21 =	sshll.u32 s9, $0x1;
	s6 =	sadd.s32 s7, s19  }
0xa3: {  	s10 =	simm.s32 $0x0;
	s20 =	sshll.u32 s8, $0x1;
	s8 =	sadd.s32 s21, s6  }
0xa4: {  	[timem:s10], [sflag:s22] =	dma.local [hbm:s8], s20  }
0xa5: {  	_ =	swait.ge [sflag:s22], s20  }
0xa6: {  	s7 =	ssub.s32 $0x0, s20;
	[sflag:s22] =	ssyncset.done $0x0  }
0xa7: {  	[sflag:s22] =	ssyncadd.s32 s7;
	_ =	sdelay $0x1  }
0xa8: {  	s23 =	simm.s32 $0x1B8B  }
0xa9: {  	_ =	swait.ge [sflag:s23], $0x1  }
0xaa: {  	[sflag:s23] =	ssyncset.done $0x0  }
0xab: {  	s25 =	simm.s32 $0x1B8E;
	s24 =	sld [smem:$0x3FFE];
	[sflag:s23] =	ssyncadd.s32 $0xFFFFFFFF  }
0xac: {  	s26 =	simm.s32 $execute0_lowered;
	[smem:$0x3FD2] =	sst s25  }
0xad: {  	s8 =	sshll.u32 s26, $0x1;
	_ =	strace $0x80000046;
	[dreg:$0x1] =	wrdreg $0xFFFFFFFF  }
0xae: {  	s28 =	simm.s32 $_size_execute0_lowered;
	s6 =	sadd.s32 s6, s8;
	[dreg:$0x0] =	wrdreg $0x0  }
0xaf: {  	s8 =	sshll.u32 s28, $0x1;
	[dreg:$0x2] =	wrdreg s6  }
0xb0: {  	[dreg:$0x3] =	wrdreg s8  }
0xb1: {  	[dreg:$0x4] =	wrdreg $0xC0  }
0xb2: {  	_ =	task [dreg:s10], $0x5FFFF  }
0xb3: {  	[dreg:$0x1] =	wrdreg $0xFFFFFFFF  }
0xb4: {  	[dreg:$0x0] =	wrdreg $0x60  }
0xb5: {  	[dreg:$0x2] =	wrdreg s16  }
0xb6: {  	[dreg:$0x3] =	wrdreg s17  }
0xb7: {  	[dreg:$0x4] =	wrdreg s15  }
0xb8: {  	[dreg:$0x5] =	wrdreg s4  }
0xb9: {  	[dreg:$0x6] =	wrdreg s24  }
0xba: {  	[dreg:$0x7] =	wrdreg $0x9  }
0xbb: {  	_ =	task.clear_ibuf [dreg:s10], $0x8FFFF;
	_ =	strace $0x90000046  }
0xbc: {  	s29 =	simm.s32 $0x9;
	_ =	strace $0x80000048  }
0xbd: {  	_ =	swait.ge [sflag:s29], $0x1  }
0xbe: {  	[sflag:s29] =	ssyncadd.s32 $0xFFFFFFFF  }
0xbf: {  	_ =	strace $0x90000048  }
0xc0: {  	_ =	sfence  }
0xc1: {  	s30 =	sld [smem:$0x0];
	_ =	sdelay $0x2  }
0xc2: {  	s31 =	sshll.u32 s1, $0xD;
	s1 =	sshrl.u32 s1, $0x2  }
0xc3: {  	s3 =	sand.u32 $0x4000, s31;
	s1 =	sadd.s32 s1, s30  }
0xc4: {  	s0 =	sor.u32 s3, s0;
	s1 =	sshll.u32 s1, $0x11  }
0xc5: {  	s0 =	sor.u32 s1, s0  }
0xc6: {  	s0 =	sadd.s32 $0x8F2B, s0  }
0xc7: {  	[sflag:s0] =	ssyncadd.remote.s32 $0x1  }
0xc8: {  	_ =	sfence.sel $0xFFFF  }
0xc9: {  	[dreg:$0x0] =	wrdreg $0xFFFFFFFF;
	(pc) =	sbr.abs _section_cstart, $3  }
0xca: {  	[dreg:$0x1] =	wrdreg $0xFFFFFFFF  }
0xcb: {  	_ =	task.clear_ibuf [dreg:s10], $0x2FFFF;
	_ =	strace $0x9FFFFFFF  }
0xcc: {  	(tm) =	ssettm $0x7FFFFFFF  }
0xcd: {  	_ =	shalt  }
tec
execute0_lowered:
.L_overlay_start_1:
0x0: {  	(tag) =	ssettag $0x1  }
0x1: {  	s1 =	rddreg [dreg:$0x0]  }
0x2: {  	s2 =	rddreg [dreg:$0x1]  }
0x3: {  	s0 =	rddreg [dreg:$0x2]  }
0x4: {  	s3 =	srdreg.scid;
	s7 =	rddreg [dreg:$0x3]  }
0x5: {  	s4 =	stileid.u32;
	s6 =	rddreg [dreg:$0x4];
	s12 =	simm.s32 $0x1  }
0x6: {  	s13 =	simm.s32 $0x28;
	s14 =	simm.s32 $0x4E20;
	s16 =	simm.s32 $0x6220  }
0x7: {  	s19 =	simm.s32 $0x8;
	s20 =	simm.s32 $0x7620;
	s21 =	simm.s32 $0xC620  }
0x8: {  	s22 =	simm.s32 $0x2;
	s23 =	simm.s32 $0x9;
	s24 =	simm.s32 $0x8A20  }
0x9: {  	s28 =	simm.s32 $0x4;
	s29 =	simm.s32 $0x5;
	s30 =	simm.s32 $0x6  }
0xa: {  	s31 =	simm.s32 $0x7;
	s3 =	sand.u32 $0x1, s3;
	s4 =	sshll.u32 s4, $0x1  }
0xb: {  	s6 =	sadd.s32 $0x3C00, s6;
	s5 =	sor.u32 s3, s4;
	s3 =	ssub.s32 $0x2, s3  }
0xc: {  	s4 =	simm.s32 $0x0;
	s5 =	smul.u32 $0x2710, s5;
	s8 =	sshrl.u32 s3, $0x1  }
.Ltmp0:
0xd: {  	[smem:$0x7FF] =	sst s4;
	s3 =	ssub.s32 s3, s8;
	(pc) =	sbr.rel .LBB2_1-.Ltmp0, $4  }
0xe: {  	_ =	strace $0x80000047;
	s9 =	sshrl.u32 s5, $0x3;
	s26 =	smax.u32 s3, $0x1  }
0xf: {  	s3 =	simm.s32 $0x0;
	s0 =	sadd.s32 s0, s9;
	[dreg:$0x8] =	wrdreg s26  }
0x10: {  	s25 =	sadd.s32 s7, s9;
	s9 =	sadd.s32 $0x28, s5;
	[dreg:$0x6] =	wrdreg s0  }
0x11: {  	s26 =	simm.s32 $0x3;
	[dreg:$0x7] =	wrdreg s25;
	s25 =	simm.s32 $0xDA20  }
.LBB2_23:
0x12: {  	_ =	swait.ge [sflag:s19], $0x1400  }
0x13: {  	[sflag:s19] =	ssyncset.done $0x0  }
0x14: {  	[sflag:s19] =	ssyncadd.s32 $0xFFFFEC00  }
0x15: {  	_ =	swait.ge [sflag:s23], $0x1400  }
0x16: {  	[sflag:s23] =	ssyncset.done $0x0  }
0x17: {  	[sflag:s23] =	ssyncadd.s32 $0xFFFFEC00  }
0x18: {  	_ =	swait.ge [sflag:s30], $0x1400  }
0x19: {  	[sflag:s30] =	ssyncset.done $0x0  }
0x1a: {  	[sflag:s30] =	ssyncadd.s32 $0xFFFFEC00  }
0x1b: {  	_ =	swait.ge [sflag:s31], $0x1400  }
0x1c: {  	s3 =	sadd.s32 $0x1, s3;
	s0 =	rddreg [dreg:$0x8]  }
0x1d: {  	p0 =	sne.s32 s3, s0  }
.Ltmp1:
0x1e: {  	_ = 	snop;
	(pc) =	sbr.rel @!p0 .LBB2_24-.Ltmp1, $3  }
0x1f: {  	_ =	sdelay $0x1  }
0x20: {  	[sflag:s31] =	ssyncset.done $0x0  }
0x21: {  	[sflag:s31] =	ssyncadd.s32 $0xFFFFEC00  }
.LBB2_1:
0x22: {  	s0 =	rddreg [dreg:$0x6]  }
0x23: {  	[tilespmem:s4], [sflag:$0x1] =	stream.linear.gather [hbm4b:s0+s4], $0x2710, $0x38;
	[tilespmem:$0xEE20] =	vst v63  }
0x24: {  	s11 =	rddreg [dreg:$0x7];
	s7 =	simm.s32 $0x2710  }
0x25: {  	[tilespmem:s7], [sflag:$0x1] =	stream.linear.gather [hbm4b:s11+s4], $0x2710, $0x38;
	[tilespmem:$0xEE20] =	vst v63  }
0x26: {  	_ =	swait.ge [sflag:s12], $0x2710  }
0x27: {  	[sflag:s12] =	ssyncset.done $0x0  }
0x28: {  	[sflag:s12] =	ssyncadd.s32 $0xFFFFD8F0  }
0x29: {  	_ =	swait.ge [sflag:s12], $0x2710  }
0x2a: {  	[sflag:s12] =	ssyncset.done $0x0  }
0x2b: {  	[sflag:s12] =	ssyncadd.s32 $0xFFFFD8F0  }
0x2c: {  	[tilespmem:s14], [sflag:$0x2] =	stream.indirect.gather [hbm4b:s1+s13], $0x80, s4, s13, $0xb8;
	[tilespmem:$0xEE20] =	vst v63  }
0x2d: {  	s15 =	simm.s32 $0x9E20  }
0x2e: {  	[tilespmem:s15], [sflag:$0x2] =	stream.indirect.gather [hbm4b:s2+s13], $0x80, s7, s13, $0xb8;
	[tilespmem:$0xEE20] =	vst v63  }
.Ltmp2:
0x2f: {  	_ = 	snop;
	(pc) =	sbr.rel .LBB2_2-.Ltmp2, $4  }
0x30: {  	_ = 	snop  }
0x31: {  	[tilespmem:s16], [sflag:$0x3] =	stream.indirect.gather [hbm4b:s1+s13], $0x80, s13, s13, $0xb8;
	[tilespmem:$0xEE20] =	vst v63  }
0x32: {  	s17 =	simm.s32 $0x2738;
	s18 =	simm.s32 $0xB220;
	s0 =	simm.s32 $0x0  }
0x33: {  	[tilespmem:s18], [sflag:$0x3] =	stream.indirect.gather [hbm4b:s2+s13], $0x80, s17, s13, $0xb8;
	[tilespmem:$0xEE20] =	vst v63  }
.LBB2_22:
0x34: {  	s0 =	sadd.s32 $0x1, s0  }
0x35: {  	p0 =	sne.s32 s0, $0x3F  }
.Ltmp3:
0x36: {  	_ = 	snop;
	(pc) =	sbr.rel @!p0 .LBB2_23-.Ltmp3, $1  }
0x37: {  	_ =	sdelay $0x3  }
.LBB2_2:
0x38: {  	s17 =	sshll.u32 s0, $0x2  }
0x39: {  	p0 =	seq.s32 s0, $0x0;
	s15 =	sor.u32 $0x2, s17  }
0x3a: {  	p1 =	sgt.u32 @!p0 s15, $0xF9  }
0x3b: {  	p1 =	por p0, p1  }
.Ltmp4:
0x3c: {  	_ = 	snop;
	(pc) =	sbr.rel @p1 .LBB2_4-.Ltmp4, $1  }
0x3d: {  	_ =	sdelay $0x3  }
0x3e: {  	_ =	swait.ge [sflag:s19], $0x1400  }
0x3f: {  	[sflag:s19] =	ssyncset.done $0x0  }
0x40: {  	[sflag:s19] =	ssyncadd.s32 $0xFFFFEC00  }
.LBB2_5:
0x41: {  	s7 =	smul.u32 $0x28, s15;
	_ =	sdelay $0x1  }
0x42: {  	[tilespmem:s20], [sflag:$0x4] =	stream.indirect.gather [hbm4b:s1+s13], $0x80, s7, s13, $0xb8;
	[tilespmem:$0xEE20] =	vst v63  }
0x43: {  	s7 =	sadd.s32 $0x2710, s7  }
0x44: {  	[tilespmem:s21], [sflag:$0x4] =	stream.indirect.gather [hbm4b:s2+s13], $0x80, s7, s13, $0xb8;
	[tilespmem:$0xEE20] =	vst v63  }
.LBB2_6:
0x45: {  	_ =	swait.ge [sflag:s22], $0x1400  }
0x46: {  	[sflag:s22] =	ssyncset.done $0x0  }
0x47: {  	[sflag:s22] =	ssyncadd.s32 $0xFFFFEC00  }
0x48: {  	_ =	swait.ge [sflag:s22], $0x1400  }
0x49: {  	[sflag:s22] =	ssyncset.done $0x0  }
0x4a: {  	s7 =	simm.s32 $0x0;
	[sflag:s22] =	ssyncadd.s32 $0xFFFFEC00  }
0x4b: {  	v6 =	vld [tilespmem:s7+$0x9E20]  }
0x4c: {  	v11 =	vld [tilespmem:s7+$0x9E30]  }
0x4d: {  	v5 =	vld [tilespmem:s7+$0x9E40]  }
0x4e: {  	v4 =	vld [tilespmem:s7+$0x9E50]  }
0x4f: {  	v3 =	vld [tilespmem:s7+$0x9E60]  }
0x50: {  	v2 =	vld [tilespmem:s7+$0x9E70]  }
0x51: {  	v1 =	vld [tilespmem:s7+$0x9E80]  }
0x52: {  	v0 =	vld [tilespmem:s7+$0x9E90]  }
0x53: {  	v12 =	vld [tilespmem:s7+$0x4E20]  }
0x54: {  	v13 =	vld [tilespmem:s7+$0x4E30]  }
0x55: {  	v10 =	vld [tilespmem:s7+$0x4E40]  }
0x56: {  	v9 =	vld [tilespmem:s7+$0x4E50]  }
0x57: {  	v8 =	vld [tilespmem:s7+$0x4E60]  }
0x58: {  	v7 =	vld [tilespmem:s7+$0x4E70];
	v12 =	vadd.f32 v6, v12  }
0x59: {  	s11 =	simm.s32 $0x200;
	v11 =	vadd.f32 v11, v13;
	v6 =	vld [tilespmem:s7+$0x4E80]  }
.LBB2_7:
0x5a: {  	s8 =	sshra.s32 s11, $0x2;
	p1 =	sne.s32 s11, $0x4E00;
	[tilespmem:s7+$0x4E20] =	vst v12;
	v5 =	vadd.f32 v5, v10;
	v10 =	vld [tilespmem:s7+$0x4E90]  }
0x5b: {  	v12 =	vld [tilespmem:s8+$0x9E20];
	[tilespmem:s7+$0x4E30] =	vst v11;
	v4 =	vadd.f32 v4, v9  }
0x5c: {  	v11 =	vld [tilespmem:s8+$0x9E30];
	[tilespmem:s7+$0x4E40] =	vst v5;
	v3 =	vadd.f32 v3, v8  }
0x5d: {  	v5 =	vld [tilespmem:s8+$0x9E40];
	[tilespmem:s7+$0x4E50] =	vst v4;
	v2 =	vadd.f32 v2, v7  }
0x5e: {  	v4 =	vld [tilespmem:s8+$0x9E50];
	[tilespmem:s7+$0x4E60] =	vst v3;
	v1 =	vadd.f32 v1, v6  }
0x5f: {  	v3 =	vld [tilespmem:s8+$0x9E60];
	[tilespmem:s7+$0x4E70] =	vst v2;
	v0 =	vadd.f32 v0, v10  }
0x60: {  	v2 =	vld [tilespmem:s8+$0x9E70];
	[tilespmem:s7+$0x4E80] =	vst v1  }
0x61: {  	v1 =	vld [tilespmem:s8+$0x9E80];
	[tilespmem:s7+$0x4E90] =	vst v0;
	s7 =	smov.u32 s8  }
0x62: {  	v0 =	vld [tilespmem:s7+$0x9E90]  }
0x63: {  	v6 =	vld [tilespmem:s7+$0x4E20]  }
0x64: {  	v13 =	vld [tilespmem:s7+$0x4E30]  }
.Ltmp5:
0x65: {  	v10 =	vld [tilespmem:s7+$0x4E40];
	(pc) =	sbr.rel @p1 .LBB2_7-.Ltmp5, $4  }
0x66: {  	v9 =	vld [tilespmem:s7+$0x4E50]  }
0x67: {  	v8 =	vld [tilespmem:s7+$0x4E60]  }
0x68: {  	v12 =	vadd.f32 v12, v6;
	v7 =	vld [tilespmem:s7+$0x4E70]  }
0x69: {  	s11 =	sadd.s32 $0x200, s11;
	v11 =	vadd.f32 v11, v13;
	v6 =	vld [tilespmem:s7+$0x4E80]  }
0x6a: {  	[tilespmem:s7+$0x4E20] =	vst v12;
	v5 =	vadd.f32 v5, v10;
	v63 =	vld [tilespmem:s7+$0x4E90]  }
0x6b: {  	s17 =	sor.u32 $0x3, s17;
	[tilespmem:s7+$0x4E30] =	vst v11;
	v4 =	vadd.f32 v4, v9  }
0x6c: {  	p1 =	sgt.u32 @!p0 s17, $0xF9;
	[tilespmem:s7+$0x4E40] =	vst v5;
	v3 =	vadd.f32 v3, v8  }
0x6d: {  	s18 =	smul.u32 $0xA0, s0;
	p0 =	por p0, p1;
	[tilespmem:s7+$0x4E50] =	vst v4;
	v2 =	vadd.f32 v2, v7  }
.Ltmp6:
0x6e: {  	[tilespmem:s7+$0x4E60] =	vst v3;
	v1 =	vadd.f32 v1, v6;
	(pc) =	sbr.rel @p0 .LBB2_10-.Ltmp6, $4  }
0x6f: {  	s8 =	sadd.s32 s5, s18;
	[tilespmem:s7+$0x4E70] =	vst v2;
	v0 =	vadd.f32 v0, v63  }
0x70: {  	s8 =	sshll.u32 s8, $0x4;
	[tilespmem:s7+$0x4E80] =	vst v1  }
0x71: {  	s11 =	sadd.s32 s6, s8;
	[tilespmem:s7+$0x4E90] =	vst v0  }
0x72: {  	[hbm4b:s11+s4] =	stream.linear.scatter [tilespmem:s14], [sflag:$0x6], $0x1400, $0x38;
	[tilespmem:$0xEE20] =	vst v63  }
0x73: {  	_ =	swait.ge [sflag:s23], $0x1400  }
0x74: {  	[sflag:s23] =	ssyncset.done $0x0  }
0x75: {  	[sflag:s23] =	ssyncadd.s32 $0xFFFFEC00  }
.LBB2_11:
0x76: {  	s7 =	smul.u32 $0x28, s17;
	_ =	sdelay $0x1  }
0x77: {  	[tilespmem:s24], [sflag:$0x5] =	stream.indirect.gather [hbm4b:s1+s13], $0x80, s7, s13, $0xb8;
	[tilespmem:$0xEE20] =	vst v63  }
0x78: {  	s7 =	sadd.s32 $0x2710, s7  }
0x79: {  	[tilespmem:s25], [sflag:$0x5] =	stream.indirect.gather [hbm4b:s2+s13], $0x80, s7, s13, $0xb8;
	[tilespmem:$0xEE20] =	vst v63  }
.LBB2_12:
0x7a: {  	_ =	swait.ge [sflag:s26], $0x1400  }
0x7b: {  	[sflag:s26] =	ssyncset.done $0x0  }
0x7c: {  	[sflag:s26] =	ssyncadd.s32 $0xFFFFEC00  }
0x7d: {  	_ =	swait.ge [sflag:s26], $0x1400  }
0x7e: {  	[sflag:s26] =	ssyncset.done $0x0  }
0x7f: {  	s7 =	simm.s32 $0x0;
	[sflag:s26] =	ssyncadd.s32 $0xFFFFEC00  }
0x80: {  	v7 =	vld [tilespmem:s7+$0xB220]  }
0x81: {  	v11 =	vld [tilespmem:s7+$0xB230]  }
0x82: {  	v5 =	vld [tilespmem:s7+$0xB240]  }
0x83: {  	v4 =	vld [tilespmem:s7+$0xB250]  }
0x84: {  	v3 =	vld [tilespmem:s7+$0xB260]  }
0x85: {  	v2 =	vld [tilespmem:s7+$0xB270]  }
0x86: {  	v1 =	vld [tilespmem:s7+$0xB280]  }
0x87: {  	v0 =	vld [tilespmem:s7+$0xB290]  }
0x88: {  	v12 =	vld [tilespmem:s7+$0x6220]  }
0x89: {  	v13 =	vld [tilespmem:s7+$0x6230]  }
0x8a: {  	v10 =	vld [tilespmem:s7+$0x6240]  }
0x8b: {  	v9 =	vld [tilespmem:s7+$0x6250]  }
0x8c: {  	v8 =	vld [tilespmem:s7+$0x6260]  }
0x8d: {  	v6 =	vld [tilespmem:s7+$0x6270];
	v12 =	vadd.f32 v7, v12  }
0x8e: {  	s11 =	simm.s32 $0x200;
	v11 =	vadd.f32 v11, v13;
	v7 =	vld [tilespmem:s7+$0x6280]  }
.LBB2_13:
0x8f: {  	s8 =	sshra.s32 s11, $0x2;
	p0 =	sne.s32 s11, $0x4E00;
	[tilespmem:s7+$0x6220] =	vst v12;
	v5 =	vadd.f32 v5, v10;
	v10 =	vld [tilespmem:s7+$0x6290]  }
0x90: {  	v12 =	vld [tilespmem:s8+$0xB220];
	[tilespmem:s7+$0x6230] =	vst v11;
	v4 =	vadd.f32 v4, v9  }
0x91: {  	v11 =	vld [tilespmem:s8+$0xB230];
	[tilespmem:s7+$0x6240] =	vst v5;
	v3 =	vadd.f32 v3, v8  }
0x92: {  	v5 =	vld [tilespmem:s8+$0xB240];
	[tilespmem:s7+$0x6250] =	vst v4;
	v2 =	vadd.f32 v2, v6  }
0x93: {  	v4 =	vld [tilespmem:s8+$0xB250];
	[tilespmem:s7+$0x6260] =	vst v3;
	v1 =	vadd.f32 v1, v7  }
0x94: {  	v3 =	vld [tilespmem:s8+$0xB260];
	[tilespmem:s7+$0x6270] =	vst v2;
	v0 =	vadd.f32 v0, v10  }
0x95: {  	v2 =	vld [tilespmem:s8+$0xB270];
	[tilespmem:s7+$0x6280] =	vst v1  }
0x96: {  	v1 =	vld [tilespmem:s8+$0xB280];
	[tilespmem:s7+$0x6290] =	vst v0;
	s7 =	smov.u32 s8  }
0x97: {  	v0 =	vld [tilespmem:s7+$0xB290]  }
0x98: {  	v6 =	vld [tilespmem:s7+$0x6220]  }
0x99: {  	v7 =	vld [tilespmem:s7+$0x6230]  }
.Ltmp7:
0x9a: {  	v10 =	vld [tilespmem:s7+$0x6240];
	(pc) =	sbr.rel @p0 .LBB2_13-.Ltmp7, $4  }
0x9b: {  	v9 =	vld [tilespmem:s7+$0x6250]  }
0x9c: {  	v8 =	vld [tilespmem:s7+$0x6260]  }
0x9d: {  	v12 =	vadd.f32 v12, v6;
	v6 =	vld [tilespmem:s7+$0x6270]  }
0x9e: {  	s11 =	sadd.s32 $0x200, s11;
	v11 =	vadd.f32 v11, v7;
	v7 =	vld [tilespmem:s7+$0x6280]  }
0x9f: {  	[tilespmem:s7+$0x6220] =	vst v12;
	v5 =	vadd.f32 v5, v10;
	v63 =	vld [tilespmem:s7+$0x6290]  }
0xa0: {  	[tilespmem:s7+$0x6230] =	vst v11;
	v4 =	vadd.f32 v4, v9  }
0xa1: {  	[tilespmem:s7+$0x6240] =	vst v5;
	v3 =	vadd.f32 v3, v8  }
0xa2: {  	[tilespmem:s7+$0x6250] =	vst v4;
	v2 =	vadd.f32 v2, v6  }
0xa3: {  	s8 =	sadd.s32 s18, s9;
	[tilespmem:s7+$0x6260] =	vst v3;
	v1 =	vadd.f32 v1, v7  }
0xa4: {  	s8 =	sshll.u32 s8, $0x4;
	[tilespmem:s7+$0x6270] =	vst v2;
	v0 =	vadd.f32 v0, v63  }
0xa5: {  	p0 =	seq.s32 s0, $0x3E;
	s8 =	sand.u32 $0x1FFFFF80, s8;
	[tilespmem:s7+$0x6280] =	vst v1  }
0xa6: {  	s11 =	sadd.s32 s6, s8;
	[tilespmem:s7+$0x6290] =	vst v0;
	s7 =	simm.s32 @!p0 $0x6  }
0xa7: {  	[hbm4b:s11+s4] =	stream.linear.scatter [tilespmem:s16], [sflag:$0x7], $0x1400, $0x38;
	[tilespmem:$0xEE20] =	vst v63  }
0xa8: {  	p1 =	sgt.u32 s15, $0xF9;
	_ =	swait.ge @!p0 [sflag:s7], $0x1400  }
.Ltmp8:
0xa9: {  	s8 =	simm.s32 @!p0 $0x4E20;
	[sflag:s7] =	ssyncset.done @!p0 $0x0;
	(pc) =	sbr.rel @p1 .LBB2_18-.Ltmp8, $4  }
0xaa: {  	s11 =	simm.s32 @!p0 $0x28;
	[sflag:s7] =	ssyncadd.s32 @!p0 $0xFFFFEC00;
	s7 =	sadd.s32 @!p0 $0xA0, s18  }
0xab: {  	[tilespmem:s8], [sflag:$0x2] =	stream.indirect.gather @!p0 [hbm4b:s1+s11], $0x80, s7, s11, $0xb8;
	[tilespmem:$0xEE20] =	vst v63  }
0xac: {  	s7 =	sadd.s32 @!p0 $0x27B0, s18;
	s8 =	simm.s32 @!p0 $0x9E20  }
0xad: {  	[tilespmem:s8], [sflag:$0x2] =	stream.indirect.gather @!p0 [hbm4b:s2+s11], $0x80, s7, s11, $0xb8;
	[tilespmem:$0xEE20] =	vst v63  }
0xae: {  	_ =	swait.ge [sflag:s28], $0x1400  }
0xaf: {  	[sflag:s28] =	ssyncset.done $0x0  }
0xb0: {  	[sflag:s28] =	ssyncadd.s32 $0xFFFFEC00  }
0xb1: {  	_ =	swait.ge [sflag:s28], $0x1400  }
0xb2: {  	[sflag:s28] =	ssyncset.done $0x0  }
0xb3: {  	s7 =	simm.s32 $0x0;
	[sflag:s28] =	ssyncadd.s32 $0xFFFFEC00  }
0xb4: {  	v7 =	vld [tilespmem:s7+$0xC620]  }
0xb5: {  	v11 =	vld [tilespmem:s7+$0xC630]  }
0xb6: {  	v5 =	vld [tilespmem:s7+$0xC640]  }
0xb7: {  	v4 =	vld [tilespmem:s7+$0xC650]  }
0xb8: {  	v3 =	vld [tilespmem:s7+$0xC660]  }
0xb9: {  	v2 =	vld [tilespmem:s7+$0xC670]  }
0xba: {  	v1 =	vld [tilespmem:s7+$0xC680]  }
0xbb: {  	v0 =	vld [tilespmem:s7+$0xC690]  }
0xbc: {  	v12 =	vld [tilespmem:s7+$0x7620]  }
0xbd: {  	v13 =	vld [tilespmem:s7+$0x7630]  }
0xbe: {  	v10 =	vld [tilespmem:s7+$0x7640]  }
0xbf: {  	v9 =	vld [tilespmem:s7+$0x7650]  }
0xc0: {  	v8 =	vld [tilespmem:s7+$0x7660]  }
0xc1: {  	v6 =	vld [tilespmem:s7+$0x7670];
	v12 =	vadd.f32 v7, v12  }
0xc2: {  	s8 =	simm.s32 $0x200;
	v11 =	vadd.f32 v11, v13;
	v7 =	vld [tilespmem:s7+$0x7680]  }
.LBB2_16:
0xc3: {  	s10 =	sshra.s32 s8, $0x2;
	p1 =	sne.s32 s8, $0x4E00;
	[tilespmem:s7+$0x7620] =	vst v12;
	v5 =	vadd.f32 v5, v10;
	v10 =	vld [tilespmem:s7+$0x7690]  }
0xc4: {  	v12 =	vld [tilespmem:s10+$0xC620];
	[tilespmem:s7+$0x7630] =	vst v11;
	v4 =	vadd.f32 v4, v9  }
0xc5: {  	v11 =	vld [tilespmem:s10+$0xC630];
	[tilespmem:s7+$0x7640] =	vst v5;
	v3 =	vadd.f32 v3, v8  }
0xc6: {  	v5 =	vld [tilespmem:s10+$0xC640];
	[tilespmem:s7+$0x7650] =	vst v4;
	v2 =	vadd.f32 v2, v6  }
0xc7: {  	v4 =	vld [tilespmem:s10+$0xC650];
	[tilespmem:s7+$0x7660] =	vst v3;
	v1 =	vadd.f32 v1, v7  }
0xc8: {  	v3 =	vld [tilespmem:s10+$0xC660];
	[tilespmem:s7+$0x7670] =	vst v2;
	v0 =	vadd.f32 v0, v10  }
0xc9: {  	v2 =	vld [tilespmem:s10+$0xC670];
	[tilespmem:s7+$0x7680] =	vst v1  }
0xca: {  	v1 =	vld [tilespmem:s10+$0xC680];
	[tilespmem:s7+$0x7690] =	vst v0;
	s7 =	smov.u32 s10  }
0xcb: {  	v0 =	vld [tilespmem:s7+$0xC690]  }
0xcc: {  	v6 =	vld [tilespmem:s7+$0x7620]  }
0xcd: {  	v7 =	vld [tilespmem:s7+$0x7630]  }
.Ltmp9:
0xce: {  	v10 =	vld [tilespmem:s7+$0x7640];
	(pc) =	sbr.rel @p1 .LBB2_16-.Ltmp9, $4  }
0xcf: {  	v9 =	vld [tilespmem:s7+$0x7650]  }
0xd0: {  	v8 =	vld [tilespmem:s7+$0x7660]  }
0xd1: {  	v12 =	vadd.f32 v12, v6;
	v6 =	vld [tilespmem:s7+$0x7670]  }
0xd2: {  	s8 =	sadd.s32 $0x200, s8;
	v11 =	vadd.f32 v11, v7;
	v7 =	vld [tilespmem:s7+$0x7680]  }
0xd3: {  	[tilespmem:s7+$0x7620] =	vst v12;
	v5 =	vadd.f32 v5, v10;
	v63 =	vld [tilespmem:s7+$0x7690]  }
0xd4: {  	[tilespmem:s7+$0x7630] =	vst v11;
	v4 =	vadd.f32 v4, v9  }
0xd5: {  	s8 =	smul.u32 $0x28, s15;
	[tilespmem:s7+$0x7640] =	vst v5;
	v3 =	vadd.f32 v3, v8  }
0xd6: {  	[tilespmem:s7+$0x7650] =	vst v4;
	v2 =	vadd.f32 v2, v6  }
0xd7: {  	s8 =	sadd.s32 s5, s8;
	[tilespmem:s7+$0x7660] =	vst v3;
	v1 =	vadd.f32 v1, v7  }
0xd8: {  	s8 =	sshll.u32 s8, $0x4;
	[tilespmem:s7+$0x7670] =	vst v2;
	v0 =	vadd.f32 v0, v63  }
0xd9: {  	s8 =	sand.u32 $0x1FFFFF00, s8;
	[tilespmem:s7+$0x7680] =	vst v1  }
0xda: {  	s15 =	sadd.s32 s6, s8;
	[tilespmem:s7+$0x7690] =	vst v0  }
0xdb: {  	[hbm4b:s15+s4] =	stream.linear.scatter [tilespmem:s20], [sflag:$0x8], $0x1400, $0x38;
	[tilespmem:$0xEE20] =	vst v63  }
.LBB2_18:
0xdc: {  	s7 =	simm.s32 @!p0 $0x7  }
0xdd: {  	_ =	swait.ge @!p0 [sflag:s7], $0x1400  }
0xde: {  	[sflag:s7] =	ssyncset.done @!p0 $0x0  }
0xdf: {  	s8 =	simm.s32 @!p0 $0x6220;
	[sflag:s7] =	ssyncadd.s32 @!p0 $0xFFFFEC00;
	s7 =	sadd.s32 @!p0 $0xC8, s18  }
0xe0: {  	[tilespmem:s8], [sflag:$0x3] =	stream.indirect.gather @!p0 [hbm4b:s1+s11], $0x80, s7, s11, $0xb8;
	[tilespmem:$0xEE20] =	vst v63  }
0xe1: {  	s7 =	sadd.s32 @!p0 $0x27D8, s18;
	s8 =	simm.s32 @!p0 $0xB220  }
0xe2: {  	[tilespmem:s8], [sflag:$0x3] =	stream.indirect.gather @!p0 [hbm4b:s2+s11], $0x80, s7, s11, $0xb8;
	[tilespmem:$0xEE20] =	vst v63  }
0xe3: {  	p0 =	sgt.u32 s17, $0xF9  }
.Ltmp10:
0xe4: {  	_ = 	snop;
	(pc) =	sbr.rel @p0 .LBB2_22-.Ltmp10, $1  }
0xe5: {  	_ =	sdelay $0x3  }
0xe6: {  	_ =	swait.ge [sflag:s29], $0x1400  }
0xe7: {  	[sflag:s29] =	ssyncset.done $0x0  }
0xe8: {  	[sflag:s29] =	ssyncadd.s32 $0xFFFFEC00  }
0xe9: {  	_ =	swait.ge [sflag:s29], $0x1400  }
0xea: {  	[sflag:s29] =	ssyncset.done $0x0  }
0xeb: {  	s7 =	simm.s32 $0x0;
	[sflag:s29] =	ssyncadd.s32 $0xFFFFEC00  }
0xec: {  	v7 =	vld [tilespmem:s7+$0xDA20]  }
0xed: {  	v11 =	vld [tilespmem:s7+$0xDA30]  }
0xee: {  	v5 =	vld [tilespmem:s7+$0xDA40]  }
0xef: {  	v4 =	vld [tilespmem:s7+$0xDA50]  }
0xf0: {  	v3 =	vld [tilespmem:s7+$0xDA60]  }
0xf1: {  	v2 =	vld [tilespmem:s7+$0xDA70]  }
0xf2: {  	v1 =	vld [tilespmem:s7+$0xDA80]  }
0xf3: {  	v0 =	vld [tilespmem:s7+$0xDA90]  }
0xf4: {  	v12 =	vld [tilespmem:s7+$0x8A20]  }
0xf5: {  	v13 =	vld [tilespmem:s7+$0x8A30]  }
0xf6: {  	v10 =	vld [tilespmem:s7+$0x8A40]  }
0xf7: {  	v9 =	vld [tilespmem:s7+$0x8A50]  }
0xf8: {  	v8 =	vld [tilespmem:s7+$0x8A60]  }
0xf9: {  	v6 =	vld [tilespmem:s7+$0x8A70];
	v12 =	vadd.f32 v7, v12  }
0xfa: {  	s8 =	simm.s32 $0x200;
	v11 =	vadd.f32 v11, v13;
	v7 =	vld [tilespmem:s7+$0x8A80]  }
.LBB2_20:
0xfb: {  	s10 =	sshra.s32 s8, $0x2;
	p0 =	sne.s32 s8, $0x4E00;
	[tilespmem:s7+$0x8A20] =	vst v12;
	v5 =	vadd.f32 v5, v10;
	v10 =	vld [tilespmem:s7+$0x8A90]  }
0xfc: {  	v12 =	vld [tilespmem:s10+$0xDA20];
	[tilespmem:s7+$0x8A30] =	vst v11;
	v4 =	vadd.f32 v4, v9  }
0xfd: {  	v11 =	vld [tilespmem:s10+$0xDA30];
	[tilespmem:s7+$0x8A40] =	vst v5;
	v3 =	vadd.f32 v3, v8  }
0xfe: {  	v5 =	vld [tilespmem:s10+$0xDA40];
	[tilespmem:s7+$0x8A50] =	vst v4;
	v2 =	vadd.f32 v2, v6  }
0xff: {  	v4 =	vld [tilespmem:s10+$0xDA50];
	[tilespmem:s7+$0x8A60] =	vst v3;
	v1 =	vadd.f32 v1, v7  }
0x100: {  	v3 =	vld [tilespmem:s10+$0xDA60];
	[tilespmem:s7+$0x8A70] =	vst v2;
	v0 =	vadd.f32 v0, v10  }
0x101: {  	v2 =	vld [tilespmem:s10+$0xDA70];
	[tilespmem:s7+$0x8A80] =	vst v1  }
0x102: {  	v1 =	vld [tilespmem:s10+$0xDA80];
	[tilespmem:s7+$0x8A90] =	vst v0;
	s7 =	smov.u32 s10  }
0x103: {  	v0 =	vld [tilespmem:s7+$0xDA90]  }
0x104: {  	v6 =	vld [tilespmem:s7+$0x8A20]  }
0x105: {  	v7 =	vld [tilespmem:s7+$0x8A30]  }
.Ltmp11:
0x106: {  	v10 =	vld [tilespmem:s7+$0x8A40];
	(pc) =	sbr.rel @p0 .LBB2_20-.Ltmp11, $4  }
0x107: {  	v9 =	vld [tilespmem:s7+$0x8A50]  }
0x108: {  	v8 =	vld [tilespmem:s7+$0x8A60]  }
0x109: {  	v12 =	vadd.f32 v12, v6;
	v6 =	vld [tilespmem:s7+$0x8A70]  }
0x10a: {  	s8 =	sadd.s32 $0x200, s8;
	v11 =	vadd.f32 v11, v7;
	v7 =	vld [tilespmem:s7+$0x8A80]  }
0x10b: {  	[tilespmem:s7+$0x8A20] =	vst v12;
	v5 =	vadd.f32 v5, v10;
	v63 =	vld [tilespmem:s7+$0x8A90]  }
0x10c: {  	[tilespmem:s7+$0x8A30] =	vst v11;
	v4 =	vadd.f32 v4, v9  }
0x10d: {  	s8 =	smul.u32 $0x28, s17;
	[tilespmem:s7+$0x8A40] =	vst v5;
	v3 =	vadd.f32 v3, v8  }
0x10e: {  	[tilespmem:s7+$0x8A50] =	vst v4;
	v2 =	vadd.f32 v2, v6  }
.Ltmp12:
0x10f: {  	s8 =	sadd.s32 s5, s8;
	[tilespmem:s7+$0x8A60] =	vst v3;
	v1 =	vadd.f32 v1, v7;
	(pc) =	sbr.rel .LBB2_22-.Ltmp12, $4  }
0x110: {  	s8 =	sshll.u32 s8, $0x4;
	[tilespmem:s7+$0x8A70] =	vst v2;
	v0 =	vadd.f32 v0, v63  }
0x111: {  	s8 =	sand.u32 $0x1FFFFF80, s8;
	[tilespmem:s7+$0x8A80] =	vst v1  }
0x112: {  	s18 =	sadd.s32 s6, s8;
	[tilespmem:s7+$0x8A90] =	vst v0  }
0x113: {  	[hbm4b:s18+s4] =	stream.linear.scatter [tilespmem:s24], [sflag:$0x9], $0x1400, $0x38;
	[tilespmem:$0xEE20] =	vst v63  }
.LBB2_4:
0x114: {  	p1 =	sgt.u32 s15, $0xF9  }
.Ltmp13:
0x115: {  	_ = 	snop;
	(pc) =	sbr.rel @p1 .LBB2_6-.Ltmp13, $4  }
.Ltmp14:
0x116: {  	_ = 	snop;
	(pc) =	sbr.rel @!p1 .LBB2_5-.Ltmp14, $4  }
0x117: {  	_ = 	snop  }
0x118: {  	_ = 	snop  }
0x119: {  	_ = 	snop  }
0x11a: {  	_ = 	snop  }
.LBB2_10:
0x11b: {  	p0 =	sgt.u32 s17, $0xF9  }
.Ltmp15:
0x11c: {  	_ = 	snop;
	(pc) =	sbr.rel @p0 .LBB2_12-.Ltmp15, $4  }
.Ltmp16:
0x11d: {  	_ = 	snop;
	(pc) =	sbr.rel @!p0 .LBB2_11-.Ltmp16, $4  }
0x11e: {  	_ = 	snop  }
0x11f: {  	_ = 	snop  }
0x120: {  	_ = 	snop  }
0x121: {  	_ = 	snop  }
.LBB2_24:
0x122: {  	_ =	sfence.sel $0x180000  }
0x123: {  	[bflag:$0x0] =	sbarrier.arrive $0xFFFF  }
0x124: {  	_ =	strace $0x90000047  }
0x125: {  	s0 =	stileid.u32;
	[bflag:$0x2] =	sbarrier.arrive $0xFFFF  }
0x126: {  	p0 =	sne.s32 s0, $0x0;
	s0 =	rddreg [dreg:$0x5]  }
0x127: {  	s0 =	sadd.s32 @!p0 $0x100000, s0  }
0x128: {  	[sflag:s0] =	ssyncadd.tile.s32 @!p0 $0x1;
	_ =	shalt  }
.Lfunc_end2:
_tile_overlayer_lowered:
.L_overlay_start_2:
0x129: {  	(tag) =	ssettag $0x2  }
0x12a: {  	s0 =	rddreg [dreg:$0x0];
	s2 =	stileid.u32  }
0x12b: {  	s1 =	rddreg [dreg:$0x1];
	p0 =	sne.s32 s2, $0x0  }
0x12c: {  	s3 =	rddreg [dreg:$0x2];
	[bflag:$0x3] =	sbarrier.arrive $0xFFFF;
	s2 =	simm.s32 @!p0 $0x1C0A  }
0x12d: {  	[timem:s3], [sflag:s2] =	dma.local @!p0 [hbm:s0], s1  }
0x12e: {  	s0 =	simm.s32 @!p0 $0xA  }
0x12f: {  	_ =	swait.ge @!p0 [sflag:s0], s1  }
0x130: {  	s1 =	ssub.s32 @!p0 $0x0, s1;
	[sflag:s0] =	ssyncset.done @!p0 $0x0  }
0x131: {  	[sflag:s0] =	ssyncadd.s32 @!p0 s1  }
0x132: {  	[bflag:$0x3] =	sbarrier.arrive $0xFFFF  }
0x133: {  	_ =	shalt  }

</sc_bundles>
